<compile_context>
chip_gen: v7x
topology: tpu7x:2x2x1
jax: 0.10.2.dev20260603
libtpu: 0.0.44.dev20260713+nightly
codegen_flags: <defaults>
</compile_context>

<pallas_src>
import functools

import jax
import jax.numpy as jnp
from jax import lax
from jax.experimental import pallas as pl
from jax.experimental.pallas import tpu as pltpu
from jax.experimental.pallas import tpu_sc as plsc

N = 10000
D = 128
E = 320000
NCLS = 64
NC, NS = 2, 16
NW = NC * NS
C = 64
CPW = 160
CPW0, CPW1 = 256, 64
GRP = 32
NGRP = CPW // GRP
NCH = CPW * NW
EP = NCH * C
NP = 10112
RPT = NP // NS
NZB = (RPT + C - 1) // C

_mesh = plsc.VectorSubcoreMesh(core_axis_name="c", subcore_axis_name="s")


@functools.partial(
    pl.kernel,
    out_type=jax.ShapeDtypeStruct((NC, NP, D), jnp.float32),
    mesh=_mesh,
    scratch_types=[
        pltpu.VMEM((GRP, C), jnp.int32),
        pltpu.VMEM((GRP, C), jnp.int32),
        pltpu.VMEM((C, D), jnp.float32),
        pltpu.VMEM((C, D), jnp.float32),
        pltpu.VMEM_SHARED((NP, D), jnp.float32),
        pltpu.SemaphoreType.DMA,
        pltpu.SemaphoreType.DMA,
        pltpu.SemaphoreType.DMA,
        pltpu.SemaphoreType.DMA,
    ],
)
def _sc_aggregate(x_hbm, srcs_hbm, dsts_hbm, zeros_hbm, agg_out,
                  src_v, dst_v, rows0, rows1, agg_sh,
                  gsem0, gsem1, ssem0, ssem1):
    cid = lax.axis_index("c")
    sid = lax.axis_index("s")
    r0 = sid * RPT
    pltpu.sync_copy(zeros_hbm, rows0)
    for k in range(NZB):
        sz = min(C, RPT - k * C)
        pltpu.sync_copy(rows0.at[pl.ds(0, sz)], agg_sh.at[pl.ds(r0 + k * C, sz)])
    c0 = jnp.where(cid == 0, sid * CPW0, NS * CPW0 + sid * CPW1)
    ng = jnp.where(cid == 0, CPW0 // GRP, CPW1 // GRP)
    plsc.subcore_barrier()

    def group(g, carry):
        pltpu.sync_copy(srcs_hbm.at[pl.ds(c0 + g * GRP, GRP)], src_v)
        pltpu.sync_copy(dsts_hbm.at[pl.ds(c0 + g * GRP, GRP)], dst_v)
        pltpu.async_copy(x_hbm.at[src_v.at[0]], rows0, gsem0)

        def pair(p, c2):
            pltpu.make_async_copy(x_hbm.at[src_v.at[0]], rows0, gsem0).wait()
            pltpu.async_copy(x_hbm.at[src_v.at[2 * p + 1]], rows1, gsem1)
            pltpu.async_copy(rows0, agg_sh.at[dst_v.at[2 * p]], ssem0, add=True)
            pltpu.make_async_copy(x_hbm.at[src_v.at[0]], rows1, gsem1).wait()
            pltpu.make_async_copy(rows0, agg_sh.at[dst_v.at[0]], ssem0).wait()
            nxt = jnp.minimum(2 * p + 2, GRP - 1)
            pltpu.async_copy(x_hbm.at[src_v.at[nxt]], rows0, gsem0)
            pltpu.async_copy(rows1, agg_sh.at[dst_v.at[2 * p + 1]], ssem1, add=True)
            pltpu.make_async_copy(rows1, agg_sh.at[dst_v.at[0]], ssem1).wait()
            return c2

        lax.fori_loop(0, GRP // 2, pair, 0)
        pltpu.make_async_copy(x_hbm.at[src_v.at[0]], rows0, gsem0).wait()
        return carry

    lax.fori_loop(0, ng, group, 0)
    plsc.subcore_barrier()
    for k in range(NZB):
        sz = min(C, RPT - k * C)
        pltpu.sync_copy(agg_sh.at[pl.ds(r0 + k * C, sz)], rows0.at[pl.ds(0, sz)])
        pltpu.sync_copy(rows0.at[pl.ds(0, sz)], agg_out.at[cid, pl.ds(r0 + k * C, sz)])


@functools.partial(
    pl.kernel,
    out_type=jax.ShapeDtypeStruct((NC, NP, D), jnp.float32),
    mesh=_mesh,
    scratch_types=[
        pltpu.VMEM((GRP, C), jnp.int32),
        pltpu.VMEM((C, D), jnp.float32),
        pltpu.VMEM_SHARED((NP, D), jnp.float32),
        pltpu.SemaphoreType.DMA,
    ],
)
def _sc_count(dsts_hbm, zeros_hbm, ones_hbm, cnt_out, dst_v, ones_v, cnt_sh, sem):
    cid = lax.axis_index("c")
    sid = lax.axis_index("s")
    wid = cid * NS + sid
    r0 = sid * RPT
    pltpu.sync_copy(zeros_hbm, ones_v)
    for k in range(NZB):
        sz = min(C, RPT - k * C)
        pltpu.sync_copy(ones_v.at[pl.ds(0, sz)], cnt_sh.at[pl.ds(r0 + k * C, sz)])
    pltpu.sync_copy(ones_hbm, ones_v)
    c0 = wid * CPW
    plsc.subcore_barrier()

    def group(g, carry):
        pltpu.sync_copy(dsts_hbm.at[pl.ds(c0 + g * GRP, GRP)], dst_v)

        def fire(j, c2):
            pltpu.async_copy(ones_v, cnt_sh.at[dst_v.at[j]], sem, add=True)
            return c2

        def drain(j, c2):
            pltpu.make_async_copy(ones_v, cnt_sh.at[dst_v.at[0]], sem).wait()
            return c2

        lax.fori_loop(0, GRP, fire, 0)
        lax.fori_loop(0, GRP, drain, 0)
        return carry

    lax.fori_loop(0, NGRP, group, 0)
    plsc.subcore_barrier()
    for k in range(NZB):
        sz = min(C, RPT - k * C)
        pltpu.sync_copy(cnt_sh.at[pl.ds(r0 + k * C, sz)], ones_v.at[pl.ds(0, sz)])
        pltpu.sync_copy(ones_v.at[pl.ds(0, sz)], cnt_out.at[cid, pl.ds(r0 + k * C, sz)])


def _tc_dense(agg, cnt, xin, w_l, b_l, w_r, w_c=None, b_c=None):
    classifier = w_c is not None
    br = 2000
    out_d = NCLS if classifier else D

    def body(agg_ref, cnt_ref, x_ref, wl_ref, bl_ref, wr_ref, *rest):
        out_ref = rest[-1]
        a = agg_ref[0] + agg_ref[1]
        c = cnt_ref[0, :, :1] + cnt_ref[1, :, :1]
        mean = a / jnp.maximum(c, 1.0)
        h = mean @ wl_ref[...] + bl_ref[...] + x_ref[...] @ wr_ref[...]
        h = jnp.maximum(h, 0.0)
        if classifier:
            out_ref[...] = h @ rest[0][...] + rest[1][...]
        else:
            out_ref[...] = h

    in_specs = [
        pl.BlockSpec((NC, br, D), lambda i: (0, i, 0)),
        pl.BlockSpec((NC, br, D), lambda i: (0, i, 0)),
        pl.BlockSpec((br, D), lambda i: (i, 0)),
        pl.BlockSpec((D, D), lambda i: (0, 0)),
        pl.BlockSpec((1, D), lambda i: (0, 0)),
        pl.BlockSpec((D, D), lambda i: (0, 0)),
    ]
    args = [agg, cnt, xin, w_l, b_l.reshape(1, D), w_r]
    if classifier:
        in_specs += [pl.BlockSpec((D, NCLS), lambda i: (0, 0)),
                     pl.BlockSpec((1, NCLS), lambda i: (0, 0))]
        args += [w_c, b_c.reshape(1, NCLS)]
    return pl.pallas_call(
        body,
        grid=(N // br,),
        in_specs=in_specs,
        out_specs=pl.BlockSpec((br, out_d), lambda i: (i, 0)),
        out_shape=jax.ShapeDtypeStruct((N, out_d), jnp.float32),
    )(*args)


def kernel(x, edge_index, edge_weight, W_l0, b_l0, W_r0, W_l1, b_l1, W_r1, Wc, bc):
    src = edge_index[0].astype(jnp.int32)
    dst = edge_index[1].astype(jnp.int32)
    pad = EP - E
    pad_dst = N + (jnp.arange(pad, dtype=jnp.int32) % (NP - N))
    srcs = jnp.concatenate([src, jnp.zeros((pad,), jnp.int32)]).reshape(NCH, C)
    dsts = jnp.concatenate([dst, pad_dst]).reshape(NCH, C)
    zeros = jnp.zeros((C, D), jnp.float32)
    ones = jnp.ones((C, D), jnp.float32)

    cnt0 = _sc_count(dsts, zeros, ones)
    agg0 = _sc_aggregate(x, srcs, dsts, zeros)
    h = _tc_dense(agg0, cnt0, x, W_l0, b_l0, W_r0)
    agg1 = _sc_aggregate(h, srcs, dsts, zeros)
    out = _tc_dense(agg1, cnt0, h, W_l1, b_l1, W_r1, Wc, bc)
    return out

# --- scband reference (transcript-rebuilt; emitter-appended) ---
"""Pipeline reference for scband-sage-17703855194786 (READ-ONLY COPY).

The authoritative reference and input builder live on the scoring server;
editing this copy changes nothing except your own understanding.
"""

import jax, jax.numpy as jnp
import numpy as np

N_NODES = 10000
N_EDGES = 320000
D_IN = 128
D_FEAT = 128
N_CLS = 64


def setup_inputs(seed: int = 0) -> dict:
    key = jax.random.key(seed)
    ks = jax.random.split(key, 12)
    x = jax.random.normal(ks[0], (N_NODES, D_IN), dtype=jnp.float32)
    edge_index = jax.random.randint(ks[1], (2, N_EDGES), 0, N_NODES, dtype=jnp.int64)
    edge_weight = jax.random.uniform(ks[2], (N_EDGES,), dtype=jnp.float32)
    # layer 0 params (SAGEConv: lin_l has bias, temp_weight (root) has no bias)
    s0 = 1.0 / np.sqrt(D_IN)
    W_l0 = jax.random.uniform(ks[3], (D_IN, D_FEAT), dtype=jnp.float32, minval=-s0, maxval=s0)
    b_l0 = jax.random.uniform(ks[4], (D_FEAT,), dtype=jnp.float32, minval=-s0, maxval=s0)
    W_r0 = jax.random.uniform(ks[5], (D_IN, D_FEAT), dtype=jnp.float32, minval=-s0, maxval=s0)
    # layer 1 params
    s1 = 1.0 / np.sqrt(D_FEAT)
    W_l1 = jax.random.uniform(ks[6], (D_FEAT, D_FEAT), dtype=jnp.float32, minval=-s1, maxval=s1)
    b_l1 = jax.random.uniform(ks[7], (D_FEAT,), dtype=jnp.float32, minval=-s1, maxval=s1)
    W_r1 = jax.random.uniform(ks[8], (D_FEAT, D_FEAT), dtype=jnp.float32, minval=-s1, maxval=s1)
    # classifier
    Wc = jax.random.uniform(ks[9], (D_FEAT, N_CLS), dtype=jnp.float32, minval=-s1, maxval=s1)
    bc = jax.random.uniform(ks[10], (N_CLS,), dtype=jnp.float32, minval=-s1, maxval=s1)
    return {"x": x, "edge_index": edge_index, "edge_weight": edge_weight,
            "W_l0": W_l0, "b_l0": b_l0, "W_r0": W_r0,
            "W_l1": W_l1, "b_l1": b_l1, "W_r1": W_r1,
            "Wc": Wc, "bc": bc}


def _sage_conv(x, edge_index, W_l, b_l, W_r):
    # PyG SAGEConv with aggr='mean': out_i = W_l * mean_{j in N(i)} x_j + b_l + W_r * x_i
    src = edge_index[0]
    dst = edge_index[1]
    msg = jnp.take(x, src, axis=0)                      # gather source features
    agg = jax.ops.segment_sum(msg, dst, num_segments=x.shape[0])
    cnt = jax.ops.segment_sum(jnp.ones((edge_index.shape[1],), dtype=x.dtype), dst,
                              num_segments=x.shape[0])
    mean = agg / jnp.clip(cnt, 1.0, None)[:, None]       # zero-degree nodes stay 0
    out = mean @ W_l + b_l + x @ W_r
    return out


def reference(x, edge_index, edge_weight, W_l0, b_l0, W_r0, W_l1, b_l1, W_r1, Wc, bc):
    # edge_weight is accepted but unused by this SAGE implementation (faithful to source).
    h = _sage_conv(x, edge_index, W_l0, b_l0, W_r0)
    h = jax.nn.relu(h)
    h = _sage_conv(h, edge_index, W_l1, b_l1, W_r1)
    h = jax.nn.relu(h)
    # dropout is identity in eval mode
    out = h @ Wc + bc
    return out

if __name__ == "__main__":
    import jax
    _d = setup_inputs()
    print(jax.jit(kernel)(*tuple(_d.values())))

</pallas_src>

<mosaic_0001>
#map = affine_map<(d0, d1) -> (0, 0)>
#map1 = affine_map<(d0, d1) -> (0, 0, 0)>
module attributes {stable_mosaic.version = 14 : i64} {
  func.func @_sc_aggregate(%arg0: i32, %arg1: i32, %arg2: memref<10000x128xf32, #tpu.memory_space<hbm>>, %arg3: memref<5120x64xi32, #tpu.memory_space<hbm>>, %arg4: memref<5120x64xi32, #tpu.memory_space<hbm>>, %arg5: memref<64x128xf32, #tpu.memory_space<hbm>>, %arg6: memref<2x10112x128xf32, #tpu.memory_space<hbm>>, %arg7: memref<32x64xi32, #tpu.memory_space<vmem>>, %arg8: memref<32x64xi32, #tpu.memory_space<vmem>>, %arg9: memref<64x128xf32, #tpu.memory_space<vmem>>, %arg10: memref<64x128xf32, #tpu.memory_space<vmem>>, %arg11: memref<10112x128xf32, #tpu.memory_space<vmem_shared>>, %arg12: memref<!tpu.dma_semaphore, #tpu.memory_space<semaphore_mem>>, %arg13: memref<!tpu.dma_semaphore, #tpu.memory_space<semaphore_mem>>, %arg14: memref<!tpu.dma_semaphore, #tpu.memory_space<semaphore_mem>>, %arg15: memref<!tpu.dma_semaphore, #tpu.memory_space<semaphore_mem>>) attributes {dimension_semantics = [#tpu.dimension_semantics<core_parallel>, #tpu.dimension_semantics<subcore_parallel>], iteration_bounds = array<i64: 2, 16>, scalar_prefetch = 0 : i64, scratch_operands = 9 : i64, tpu.core_type = #tpu.core_type<sc_vector_subcore>, window_params = [{transform_indices = #map}, {transform_indices = #map}, {transform_indices = #map}, {transform_indices = #map}, {transform_indices = #map1}]} {
    %mul3A = arith.constant 632 : i32
    %mul3A_0 = arith.muli %arg1, %mul3A : i32
    "tpu.region"() ({
      %run_scoped3A = tpu.sem_alloc : memref<!tpu.dma_semaphore, #tpu.memory_space<semaphore_mem>>
      tpu.enqueue_dma source(%arg5 : memref<64x128xf32, #tpu.memory_space<hbm>>) target(%arg9 : memref<64x128xf32, #tpu.memory_space<vmem>>) target_semaphore(%run_scoped3A : memref<!tpu.dma_semaphore, #tpu.memory_space<semaphore_mem>>)
      tpu.wait_dma2 semaphore(%run_scoped3A : memref<!tpu.dma_semaphore, #tpu.memory_space<semaphore_mem>>) src(%arg5 : memref<64x128xf32, #tpu.memory_space<hbm>>) dst(%arg9 : memref<64x128xf32, #tpu.memory_space<vmem>>)
      tpu.yield
    }) : () -> ()
    %add3A = arith.constant 0 : i32
    %add3A_1 = arith.addi %mul3A_0, %add3A : i32
    "tpu.region"() ({
      %run_scoped3A = tpu.sem_alloc : memref<!tpu.dma_semaphore, #tpu.memory_space<semaphore_mem>>
      %dma_start3A = arith.constant 0 : i32
      %dma_start3A_81 = arith.constant 0 : i32
      %dma_start3A_82 = tpu.memref_slice %arg9[%dma_start3A, %dma_start3A_81] : memref<64x128xf32, #tpu.memory_space<vmem>> -> memref<64x128xf32, #tpu.memory_space<vmem>>
      %dma_start3A_83 = arith.constant 0 : i32
      %dma_start3A_84 = tpu.memref_slice %arg11[%add3A_1, %dma_start3A_83] : memref<10112x128xf32, #tpu.memory_space<vmem_shared>> -> memref<64x128xf32, #tpu.memory_space<vmem_shared>>
      %dma_start3A_85 = arith.constant 0 : i32
      %dma_start3A_86 = tpu.memref_slice %arg11[%add3A_1, %dma_start3A_85] : memref<10112x128xf32, #tpu.memory_space<vmem_shared>> -> memref<64x128xf32, #tpu.memory_space<vmem_shared>>
      %dma_start3A_87 = arith.constant 0 : i32
      %dma_start3A_88 = arith.constant 0 : i32
      %dma_start3A_89 = tpu.memref_slice %arg9[%dma_start3A_87, %dma_start3A_88] : memref<64x128xf32, #tpu.memory_space<vmem>> -> memref<64x128xf32, #tpu.memory_space<vmem>>
      tpu.enqueue_dma source(%dma_start3A_89 : memref<64x128xf32, #tpu.memory_space<vmem>>) target(%dma_start3A_86 : memref<64x128xf32, #tpu.memory_space<vmem_shared>>) target_semaphore(%run_scoped3A : memref<!tpu.dma_semaphore, #tpu.memory_space<semaphore_mem>>)
      %dma_wait3A = arith.constant 0 : i32
      %dma_wait3A_90 = arith.constant 0 : i32
      %dma_wait3A_91 = tpu.memref_slice %arg9[%dma_wait3A, %dma_wait3A_90] : memref<64x128xf32, #tpu.memory_space<vmem>> -> memref<64x128xf32, #tpu.memory_space<vmem>>
      %dma_wait3A_92 = arith.constant 0 : i32
      %dma_wait3A_93 = tpu.memref_slice %arg11[%add3A_1, %dma_wait3A_92] : memref<10112x128xf32, #tpu.memory_space<vmem_shared>> -> memref<64x128xf32, #tpu.memory_space<vmem_shared>>
      %dma_wait3A_94 = arith.constant 0 : i32
      %dma_wait3A_95 = tpu.memref_slice %arg11[%add3A_1, %dma_wait3A_94] : memref<10112x128xf32, #tpu.memory_space<vmem_shared>> -> memref<64x128xf32, #tpu.memory_space<vmem_shared>>
      %dma_wait3A_96 = arith.constant 0 : i32
      %dma_wait3A_97 = arith.constant 0 : i32
      %dma_wait3A_98 = tpu.memref_slice %arg9[%dma_wait3A_96, %dma_wait3A_97] : memref<64x128xf32, #tpu.memory_space<vmem>> -> memref<64x128xf32, #tpu.memory_space<vmem>>
      tpu.wait_dma2 semaphore(%run_scoped3A : memref<!tpu.dma_semaphore, #tpu.memory_space<semaphore_mem>>) src(%dma_wait3A_98 : memref<64x128xf32, #tpu.memory_space<vmem>>) dst(%dma_wait3A_95 : memref<64x128xf32, #tpu.memory_space<vmem_shared>>)
      tpu.yield
    }) : () -> ()
    %add3A_2 = arith.constant 64 : i32
    %add3A_3 = arith.addi %mul3A_0, %add3A_2 : i32
    "tpu.region"() ({
      %run_scoped3A = tpu.sem_alloc : memref<!tpu.dma_semaphore, #tpu.memory_space<semaphore_mem>>
      %dma_start3A = arith.constant 0 : i32
      %dma_start3A_81 = arith.constant 0 : i32
      %dma_start3A_82 = tpu.memref_slice %arg9[%dma_start3A, %dma_start3A_81] : memref<64x128xf32, #tpu.memory_space<vmem>> -> memref<64x128xf32, #tpu.memory_space<vmem>>
      %dma_start3A_83 = arith.constant 0 : i32
      %dma_start3A_84 = tpu.memref_slice %arg11[%add3A_3, %dma_start3A_83] : memref<10112x128xf32, #tpu.memory_space<vmem_shared>> -> memref<64x128xf32, #tpu.memory_space<vmem_shared>>
      %dma_start3A_85 = arith.constant 0 : i32
      %dma_start3A_86 = tpu.memref_slice %arg11[%add3A_3, %dma_start3A_85] : memref<10112x128xf32, #tpu.memory_space<vmem_shared>> -> memref<64x128xf32, #tpu.memory_space<vmem_shared>>
      %dma_start3A_87 = arith.constant 0 : i32
      %dma_start3A_88 = arith.constant 0 : i32
      %dma_start3A_89 = tpu.memref_slice %arg9[%dma_start3A_87, %dma_start3A_88] : memref<64x128xf32, #tpu.memory_space<vmem>> -> memref<64x128xf32, #tpu.memory_space<vmem>>
      tpu.enqueue_dma source(%dma_start3A_89 : memref<64x128xf32, #tpu.memory_space<vmem>>) target(%dma_start3A_86 : memref<64x128xf32, #tpu.memory_space<vmem_shared>>) target_semaphore(%run_scoped3A : memref<!tpu.dma_semaphore, #tpu.memory_space<semaphore_mem>>)
      %dma_wait3A = arith.constant 0 : i32
      %dma_wait3A_90 = arith.constant 0 : i32
      %dma_wait3A_91 = tpu.memref_slice %arg9[%dma_wait3A, %dma_wait3A_90] : memref<64x128xf32, #tpu.memory_space<vmem>> -> memref<64x128xf32, #tpu.memory_space<vmem>>
      %dma_wait3A_92 = arith.constant 0 : i32
      %dma_wait3A_93 = tpu.memref_slice %arg11[%add3A_3, %dma_wait3A_92] : memref<10112x128xf32, #tpu.memory_space<vmem_shared>> -> memref<64x128xf32, #tpu.memory_space<vmem_shared>>
      %dma_wait3A_94 = arith.constant 0 : i32
      %dma_wait3A_95 = tpu.memref_slice %arg11[%add3A_3, %dma_wait3A_94] : memref<10112x128xf32, #tpu.memory_space<vmem_shared>> -> memref<64x128xf32, #tpu.memory_space<vmem_shared>>
      %dma_wait3A_96 = arith.constant 0 : i32
      %dma_wait3A_97 = arith.constant 0 : i32
      %dma_wait3A_98 = tpu.memref_slice %arg9[%dma_wait3A_96, %dma_wait3A_97] : memref<64x128xf32, #tpu.memory_space<vmem>> -> memref<64x128xf32, #tpu.memory_space<vmem>>
      tpu.wait_dma2 semaphore(%run_scoped3A : memref<!tpu.dma_semaphore, #tpu.memory_space<semaphore_mem>>) src(%dma_wait3A_98 : memref<64x128xf32, #tpu.memory_space<vmem>>) dst(%dma_wait3A_95 : memref<64x128xf32, #tpu.memory_space<vmem_shared>>)
      tpu.yield
    }) : () -> ()
    %add3A_4 = arith.constant 128 : i32
    %add3A_5 = arith.addi %mul3A_0, %add3A_4 : i32
    "tpu.region"() ({
      %run_scoped3A = tpu.sem_alloc : memref<!tpu.dma_semaphore, #tpu.memory_space<semaphore_mem>>
      %dma_start3A = arith.constant 0 : i32
      %dma_start3A_81 = arith.constant 0 : i32
      %dma_start3A_82 = tpu.memref_slice %arg9[%dma_start3A, %dma_start3A_81] : memref<64x128xf32, #tpu.memory_space<vmem>> -> memref<64x128xf32, #tpu.memory_space<vmem>>
      %dma_start3A_83 = arith.constant 0 : i32
      %dma_start3A_84 = tpu.memref_slice %arg11[%add3A_5, %dma_start3A_83] : memref<10112x128xf32, #tpu.memory_space<vmem_shared>> -> memref<64x128xf32, #tpu.memory_space<vmem_shared>>
      %dma_start3A_85 = arith.constant 0 : i32
      %dma_start3A_86 = tpu.memref_slice %arg11[%add3A_5, %dma_start3A_85] : memref<10112x128xf32, #tpu.memory_space<vmem_shared>> -> memref<64x128xf32, #tpu.memory_space<vmem_shared>>
      %dma_start3A_87 = arith.constant 0 : i32
      %dma_start3A_88 = arith.constant 0 : i32
      %dma_start3A_89 = tpu.memref_slice %arg9[%dma_start3A_87, %dma_start3A_88] : memref<64x128xf32, #tpu.memory_space<vmem>> -> memref<64x128xf32, #tpu.memory_space<vmem>>
      tpu.enqueue_dma source(%dma_start3A_89 : memref<64x128xf32, #tpu.memory_space<vmem>>) target(%dma_start3A_86 : memref<64x128xf32, #tpu.memory_space<vmem_shared>>) target_semaphore(%run_scoped3A : memref<!tpu.dma_semaphore, #tpu.memory_space<semaphore_mem>>)
      %dma_wait3A = arith.constant 0 : i32
      %dma_wait3A_90 = arith.constant 0 : i32
      %dma_wait3A_91 = tpu.memref_slice %arg9[%dma_wait3A, %dma_wait3A_90] : memref<64x128xf32, #tpu.memory_space<vmem>> -> memref<64x128xf32, #tpu.memory_space<vmem>>
      %dma_wait3A_92 = arith.constant 0 : i32
      %dma_wait3A_93 = tpu.memref_slice %arg11[%add3A_5, %dma_wait3A_92] : memref<10112x128xf32, #tpu.memory_space<vmem_shared>> -> memref<64x128xf32, #tpu.memory_space<vmem_shared>>
      %dma_wait3A_94 = arith.constant 0 : i32
      %dma_wait3A_95 = tpu.memref_slice %arg11[%add3A_5, %dma_wait3A_94] : memref<10112x128xf32, #tpu.memory_space<vmem_shared>> -> memref<64x128xf32, #tpu.memory_space<vmem_shared>>
      %dma_wait3A_96 = arith.constant 0 : i32
      %dma_wait3A_97 = arith.constant 0 : i32
      %dma_wait3A_98 = tpu.memref_slice %arg9[%dma_wait3A_96, %dma_wait3A_97] : memref<64x128xf32, #tpu.memory_space<vmem>> -> memref<64x128xf32, #tpu.memory_space<vmem>>
      tpu.wait_dma2 semaphore(%run_scoped3A : memref<!tpu.dma_semaphore, #tpu.memory_space<semaphore_mem>>) src(%dma_wait3A_98 : memref<64x128xf32, #tpu.memory_space<vmem>>) dst(%dma_wait3A_95 : memref<64x128xf32, #tpu.memory_space<vmem_shared>>)
      tpu.yield
    }) : () -> ()
    %add3A_6 = arith.constant 192 : i32
    %add3A_7 = arith.addi %mul3A_0, %add3A_6 : i32
    "tpu.region"() ({
      %run_scoped3A = tpu.sem_alloc : memref<!tpu.dma_semaphore, #tpu.memory_space<semaphore_mem>>
      %dma_start3A = arith.constant 0 : i32
      %dma_start3A_81 = arith.constant 0 : i32
      %dma_start3A_82 = tpu.memref_slice %arg9[%dma_start3A, %dma_start3A_81] : memref<64x128xf32, #tpu.memory_space<vmem>> -> memref<64x128xf32, #tpu.memory_space<vmem>>
      %dma_start3A_83 = arith.constant 0 : i32
      %dma_start3A_84 = tpu.memref_slice %arg11[%add3A_7, %dma_start3A_83] : memref<10112x128xf32, #tpu.memory_space<vmem_shared>> -> memref<64x128xf32, #tpu.memory_space<vmem_shared>>
      %dma_start3A_85 = arith.constant 0 : i32
      %dma_start3A_86 = tpu.memref_slice %arg11[%add3A_7, %dma_start3A_85] : memref<10112x128xf32, #tpu.memory_space<vmem_shared>> -> memref<64x128xf32, #tpu.memory_space<vmem_shared>>
      %dma_start3A_87 = arith.constant 0 : i32
      %dma_start3A_88 = arith.constant 0 : i32
      %dma_start3A_89 = tpu.memref_slice %arg9[%dma_start3A_87, %dma_start3A_88] : memref<64x128xf32, #tpu.memory_space<vmem>> -> memref<64x128xf32, #tpu.memory_space<vmem>>
      tpu.enqueue_dma source(%dma_start3A_89 : memref<64x128xf32, #tpu.memory_space<vmem>>) target(%dma_start3A_86 : memref<64x128xf32, #tpu.memory_space<vmem_shared>>) target_semaphore(%run_scoped3A : memref<!tpu.dma_semaphore, #tpu.memory_space<semaphore_mem>>)
      %dma_wait3A = arith.constant 0 : i32
      %dma_wait3A_90 = arith.constant 0 : i32
      %dma_wait3A_91 = tpu.memref_slice %arg9[%dma_wait3A, %dma_wait3A_90] : memref<64x128xf32, #tpu.memory_space<vmem>> -> memref<64x128xf32, #tpu.memory_space<vmem>>
      %dma_wait3A_92 = arith.constant 0 : i32
      %dma_wait3A_93 = tpu.memref_slice %arg11[%add3A_7, %dma_wait3A_92] : memref<10112x128xf32, #tpu.memory_space<vmem_shared>> -> memref<64x128xf32, #tpu.memory_space<vmem_shared>>
      %dma_wait3A_94 = arith.constant 0 : i32
      %dma_wait3A_95 = tpu.memref_slice %arg11[%add3A_7, %dma_wait3A_94] : memref<10112x128xf32, #tpu.memory_space<vmem_shared>> -> memref<64x128xf32, #tpu.memory_space<vmem_shared>>
      %dma_wait3A_96 = arith.constant 0 : i32
      %dma_wait3A_97 = arith.constant 0 : i32
      %dma_wait3A_98 = tpu.memref_slice %arg9[%dma_wait3A_96, %dma_wait3A_97] : memref<64x128xf32, #tpu.memory_space<vmem>> -> memref<64x128xf32, #tpu.memory_space<vmem>>
      tpu.wait_dma2 semaphore(%run_scoped3A : memref<!tpu.dma_semaphore, #tpu.memory_space<semaphore_mem>>) src(%dma_wait3A_98 : memref<64x128xf32, #tpu.memory_space<vmem>>) dst(%dma_wait3A_95 : memref<64x128xf32, #tpu.memory_space<vmem_shared>>)
      tpu.yield
    }) : () -> ()
    %add3A_8 = arith.constant 256 : i32
    %add3A_9 = arith.addi %mul3A_0, %add3A_8 : i32
    "tpu.region"() ({
      %run_scoped3A = tpu.sem_alloc : memref<!tpu.dma_semaphore, #tpu.memory_space<semaphore_mem>>
      %dma_start3A = arith.constant 0 : i32
      %dma_start3A_81 = arith.constant 0 : i32
      %dma_start3A_82 = tpu.memref_slice %arg9[%dma_start3A, %dma_start3A_81] : memref<64x128xf32, #tpu.memory_space<vmem>> -> memref<64x128xf32, #tpu.memory_space<vmem>>
      %dma_start3A_83 = arith.constant 0 : i32
      %dma_start3A_84 = tpu.memref_slice %arg11[%add3A_9, %dma_start3A_83] : memref<10112x128xf32, #tpu.memory_space<vmem_shared>> -> memref<64x128xf32, #tpu.memory_space<vmem_shared>>
      %dma_start3A_85 = arith.constant 0 : i32
      %dma_start3A_86 = tpu.memref_slice %arg11[%add3A_9, %dma_start3A_85] : memref<10112x128xf32, #tpu.memory_space<vmem_shared>> -> memref<64x128xf32, #tpu.memory_space<vmem_shared>>
      %dma_start3A_87 = arith.constant 0 : i32
      %dma_start3A_88 = arith.constant 0 : i32
      %dma_start3A_89 = tpu.memref_slice %arg9[%dma_start3A_87, %dma_start3A_88] : memref<64x128xf32, #tpu.memory_space<vmem>> -> memref<64x128xf32, #tpu.memory_space<vmem>>
      tpu.enqueue_dma source(%dma_start3A_89 : memref<64x128xf32, #tpu.memory_space<vmem>>) target(%dma_start3A_86 : memref<64x128xf32, #tpu.memory_space<vmem_shared>>) target_semaphore(%run_scoped3A : memref<!tpu.dma_semaphore, #tpu.memory_space<semaphore_mem>>)
      %dma_wait3A = arith.constant 0 : i32
      %dma_wait3A_90 = arith.constant 0 : i32
      %dma_wait3A_91 = tpu.memref_slice %arg9[%dma_wait3A, %dma_wait3A_90] : memref<64x128xf32, #tpu.memory_space<vmem>> -> memref<64x128xf32, #tpu.memory_space<vmem>>
      %dma_wait3A_92 = arith.constant 0 : i32
      %dma_wait3A_93 = tpu.memref_slice %arg11[%add3A_9, %dma_wait3A_92] : memref<10112x128xf32, #tpu.memory_space<vmem_shared>> -> memref<64x128xf32, #tpu.memory_space<vmem_shared>>
      %dma_wait3A_94 = arith.constant 0 : i32
      %dma_wait3A_95 = tpu.memref_slice %arg11[%add3A_9, %dma_wait3A_94] : memref<10112x128xf32, #tpu.memory_space<vmem_shared>> -> memref<64x128xf32, #tpu.memory_space<vmem_shared>>
      %dma_wait3A_96 = arith.constant 0 : i32
      %dma_wait3A_97 = arith.constant 0 : i32
      %dma_wait3A_98 = tpu.memref_slice %arg9[%dma_wait3A_96, %dma_wait3A_97] : memref<64x128xf32, #tpu.memory_space<vmem>> -> memref<64x128xf32, #tpu.memory_space<vmem>>
      tpu.wait_dma2 semaphore(%run_scoped3A : memref<!tpu.dma_semaphore, #tpu.memory_space<semaphore_mem>>) src(%dma_wait3A_98 : memref<64x128xf32, #tpu.memory_space<vmem>>) dst(%dma_wait3A_95 : memref<64x128xf32, #tpu.memory_space<vmem_shared>>)
      tpu.yield
    }) : () -> ()
    %add3A_10 = arith.constant 320 : i32
    %add3A_11 = arith.addi %mul3A_0, %add3A_10 : i32
    "tpu.region"() ({
      %run_scoped3A = tpu.sem_alloc : memref<!tpu.dma_semaphore, #tpu.memory_space<semaphore_mem>>
      %dma_start3A = arith.constant 0 : i32
      %dma_start3A_81 = arith.constant 0 : i32
      %dma_start3A_82 = tpu.memref_slice %arg9[%dma_start3A, %dma_start3A_81] : memref<64x128xf32, #tpu.memory_space<vmem>> -> memref<64x128xf32, #tpu.memory_space<vmem>>
      %dma_start3A_83 = arith.constant 0 : i32
      %dma_start3A_84 = tpu.memref_slice %arg11[%add3A_11, %dma_start3A_83] : memref<10112x128xf32, #tpu.memory_space<vmem_shared>> -> memref<64x128xf32, #tpu.memory_space<vmem_shared>>
      %dma_start3A_85 = arith.constant 0 : i32
      %dma_start3A_86 = tpu.memref_slice %arg11[%add3A_11, %dma_start3A_85] : memref<10112x128xf32, #tpu.memory_space<vmem_shared>> -> memref<64x128xf32, #tpu.memory_space<vmem_shared>>
      %dma_start3A_87 = arith.constant 0 : i32
      %dma_start3A_88 = arith.constant 0 : i32
      %dma_start3A_89 = tpu.memref_slice %arg9[%dma_start3A_87, %dma_start3A_88] : memref<64x128xf32, #tpu.memory_space<vmem>> -> memref<64x128xf32, #tpu.memory_space<vmem>>
      tpu.enqueue_dma source(%dma_start3A_89 : memref<64x128xf32, #tpu.memory_space<vmem>>) target(%dma_start3A_86 : memref<64x128xf32, #tpu.memory_space<vmem_shared>>) target_semaphore(%run_scoped3A : memref<!tpu.dma_semaphore, #tpu.memory_space<semaphore_mem>>)
      %dma_wait3A = arith.constant 0 : i32
      %dma_wait3A_90 = arith.constant 0 : i32
      %dma_wait3A_91 = tpu.memref_slice %arg9[%dma_wait3A, %dma_wait3A_90] : memref<64x128xf32, #tpu.memory_space<vmem>> -> memref<64x128xf32, #tpu.memory_space<vmem>>
      %dma_wait3A_92 = arith.constant 0 : i32
      %dma_wait3A_93 = tpu.memref_slice %arg11[%add3A_11, %dma_wait3A_92] : memref<10112x128xf32, #tpu.memory_space<vmem_shared>> -> memref<64x128xf32, #tpu.memory_space<vmem_shared>>
      %dma_wait3A_94 = arith.constant 0 : i32
      %dma_wait3A_95 = tpu.memref_slice %arg11[%add3A_11, %dma_wait3A_94] : memref<10112x128xf32, #tpu.memory_space<vmem_shared>> -> memref<64x128xf32, #tpu.memory_space<vmem_shared>>
      %dma_wait3A_96 = arith.constant 0 : i32
      %dma_wait3A_97 = arith.constant 0 : i32
      %dma_wait3A_98 = tpu.memref_slice %arg9[%dma_wait3A_96, %dma_wait3A_97] : memref<64x128xf32, #tpu.memory_space<vmem>> -> memref<64x128xf32, #tpu.memory_space<vmem>>
      tpu.wait_dma2 semaphore(%run_scoped3A : memref<!tpu.dma_semaphore, #tpu.memory_space<semaphore_mem>>) src(%dma_wait3A_98 : memref<64x128xf32, #tpu.memory_space<vmem>>) dst(%dma_wait3A_95 : memref<64x128xf32, #tpu.memory_space<vmem_shared>>)
      tpu.yield
    }) : () -> ()
    %add3A_12 = arith.constant 384 : i32
    %add3A_13 = arith.addi %mul3A_0, %add3A_12 : i32
    "tpu.region"() ({
      %run_scoped3A = tpu.sem_alloc : memref<!tpu.dma_semaphore, #tpu.memory_space<semaphore_mem>>
      %dma_start3A = arith.constant 0 : i32
      %dma_start3A_81 = arith.constant 0 : i32
      %dma_start3A_82 = tpu.memref_slice %arg9[%dma_start3A, %dma_start3A_81] : memref<64x128xf32, #tpu.memory_space<vmem>> -> memref<64x128xf32, #tpu.memory_space<vmem>>
      %dma_start3A_83 = arith.constant 0 : i32
      %dma_start3A_84 = tpu.memref_slice %arg11[%add3A_13, %dma_start3A_83] : memref<10112x128xf32, #tpu.memory_space<vmem_shared>> -> memref<64x128xf32, #tpu.memory_space<vmem_shared>>
      %dma_start3A_85 = arith.constant 0 : i32
      %dma_start3A_86 = tpu.memref_slice %arg11[%add3A_13, %dma_start3A_85] : memref<10112x128xf32, #tpu.memory_space<vmem_shared>> -> memref<64x128xf32, #tpu.memory_space<vmem_shared>>
      %dma_start3A_87 = arith.constant 0 : i32
      %dma_start3A_88 = arith.constant 0 : i32
      %dma_start3A_89 = tpu.memref_slice %arg9[%dma_start3A_87, %dma_start3A_88] : memref<64x128xf32, #tpu.memory_space<vmem>> -> memref<64x128xf32, #tpu.memory_space<vmem>>
      tpu.enqueue_dma source(%dma_start3A_89 : memref<64x128xf32, #tpu.memory_space<vmem>>) target(%dma_start3A_86 : memref<64x128xf32, #tpu.memory_space<vmem_shared>>) target_semaphore(%run_scoped3A : memref<!tpu.dma_semaphore, #tpu.memory_space<semaphore_mem>>)
      %dma_wait3A = arith.constant 0 : i32
      %dma_wait3A_90 = arith.constant 0 : i32
      %dma_wait3A_91 = tpu.memref_slice %arg9[%dma_wait3A, %dma_wait3A_90] : memref<64x128xf32, #tpu.memory_space<vmem>> -> memref<64x128xf32, #tpu.memory_space<vmem>>
      %dma_wait3A_92 = arith.constant 0 : i32
      %dma_wait3A_93 = tpu.memref_slice %arg11[%add3A_13, %dma_wait3A_92] : memref<10112x128xf32, #tpu.memory_space<vmem_shared>> -> memref<64x128xf32, #tpu.memory_space<vmem_shared>>
      %dma_wait3A_94 = arith.constant 0 : i32
      %dma_wait3A_95 = tpu.memref_slice %arg11[%add3A_13, %dma_wait3A_94] : memref<10112x128xf32, #tpu.memory_space<vmem_shared>> -> memref<64x128xf32, #tpu.memory_space<vmem_shared>>
      %dma_wait3A_96 = arith.constant 0 : i32
      %dma_wait3A_97 = arith.constant 0 : i32
      %dma_wait3A_98 = tpu.memref_slice %arg9[%dma_wait3A_96, %dma_wait3A_97] : memref<64x128xf32, #tpu.memory_space<vmem>> -> memref<64x128xf32, #tpu.memory_space<vmem>>
      tpu.wait_dma2 semaphore(%run_scoped3A : memref<!tpu.dma_semaphore, #tpu.memory_space<semaphore_mem>>) src(%dma_wait3A_98 : memref<64x128xf32, #tpu.memory_space<vmem>>) dst(%dma_wait3A_95 : memref<64x128xf32, #tpu.memory_space<vmem_shared>>)
      tpu.yield
    }) : () -> ()
    %add3A_14 = arith.constant 448 : i32
    %add3A_15 = arith.addi %mul3A_0, %add3A_14 : i32
    "tpu.region"() ({
      %run_scoped3A = tpu.sem_alloc : memref<!tpu.dma_semaphore, #tpu.memory_space<semaphore_mem>>
      %dma_start3A = arith.constant 0 : i32
      %dma_start3A_81 = arith.constant 0 : i32
      %dma_start3A_82 = tpu.memref_slice %arg9[%dma_start3A, %dma_start3A_81] : memref<64x128xf32, #tpu.memory_space<vmem>> -> memref<64x128xf32, #tpu.memory_space<vmem>>
      %dma_start3A_83 = arith.constant 0 : i32
      %dma_start3A_84 = tpu.memref_slice %arg11[%add3A_15, %dma_start3A_83] : memref<10112x128xf32, #tpu.memory_space<vmem_shared>> -> memref<64x128xf32, #tpu.memory_space<vmem_shared>>
      %dma_start3A_85 = arith.constant 0 : i32
      %dma_start3A_86 = tpu.memref_slice %arg11[%add3A_15, %dma_start3A_85] : memref<10112x128xf32, #tpu.memory_space<vmem_shared>> -> memref<64x128xf32, #tpu.memory_space<vmem_shared>>
      %dma_start3A_87 = arith.constant 0 : i32
      %dma_start3A_88 = arith.constant 0 : i32
      %dma_start3A_89 = tpu.memref_slice %arg9[%dma_start3A_87, %dma_start3A_88] : memref<64x128xf32, #tpu.memory_space<vmem>> -> memref<64x128xf32, #tpu.memory_space<vmem>>
      tpu.enqueue_dma source(%dma_start3A_89 : memref<64x128xf32, #tpu.memory_space<vmem>>) target(%dma_start3A_86 : memref<64x128xf32, #tpu.memory_space<vmem_shared>>) target_semaphore(%run_scoped3A : memref<!tpu.dma_semaphore, #tpu.memory_space<semaphore_mem>>)
      %dma_wait3A = arith.constant 0 : i32
      %dma_wait3A_90 = arith.constant 0 : i32
      %dma_wait3A_91 = tpu.memref_slice %arg9[%dma_wait3A, %dma_wait3A_90] : memref<64x128xf32, #tpu.memory_space<vmem>> -> memref<64x128xf32, #tpu.memory_space<vmem>>
      %dma_wait3A_92 = arith.constant 0 : i32
      %dma_wait3A_93 = tpu.memref_slice %arg11[%add3A_15, %dma_wait3A_92] : memref<10112x128xf32, #tpu.memory_space<vmem_shared>> -> memref<64x128xf32, #tpu.memory_space<vmem_shared>>
      %dma_wait3A_94 = arith.constant 0 : i32
      %dma_wait3A_95 = tpu.memref_slice %arg11[%add3A_15, %dma_wait3A_94] : memref<10112x128xf32, #tpu.memory_space<vmem_shared>> -> memref<64x128xf32, #tpu.memory_space<vmem_shared>>
      %dma_wait3A_96 = arith.constant 0 : i32
      %dma_wait3A_97 = arith.constant 0 : i32
      %dma_wait3A_98 = tpu.memref_slice %arg9[%dma_wait3A_96, %dma_wait3A_97] : memref<64x128xf32, #tpu.memory_space<vmem>> -> memref<64x128xf32, #tpu.memory_space<vmem>>
      tpu.wait_dma2 semaphore(%run_scoped3A : memref<!tpu.dma_semaphore, #tpu.memory_space<semaphore_mem>>) src(%dma_wait3A_98 : memref<64x128xf32, #tpu.memory_space<vmem>>) dst(%dma_wait3A_95 : memref<64x128xf32, #tpu.memory_space<vmem_shared>>)
      tpu.yield
    }) : () -> ()
    %add3A_16 = arith.constant 512 : i32
    %add3A_17 = arith.addi %mul3A_0, %add3A_16 : i32
    "tpu.region"() ({
      %run_scoped3A = tpu.sem_alloc : memref<!tpu.dma_semaphore, #tpu.memory_space<semaphore_mem>>
      %dma_start3A = arith.constant 0 : i32
      %dma_start3A_81 = arith.constant 0 : i32
      %dma_start3A_82 = tpu.memref_slice %arg9[%dma_start3A, %dma_start3A_81] : memref<64x128xf32, #tpu.memory_space<vmem>> -> memref<64x128xf32, #tpu.memory_space<vmem>>
      %dma_start3A_83 = arith.constant 0 : i32
      %dma_start3A_84 = tpu.memref_slice %arg11[%add3A_17, %dma_start3A_83] : memref<10112x128xf32, #tpu.memory_space<vmem_shared>> -> memref<64x128xf32, #tpu.memory_space<vmem_shared>>
      %dma_start3A_85 = arith.constant 0 : i32
      %dma_start3A_86 = tpu.memref_slice %arg11[%add3A_17, %dma_start3A_85] : memref<10112x128xf32, #tpu.memory_space<vmem_shared>> -> memref<64x128xf32, #tpu.memory_space<vmem_shared>>
      %dma_start3A_87 = arith.constant 0 : i32
      %dma_start3A_88 = arith.constant 0 : i32
      %dma_start3A_89 = tpu.memref_slice %arg9[%dma_start3A_87, %dma_start3A_88] : memref<64x128xf32, #tpu.memory_space<vmem>> -> memref<64x128xf32, #tpu.memory_space<vmem>>
      tpu.enqueue_dma source(%dma_start3A_89 : memref<64x128xf32, #tpu.memory_space<vmem>>) target(%dma_start3A_86 : memref<64x128xf32, #tpu.memory_space<vmem_shared>>) target_semaphore(%run_scoped3A : memref<!tpu.dma_semaphore, #tpu.memory_space<semaphore_mem>>)
      %dma_wait3A = arith.constant 0 : i32
      %dma_wait3A_90 = arith.constant 0 : i32
      %dma_wait3A_91 = tpu.memref_slice %arg9[%dma_wait3A, %dma_wait3A_90] : memref<64x128xf32, #tpu.memory_space<vmem>> -> memref<64x128xf32, #tpu.memory_space<vmem>>
      %dma_wait3A_92 = arith.constant 0 : i32
      %dma_wait3A_93 = tpu.memref_slice %arg11[%add3A_17, %dma_wait3A_92] : memref<10112x128xf32, #tpu.memory_space<vmem_shared>> -> memref<64x128xf32, #tpu.memory_space<vmem_shared>>
      %dma_wait3A_94 = arith.constant 0 : i32
      %dma_wait3A_95 = tpu.memref_slice %arg11[%add3A_17, %dma_wait3A_94] : memref<10112x128xf32, #tpu.memory_space<vmem_shared>> -> memref<64x128xf32, #tpu.memory_space<vmem_shared>>
      %dma_wait3A_96 = arith.constant 0 : i32
      %dma_wait3A_97 = arith.constant 0 : i32
      %dma_wait3A_98 = tpu.memref_slice %arg9[%dma_wait3A_96, %dma_wait3A_97] : memref<64x128xf32, #tpu.memory_space<vmem>> -> memref<64x128xf32, #tpu.memory_space<vmem>>
      tpu.wait_dma2 semaphore(%run_scoped3A : memref<!tpu.dma_semaphore, #tpu.memory_space<semaphore_mem>>) src(%dma_wait3A_98 : memref<64x128xf32, #tpu.memory_space<vmem>>) dst(%dma_wait3A_95 : memref<64x128xf32, #tpu.memory_space<vmem_shared>>)
      tpu.yield
    }) : () -> ()
    %add3A_18 = arith.constant 576 : i32
    %add3A_19 = arith.addi %mul3A_0, %add3A_18 : i32
    "tpu.region"() ({
      %run_scoped3A = tpu.sem_alloc : memref<!tpu.dma_semaphore, #tpu.memory_space<semaphore_mem>>
      %dma_start3A = arith.constant 0 : i32
      %dma_start3A_81 = arith.constant 0 : i32
      %dma_start3A_82 = tpu.memref_slice %arg9[%dma_start3A, %dma_start3A_81] : memref<64x128xf32, #tpu.memory_space<vmem>> -> memref<56x128xf32, #tpu.memory_space<vmem>>
      %dma_start3A_83 = arith.constant 0 : i32
      %dma_start3A_84 = tpu.memref_slice %arg11[%add3A_19, %dma_start3A_83] : memref<10112x128xf32, #tpu.memory_space<vmem_shared>> -> memref<56x128xf32, #tpu.memory_space<vmem_shared>>
      %dma_start3A_85 = arith.constant 0 : i32
      %dma_start3A_86 = tpu.memref_slice %arg11[%add3A_19, %dma_start3A_85] : memref<10112x128xf32, #tpu.memory_space<vmem_shared>> -> memref<56x128xf32, #tpu.memory_space<vmem_shared>>
      %dma_start3A_87 = arith.constant 0 : i32
      %dma_start3A_88 = arith.constant 0 : i32
      %dma_start3A_89 = tpu.memref_slice %arg9[%dma_start3A_87, %dma_start3A_88] : memref<64x128xf32, #tpu.memory_space<vmem>> -> memref<56x128xf32, #tpu.memory_space<vmem>>
      tpu.enqueue_dma source(%dma_start3A_89 : memref<56x128xf32, #tpu.memory_space<vmem>>) target(%dma_start3A_86 : memref<56x128xf32, #tpu.memory_space<vmem_shared>>) target_semaphore(%run_scoped3A : memref<!tpu.dma_semaphore, #tpu.memory_space<semaphore_mem>>)
      %dma_wait3A = arith.constant 0 : i32
      %dma_wait3A_90 = arith.constant 0 : i32
      %dma_wait3A_91 = tpu.memref_slice %arg9[%dma_wait3A, %dma_wait3A_90] : memref<64x128xf32, #tpu.memory_space<vmem>> -> memref<56x128xf32, #tpu.memory_space<vmem>>
      %dma_wait3A_92 = arith.constant 0 : i32
      %dma_wait3A_93 = tpu.memref_slice %arg11[%add3A_19, %dma_wait3A_92] : memref<10112x128xf32, #tpu.memory_space<vmem_shared>> -> memref<56x128xf32, #tpu.memory_space<vmem_shared>>
      %dma_wait3A_94 = arith.constant 0 : i32
      %dma_wait3A_95 = tpu.memref_slice %arg11[%add3A_19, %dma_wait3A_94] : memref<10112x128xf32, #tpu.memory_space<vmem_shared>> -> memref<56x128xf32, #tpu.memory_space<vmem_shared>>
      %dma_wait3A_96 = arith.constant 0 : i32
      %dma_wait3A_97 = arith.constant 0 : i32
      %dma_wait3A_98 = tpu.memref_slice %arg9[%dma_wait3A_96, %dma_wait3A_97] : memref<64x128xf32, #tpu.memory_space<vmem>> -> memref<56x128xf32, #tpu.memory_space<vmem>>
      tpu.wait_dma2 semaphore(%run_scoped3A : memref<!tpu.dma_semaphore, #tpu.memory_space<semaphore_mem>>) src(%dma_wait3A_98 : memref<56x128xf32, #tpu.memory_space<vmem>>) dst(%dma_wait3A_95 : memref<56x128xf32, #tpu.memory_space<vmem_shared>>)
      tpu.yield
    }) : () -> ()
    %eq3A = arith.constant 0 : i32
    %eq3A_20 = arith.cmpi eq, %arg0, %eq3A : i32
    %mul3A_21 = arith.constant 256 : i32
    %mul3A_22 = arith.muli %arg1, %mul3A_21 : i32
    %mul3A_23 = arith.constant 64 : i32
    %mul3A_24 = arith.muli %arg1, %mul3A_23 : i32
    %add3A_25 = arith.constant 4096 : i32
    %add3A_26 = arith.addi %add3A_25, %mul3A_24 : i32
    %select_n3A = arith.select %eq3A_20, %mul3A_22, %add3A_26 : i32
    %eq3A_27 = arith.constant 0 : i32
    %eq3A_28 = arith.cmpi eq, %arg0, %eq3A_27 : i32
    %jit3A = arith.constant 8 : i32
    %jit3A_29 = arith.constant 2 : i32
    %select_n3A_30 = arith.select %eq3A_28, %jit3A, %jit3A_29 : i32
    %barrier3A = arith.constant 0 : index
    tpu.barrier barrier_id(%barrier3A)
    %while3A = arith.constant 0 : i32
    %while3A_31 = arith.constant 0 : i32
    %while3A_32 = arith.subi %select_n3A_30, %while3A_31 : i32
    %while3A_33 = arith.addi %while3A_31, %while3A_32 : i32
    %while3A_34 = arith.constant 1 : i32
    %while3A_35 = arith.divsi %while3A_32, %while3A_34 : i32
    %while3A_36 = arith.muli %while3A_35, %while3A_34 : i32
    %while3A_37 = arith.addi %while3A_31, %while3A_36 : i32
    %while3A_38 = arith.constant 1 : i32
    scf.for %while3A_81 = %while3A_31 to %while3A_37 step %while3A_38  : i32 {
      %mul3A_82 = arith.constant 32 : i32
      %mul3A_83 = arith.muli %while3A_81, %mul3A_82 : i32
      %add3A_84 = arith.addi %select_n3A, %mul3A_83 : i32
      "tpu.region"() ({
        %run_scoped3A = tpu.sem_alloc : memref<!tpu.dma_semaphore, #tpu.memory_space<semaphore_mem>>
        %dma_start3A_105 = arith.constant 0 : i32
        %dma_start3A_106 = tpu.memref_slice %arg3[%add3A_84, %dma_start3A_105] : memref<5120x64xi32, #tpu.memory_space<hbm>> -> memref<32x64xi32, #tpu.memory_space<hbm>>
        %dma_start3A_107 = arith.constant 0 : i32
        %dma_start3A_108 = tpu.memref_slice %arg3[%add3A_84, %dma_start3A_107] : memref<5120x64xi32, #tpu.memory_space<hbm>> -> memref<32x64xi32, #tpu.memory_space<hbm>>
        tpu.enqueue_dma source(%dma_start3A_108 : memref<32x64xi32, #tpu.memory_space<hbm>>) target(%arg7 : memref<32x64xi32, #tpu.memory_space<vmem>>) target_semaphore(%run_scoped3A : memref<!tpu.dma_semaphore, #tpu.memory_space<semaphore_mem>>)
        %dma_wait3A_109 = arith.constant 0 : i32
        %dma_wait3A_110 = tpu.memref_slice %arg3[%add3A_84, %dma_wait3A_109] : memref<5120x64xi32, #tpu.memory_space<hbm>> -> memref<32x64xi32, #tpu.memory_space<hbm>>
        %dma_wait3A_111 = arith.constant 0 : i32
        %dma_wait3A_112 = tpu.memref_slice %arg3[%add3A_84, %dma_wait3A_111] : memref<5120x64xi32, #tpu.memory_space<hbm>> -> memref<32x64xi32, #tpu.memory_space<hbm>>
        tpu.wait_dma2 semaphore(%run_scoped3A : memref<!tpu.dma_semaphore, #tpu.memory_space<semaphore_mem>>) src(%dma_wait3A_112 : memref<32x64xi32, #tpu.memory_space<hbm>>) dst(%arg7 : memref<32x64xi32, #tpu.memory_space<vmem>>)
        tpu.yield
      }) : () -> ()
      %mul3A_85 = arith.constant 32 : i32
      %mul3A_86 = arith.muli %while3A_81, %mul3A_85 : i32
      %add3A_87 = arith.addi %select_n3A, %mul3A_86 : i32
      "tpu.region"() ({
        %run_scoped3A = tpu.sem_alloc : memref<!tpu.dma_semaphore, #tpu.memory_space<semaphore_mem>>
        %dma_start3A_105 = arith.constant 0 : i32
        %dma_start3A_106 = tpu.memref_slice %arg4[%add3A_87, %dma_start3A_105] : memref<5120x64xi32, #tpu.memory_space<hbm>> -> memref<32x64xi32, #tpu.memory_space<hbm>>
        %dma_start3A_107 = arith.constant 0 : i32
        %dma_start3A_108 = tpu.memref_slice %arg4[%add3A_87, %dma_start3A_107] : memref<5120x64xi32, #tpu.memory_space<hbm>> -> memref<32x64xi32, #tpu.memory_space<hbm>>
        tpu.enqueue_dma source(%dma_start3A_108 : memref<32x64xi32, #tpu.memory_space<hbm>>) target(%arg8 : memref<32x64xi32, #tpu.memory_space<vmem>>) target_semaphore(%run_scoped3A : memref<!tpu.dma_semaphore, #tpu.memory_space<semaphore_mem>>)
        %dma_wait3A_109 = arith.constant 0 : i32
        %dma_wait3A_110 = tpu.memref_slice %arg4[%add3A_87, %dma_wait3A_109] : memref<5120x64xi32, #tpu.memory_space<hbm>> -> memref<32x64xi32, #tpu.memory_space<hbm>>
        %dma_wait3A_111 = arith.constant 0 : i32
        %dma_wait3A_112 = tpu.memref_slice %arg4[%add3A_87, %dma_wait3A_111] : memref<5120x64xi32, #tpu.memory_space<hbm>> -> memref<32x64xi32, #tpu.memory_space<hbm>>
        tpu.wait_dma2 semaphore(%run_scoped3A : memref<!tpu.dma_semaphore, #tpu.memory_space<semaphore_mem>>) src(%dma_wait3A_112 : memref<32x64xi32, #tpu.memory_space<hbm>>) dst(%arg8 : memref<32x64xi32, #tpu.memory_space<vmem>>)
        tpu.yield
      }) : () -> ()
      %dma_start3A = arith.constant 0 : i32
      %dma_start3A_88 = arith.constant 0 : i32
      %dma_start3A_89 = tpu.memref_slice %arg7[%dma_start3A, %dma_start3A_88] : memref<32x64xi32, #tpu.memory_space<vmem>> -> memref<1x64xi32, #tpu.memory_space<vmem>>
      %dma_start3A_90 = tpu.memref_squeeze %dma_start3A_89 : memref<1x64xi32, #tpu.memory_space<vmem>> -> memref<64xi32, #tpu.memory_space<vmem>>
      %dma_start3A_91 = arith.constant 0 : i32
      %dma_start3A_92 = arith.constant 0 : i32
      %dma_start3A_93 = tpu.memref_slice %arg2[%dma_start3A_91, %dma_start3A_92] : memref<10000x128xf32, #tpu.memory_space<hbm>> -> memref<10000x128xf32, #tpu.memory_space<hbm>>
      tpu.enqueue_indirect_dma source(%dma_start3A_93 : memref<10000x128xf32, #tpu.memory_space<hbm>>) target(%arg9 : memref<64x128xf32, #tpu.memory_space<vmem>>) offsets(%dma_start3A_90 : memref<64xi32, #tpu.memory_space<vmem>>) semaphore(%arg12 : memref<!tpu.dma_semaphore, #tpu.memory_space<semaphore_mem>>)
      %scan3A = arith.constant 0 : i32
      %scan3A_94 = arith.constant 0 : i32
      %scan3A_95 = arith.constant 16 : i32
      %scan3A_96 = arith.addi %scan3A_94, %scan3A_95 : i32
      %scan3A_97 = arith.constant 1 : i32
      scf.for %scan3A_105 = %scan3A_94 to %scan3A_96 step %scan3A_97  : i32 {
        %dma_wait3A_106 = arith.constant 0 : i32
        %dma_wait3A_107 = arith.constant 0 : i32
        %dma_wait3A_108 = tpu.memref_slice %arg7[%dma_wait3A_106, %dma_wait3A_107] : memref<32x64xi32, #tpu.memory_space<vmem>> -> memref<1x64xi32, #tpu.memory_space<vmem>>
        %dma_wait3A_109 = tpu.memref_squeeze %dma_wait3A_108 : memref<1x64xi32, #tpu.memory_space<vmem>> -> memref<64xi32, #tpu.memory_space<vmem>>
        %dma_wait3A_110 = arith.constant 0 : i32
        %dma_wait3A_111 = arith.constant 0 : i32
        %dma_wait3A_112 = tpu.memref_slice %arg2[%dma_wait3A_110, %dma_wait3A_111] : memref<10000x128xf32, #tpu.memory_space<hbm>> -> memref<10000x128xf32, #tpu.memory_space<hbm>>
        tpu.wait_indirect_dma semaphore(%arg12 : memref<!tpu.dma_semaphore, #tpu.memory_space<semaphore_mem>>) src(%dma_wait3A_112 : memref<10000x128xf32, #tpu.memory_space<hbm>>) dst(%arg9 : memref<64x128xf32, #tpu.memory_space<vmem>>)
        %mul3A_113 = arith.constant 2 : i32
        %mul3A_114 = arith.muli %mul3A_113, %scan3A_105 : i32
        %add3A_115 = arith.constant 1 : i32
        %add3A_116 = arith.addi %mul3A_114, %add3A_115 : i32
        %dma_start3A_117 = arith.constant 0 : i32
        %dma_start3A_118 = tpu.memref_slice %arg7[%add3A_116, %dma_start3A_117] : memref<32x64xi32, #tpu.memory_space<vmem>> -> memref<1x64xi32, #tpu.memory_space<vmem>>
        %dma_start3A_119 = tpu.memref_squeeze %dma_start3A_118 : memref<1x64xi32, #tpu.memory_space<vmem>> -> memref<64xi32, #tpu.memory_space<vmem>>
        %dma_start3A_120 = arith.constant 0 : i32
        %dma_start3A_121 = arith.constant 0 : i32
        %dma_start3A_122 = tpu.memref_slice %arg2[%dma_start3A_120, %dma_start3A_121] : memref<10000x128xf32, #tpu.memory_space<hbm>> -> memref<10000x128xf32, #tpu.memory_space<hbm>>
        tpu.enqueue_indirect_dma source(%dma_start3A_122 : memref<10000x128xf32, #tpu.memory_space<hbm>>) target(%arg10 : memref<64x128xf32, #tpu.memory_space<vmem>>) offsets(%dma_start3A_119 : memref<64xi32, #tpu.memory_space<vmem>>) semaphore(%arg13 : memref<!tpu.dma_semaphore, #tpu.memory_space<semaphore_mem>>)
        %mul3A_123 = arith.constant 2 : i32
        %mul3A_124 = arith.muli %mul3A_123, %scan3A_105 : i32
        %dma_start3A_125 = arith.constant 0 : i32
        %dma_start3A_126 = tpu.memref_slice %arg8[%mul3A_124, %dma_start3A_125] : memref<32x64xi32, #tpu.memory_space<vmem>> -> memref<1x64xi32, #tpu.memory_space<vmem>>
        %dma_start3A_127 = tpu.memref_squeeze %dma_start3A_126 : memref<1x64xi32, #tpu.memory_space<vmem>> -> memref<64xi32, #tpu.memory_space<vmem>>
        %dma_start3A_128 = arith.constant 0 : i32
        %dma_start3A_129 = arith.constant 0 : i32
        %dma_start3A_130 = tpu.memref_slice %arg11[%dma_start3A_128, %dma_start3A_129] : memref<10112x128xf32, #tpu.memory_space<vmem_shared>> -> memref<10112x128xf32, #tpu.memory_space<vmem_shared>>
        tpu.enqueue_indirect_dma source(%arg9 : memref<64x128xf32, #tpu.memory_space<vmem>>) target(%dma_start3A_130 : memref<10112x128xf32, #tpu.memory_space<vmem_shared>>) offsets(%dma_start3A_127 : memref<64xi32, #tpu.memory_space<vmem>>) semaphore(%arg14 : memref<!tpu.dma_semaphore, #tpu.memory_space<semaphore_mem>>) {add = true}
        %dma_wait3A_131 = arith.constant 0 : i32
        %dma_wait3A_132 = arith.constant 0 : i32
        %dma_wait3A_133 = tpu.memref_slice %arg7[%dma_wait3A_131, %dma_wait3A_132] : memref<32x64xi32, #tpu.memory_space<vmem>> -> memref<1x64xi32, #tpu.memory_space<vmem>>
        %dma_wait3A_134 = tpu.memref_squeeze %dma_wait3A_133 : memref<1x64xi32, #tpu.memory_space<vmem>> -> memref<64xi32, #tpu.memory_space<vmem>>
        %dma_wait3A_135 = arith.constant 0 : i32
        %dma_wait3A_136 = arith.constant 0 : i32
        %dma_wait3A_137 = tpu.memref_slice %arg2[%dma_wait3A_135, %dma_wait3A_136] : memref<10000x128xf32, #tpu.memory_space<hbm>> -> memref<10000x128xf32, #tpu.memory_space<hbm>>
        tpu.wait_indirect_dma semaphore(%arg13 : memref<!tpu.dma_semaphore, #tpu.memory_space<semaphore_mem>>) src(%dma_wait3A_137 : memref<10000x128xf32, #tpu.memory_space<hbm>>) dst(%arg10 : memref<64x128xf32, #tpu.memory_space<vmem>>)
        %dma_wait3A_138 = arith.constant 0 : i32
        %dma_wait3A_139 = arith.constant 0 : i32
        %dma_wait3A_140 = tpu.memref_slice %arg8[%dma_wait3A_138, %dma_wait3A_139] : memref<32x64xi32, #tpu.memory_space<vmem>> -> memref<1x64xi32, #tpu.memory_space<vmem>>
        %dma_wait3A_141 = tpu.memref_squeeze %dma_wait3A_140 : memref<1x64xi32, #tpu.memory_space<vmem>> -> memref<64xi32, #tpu.memory_space<vmem>>
        %dma_wait3A_142 = arith.constant 0 : i32
        %dma_wait3A_143 = arith.constant 0 : i32
        %dma_wait3A_144 = tpu.memref_slice %arg11[%dma_wait3A_142, %dma_wait3A_143] : memref<10112x128xf32, #tpu.memory_space<vmem_shared>> -> memref<10112x128xf32, #tpu.memory_space<vmem_shared>>
        tpu.wait_indirect_dma semaphore(%arg14 : memref<!tpu.dma_semaphore, #tpu.memory_space<semaphore_mem>>) src(%arg9 : memref<64x128xf32, #tpu.memory_space<vmem>>) dst(%dma_wait3A_144 : memref<10112x128xf32, #tpu.memory_space<vmem_shared>>)
        %mul3A_145 = arith.constant 2 : i32
        %mul3A_146 = arith.muli %mul3A_145, %scan3A_105 : i32
        %add3A_147 = arith.constant 2 : i32
        %add3A_148 = arith.addi %mul3A_146, %add3A_147 : i32
        %min3A = arith.constant 31 : i32
        %min3A_149 = arith.minsi %add3A_148, %min3A : i32
        %dma_start3A_150 = arith.constant 0 : i32
        %dma_start3A_151 = tpu.memref_slice %arg7[%min3A_149, %dma_start3A_150] : memref<32x64xi32, #tpu.memory_space<vmem>> -> memref<1x64xi32, #tpu.memory_space<vmem>>
        %dma_start3A_152 = tpu.memref_squeeze %dma_start3A_151 : memref<1x64xi32, #tpu.memory_space<vmem>> -> memref<64xi32, #tpu.memory_space<vmem>>
        %dma_start3A_153 = arith.constant 0 : i32
        %dma_start3A_154 = arith.constant 0 : i32
        %dma_start3A_155 = tpu.memref_slice %arg2[%dma_start3A_153, %dma_start3A_154] : memref<10000x128xf32, #tpu.memory_space<hbm>> -> memref<10000x128xf32, #tpu.memory_space<hbm>>
        tpu.enqueue_indirect_dma source(%dma_start3A_155 : memref<10000x128xf32, #tpu.memory_space<hbm>>) target(%arg9 : memref<64x128xf32, #tpu.memory_space<vmem>>) offsets(%dma_start3A_152 : memref<64xi32, #tpu.memory_space<vmem>>) semaphore(%arg12 : memref<!tpu.dma_semaphore, #tpu.memory_space<semaphore_mem>>)
        %mul3A_156 = arith.constant 2 : i32
        %mul3A_157 = arith.muli %mul3A_156, %scan3A_105 : i32
        %add3A_158 = arith.constant 1 : i32
        %add3A_159 = arith.addi %mul3A_157, %add3A_158 : i32
        %dma_start3A_160 = arith.constant 0 : i32
        %dma_start3A_161 = tpu.memref_slice %arg8[%add3A_159, %dma_start3A_160] : memref<32x64xi32, #tpu.memory_space<vmem>> -> memref<1x64xi32, #tpu.memory_space<vmem>>
        %dma_start3A_162 = tpu.memref_squeeze %dma_start3A_161 : memref<1x64xi32, #tpu.memory_space<vmem>> -> memref<64xi32, #tpu.memory_space<vmem>>
        %dma_start3A_163 = arith.constant 0 : i32
        %dma_start3A_164 = arith.constant 0 : i32
        %dma_start3A_165 = tpu.memref_slice %arg11[%dma_start3A_163, %dma_start3A_164] : memref<10112x128xf32, #tpu.memory_space<vmem_shared>> -> memref<10112x128xf32, #tpu.memory_space<vmem_shared>>
        tpu.enqueue_indirect_dma source(%arg10 : memref<64x128xf32, #tpu.memory_space<vmem>>) target(%dma_start3A_165 : memref<10112x128xf32, #tpu.memory_space<vmem_shared>>) offsets(%dma_start3A_162 : memref<64xi32, #tpu.memory_space<vmem>>) semaphore(%arg15 : memref<!tpu.dma_semaphore, #tpu.memory_space<semaphore_mem>>) {add = true}
        %dma_wait3A_166 = arith.constant 0 : i32
        %dma_wait3A_167 = arith.constant 0 : i32
        %dma_wait3A_168 = tpu.memref_slice %arg8[%dma_wait3A_166, %dma_wait3A_167] : memref<32x64xi32, #tpu.memory_space<vmem>> -> memref<1x64xi32, #tpu.memory_space<vmem>>
        %dma_wait3A_169 = tpu.memref_squeeze %dma_wait3A_168 : memref<1x64xi32, #tpu.memory_space<vmem>> -> memref<64xi32, #tpu.memory_space<vmem>>
        %dma_wait3A_170 = arith.constant 0 : i32
        %dma_wait3A_171 = arith.constant 0 : i32
        %dma_wait3A_172 = tpu.memref_slice %arg11[%dma_wait3A_170, %dma_wait3A_171] : memref<10112x128xf32, #tpu.memory_space<vmem_shared>> -> memref<10112x128xf32, #tpu.memory_space<vmem_shared>>
        tpu.wait_indirect_dma semaphore(%arg15 : memref<!tpu.dma_semaphore, #tpu.memory_space<semaphore_mem>>) src(%arg10 : memref<64x128xf32, #tpu.memory_space<vmem>>) dst(%dma_wait3A_172 : memref<10112x128xf32, #tpu.memory_space<vmem_shared>>)
      }
      %scan3A_98 = arith.constant 16 : i32
      %dma_wait3A = arith.constant 0 : i32
      %dma_wait3A_99 = arith.constant 0 : i32
      %dma_wait3A_100 = tpu.memref_slice %arg7[%dma_wait3A, %dma_wait3A_99] : memref<32x64xi32, #tpu.memory_space<vmem>> -> memref<1x64xi32, #tpu.memory_space<vmem>>
      %dma_wait3A_101 = tpu.memref_squeeze %dma_wait3A_100 : memref<1x64xi32, #tpu.memory_space<vmem>> -> memref<64xi32, #tpu.memory_space<vmem>>
      %dma_wait3A_102 = arith.constant 0 : i32
      %dma_wait3A_103 = arith.constant 0 : i32
      %dma_wait3A_104 = tpu.memref_slice %arg2[%dma_wait3A_102, %dma_wait3A_103] : memref<10000x128xf32, #tpu.memory_space<hbm>> -> memref<10000x128xf32, #tpu.memory_space<hbm>>
      tpu.wait_indirect_dma semaphore(%arg12 : memref<!tpu.dma_semaphore, #tpu.memory_space<semaphore_mem>>) src(%dma_wait3A_104 : memref<10000x128xf32, #tpu.memory_space<hbm>>) dst(%arg9 : memref<64x128xf32, #tpu.memory_space<vmem>>)
    }
    %while3A_39 = arith.constant 1 : i32
    scf.for %while3A_81 = %while3A_37 to %while3A_33 step %while3A_39  : i32 {
      %mul3A_82 = arith.constant 32 : i32
      %mul3A_83 = arith.muli %while3A_81, %mul3A_82 : i32
      %add3A_84 = arith.addi %select_n3A, %mul3A_83 : i32
      "tpu.region"() ({
        %run_scoped3A = tpu.sem_alloc : memref<!tpu.dma_semaphore, #tpu.memory_space<semaphore_mem>>
        %dma_start3A_105 = arith.constant 0 : i32
        %dma_start3A_106 = tpu.memref_slice %arg3[%add3A_84, %dma_start3A_105] : memref<5120x64xi32, #tpu.memory_space<hbm>> -> memref<32x64xi32, #tpu.memory_space<hbm>>
        %dma_start3A_107 = arith.constant 0 : i32
        %dma_start3A_108 = tpu.memref_slice %arg3[%add3A_84, %dma_start3A_107] : memref<5120x64xi32, #tpu.memory_space<hbm>> -> memref<32x64xi32, #tpu.memory_space<hbm>>
        tpu.enqueue_dma source(%dma_start3A_108 : memref<32x64xi32, #tpu.memory_space<hbm>>) target(%arg7 : memref<32x64xi32, #tpu.memory_space<vmem>>) target_semaphore(%run_scoped3A : memref<!tpu.dma_semaphore, #tpu.memory_space<semaphore_mem>>)
        %dma_wait3A_109 = arith.constant 0 : i32
        %dma_wait3A_110 = tpu.memref_slice %arg3[%add3A_84, %dma_wait3A_109] : memref<5120x64xi32, #tpu.memory_space<hbm>> -> memref<32x64xi32, #tpu.memory_space<hbm>>
        %dma_wait3A_111 = arith.constant 0 : i32
        %dma_wait3A_112 = tpu.memref_slice %arg3[%add3A_84, %dma_wait3A_111] : memref<5120x64xi32, #tpu.memory_space<hbm>> -> memref<32x64xi32, #tpu.memory_space<hbm>>
        tpu.wait_dma2 semaphore(%run_scoped3A : memref<!tpu.dma_semaphore, #tpu.memory_space<semaphore_mem>>) src(%dma_wait3A_112 : memref<32x64xi32, #tpu.memory_space<hbm>>) dst(%arg7 : memref<32x64xi32, #tpu.memory_space<vmem>>)
        tpu.yield
      }) : () -> ()
      %mul3A_85 = arith.constant 32 : i32
      %mul3A_86 = arith.muli %while3A_81, %mul3A_85 : i32
      %add3A_87 = arith.addi %select_n3A, %mul3A_86 : i32
      "tpu.region"() ({
        %run_scoped3A = tpu.sem_alloc : memref<!tpu.dma_semaphore, #tpu.memory_space<semaphore_mem>>
        %dma_start3A_105 = arith.constant 0 : i32
        %dma_start3A_106 = tpu.memref_slice %arg4[%add3A_87, %dma_start3A_105] : memref<5120x64xi32, #tpu.memory_space<hbm>> -> memref<32x64xi32, #tpu.memory_space<hbm>>
        %dma_start3A_107 = arith.constant 0 : i32
        %dma_start3A_108 = tpu.memref_slice %arg4[%add3A_87, %dma_start3A_107] : memref<5120x64xi32, #tpu.memory_space<hbm>> -> memref<32x64xi32, #tpu.memory_space<hbm>>
        tpu.enqueue_dma source(%dma_start3A_108 : memref<32x64xi32, #tpu.memory_space<hbm>>) target(%arg8 : memref<32x64xi32, #tpu.memory_space<vmem>>) target_semaphore(%run_scoped3A : memref<!tpu.dma_semaphore, #tpu.memory_space<semaphore_mem>>)
        %dma_wait3A_109 = arith.constant 0 : i32
        %dma_wait3A_110 = tpu.memref_slice %arg4[%add3A_87, %dma_wait3A_109] : memref<5120x64xi32, #tpu.memory_space<hbm>> -> memref<32x64xi32, #tpu.memory_space<hbm>>
        %dma_wait3A_111 = arith.constant 0 : i32
        %dma_wait3A_112 = tpu.memref_slice %arg4[%add3A_87, %dma_wait3A_111] : memref<5120x64xi32, #tpu.memory_space<hbm>> -> memref<32x64xi32, #tpu.memory_space<hbm>>
        tpu.wait_dma2 semaphore(%run_scoped3A : memref<!tpu.dma_semaphore, #tpu.memory_space<semaphore_mem>>) src(%dma_wait3A_112 : memref<32x64xi32, #tpu.memory_space<hbm>>) dst(%arg8 : memref<32x64xi32, #tpu.memory_space<vmem>>)
        tpu.yield
      }) : () -> ()
      %dma_start3A = arith.constant 0 : i32
      %dma_start3A_88 = arith.constant 0 : i32
      %dma_start3A_89 = tpu.memref_slice %arg7[%dma_start3A, %dma_start3A_88] : memref<32x64xi32, #tpu.memory_space<vmem>> -> memref<1x64xi32, #tpu.memory_space<vmem>>
      %dma_start3A_90 = tpu.memref_squeeze %dma_start3A_89 : memref<1x64xi32, #tpu.memory_space<vmem>> -> memref<64xi32, #tpu.memory_space<vmem>>
      %dma_start3A_91 = arith.constant 0 : i32
      %dma_start3A_92 = arith.constant 0 : i32
      %dma_start3A_93 = tpu.memref_slice %arg2[%dma_start3A_91, %dma_start3A_92] : memref<10000x128xf32, #tpu.memory_space<hbm>> -> memref<10000x128xf32, #tpu.memory_space<hbm>>
      tpu.enqueue_indirect_dma source(%dma_start3A_93 : memref<10000x128xf32, #tpu.memory_space<hbm>>) target(%arg9 : memref<64x128xf32, #tpu.memory_space<vmem>>) offsets(%dma_start3A_90 : memref<64xi32, #tpu.memory_space<vmem>>) semaphore(%arg12 : memref<!tpu.dma_semaphore, #tpu.memory_space<semaphore_mem>>)
      %scan3A = arith.constant 0 : i32
      %scan3A_94 = arith.constant 0 : i32
      %scan3A_95 = arith.constant 16 : i32
      %scan3A_96 = arith.addi %scan3A_94, %scan3A_95 : i32
      %scan3A_97 = arith.constant 1 : i32
      scf.for %scan3A_105 = %scan3A_94 to %scan3A_96 step %scan3A_97  : i32 {
        %dma_wait3A_106 = arith.constant 0 : i32
        %dma_wait3A_107 = arith.constant 0 : i32
        %dma_wait3A_108 = tpu.memref_slice %arg7[%dma_wait3A_106, %dma_wait3A_107] : memref<32x64xi32, #tpu.memory_space<vmem>> -> memref<1x64xi32, #tpu.memory_space<vmem>>
        %dma_wait3A_109 = tpu.memref_squeeze %dma_wait3A_108 : memref<1x64xi32, #tpu.memory_space<vmem>> -> memref<64xi32, #tpu.memory_space<vmem>>
        %dma_wait3A_110 = arith.constant 0 : i32
        %dma_wait3A_111 = arith.constant 0 : i32
        %dma_wait3A_112 = tpu.memref_slice %arg2[%dma_wait3A_110, %dma_wait3A_111] : memref<10000x128xf32, #tpu.memory_space<hbm>> -> memref<10000x128xf32, #tpu.memory_space<hbm>>
        tpu.wait_indirect_dma semaphore(%arg12 : memref<!tpu.dma_semaphore, #tpu.memory_space<semaphore_mem>>) src(%dma_wait3A_112 : memref<10000x128xf32, #tpu.memory_space<hbm>>) dst(%arg9 : memref<64x128xf32, #tpu.memory_space<vmem>>)
        %mul3A_113 = arith.constant 2 : i32
        %mul3A_114 = arith.muli %mul3A_113, %scan3A_105 : i32
        %add3A_115 = arith.constant 1 : i32
        %add3A_116 = arith.addi %mul3A_114, %add3A_115 : i32
        %dma_start3A_117 = arith.constant 0 : i32
        %dma_start3A_118 = tpu.memref_slice %arg7[%add3A_116, %dma_start3A_117] : memref<32x64xi32, #tpu.memory_space<vmem>> -> memref<1x64xi32, #tpu.memory_space<vmem>>
        %dma_start3A_119 = tpu.memref_squeeze %dma_start3A_118 : memref<1x64xi32, #tpu.memory_space<vmem>> -> memref<64xi32, #tpu.memory_space<vmem>>
        %dma_start3A_120 = arith.constant 0 : i32
        %dma_start3A_121 = arith.constant 0 : i32
        %dma_start3A_122 = tpu.memref_slice %arg2[%dma_start3A_120, %dma_start3A_121] : memref<10000x128xf32, #tpu.memory_space<hbm>> -> memref<10000x128xf32, #tpu.memory_space<hbm>>
        tpu.enqueue_indirect_dma source(%dma_start3A_122 : memref<10000x128xf32, #tpu.memory_space<hbm>>) target(%arg10 : memref<64x128xf32, #tpu.memory_space<vmem>>) offsets(%dma_start3A_119 : memref<64xi32, #tpu.memory_space<vmem>>) semaphore(%arg13 : memref<!tpu.dma_semaphore, #tpu.memory_space<semaphore_mem>>)
        %mul3A_123 = arith.constant 2 : i32
        %mul3A_124 = arith.muli %mul3A_123, %scan3A_105 : i32
        %dma_start3A_125 = arith.constant 0 : i32
        %dma_start3A_126 = tpu.memref_slice %arg8[%mul3A_124, %dma_start3A_125] : memref<32x64xi32, #tpu.memory_space<vmem>> -> memref<1x64xi32, #tpu.memory_space<vmem>>
        %dma_start3A_127 = tpu.memref_squeeze %dma_start3A_126 : memref<1x64xi32, #tpu.memory_space<vmem>> -> memref<64xi32, #tpu.memory_space<vmem>>
        %dma_start3A_128 = arith.constant 0 : i32
        %dma_start3A_129 = arith.constant 0 : i32
        %dma_start3A_130 = tpu.memref_slice %arg11[%dma_start3A_128, %dma_start3A_129] : memref<10112x128xf32, #tpu.memory_space<vmem_shared>> -> memref<10112x128xf32, #tpu.memory_space<vmem_shared>>
        tpu.enqueue_indirect_dma source(%arg9 : memref<64x128xf32, #tpu.memory_space<vmem>>) target(%dma_start3A_130 : memref<10112x128xf32, #tpu.memory_space<vmem_shared>>) offsets(%dma_start3A_127 : memref<64xi32, #tpu.memory_space<vmem>>) semaphore(%arg14 : memref<!tpu.dma_semaphore, #tpu.memory_space<semaphore_mem>>) {add = true}
        %dma_wait3A_131 = arith.constant 0 : i32
        %dma_wait3A_132 = arith.constant 0 : i32
        %dma_wait3A_133 = tpu.memref_slice %arg7[%dma_wait3A_131, %dma_wait3A_132] : memref<32x64xi32, #tpu.memory_space<vmem>> -> memref<1x64xi32, #tpu.memory_space<vmem>>
        %dma_wait3A_134 = tpu.memref_squeeze %dma_wait3A_133 : memref<1x64xi32, #tpu.memory_space<vmem>> -> memref<64xi32, #tpu.memory_space<vmem>>
        %dma_wait3A_135 = arith.constant 0 : i32
        %dma_wait3A_136 = arith.constant 0 : i32
        %dma_wait3A_137 = tpu.memref_slice %arg2[%dma_wait3A_135, %dma_wait3A_136] : memref<10000x128xf32, #tpu.memory_space<hbm>> -> memref<10000x128xf32, #tpu.memory_space<hbm>>
        tpu.wait_indirect_dma semaphore(%arg13 : memref<!tpu.dma_semaphore, #tpu.memory_space<semaphore_mem>>) src(%dma_wait3A_137 : memref<10000x128xf32, #tpu.memory_space<hbm>>) dst(%arg10 : memref<64x128xf32, #tpu.memory_space<vmem>>)
        %dma_wait3A_138 = arith.constant 0 : i32
        %dma_wait3A_139 = arith.constant 0 : i32
        %dma_wait3A_140 = tpu.memref_slice %arg8[%dma_wait3A_138, %dma_wait3A_139] : memref<32x64xi32, #tpu.memory_space<vmem>> -> memref<1x64xi32, #tpu.memory_space<vmem>>
        %dma_wait3A_141 = tpu.memref_squeeze %dma_wait3A_140 : memref<1x64xi32, #tpu.memory_space<vmem>> -> memref<64xi32, #tpu.memory_space<vmem>>
        %dma_wait3A_142 = arith.constant 0 : i32
        %dma_wait3A_143 = arith.constant 0 : i32
        %dma_wait3A_144 = tpu.memref_slice %arg11[%dma_wait3A_142, %dma_wait3A_143] : memref<10112x128xf32, #tpu.memory_space<vmem_shared>> -> memref<10112x128xf32, #tpu.memory_space<vmem_shared>>
        tpu.wait_indirect_dma semaphore(%arg14 : memref<!tpu.dma_semaphore, #tpu.memory_space<semaphore_mem>>) src(%arg9 : memref<64x128xf32, #tpu.memory_space<vmem>>) dst(%dma_wait3A_144 : memref<10112x128xf32, #tpu.memory_space<vmem_shared>>)
        %mul3A_145 = arith.constant 2 : i32
        %mul3A_146 = arith.muli %mul3A_145, %scan3A_105 : i32
        %add3A_147 = arith.constant 2 : i32
        %add3A_148 = arith.addi %mul3A_146, %add3A_147 : i32
        %min3A = arith.constant 31 : i32
        %min3A_149 = arith.minsi %add3A_148, %min3A : i32
        %dma_start3A_150 = arith.constant 0 : i32
        %dma_start3A_151 = tpu.memref_slice %arg7[%min3A_149, %dma_start3A_150] : memref<32x64xi32, #tpu.memory_space<vmem>> -> memref<1x64xi32, #tpu.memory_space<vmem>>
        %dma_start3A_152 = tpu.memref_squeeze %dma_start3A_151 : memref<1x64xi32, #tpu.memory_space<vmem>> -> memref<64xi32, #tpu.memory_space<vmem>>
        %dma_start3A_153 = arith.constant 0 : i32
        %dma_start3A_154 = arith.constant 0 : i32
        %dma_start3A_155 = tpu.memref_slice %arg2[%dma_start3A_153, %dma_start3A_154] : memref<10000x128xf32, #tpu.memory_space<hbm>> -> memref<10000x128xf32, #tpu.memory_space<hbm>>
        tpu.enqueue_indirect_dma source(%dma_start3A_155 : memref<10000x128xf32, #tpu.memory_space<hbm>>) target(%arg9 : memref<64x128xf32, #tpu.memory_space<vmem>>) offsets(%dma_start3A_152 : memref<64xi32, #tpu.memory_space<vmem>>) semaphore(%arg12 : memref<!tpu.dma_semaphore, #tpu.memory_space<semaphore_mem>>)
        %mul3A_156 = arith.constant 2 : i32
        %mul3A_157 = arith.muli %mul3A_156, %scan3A_105 : i32
        %add3A_158 = arith.constant 1 : i32
        %add3A_159 = arith.addi %mul3A_157, %add3A_158 : i32
        %dma_start3A_160 = arith.constant 0 : i32
        %dma_start3A_161 = tpu.memref_slice %arg8[%add3A_159, %dma_start3A_160] : memref<32x64xi32, #tpu.memory_space<vmem>> -> memref<1x64xi32, #tpu.memory_space<vmem>>
        %dma_start3A_162 = tpu.memref_squeeze %dma_start3A_161 : memref<1x64xi32, #tpu.memory_space<vmem>> -> memref<64xi32, #tpu.memory_space<vmem>>
        %dma_start3A_163 = arith.constant 0 : i32
        %dma_start3A_164 = arith.constant 0 : i32
        %dma_start3A_165 = tpu.memref_slice %arg11[%dma_start3A_163, %dma_start3A_164] : memref<10112x128xf32, #tpu.memory_space<vmem_shared>> -> memref<10112x128xf32, #tpu.memory_space<vmem_shared>>
        tpu.enqueue_indirect_dma source(%arg10 : memref<64x128xf32, #tpu.memory_space<vmem>>) target(%dma_start3A_165 : memref<10112x128xf32, #tpu.memory_space<vmem_shared>>) offsets(%dma_start3A_162 : memref<64xi32, #tpu.memory_space<vmem>>) semaphore(%arg15 : memref<!tpu.dma_semaphore, #tpu.memory_space<semaphore_mem>>) {add = true}
        %dma_wait3A_166 = arith.constant 0 : i32
        %dma_wait3A_167 = arith.constant 0 : i32
        %dma_wait3A_168 = tpu.memref_slice %arg8[%dma_wait3A_166, %dma_wait3A_167] : memref<32x64xi32, #tpu.memory_space<vmem>> -> memref<1x64xi32, #tpu.memory_space<vmem>>
        %dma_wait3A_169 = tpu.memref_squeeze %dma_wait3A_168 : memref<1x64xi32, #tpu.memory_space<vmem>> -> memref<64xi32, #tpu.memory_space<vmem>>
        %dma_wait3A_170 = arith.constant 0 : i32
        %dma_wait3A_171 = arith.constant 0 : i32
        %dma_wait3A_172 = tpu.memref_slice %arg11[%dma_wait3A_170, %dma_wait3A_171] : memref<10112x128xf32, #tpu.memory_space<vmem_shared>> -> memref<10112x128xf32, #tpu.memory_space<vmem_shared>>
        tpu.wait_indirect_dma semaphore(%arg15 : memref<!tpu.dma_semaphore, #tpu.memory_space<semaphore_mem>>) src(%arg10 : memref<64x128xf32, #tpu.memory_space<vmem>>) dst(%dma_wait3A_172 : memref<10112x128xf32, #tpu.memory_space<vmem_shared>>)
      }
      %scan3A_98 = arith.constant 16 : i32
      %dma_wait3A = arith.constant 0 : i32
      %dma_wait3A_99 = arith.constant 0 : i32
      %dma_wait3A_100 = tpu.memref_slice %arg7[%dma_wait3A, %dma_wait3A_99] : memref<32x64xi32, #tpu.memory_space<vmem>> -> memref<1x64xi32, #tpu.memory_space<vmem>>
      %dma_wait3A_101 = tpu.memref_squeeze %dma_wait3A_100 : memref<1x64xi32, #tpu.memory_space<vmem>> -> memref<64xi32, #tpu.memory_space<vmem>>
      %dma_wait3A_102 = arith.constant 0 : i32
      %dma_wait3A_103 = arith.constant 0 : i32
      %dma_wait3A_104 = tpu.memref_slice %arg2[%dma_wait3A_102, %dma_wait3A_103] : memref<10000x128xf32, #tpu.memory_space<hbm>> -> memref<10000x128xf32, #tpu.memory_space<hbm>>
      tpu.wait_indirect_dma semaphore(%arg12 : memref<!tpu.dma_semaphore, #tpu.memory_space<semaphore_mem>>) src(%dma_wait3A_104 : memref<10000x128xf32, #tpu.memory_space<hbm>>) dst(%arg9 : memref<64x128xf32, #tpu.memory_space<vmem>>)
    }
    %barrier3A_40 = arith.constant 0 : index
    tpu.barrier barrier_id(%barrier3A_40)
    %add3A_41 = arith.constant 0 : i32
    %add3A_42 = arith.addi %mul3A_0, %add3A_41 : i32
    "tpu.region"() ({
      %run_scoped3A = tpu.sem_alloc : memref<!tpu.dma_semaphore, #tpu.memory_space<semaphore_mem>>
      %dma_start3A = arith.constant 0 : i32
      %dma_start3A_81 = arith.constant 0 : i32
      %dma_start3A_82 = tpu.memref_slice %arg9[%dma_start3A, %dma_start3A_81] : memref<64x128xf32, #tpu.memory_space<vmem>> -> memref<64x128xf32, #tpu.memory_space<vmem>>
      %dma_start3A_83 = arith.constant 0 : i32
      %dma_start3A_84 = tpu.memref_slice %arg11[%add3A_42, %dma_start3A_83] : memref<10112x128xf32, #tpu.memory_space<vmem_shared>> -> memref<64x128xf32, #tpu.memory_space<vmem_shared>>
      %dma_start3A_85 = arith.constant 0 : i32
      %dma_start3A_86 = arith.constant 0 : i32
      %dma_start3A_87 = tpu.memref_slice %arg9[%dma_start3A_85, %dma_start3A_86] : memref<64x128xf32, #tpu.memory_space<vmem>> -> memref<64x128xf32, #tpu.memory_space<vmem>>
      %dma_start3A_88 = arith.constant 0 : i32
      %dma_start3A_89 = tpu.memref_slice %arg11[%add3A_42, %dma_start3A_88] : memref<10112x128xf32, #tpu.memory_space<vmem_shared>> -> memref<64x128xf32, #tpu.memory_space<vmem_shared>>
      tpu.enqueue_dma source(%dma_start3A_89 : memref<64x128xf32, #tpu.memory_space<vmem_shared>>) target(%dma_start3A_87 : memref<64x128xf32, #tpu.memory_space<vmem>>) target_semaphore(%run_scoped3A : memref<!tpu.dma_semaphore, #tpu.memory_space<semaphore_mem>>)
      %dma_wait3A = arith.constant 0 : i32
      %dma_wait3A_90 = arith.constant 0 : i32
      %dma_wait3A_91 = tpu.memref_slice %arg9[%dma_wait3A, %dma_wait3A_90] : memref<64x128xf32, #tpu.memory_space<vmem>> -> memref<64x128xf32, #tpu.memory_space<vmem>>
      %dma_wait3A_92 = arith.constant 0 : i32
      %dma_wait3A_93 = tpu.memref_slice %arg11[%add3A_42, %dma_wait3A_92] : memref<10112x128xf32, #tpu.memory_space<vmem_shared>> -> memref<64x128xf32, #tpu.memory_space<vmem_shared>>
      %dma_wait3A_94 = arith.constant 0 : i32
      %dma_wait3A_95 = arith.constant 0 : i32
      %dma_wait3A_96 = tpu.memref_slice %arg9[%dma_wait3A_94, %dma_wait3A_95] : memref<64x128xf32, #tpu.memory_space<vmem>> -> memref<64x128xf32, #tpu.memory_space<vmem>>
      %dma_wait3A_97 = arith.constant 0 : i32
      %dma_wait3A_98 = tpu.memref_slice %arg11[%add3A_42, %dma_wait3A_97] : memref<10112x128xf32, #tpu.memory_space<vmem_shared>> -> memref<64x128xf32, #tpu.memory_space<vmem_shared>>
      tpu.wait_dma2 semaphore(%run_scoped3A : memref<!tpu.dma_semaphore, #tpu.memory_space<semaphore_mem>>) src(%dma_wait3A_98 : memref<64x128xf32, #tpu.memory_space<vmem_shared>>) dst(%dma_wait3A_96 : memref<64x128xf32, #tpu.memory_space<vmem>>)
      tpu.yield
    }) : () -> ()
    %add3A_43 = arith.constant 0 : i32
    %add3A_44 = arith.addi %mul3A_0, %add3A_43 : i32
    "tpu.region"() ({
      %run_scoped3A = tpu.sem_alloc : memref<!tpu.dma_semaphore, #tpu.memory_space<semaphore_mem>>
      %dma_start3A = arith.constant 0 : i32
      %dma_start3A_81 = arith.constant 0 : i32
      %dma_start3A_82 = tpu.memref_slice %arg9[%dma_start3A, %dma_start3A_81] : memref<64x128xf32, #tpu.memory_space<vmem>> -> memref<64x128xf32, #tpu.memory_space<vmem>>
      %dma_start3A_83 = arith.constant 0 : i32
      %dma_start3A_84 = tpu.memref_slice %arg6[%arg0, %add3A_44, %dma_start3A_83] : memref<2x10112x128xf32, #tpu.memory_space<hbm>> -> memref<1x64x128xf32, #tpu.memory_space<hbm>>
      %dma_start3A_85 = tpu.memref_squeeze %dma_start3A_84 : memref<1x64x128xf32, #tpu.memory_space<hbm>> -> memref<64x128xf32, #tpu.memory_space<hbm>>
      %dma_start3A_86 = arith.constant 0 : i32
      %dma_start3A_87 = tpu.memref_slice %arg6[%arg0, %add3A_44, %dma_start3A_86] : memref<2x10112x128xf32, #tpu.memory_space<hbm>> -> memref<1x64x128xf32, #tpu.memory_space<hbm>>
      %dma_start3A_88 = tpu.memref_squeeze %dma_start3A_87 : memref<1x64x128xf32, #tpu.memory_space<hbm>> -> memref<64x128xf32, #tpu.memory_space<hbm>>
      %dma_start3A_89 = arith.constant 0 : i32
      %dma_start3A_90 = arith.constant 0 : i32
      %dma_start3A_91 = tpu.memref_slice %arg9[%dma_start3A_89, %dma_start3A_90] : memref<64x128xf32, #tpu.memory_space<vmem>> -> memref<64x128xf32, #tpu.memory_space<vmem>>
      tpu.enqueue_dma source(%dma_start3A_91 : memref<64x128xf32, #tpu.memory_space<vmem>>) target(%dma_start3A_88 : memref<64x128xf32, #tpu.memory_space<hbm>>) target_semaphore(%run_scoped3A : memref<!tpu.dma_semaphore, #tpu.memory_space<semaphore_mem>>)
      %dma_wait3A = arith.constant 0 : i32
      %dma_wait3A_92 = arith.constant 0 : i32
      %dma_wait3A_93 = tpu.memref_slice %arg9[%dma_wait3A, %dma_wait3A_92] : memref<64x128xf32, #tpu.memory_space<vmem>> -> memref<64x128xf32, #tpu.memory_space<vmem>>
      %dma_wait3A_94 = arith.constant 0 : i32
      %dma_wait3A_95 = tpu.memref_slice %arg6[%arg0, %add3A_44, %dma_wait3A_94] : memref<2x10112x128xf32, #tpu.memory_space<hbm>> -> memref<1x64x128xf32, #tpu.memory_space<hbm>>
      %dma_wait3A_96 = tpu.memref_squeeze %dma_wait3A_95 : memref<1x64x128xf32, #tpu.memory_space<hbm>> -> memref<64x128xf32, #tpu.memory_space<hbm>>
      %dma_wait3A_97 = arith.constant 0 : i32
      %dma_wait3A_98 = tpu.memref_slice %arg6[%arg0, %add3A_44, %dma_wait3A_97] : memref<2x10112x128xf32, #tpu.memory_space<hbm>> -> memref<1x64x128xf32, #tpu.memory_space<hbm>>
      %dma_wait3A_99 = tpu.memref_squeeze %dma_wait3A_98 : memref<1x64x128xf32, #tpu.memory_space<hbm>> -> memref<64x128xf32, #tpu.memory_space<hbm>>
      %dma_wait3A_100 = arith.constant 0 : i32
      %dma_wait3A_101 = arith.constant 0 : i32
      %dma_wait3A_102 = tpu.memref_slice %arg9[%dma_wait3A_100, %dma_wait3A_101] : memref<64x128xf32, #tpu.memory_space<vmem>> -> memref<64x128xf32, #tpu.memory_space<vmem>>
      tpu.wait_dma2 semaphore(%run_scoped3A : memref<!tpu.dma_semaphore, #tpu.memory_space<semaphore_mem>>) src(%dma_wait3A_102 : memref<64x128xf32, #tpu.memory_space<vmem>>) dst(%dma_wait3A_99 : memref<64x128xf32, #tpu.memory_space<hbm>>)
      tpu.yield
    }) : () -> ()
    %add3A_45 = arith.constant 64 : i32
    %add3A_46 = arith.addi %mul3A_0, %add3A_45 : i32
    "tpu.region"() ({
      %run_scoped3A = tpu.sem_alloc : memref<!tpu.dma_semaphore, #tpu.memory_space<semaphore_mem>>
      %dma_start3A = arith.constant 0 : i32
      %dma_start3A_81 = arith.constant 0 : i32
      %dma_start3A_82 = tpu.memref_slice %arg9[%dma_start3A, %dma_start3A_81] : memref<64x128xf32, #tpu.memory_space<vmem>> -> memref<64x128xf32, #tpu.memory_space<vmem>>
      %dma_start3A_83 = arith.constant 0 : i32
      %dma_start3A_84 = tpu.memref_slice %arg11[%add3A_46, %dma_start3A_83] : memref<10112x128xf32, #tpu.memory_space<vmem_shared>> -> memref<64x128xf32, #tpu.memory_space<vmem_shared>>
      %dma_start3A_85 = arith.constant 0 : i32
      %dma_start3A_86 = arith.constant 0 : i32
      %dma_start3A_87 = tpu.memref_slice %arg9[%dma_start3A_85, %dma_start3A_86] : memref<64x128xf32, #tpu.memory_space<vmem>> -> memref<64x128xf32, #tpu.memory_space<vmem>>
      %dma_start3A_88 = arith.constant 0 : i32
      %dma_start3A_89 = tpu.memref_slice %arg11[%add3A_46, %dma_start3A_88] : memref<10112x128xf32, #tpu.memory_space<vmem_shared>> -> memref<64x128xf32, #tpu.memory_space<vmem_shared>>
      tpu.enqueue_dma source(%dma_start3A_89 : memref<64x128xf32, #tpu.memory_space<vmem_shared>>) target(%dma_start3A_87 : memref<64x128xf32, #tpu.memory_space<vmem>>) target_semaphore(%run_scoped3A : memref<!tpu.dma_semaphore, #tpu.memory_space<semaphore_mem>>)
      %dma_wait3A = arith.constant 0 : i32
      %dma_wait3A_90 = arith.constant 0 : i32
      %dma_wait3A_91 = tpu.memref_slice %arg9[%dma_wait3A, %dma_wait3A_90] : memref<64x128xf32, #tpu.memory_space<vmem>> -> memref<64x128xf32, #tpu.memory_space<vmem>>
      %dma_wait3A_92 = arith.constant 0 : i32
      %dma_wait3A_93 = tpu.memref_slice %arg11[%add3A_46, %dma_wait3A_92] : memref<10112x128xf32, #tpu.memory_space<vmem_shared>> -> memref<64x128xf32, #tpu.memory_space<vmem_shared>>
      %dma_wait3A_94 = arith.constant 0 : i32
      %dma_wait3A_95 = arith.constant 0 : i32
      %dma_wait3A_96 = tpu.memref_slice %arg9[%dma_wait3A_94, %dma_wait3A_95] : memref<64x128xf32, #tpu.memory_space<vmem>> -> memref<64x128xf32, #tpu.memory_space<vmem>>
      %dma_wait3A_97 = arith.constant 0 : i32
      %dma_wait3A_98 = tpu.memref_slice %arg11[%add3A_46, %dma_wait3A_97] : memref<10112x128xf32, #tpu.memory_space<vmem_shared>> -> memref<64x128xf32, #tpu.memory_space<vmem_shared>>
      tpu.wait_dma2 semaphore(%run_scoped3A : memref<!tpu.dma_semaphore, #tpu.memory_space<semaphore_mem>>) src(%dma_wait3A_98 : memref<64x128xf32, #tpu.memory_space<vmem_shared>>) dst(%dma_wait3A_96 : memref<64x128xf32, #tpu.memory_space<vmem>>)
      tpu.yield
    }) : () -> ()
    %add3A_47 = arith.constant 64 : i32
    %add3A_48 = arith.addi %mul3A_0, %add3A_47 : i32
    "tpu.region"() ({
      %run_scoped3A = tpu.sem_alloc : memref<!tpu.dma_semaphore, #tpu.memory_space<semaphore_mem>>
      %dma_start3A = arith.constant 0 : i32
      %dma_start3A_81 = arith.constant 0 : i32
      %dma_start3A_82 = tpu.memref_slice %arg9[%dma_start3A, %dma_start3A_81] : memref<64x128xf32, #tpu.memory_space<vmem>> -> memref<64x128xf32, #tpu.memory_space<vmem>>
      %dma_start3A_83 = arith.constant 0 : i32
      %dma_start3A_84 = tpu.memref_slice %arg6[%arg0, %add3A_48, %dma_start3A_83] : memref<2x10112x128xf32, #tpu.memory_space<hbm>> -> memref<1x64x128xf32, #tpu.memory_space<hbm>>
      %dma_start3A_85 = tpu.memref_squeeze %dma_start3A_84 : memref<1x64x128xf32, #tpu.memory_space<hbm>> -> memref<64x128xf32, #tpu.memory_space<hbm>>
      %dma_start3A_86 = arith.constant 0 : i32
      %dma_start3A_87 = tpu.memref_slice %arg6[%arg0, %add3A_48, %dma_start3A_86] : memref<2x10112x128xf32, #tpu.memory_space<hbm>> -> memref<1x64x128xf32, #tpu.memory_space<hbm>>
      %dma_start3A_88 = tpu.memref_squeeze %dma_start3A_87 : memref<1x64x128xf32, #tpu.memory_space<hbm>> -> memref<64x128xf32, #tpu.memory_space<hbm>>
      %dma_start3A_89 = arith.constant 0 : i32
      %dma_start3A_90 = arith.constant 0 : i32
      %dma_start3A_91 = tpu.memref_slice %arg9[%dma_start3A_89, %dma_start3A_90] : memref<64x128xf32, #tpu.memory_space<vmem>> -> memref<64x128xf32, #tpu.memory_space<vmem>>
      tpu.enqueue_dma source(%dma_start3A_91 : memref<64x128xf32, #tpu.memory_space<vmem>>) target(%dma_start3A_88 : memref<64x128xf32, #tpu.memory_space<hbm>>) target_semaphore(%run_scoped3A : memref<!tpu.dma_semaphore, #tpu.memory_space<semaphore_mem>>)
      %dma_wait3A = arith.constant 0 : i32
      %dma_wait3A_92 = arith.constant 0 : i32
      %dma_wait3A_93 = tpu.memref_slice %arg9[%dma_wait3A, %dma_wait3A_92] : memref<64x128xf32, #tpu.memory_space<vmem>> -> memref<64x128xf32, #tpu.memory_space<vmem>>
      %dma_wait3A_94 = arith.constant 0 : i32
      %dma_wait3A_95 = tpu.memref_slice %arg6[%arg0, %add3A_48, %dma_wait3A_94] : memref<2x10112x128xf32, #tpu.memory_space<hbm>> -> memref<1x64x128xf32, #tpu.memory_space<hbm>>
      %dma_wait3A_96 = tpu.memref_squeeze %dma_wait3A_95 : memref<1x64x128xf32, #tpu.memory_space<hbm>> -> memref<64x128xf32, #tpu.memory_space<hbm>>
      %dma_wait3A_97 = arith.constant 0 : i32
      %dma_wait3A_98 = tpu.memref_slice %arg6[%arg0, %add3A_48, %dma_wait3A_97] : memref<2x10112x128xf32, #tpu.memory_space<hbm>> -> memref<1x64x128xf32, #tpu.memory_space<hbm>>
      %dma_wait3A_99 = tpu.memref_squeeze %dma_wait3A_98 : memref<1x64x128xf32, #tpu.memory_space<hbm>> -> memref<64x128xf32, #tpu.memory_space<hbm>>
      %dma_wait3A_100 = arith.constant 0 : i32
      %dma_wait3A_101 = arith.constant 0 : i32
      %dma_wait3A_102 = tpu.memref_slice %arg9[%dma_wait3A_100, %dma_wait3A_101] : memref<64x128xf32, #tpu.memory_space<vmem>> -> memref<64x128xf32, #tpu.memory_space<vmem>>
      tpu.wait_dma2 semaphore(%run_scoped3A : memref<!tpu.dma_semaphore, #tpu.memory_space<semaphore_mem>>) src(%dma_wait3A_102 : memref<64x128xf32, #tpu.memory_space<vmem>>) dst(%dma_wait3A_99 : memref<64x128xf32, #tpu.memory_space<hbm>>)
      tpu.yield
    }) : () -> ()
    %add3A_49 = arith.constant 128 : i32
    %add3A_50 = arith.addi %mul3A_0, %add3A_49 : i32
    "tpu.region"() ({
      %run_scoped3A = tpu.sem_alloc : memref<!tpu.dma_semaphore, #tpu.memory_space<semaphore_mem>>
      %dma_start3A = arith.constant 0 : i32
      %dma_start3A_81 = arith.constant 0 : i32
      %dma_start3A_82 = tpu.memref_slice %arg9[%dma_start3A, %dma_start3A_81] : memref<64x128xf32, #tpu.memory_space<vmem>> -> memref<64x128xf32, #tpu.memory_space<vmem>>
      %dma_start3A_83 = arith.constant 0 : i32
      %dma_start3A_84 = tpu.memref_slice %arg11[%add3A_50, %dma_start3A_83] : memref<10112x128xf32, #tpu.memory_space<vmem_shared>> -> memref<64x128xf32, #tpu.memory_space<vmem_shared>>
      %dma_start3A_85 = arith.constant 0 : i32
      %dma_start3A_86 = arith.constant 0 : i32
      %dma_start3A_87 = tpu.memref_slice %arg9[%dma_start3A_85, %dma_start3A_86] : memref<64x128xf32, #tpu.memory_space<vmem>> -> memref<64x128xf32, #tpu.memory_space<vmem>>
      %dma_start3A_88 = arith.constant 0 : i32
      %dma_start3A_89 = tpu.memref_slice %arg11[%add3A_50, %dma_start3A_88] : memref<10112x128xf32, #tpu.memory_space<vmem_shared>> -> memref<64x128xf32, #tpu.memory_space<vmem_shared>>
      tpu.enqueue_dma source(%dma_start3A_89 : memref<64x128xf32, #tpu.memory_space<vmem_shared>>) target(%dma_start3A_87 : memref<64x128xf32, #tpu.memory_space<vmem>>) target_semaphore(%run_scoped3A : memref<!tpu.dma_semaphore, #tpu.memory_space<semaphore_mem>>)
      %dma_wait3A = arith.constant 0 : i32
      %dma_wait3A_90 = arith.constant 0 : i32
      %dma_wait3A_91 = tpu.memref_slice %arg9[%dma_wait3A, %dma_wait3A_90] : memref<64x128xf32, #tpu.memory_space<vmem>> -> memref<64x128xf32, #tpu.memory_space<vmem>>
      %dma_wait3A_92 = arith.constant 0 : i32
      %dma_wait3A_93 = tpu.memref_slice %arg11[%add3A_50, %dma_wait3A_92] : memref<10112x128xf32, #tpu.memory_space<vmem_shared>> -> memref<64x128xf32, #tpu.memory_space<vmem_shared>>
      %dma_wait3A_94 = arith.constant 0 : i32
      %dma_wait3A_95 = arith.constant 0 : i32
      %dma_wait3A_96 = tpu.memref_slice %arg9[%dma_wait3A_94, %dma_wait3A_95] : memref<64x128xf32, #tpu.memory_space<vmem>> -> memref<64x128xf32, #tpu.memory_space<vmem>>
      %dma_wait3A_97 = arith.constant 0 : i32
      %dma_wait3A_98 = tpu.memref_slice %arg11[%add3A_50, %dma_wait3A_97] : memref<10112x128xf32, #tpu.memory_space<vmem_shared>> -> memref<64x128xf32, #tpu.memory_space<vmem_shared>>
      tpu.wait_dma2 semaphore(%run_scoped3A : memref<!tpu.dma_semaphore, #tpu.memory_space<semaphore_mem>>) src(%dma_wait3A_98 : memref<64x128xf32, #tpu.memory_space<vmem_shared>>) dst(%dma_wait3A_96 : memref<64x128xf32, #tpu.memory_space<vmem>>)
      tpu.yield
    }) : () -> ()
    %add3A_51 = arith.constant 128 : i32
    %add3A_52 = arith.addi %mul3A_0, %add3A_51 : i32
    "tpu.region"() ({
      %run_scoped3A = tpu.sem_alloc : memref<!tpu.dma_semaphore, #tpu.memory_space<semaphore_mem>>
      %dma_start3A = arith.constant 0 : i32
      %dma_start3A_81 = arith.constant 0 : i32
      %dma_start3A_82 = tpu.memref_slice %arg9[%dma_start3A, %dma_start3A_81] : memref<64x128xf32, #tpu.memory_space<vmem>> -> memref<64x128xf32, #tpu.memory_space<vmem>>
      %dma_start3A_83 = arith.constant 0 : i32
      %dma_start3A_84 = tpu.memref_slice %arg6[%arg0, %add3A_52, %dma_start3A_83] : memref<2x10112x128xf32, #tpu.memory_space<hbm>> -> memref<1x64x128xf32, #tpu.memory_space<hbm>>
      %dma_start3A_85 = tpu.memref_squeeze %dma_start3A_84 : memref<1x64x128xf32, #tpu.memory_space<hbm>> -> memref<64x128xf32, #tpu.memory_space<hbm>>
      %dma_start3A_86 = arith.constant 0 : i32
      %dma_start3A_87 = tpu.memref_slice %arg6[%arg0, %add3A_52, %dma_start3A_86] : memref<2x10112x128xf32, #tpu.memory_space<hbm>> -> memref<1x64x128xf32, #tpu.memory_space<hbm>>
      %dma_start3A_88 = tpu.memref_squeeze %dma_start3A_87 : memref<1x64x128xf32, #tpu.memory_space<hbm>> -> memref<64x128xf32, #tpu.memory_space<hbm>>
      %dma_start3A_89 = arith.constant 0 : i32
      %dma_start3A_90 = arith.constant 0 : i32
      %dma_start3A_91 = tpu.memref_slice %arg9[%dma_start3A_89, %dma_start3A_90] : memref<64x128xf32, #tpu.memory_space<vmem>> -> memref<64x128xf32, #tpu.memory_space<vmem>>
      tpu.enqueue_dma source(%dma_start3A_91 : memref<64x128xf32, #tpu.memory_space<vmem>>) target(%dma_start3A_88 : memref<64x128xf32, #tpu.memory_space<hbm>>) target_semaphore(%run_scoped3A : memref<!tpu.dma_semaphore, #tpu.memory_space<semaphore_mem>>)
      %dma_wait3A = arith.constant 0 : i32
      %dma_wait3A_92 = arith.constant 0 : i32
      %dma_wait3A_93 = tpu.memref_slice %arg9[%dma_wait3A, %dma_wait3A_92] : memref<64x128xf32, #tpu.memory_space<vmem>> -> memref<64x128xf32, #tpu.memory_space<vmem>>
      %dma_wait3A_94 = arith.constant 0 : i32
      %dma_wait3A_95 = tpu.memref_slice %arg6[%arg0, %add3A_52, %dma_wait3A_94] : memref<2x10112x128xf32, #tpu.memory_space<hbm>> -> memref<1x64x128xf32, #tpu.memory_space<hbm>>
      %dma_wait3A_96 = tpu.memref_squeeze %dma_wait3A_95 : memref<1x64x128xf32, #tpu.memory_space<hbm>> -> memref<64x128xf32, #tpu.memory_space<hbm>>
      %dma_wait3A_97 = arith.constant 0 : i32
      %dma_wait3A_98 = tpu.memref_slice %arg6[%arg0, %add3A_52, %dma_wait3A_97] : memref<2x10112x128xf32, #tpu.memory_space<hbm>> -> memref<1x64x128xf32, #tpu.memory_space<hbm>>
      %dma_wait3A_99 = tpu.memref_squeeze %dma_wait3A_98 : memref<1x64x128xf32, #tpu.memory_space<hbm>> -> memref<64x128xf32, #tpu.memory_space<hbm>>
      %dma_wait3A_100 = arith.constant 0 : i32
      %dma_wait3A_101 = arith.constant 0 : i32
      %dma_wait3A_102 = tpu.memref_slice %arg9[%dma_wait3A_100, %dma_wait3A_101] : memref<64x128xf32, #tpu.memory_space<vmem>> -> memref<64x128xf32, #tpu.memory_space<vmem>>
      tpu.wait_dma2 semaphore(%run_scoped3A : memref<!tpu.dma_semaphore, #tpu.memory_space<semaphore_mem>>) src(%dma_wait3A_102 : memref<64x128xf32, #tpu.memory_space<vmem>>) dst(%dma_wait3A_99 : memref<64x128xf32, #tpu.memory_space<hbm>>)
      tpu.yield
    }) : () -> ()
    %add3A_53 = arith.constant 192 : i32
    %add3A_54 = arith.addi %mul3A_0, %add3A_53 : i32
    "tpu.region"() ({
      %run_scoped3A = tpu.sem_alloc : memref<!tpu.dma_semaphore, #tpu.memory_space<semaphore_mem>>
      %dma_start3A = arith.constant 0 : i32
      %dma_start3A_81 = arith.constant 0 : i32
      %dma_start3A_82 = tpu.memref_slice %arg9[%dma_start3A, %dma_start3A_81] : memref<64x128xf32, #tpu.memory_space<vmem>> -> memref<64x128xf32, #tpu.memory_space<vmem>>
      %dma_start3A_83 = arith.constant 0 : i32
      %dma_start3A_84 = tpu.memref_slice %arg11[%add3A_54, %dma_start3A_83] : memref<10112x128xf32, #tpu.memory_space<vmem_shared>> -> memref<64x128xf32, #tpu.memory_space<vmem_shared>>
      %dma_start3A_85 = arith.constant 0 : i32
      %dma_start3A_86 = arith.constant 0 : i32
      %dma_start3A_87 = tpu.memref_slice %arg9[%dma_start3A_85, %dma_start3A_86] : memref<64x128xf32, #tpu.memory_space<vmem>> -> memref<64x128xf32, #tpu.memory_space<vmem>>
      %dma_start3A_88 = arith.constant 0 : i32
      %dma_start3A_89 = tpu.memref_slice %arg11[%add3A_54, %dma_start3A_88] : memref<10112x128xf32, #tpu.memory_space<vmem_shared>> -> memref<64x128xf32, #tpu.memory_space<vmem_shared>>
      tpu.enqueue_dma source(%dma_start3A_89 : memref<64x128xf32, #tpu.memory_space<vmem_shared>>) target(%dma_start3A_87 : memref<64x128xf32, #tpu.memory_space<vmem>>) target_semaphore(%run_scoped3A : memref<!tpu.dma_semaphore, #tpu.memory_space<semaphore_mem>>)
      %dma_wait3A = arith.constant 0 : i32
      %dma_wait3A_90 = arith.constant 0 : i32
      %dma_wait3A_91 = tpu.memref_slice %arg9[%dma_wait3A, %dma_wait3A_90] : memref<64x128xf32, #tpu.memory_space<vmem>> -> memref<64x128xf32, #tpu.memory_space<vmem>>
      %dma_wait3A_92 = arith.constant 0 : i32
      %dma_wait3A_93 = tpu.memref_slice %arg11[%add3A_54, %dma_wait3A_92] : memref<10112x128xf32, #tpu.memory_space<vmem_shared>> -> memref<64x128xf32, #tpu.memory_space<vmem_shared>>
      %dma_wait3A_94 = arith.constant 0 : i32
      %dma_wait3A_95 = arith.constant 0 : i32
      %dma_wait3A_96 = tpu.memref_slice %arg9[%dma_wait3A_94, %dma_wait3A_95] : memref<64x128xf32, #tpu.memory_space<vmem>> -> memref<64x128xf32, #tpu.memory_space<vmem>>
      %dma_wait3A_97 = arith.constant 0 : i32
      %dma_wait3A_98 = tpu.memref_slice %arg11[%add3A_54, %dma_wait3A_97] : memref<10112x128xf32, #tpu.memory_space<vmem_shared>> -> memref<64x128xf32, #tpu.memory_space<vmem_shared>>
      tpu.wait_dma2 semaphore(%run_scoped3A : memref<!tpu.dma_semaphore, #tpu.memory_space<semaphore_mem>>) src(%dma_wait3A_98 : memref<64x128xf32, #tpu.memory_space<vmem_shared>>) dst(%dma_wait3A_96 : memref<64x128xf32, #tpu.memory_space<vmem>>)
      tpu.yield
    }) : () -> ()
    %add3A_55 = arith.constant 192 : i32
    %add3A_56 = arith.addi %mul3A_0, %add3A_55 : i32
    "tpu.region"() ({
      %run_scoped3A = tpu.sem_alloc : memref<!tpu.dma_semaphore, #tpu.memory_space<semaphore_mem>>
      %dma_start3A = arith.constant 0 : i32
      %dma_start3A_81 = arith.constant 0 : i32
      %dma_start3A_82 = tpu.memref_slice %arg9[%dma_start3A, %dma_start3A_81] : memref<64x128xf32, #tpu.memory_space<vmem>> -> memref<64x128xf32, #tpu.memory_space<vmem>>
      %dma_start3A_83 = arith.constant 0 : i32
      %dma_start3A_84 = tpu.memref_slice %arg6[%arg0, %add3A_56, %dma_start3A_83] : memref<2x10112x128xf32, #tpu.memory_space<hbm>> -> memref<1x64x128xf32, #tpu.memory_space<hbm>>
      %dma_start3A_85 = tpu.memref_squeeze %dma_start3A_84 : memref<1x64x128xf32, #tpu.memory_space<hbm>> -> memref<64x128xf32, #tpu.memory_space<hbm>>
      %dma_start3A_86 = arith.constant 0 : i32
      %dma_start3A_87 = tpu.memref_slice %arg6[%arg0, %add3A_56, %dma_start3A_86] : memref<2x10112x128xf32, #tpu.memory_space<hbm>> -> memref<1x64x128xf32, #tpu.memory_space<hbm>>
      %dma_start3A_88 = tpu.memref_squeeze %dma_start3A_87 : memref<1x64x128xf32, #tpu.memory_space<hbm>> -> memref<64x128xf32, #tpu.memory_space<hbm>>
      %dma_start3A_89 = arith.constant 0 : i32
      %dma_start3A_90 = arith.constant 0 : i32
      %dma_start3A_91 = tpu.memref_slice %arg9[%dma_start3A_89, %dma_start3A_90] : memref<64x128xf32, #tpu.memory_space<vmem>> -> memref<64x128xf32, #tpu.memory_space<vmem>>
      tpu.enqueue_dma source(%dma_start3A_91 : memref<64x128xf32, #tpu.memory_space<vmem>>) target(%dma_start3A_88 : memref<64x128xf32, #tpu.memory_space<hbm>>) target_semaphore(%run_scoped3A : memref<!tpu.dma_semaphore, #tpu.memory_space<semaphore_mem>>)
      %dma_wait3A = arith.constant 0 : i32
      %dma_wait3A_92 = arith.constant 0 : i32
      %dma_wait3A_93 = tpu.memref_slice %arg9[%dma_wait3A, %dma_wait3A_92] : memref<64x128xf32, #tpu.memory_space<vmem>> -> memref<64x128xf32, #tpu.memory_space<vmem>>
      %dma_wait3A_94 = arith.constant 0 : i32
      %dma_wait3A_95 = tpu.memref_slice %arg6[%arg0, %add3A_56, %dma_wait3A_94] : memref<2x10112x128xf32, #tpu.memory_space<hbm>> -> memref<1x64x128xf32, #tpu.memory_space<hbm>>
      %dma_wait3A_96 = tpu.memref_squeeze %dma_wait3A_95 : memref<1x64x128xf32, #tpu.memory_space<hbm>> -> memref<64x128xf32, #tpu.memory_space<hbm>>
      %dma_wait3A_97 = arith.constant 0 : i32
      %dma_wait3A_98 = tpu.memref_slice %arg6[%arg0, %add3A_56, %dma_wait3A_97] : memref<2x10112x128xf32, #tpu.memory_space<hbm>> -> memref<1x64x128xf32, #tpu.memory_space<hbm>>
      %dma_wait3A_99 = tpu.memref_squeeze %dma_wait3A_98 : memref<1x64x128xf32, #tpu.memory_space<hbm>> -> memref<64x128xf32, #tpu.memory_space<hbm>>
      %dma_wait3A_100 = arith.constant 0 : i32
      %dma_wait3A_101 = arith.constant 0 : i32
      %dma_wait3A_102 = tpu.memref_slice %arg9[%dma_wait3A_100, %dma_wait3A_101] : memref<64x128xf32, #tpu.memory_space<vmem>> -> memref<64x128xf32, #tpu.memory_space<vmem>>
      tpu.wait_dma2 semaphore(%run_scoped3A : memref<!tpu.dma_semaphore, #tpu.memory_space<semaphore_mem>>) src(%dma_wait3A_102 : memref<64x128xf32, #tpu.memory_space<vmem>>) dst(%dma_wait3A_99 : memref<64x128xf32, #tpu.memory_space<hbm>>)
      tpu.yield
    }) : () -> ()
    %add3A_57 = arith.constant 256 : i32
    %add3A_58 = arith.addi %mul3A_0, %add3A_57 : i32
    "tpu.region"() ({
      %run_scoped3A = tpu.sem_alloc : memref<!tpu.dma_semaphore, #tpu.memory_space<semaphore_mem>>
      %dma_start3A = arith.constant 0 : i32
      %dma_start3A_81 = arith.constant 0 : i32
      %dma_start3A_82 = tpu.memref_slice %arg9[%dma_start3A, %dma_start3A_81] : memref<64x128xf32, #tpu.memory_space<vmem>> -> memref<64x128xf32, #tpu.memory_space<vmem>>
      %dma_start3A_83 = arith.constant 0 : i32
      %dma_start3A_84 = tpu.memref_slice %arg11[%add3A_58, %dma_start3A_83] : memref<10112x128xf32, #tpu.memory_space<vmem_shared>> -> memref<64x128xf32, #tpu.memory_space<vmem_shared>>
      %dma_start3A_85 = arith.constant 0 : i32
      %dma_start3A_86 = arith.constant 0 : i32
      %dma_start3A_87 = tpu.memref_slice %arg9[%dma_start3A_85, %dma_start3A_86] : memref<64x128xf32, #tpu.memory_space<vmem>> -> memref<64x128xf32, #tpu.memory_space<vmem>>
      %dma_start3A_88 = arith.constant 0 : i32
      %dma_start3A_89 = tpu.memref_slice %arg11[%add3A_58, %dma_start3A_88] : memref<10112x128xf32, #tpu.memory_space<vmem_shared>> -> memref<64x128xf32, #tpu.memory_space<vmem_shared>>
      tpu.enqueue_dma source(%dma_start3A_89 : memref<64x128xf32, #tpu.memory_space<vmem_shared>>) target(%dma_start3A_87 : memref<64x128xf32, #tpu.memory_space<vmem>>) target_semaphore(%run_scoped3A : memref<!tpu.dma_semaphore, #tpu.memory_space<semaphore_mem>>)
      %dma_wait3A = arith.constant 0 : i32
      %dma_wait3A_90 = arith.constant 0 : i32
      %dma_wait3A_91 = tpu.memref_slice %arg9[%dma_wait3A, %dma_wait3A_90] : memref<64x128xf32, #tpu.memory_space<vmem>> -> memref<64x128xf32, #tpu.memory_space<vmem>>
      %dma_wait3A_92 = arith.constant 0 : i32
      %dma_wait3A_93 = tpu.memref_slice %arg11[%add3A_58, %dma_wait3A_92] : memref<10112x128xf32, #tpu.memory_space<vmem_shared>> -> memref<64x128xf32, #tpu.memory_space<vmem_shared>>
      %dma_wait3A_94 = arith.constant 0 : i32
      %dma_wait3A_95 = arith.constant 0 : i32
      %dma_wait3A_96 = tpu.memref_slice %arg9[%dma_wait3A_94, %dma_wait3A_95] : memref<64x128xf32, #tpu.memory_space<vmem>> -> memref<64x128xf32, #tpu.memory_space<vmem>>
      %dma_wait3A_97 = arith.constant 0 : i32
      %dma_wait3A_98 = tpu.memref_slice %arg11[%add3A_58, %dma_wait3A_97] : memref<10112x128xf32, #tpu.memory_space<vmem_shared>> -> memref<64x128xf32, #tpu.memory_space<vmem_shared>>
      tpu.wait_dma2 semaphore(%run_scoped3A : memref<!tpu.dma_semaphore, #tpu.memory_space<semaphore_mem>>) src(%dma_wait3A_98 : memref<64x128xf32, #tpu.memory_space<vmem_shared>>) dst(%dma_wait3A_96 : memref<64x128xf32, #tpu.memory_space<vmem>>)
      tpu.yield
    }) : () -> ()
    %add3A_59 = arith.constant 256 : i32
    %add3A_60 = arith.addi %mul3A_0, %add3A_59 : i32
    "tpu.region"() ({
      %run_scoped3A = tpu.sem_alloc : memref<!tpu.dma_semaphore, #tpu.memory_space<semaphore_mem>>
      %dma_start3A = arith.constant 0 : i32
      %dma_start3A_81 = arith.constant 0 : i32
      %dma_start3A_82 = tpu.memref_slice %arg9[%dma_start3A, %dma_start3A_81] : memref<64x128xf32, #tpu.memory_space<vmem>> -> memref<64x128xf32, #tpu.memory_space<vmem>>
      %dma_start3A_83 = arith.constant 0 : i32
      %dma_start3A_84 = tpu.memref_slice %arg6[%arg0, %add3A_60, %dma_start3A_83] : memref<2x10112x128xf32, #tpu.memory_space<hbm>> -> memref<1x64x128xf32, #tpu.memory_space<hbm>>
      %dma_start3A_85 = tpu.memref_squeeze %dma_start3A_84 : memref<1x64x128xf32, #tpu.memory_space<hbm>> -> memref<64x128xf32, #tpu.memory_space<hbm>>
      %dma_start3A_86 = arith.constant 0 : i32
      %dma_start3A_87 = tpu.memref_slice %arg6[%arg0, %add3A_60, %dma_start3A_86] : memref<2x10112x128xf32, #tpu.memory_space<hbm>> -> memref<1x64x128xf32, #tpu.memory_space<hbm>>
      %dma_start3A_88 = tpu.memref_squeeze %dma_start3A_87 : memref<1x64x128xf32, #tpu.memory_space<hbm>> -> memref<64x128xf32, #tpu.memory_space<hbm>>
      %dma_start3A_89 = arith.constant 0 : i32
      %dma_start3A_90 = arith.constant 0 : i32
      %dma_start3A_91 = tpu.memref_slice %arg9[%dma_start3A_89, %dma_start3A_90] : memref<64x128xf32, #tpu.memory_space<vmem>> -> memref<64x128xf32, #tpu.memory_space<vmem>>
      tpu.enqueue_dma source(%dma_start3A_91 : memref<64x128xf32, #tpu.memory_space<vmem>>) target(%dma_start3A_88 : memref<64x128xf32, #tpu.memory_space<hbm>>) target_semaphore(%run_scoped3A : memref<!tpu.dma_semaphore, #tpu.memory_space<semaphore_mem>>)
      %dma_wait3A = arith.constant 0 : i32
      %dma_wait3A_92 = arith.constant 0 : i32
      %dma_wait3A_93 = tpu.memref_slice %arg9[%dma_wait3A, %dma_wait3A_92] : memref<64x128xf32, #tpu.memory_space<vmem>> -> memref<64x128xf32, #tpu.memory_space<vmem>>
      %dma_wait3A_94 = arith.constant 0 : i32
      %dma_wait3A_95 = tpu.memref_slice %arg6[%arg0, %add3A_60, %dma_wait3A_94] : memref<2x10112x128xf32, #tpu.memory_space<hbm>> -> memref<1x64x128xf32, #tpu.memory_space<hbm>>
      %dma_wait3A_96 = tpu.memref_squeeze %dma_wait3A_95 : memref<1x64x128xf32, #tpu.memory_space<hbm>> -> memref<64x128xf32, #tpu.memory_space<hbm>>
      %dma_wait3A_97 = arith.constant 0 : i32
      %dma_wait3A_98 = tpu.memref_slice %arg6[%arg0, %add3A_60, %dma_wait3A_97] : memref<2x10112x128xf32, #tpu.memory_space<hbm>> -> memref<1x64x128xf32, #tpu.memory_space<hbm>>
      %dma_wait3A_99 = tpu.memref_squeeze %dma_wait3A_98 : memref<1x64x128xf32, #tpu.memory_space<hbm>> -> memref<64x128xf32, #tpu.memory_space<hbm>>
      %dma_wait3A_100 = arith.constant 0 : i32
      %dma_wait3A_101 = arith.constant 0 : i32
      %dma_wait3A_102 = tpu.memref_slice %arg9[%dma_wait3A_100, %dma_wait3A_101] : memref<64x128xf32, #tpu.memory_space<vmem>> -> memref<64x128xf32, #tpu.memory_space<vmem>>
      tpu.wait_dma2 semaphore(%run_scoped3A : memref<!tpu.dma_semaphore, #tpu.memory_space<semaphore_mem>>) src(%dma_wait3A_102 : memref<64x128xf32, #tpu.memory_space<vmem>>) dst(%dma_wait3A_99 : memref<64x128xf32, #tpu.memory_space<hbm>>)
      tpu.yield
    }) : () -> ()
    %add3A_61 = arith.constant 320 : i32
    %add3A_62 = arith.addi %mul3A_0, %add3A_61 : i32
    "tpu.region"() ({
      %run_scoped3A = tpu.sem_alloc : memref<!tpu.dma_semaphore, #tpu.memory_space<semaphore_mem>>
      %dma_start3A = arith.constant 0 : i32
      %dma_start3A_81 = arith.constant 0 : i32
      %dma_start3A_82 = tpu.memref_slice %arg9[%dma_start3A, %dma_start3A_81] : memref<64x128xf32, #tpu.memory_space<vmem>> -> memref<64x128xf32, #tpu.memory_space<vmem>>
      %dma_start3A_83 = arith.constant 0 : i32
      %dma_start3A_84 = tpu.memref_slice %arg11[%add3A_62, %dma_start3A_83] : memref<10112x128xf32, #tpu.memory_space<vmem_shared>> -> memref<64x128xf32, #tpu.memory_space<vmem_shared>>
      %dma_start3A_85 = arith.constant 0 : i32
      %dma_start3A_86 = arith.constant 0 : i32
      %dma_start3A_87 = tpu.memref_slice %arg9[%dma_start3A_85, %dma_start3A_86] : memref<64x128xf32, #tpu.memory_space<vmem>> -> memref<64x128xf32, #tpu.memory_space<vmem>>
      %dma_start3A_88 = arith.constant 0 : i32
      %dma_start3A_89 = tpu.memref_slice %arg11[%add3A_62, %dma_start3A_88] : memref<10112x128xf32, #tpu.memory_space<vmem_shared>> -> memref<64x128xf32, #tpu.memory_space<vmem_shared>>
      tpu.enqueue_dma source(%dma_start3A_89 : memref<64x128xf32, #tpu.memory_space<vmem_shared>>) target(%dma_start3A_87 : memref<64x128xf32, #tpu.memory_space<vmem>>) target_semaphore(%run_scoped3A : memref<!tpu.dma_semaphore, #tpu.memory_space<semaphore_mem>>)
      %dma_wait3A = arith.constant 0 : i32
      %dma_wait3A_90 = arith.constant 0 : i32
      %dma_wait3A_91 = tpu.memref_slice %arg9[%dma_wait3A, %dma_wait3A_90] : memref<64x128xf32, #tpu.memory_space<vmem>> -> memref<64x128xf32, #tpu.memory_space<vmem>>
      %dma_wait3A_92 = arith.constant 0 : i32
      %dma_wait3A_93 = tpu.memref_slice %arg11[%add3A_62, %dma_wait3A_92] : memref<10112x128xf32, #tpu.memory_space<vmem_shared>> -> memref<64x128xf32, #tpu.memory_space<vmem_shared>>
      %dma_wait3A_94 = arith.constant 0 : i32
      %dma_wait3A_95 = arith.constant 0 : i32
      %dma_wait3A_96 = tpu.memref_slice %arg9[%dma_wait3A_94, %dma_wait3A_95] : memref<64x128xf32, #tpu.memory_space<vmem>> -> memref<64x128xf32, #tpu.memory_space<vmem>>
      %dma_wait3A_97 = arith.constant 0 : i32
      %dma_wait3A_98 = tpu.memref_slice %arg11[%add3A_62, %dma_wait3A_97] : memref<10112x128xf32, #tpu.memory_space<vmem_shared>> -> memref<64x128xf32, #tpu.memory_space<vmem_shared>>
      tpu.wait_dma2 semaphore(%run_scoped3A : memref<!tpu.dma_semaphore, #tpu.memory_space<semaphore_mem>>) src(%dma_wait3A_98 : memref<64x128xf32, #tpu.memory_space<vmem_shared>>) dst(%dma_wait3A_96 : memref<64x128xf32, #tpu.memory_space<vmem>>)
      tpu.yield
    }) : () -> ()
    %add3A_63 = arith.constant 320 : i32
    %add3A_64 = arith.addi %mul3A_0, %add3A_63 : i32
    "tpu.region"() ({
      %run_scoped3A = tpu.sem_alloc : memref<!tpu.dma_semaphore, #tpu.memory_space<semaphore_mem>>
      %dma_start3A = arith.constant 0 : i32
      %dma_start3A_81 = arith.constant 0 : i32
      %dma_start3A_82 = tpu.memref_slice %arg9[%dma_start3A, %dma_start3A_81] : memref<64x128xf32, #tpu.memory_space<vmem>> -> memref<64x128xf32, #tpu.memory_space<vmem>>
      %dma_start3A_83 = arith.constant 0 : i32
      %dma_start3A_84 = tpu.memref_slice %arg6[%arg0, %add3A_64, %dma_start3A_83] : memref<2x10112x128xf32, #tpu.memory_space<hbm>> -> memref<1x64x128xf32, #tpu.memory_space<hbm>>
      %dma_start3A_85 = tpu.memref_squeeze %dma_start3A_84 : memref<1x64x128xf32, #tpu.memory_space<hbm>> -> memref<64x128xf32, #tpu.memory_space<hbm>>
      %dma_start3A_86 = arith.constant 0 : i32
      %dma_start3A_87 = tpu.memref_slice %arg6[%arg0, %add3A_64, %dma_start3A_86] : memref<2x10112x128xf32, #tpu.memory_space<hbm>> -> memref<1x64x128xf32, #tpu.memory_space<hbm>>
      %dma_start3A_88 = tpu.memref_squeeze %dma_start3A_87 : memref<1x64x128xf32, #tpu.memory_space<hbm>> -> memref<64x128xf32, #tpu.memory_space<hbm>>
      %dma_start3A_89 = arith.constant 0 : i32
      %dma_start3A_90 = arith.constant 0 : i32
      %dma_start3A_91 = tpu.memref_slice %arg9[%dma_start3A_89, %dma_start3A_90] : memref<64x128xf32, #tpu.memory_space<vmem>> -> memref<64x128xf32, #tpu.memory_space<vmem>>
      tpu.enqueue_dma source(%dma_start3A_91 : memref<64x128xf32, #tpu.memory_space<vmem>>) target(%dma_start3A_88 : memref<64x128xf32, #tpu.memory_space<hbm>>) target_semaphore(%run_scoped3A : memref<!tpu.dma_semaphore, #tpu.memory_space<semaphore_mem>>)
      %dma_wait3A = arith.constant 0 : i32
      %dma_wait3A_92 = arith.constant 0 : i32
      %dma_wait3A_93 = tpu.memref_slice %arg9[%dma_wait3A, %dma_wait3A_92] : memref<64x128xf32, #tpu.memory_space<vmem>> -> memref<64x128xf32, #tpu.memory_space<vmem>>
      %dma_wait3A_94 = arith.constant 0 : i32
      %dma_wait3A_95 = tpu.memref_slice %arg6[%arg0, %add3A_64, %dma_wait3A_94] : memref<2x10112x128xf32, #tpu.memory_space<hbm>> -> memref<1x64x128xf32, #tpu.memory_space<hbm>>
      %dma_wait3A_96 = tpu.memref_squeeze %dma_wait3A_95 : memref<1x64x128xf32, #tpu.memory_space<hbm>> -> memref<64x128xf32, #tpu.memory_space<hbm>>
      %dma_wait3A_97 = arith.constant 0 : i32
      %dma_wait3A_98 = tpu.memref_slice %arg6[%arg0, %add3A_64, %dma_wait3A_97] : memref<2x10112x128xf32, #tpu.memory_space<hbm>> -> memref<1x64x128xf32, #tpu.memory_space<hbm>>
      %dma_wait3A_99 = tpu.memref_squeeze %dma_wait3A_98 : memref<1x64x128xf32, #tpu.memory_space<hbm>> -> memref<64x128xf32, #tpu.memory_space<hbm>>
      %dma_wait3A_100 = arith.constant 0 : i32
      %dma_wait3A_101 = arith.constant 0 : i32
      %dma_wait3A_102 = tpu.memref_slice %arg9[%dma_wait3A_100, %dma_wait3A_101] : memref<64x128xf32, #tpu.memory_space<vmem>> -> memref<64x128xf32, #tpu.memory_space<vmem>>
      tpu.wait_dma2 semaphore(%run_scoped3A : memref<!tpu.dma_semaphore, #tpu.memory_space<semaphore_mem>>) src(%dma_wait3A_102 : memref<64x128xf32, #tpu.memory_space<vmem>>) dst(%dma_wait3A_99 : memref<64x128xf32, #tpu.memory_space<hbm>>)
      tpu.yield
    }) : () -> ()
    %add3A_65 = arith.constant 384 : i32
    %add3A_66 = arith.addi %mul3A_0, %add3A_65 : i32
    "tpu.region"() ({
      %run_scoped3A = tpu.sem_alloc : memref<!tpu.dma_semaphore, #tpu.memory_space<semaphore_mem>>
      %dma_start3A = arith.constant 0 : i32
      %dma_start3A_81 = arith.constant 0 : i32
      %dma_start3A_82 = tpu.memref_slice %arg9[%dma_start3A, %dma_start3A_81] : memref<64x128xf32, #tpu.memory_space<vmem>> -> memref<64x128xf32, #tpu.memory_space<vmem>>
      %dma_start3A_83 = arith.constant 0 : i32
      %dma_start3A_84 = tpu.memref_slice %arg11[%add3A_66, %dma_start3A_83] : memref<10112x128xf32, #tpu.memory_space<vmem_shared>> -> memref<64x128xf32, #tpu.memory_space<vmem_shared>>
      %dma_start3A_85 = arith.constant 0 : i32
      %dma_start3A_86 = arith.constant 0 : i32
      %dma_start3A_87 = tpu.memref_slice %arg9[%dma_start3A_85, %dma_start3A_86] : memref<64x128xf32, #tpu.memory_space<vmem>> -> memref<64x128xf32, #tpu.memory_space<vmem>>
      %dma_start3A_88 = arith.constant 0 : i32
      %dma_start3A_89 = tpu.memref_slice %arg11[%add3A_66, %dma_start3A_88] : memref<10112x128xf32, #tpu.memory_space<vmem_shared>> -> memref<64x128xf32, #tpu.memory_space<vmem_shared>>
      tpu.enqueue_dma source(%dma_start3A_89 : memref<64x128xf32, #tpu.memory_space<vmem_shared>>) target(%dma_start3A_87 : memref<64x128xf32, #tpu.memory_space<vmem>>) target_semaphore(%run_scoped3A : memref<!tpu.dma_semaphore, #tpu.memory_space<semaphore_mem>>)
      %dma_wait3A = arith.constant 0 : i32
      %dma_wait3A_90 = arith.constant 0 : i32
      %dma_wait3A_91 = tpu.memref_slice %arg9[%dma_wait3A, %dma_wait3A_90] : memref<64x128xf32, #tpu.memory_space<vmem>> -> memref<64x128xf32, #tpu.memory_space<vmem>>
      %dma_wait3A_92 = arith.constant 0 : i32
      %dma_wait3A_93 = tpu.memref_slice %arg11[%add3A_66, %dma_wait3A_92] : memref<10112x128xf32, #tpu.memory_space<vmem_shared>> -> memref<64x128xf32, #tpu.memory_space<vmem_shared>>
      %dma_wait3A_94 = arith.constant 0 : i32
      %dma_wait3A_95 = arith.constant 0 : i32
      %dma_wait3A_96 = tpu.memref_slice %arg9[%dma_wait3A_94, %dma_wait3A_95] : memref<64x128xf32, #tpu.memory_space<vmem>> -> memref<64x128xf32, #tpu.memory_space<vmem>>
      %dma_wait3A_97 = arith.constant 0 : i32
      %dma_wait3A_98 = tpu.memref_slice %arg11[%add3A_66, %dma_wait3A_97] : memref<10112x128xf32, #tpu.memory_space<vmem_shared>> -> memref<64x128xf32, #tpu.memory_space<vmem_shared>>
      tpu.wait_dma2 semaphore(%run_scoped3A : memref<!tpu.dma_semaphore, #tpu.memory_space<semaphore_mem>>) src(%dma_wait3A_98 : memref<64x128xf32, #tpu.memory_space<vmem_shared>>) dst(%dma_wait3A_96 : memref<64x128xf32, #tpu.memory_space<vmem>>)
      tpu.yield
    }) : () -> ()
    %add3A_67 = arith.constant 384 : i32
    %add3A_68 = arith.addi %mul3A_0, %add3A_67 : i32
    "tpu.region"() ({
      %run_scoped3A = tpu.sem_alloc : memref<!tpu.dma_semaphore, #tpu.memory_space<semaphore_mem>>
      %dma_start3A = arith.constant 0 : i32
      %dma_start3A_81 = arith.constant 0 : i32
      %dma_start3A_82 = tpu.memref_slice %arg9[%dma_start3A, %dma_start3A_81] : memref<64x128xf32, #tpu.memory_space<vmem>> -> memref<64x128xf32, #tpu.memory_space<vmem>>
      %dma_start3A_83 = arith.constant 0 : i32
      %dma_start3A_84 = tpu.memref_slice %arg6[%arg0, %add3A_68, %dma_start3A_83] : memref<2x10112x128xf32, #tpu.memory_space<hbm>> -> memref<1x64x128xf32, #tpu.memory_space<hbm>>
      %dma_start3A_85 = tpu.memref_squeeze %dma_start3A_84 : memref<1x64x128xf32, #tpu.memory_space<hbm>> -> memref<64x128xf32, #tpu.memory_space<hbm>>
      %dma_start3A_86 = arith.constant 0 : i32
      %dma_start3A_87 = tpu.memref_slice %arg6[%arg0, %add3A_68, %dma_start3A_86] : memref<2x10112x128xf32, #tpu.memory_space<hbm>> -> memref<1x64x128xf32, #tpu.memory_space<hbm>>
      %dma_start3A_88 = tpu.memref_squeeze %dma_start3A_87 : memref<1x64x128xf32, #tpu.memory_space<hbm>> -> memref<64x128xf32, #tpu.memory_space<hbm>>
      %dma_start3A_89 = arith.constant 0 : i32
      %dma_start3A_90 = arith.constant 0 : i32
      %dma_start3A_91 = tpu.memref_slice %arg9[%dma_start3A_89, %dma_start3A_90] : memref<64x128xf32, #tpu.memory_space<vmem>> -> memref<64x128xf32, #tpu.memory_space<vmem>>
      tpu.enqueue_dma source(%dma_start3A_91 : memref<64x128xf32, #tpu.memory_space<vmem>>) target(%dma_start3A_88 : memref<64x128xf32, #tpu.memory_space<hbm>>) target_semaphore(%run_scoped3A : memref<!tpu.dma_semaphore, #tpu.memory_space<semaphore_mem>>)
      %dma_wait3A = arith.constant 0 : i32
      %dma_wait3A_92 = arith.constant 0 : i32
      %dma_wait3A_93 = tpu.memref_slice %arg9[%dma_wait3A, %dma_wait3A_92] : memref<64x128xf32, #tpu.memory_space<vmem>> -> memref<64x128xf32, #tpu.memory_space<vmem>>
      %dma_wait3A_94 = arith.constant 0 : i32
      %dma_wait3A_95 = tpu.memref_slice %arg6[%arg0, %add3A_68, %dma_wait3A_94] : memref<2x10112x128xf32, #tpu.memory_space<hbm>> -> memref<1x64x128xf32, #tpu.memory_space<hbm>>
      %dma_wait3A_96 = tpu.memref_squeeze %dma_wait3A_95 : memref<1x64x128xf32, #tpu.memory_space<hbm>> -> memref<64x128xf32, #tpu.memory_space<hbm>>
      %dma_wait3A_97 = arith.constant 0 : i32
      %dma_wait3A_98 = tpu.memref_slice %arg6[%arg0, %add3A_68, %dma_wait3A_97] : memref<2x10112x128xf32, #tpu.memory_space<hbm>> -> memref<1x64x128xf32, #tpu.memory_space<hbm>>
      %dma_wait3A_99 = tpu.memref_squeeze %dma_wait3A_98 : memref<1x64x128xf32, #tpu.memory_space<hbm>> -> memref<64x128xf32, #tpu.memory_space<hbm>>
      %dma_wait3A_100 = arith.constant 0 : i32
      %dma_wait3A_101 = arith.constant 0 : i32
      %dma_wait3A_102 = tpu.memref_slice %arg9[%dma_wait3A_100, %dma_wait3A_101] : memref<64x128xf32, #tpu.memory_space<vmem>> -> memref<64x128xf32, #tpu.memory_space<vmem>>
      tpu.wait_dma2 semaphore(%run_scoped3A : memref<!tpu.dma_semaphore, #tpu.memory_space<semaphore_mem>>) src(%dma_wait3A_102 : memref<64x128xf32, #tpu.memory_space<vmem>>) dst(%dma_wait3A_99 : memref<64x128xf32, #tpu.memory_space<hbm>>)
      tpu.yield
    }) : () -> ()
    %add3A_69 = arith.constant 448 : i32
    %add3A_70 = arith.addi %mul3A_0, %add3A_69 : i32
    "tpu.region"() ({
      %run_scoped3A = tpu.sem_alloc : memref<!tpu.dma_semaphore, #tpu.memory_space<semaphore_mem>>
      %dma_start3A = arith.constant 0 : i32
      %dma_start3A_81 = arith.constant 0 : i32
      %dma_start3A_82 = tpu.memref_slice %arg9[%dma_start3A, %dma_start3A_81] : memref<64x128xf32, #tpu.memory_space<vmem>> -> memref<64x128xf32, #tpu.memory_space<vmem>>
      %dma_start3A_83 = arith.constant 0 : i32
      %dma_start3A_84 = tpu.memref_slice %arg11[%add3A_70, %dma_start3A_83] : memref<10112x128xf32, #tpu.memory_space<vmem_shared>> -> memref<64x128xf32, #tpu.memory_space<vmem_shared>>
      %dma_start3A_85 = arith.constant 0 : i32
      %dma_start3A_86 = arith.constant 0 : i32
      %dma_start3A_87 = tpu.memref_slice %arg9[%dma_start3A_85, %dma_start3A_86] : memref<64x128xf32, #tpu.memory_space<vmem>> -> memref<64x128xf32, #tpu.memory_space<vmem>>
      %dma_start3A_88 = arith.constant 0 : i32
      %dma_start3A_89 = tpu.memref_slice %arg11[%add3A_70, %dma_start3A_88] : memref<10112x128xf32, #tpu.memory_space<vmem_shared>> -> memref<64x128xf32, #tpu.memory_space<vmem_shared>>
      tpu.enqueue_dma source(%dma_start3A_89 : memref<64x128xf32, #tpu.memory_space<vmem_shared>>) target(%dma_start3A_87 : memref<64x128xf32, #tpu.memory_space<vmem>>) target_semaphore(%run_scoped3A : memref<!tpu.dma_semaphore, #tpu.memory_space<semaphore_mem>>)
      %dma_wait3A = arith.constant 0 : i32
      %dma_wait3A_90 = arith.constant 0 : i32
      %dma_wait3A_91 = tpu.memref_slice %arg9[%dma_wait3A, %dma_wait3A_90] : memref<64x128xf32, #tpu.memory_space<vmem>> -> memref<64x128xf32, #tpu.memory_space<vmem>>
      %dma_wait3A_92 = arith.constant 0 : i32
      %dma_wait3A_93 = tpu.memref_slice %arg11[%add3A_70, %dma_wait3A_92] : memref<10112x128xf32, #tpu.memory_space<vmem_shared>> -> memref<64x128xf32, #tpu.memory_space<vmem_shared>>
      %dma_wait3A_94 = arith.constant 0 : i32
      %dma_wait3A_95 = arith.constant 0 : i32
      %dma_wait3A_96 = tpu.memref_slice %arg9[%dma_wait3A_94, %dma_wait3A_95] : memref<64x128xf32, #tpu.memory_space<vmem>> -> memref<64x128xf32, #tpu.memory_space<vmem>>
      %dma_wait3A_97 = arith.constant 0 : i32
      %dma_wait3A_98 = tpu.memref_slice %arg11[%add3A_70, %dma_wait3A_97] : memref<10112x128xf32, #tpu.memory_space<vmem_shared>> -> memref<64x128xf32, #tpu.memory_space<vmem_shared>>
      tpu.wait_dma2 semaphore(%run_scoped3A : memref<!tpu.dma_semaphore, #tpu.memory_space<semaphore_mem>>) src(%dma_wait3A_98 : memref<64x128xf32, #tpu.memory_space<vmem_shared>>) dst(%dma_wait3A_96 : memref<64x128xf32, #tpu.memory_space<vmem>>)
      tpu.yield
    }) : () -> ()
    %add3A_71 = arith.constant 448 : i32
    %add3A_72 = arith.addi %mul3A_0, %add3A_71 : i32
    "tpu.region"() ({
      %run_scoped3A = tpu.sem_alloc : memref<!tpu.dma_semaphore, #tpu.memory_space<semaphore_mem>>
      %dma_start3A = arith.constant 0 : i32
      %dma_start3A_81 = arith.constant 0 : i32
      %dma_start3A_82 = tpu.memref_slice %arg9[%dma_start3A, %dma_start3A_81] : memref<64x128xf32, #tpu.memory_space<vmem>> -> memref<64x128xf32, #tpu.memory_space<vmem>>
      %dma_start3A_83 = arith.constant 0 : i32
      %dma_start3A_84 = tpu.memref_slice %arg6[%arg0, %add3A_72, %dma_start3A_83] : memref<2x10112x128xf32, #tpu.memory_space<hbm>> -> memref<1x64x128xf32, #tpu.memory_space<hbm>>
      %dma_start3A_85 = tpu.memref_squeeze %dma_start3A_84 : memref<1x64x128xf32, #tpu.memory_space<hbm>> -> memref<64x128xf32, #tpu.memory_space<hbm>>
      %dma_start3A_86 = arith.constant 0 : i32
      %dma_start3A_87 = tpu.memref_slice %arg6[%arg0, %add3A_72, %dma_start3A_86] : memref<2x10112x128xf32, #tpu.memory_space<hbm>> -> memref<1x64x128xf32, #tpu.memory_space<hbm>>
      %dma_start3A_88 = tpu.memref_squeeze %dma_start3A_87 : memref<1x64x128xf32, #tpu.memory_space<hbm>> -> memref<64x128xf32, #tpu.memory_space<hbm>>
      %dma_start3A_89 = arith.constant 0 : i32
      %dma_start3A_90 = arith.constant 0 : i32
      %dma_start3A_91 = tpu.memref_slice %arg9[%dma_start3A_89, %dma_start3A_90] : memref<64x128xf32, #tpu.memory_space<vmem>> -> memref<64x128xf32, #tpu.memory_space<vmem>>
      tpu.enqueue_dma source(%dma_start3A_91 : memref<64x128xf32, #tpu.memory_space<vmem>>) target(%dma_start3A_88 : memref<64x128xf32, #tpu.memory_space<hbm>>) target_semaphore(%run_scoped3A : memref<!tpu.dma_semaphore, #tpu.memory_space<semaphore_mem>>)
      %dma_wait3A = arith.constant 0 : i32
      %dma_wait3A_92 = arith.constant 0 : i32
      %dma_wait3A_93 = tpu.memref_slice %arg9[%dma_wait3A, %dma_wait3A_92] : memref<64x128xf32, #tpu.memory_space<vmem>> -> memref<64x128xf32, #tpu.memory_space<vmem>>
      %dma_wait3A_94 = arith.constant 0 : i32
      %dma_wait3A_95 = tpu.memref_slice %arg6[%arg0, %add3A_72, %dma_wait3A_94] : memref<2x10112x128xf32, #tpu.memory_space<hbm>> -> memref<1x64x128xf32, #tpu.memory_space<hbm>>
      %dma_wait3A_96 = tpu.memref_squeeze %dma_wait3A_95 : memref<1x64x128xf32, #tpu.memory_space<hbm>> -> memref<64x128xf32, #tpu.memory_space<hbm>>
      %dma_wait3A_97 = arith.constant 0 : i32
      %dma_wait3A_98 = tpu.memref_slice %arg6[%arg0, %add3A_72, %dma_wait3A_97] : memref<2x10112x128xf32, #tpu.memory_space<hbm>> -> memref<1x64x128xf32, #tpu.memory_space<hbm>>
      %dma_wait3A_99 = tpu.memref_squeeze %dma_wait3A_98 : memref<1x64x128xf32, #tpu.memory_space<hbm>> -> memref<64x128xf32, #tpu.memory_space<hbm>>
      %dma_wait3A_100 = arith.constant 0 : i32
      %dma_wait3A_101 = arith.constant 0 : i32
      %dma_wait3A_102 = tpu.memref_slice %arg9[%dma_wait3A_100, %dma_wait3A_101] : memref<64x128xf32, #tpu.memory_space<vmem>> -> memref<64x128xf32, #tpu.memory_space<vmem>>
      tpu.wait_dma2 semaphore(%run_scoped3A : memref<!tpu.dma_semaphore, #tpu.memory_space<semaphore_mem>>) src(%dma_wait3A_102 : memref<64x128xf32, #tpu.memory_space<vmem>>) dst(%dma_wait3A_99 : memref<64x128xf32, #tpu.memory_space<hbm>>)
      tpu.yield
    }) : () -> ()
    %add3A_73 = arith.constant 512 : i32
    %add3A_74 = arith.addi %mul3A_0, %add3A_73 : i32
    "tpu.region"() ({
      %run_scoped3A = tpu.sem_alloc : memref<!tpu.dma_semaphore, #tpu.memory_space<semaphore_mem>>
      %dma_start3A = arith.constant 0 : i32
      %dma_start3A_81 = arith.constant 0 : i32
      %dma_start3A_82 = tpu.memref_slice %arg9[%dma_start3A, %dma_start3A_81] : memref<64x128xf32, #tpu.memory_space<vmem>> -> memref<64x128xf32, #tpu.memory_space<vmem>>
      %dma_start3A_83 = arith.constant 0 : i32
      %dma_start3A_84 = tpu.memref_slice %arg11[%add3A_74, %dma_start3A_83] : memref<10112x128xf32, #tpu.memory_space<vmem_shared>> -> memref<64x128xf32, #tpu.memory_space<vmem_shared>>
      %dma_start3A_85 = arith.constant 0 : i32
      %dma_start3A_86 = arith.constant 0 : i32
      %dma_start3A_87 = tpu.memref_slice %arg9[%dma_start3A_85, %dma_start3A_86] : memref<64x128xf32, #tpu.memory_space<vmem>> -> memref<64x128xf32, #tpu.memory_space<vmem>>
      %dma_start3A_88 = arith.constant 0 : i32
      %dma_start3A_89 = tpu.memref_slice %arg11[%add3A_74, %dma_start3A_88] : memref<10112x128xf32, #tpu.memory_space<vmem_shared>> -> memref<64x128xf32, #tpu.memory_space<vmem_shared>>
      tpu.enqueue_dma source(%dma_start3A_89 : memref<64x128xf32, #tpu.memory_space<vmem_shared>>) target(%dma_start3A_87 : memref<64x128xf32, #tpu.memory_space<vmem>>) target_semaphore(%run_scoped3A : memref<!tpu.dma_semaphore, #tpu.memory_space<semaphore_mem>>)
      %dma_wait3A = arith.constant 0 : i32
      %dma_wait3A_90 = arith.constant 0 : i32
      %dma_wait3A_91 = tpu.memref_slice %arg9[%dma_wait3A, %dma_wait3A_90] : memref<64x128xf32, #tpu.memory_space<vmem>> -> memref<64x128xf32, #tpu.memory_space<vmem>>
      %dma_wait3A_92 = arith.constant 0 : i32
      %dma_wait3A_93 = tpu.memref_slice %arg11[%add3A_74, %dma_wait3A_92] : memref<10112x128xf32, #tpu.memory_space<vmem_shared>> -> memref<64x128xf32, #tpu.memory_space<vmem_shared>>
      %dma_wait3A_94 = arith.constant 0 : i32
      %dma_wait3A_95 = arith.constant 0 : i32
      %dma_wait3A_96 = tpu.memref_slice %arg9[%dma_wait3A_94, %dma_wait3A_95] : memref<64x128xf32, #tpu.memory_space<vmem>> -> memref<64x128xf32, #tpu.memory_space<vmem>>
      %dma_wait3A_97 = arith.constant 0 : i32
      %dma_wait3A_98 = tpu.memref_slice %arg11[%add3A_74, %dma_wait3A_97] : memref<10112x128xf32, #tpu.memory_space<vmem_shared>> -> memref<64x128xf32, #tpu.memory_space<vmem_shared>>
      tpu.wait_dma2 semaphore(%run_scoped3A : memref<!tpu.dma_semaphore, #tpu.memory_space<semaphore_mem>>) src(%dma_wait3A_98 : memref<64x128xf32, #tpu.memory_space<vmem_shared>>) dst(%dma_wait3A_96 : memref<64x128xf32, #tpu.memory_space<vmem>>)
      tpu.yield
    }) : () -> ()
    %add3A_75 = arith.constant 512 : i32
    %add3A_76 = arith.addi %mul3A_0, %add3A_75 : i32
    "tpu.region"() ({
      %run_scoped3A = tpu.sem_alloc : memref<!tpu.dma_semaphore, #tpu.memory_space<semaphore_mem>>
      %dma_start3A = arith.constant 0 : i32
      %dma_start3A_81 = arith.constant 0 : i32
      %dma_start3A_82 = tpu.memref_slice %arg9[%dma_start3A, %dma_start3A_81] : memref<64x128xf32, #tpu.memory_space<vmem>> -> memref<64x128xf32, #tpu.memory_space<vmem>>
      %dma_start3A_83 = arith.constant 0 : i32
      %dma_start3A_84 = tpu.memref_slice %arg6[%arg0, %add3A_76, %dma_start3A_83] : memref<2x10112x128xf32, #tpu.memory_space<hbm>> -> memref<1x64x128xf32, #tpu.memory_space<hbm>>
      %dma_start3A_85 = tpu.memref_squeeze %dma_start3A_84 : memref<1x64x128xf32, #tpu.memory_space<hbm>> -> memref<64x128xf32, #tpu.memory_space<hbm>>
      %dma_start3A_86 = arith.constant 0 : i32
      %dma_start3A_87 = tpu.memref_slice %arg6[%arg0, %add3A_76, %dma_start3A_86] : memref<2x10112x128xf32, #tpu.memory_space<hbm>> -> memref<1x64x128xf32, #tpu.memory_space<hbm>>
      %dma_start3A_88 = tpu.memref_squeeze %dma_start3A_87 : memref<1x64x128xf32, #tpu.memory_space<hbm>> -> memref<64x128xf32, #tpu.memory_space<hbm>>
      %dma_start3A_89 = arith.constant 0 : i32
      %dma_start3A_90 = arith.constant 0 : i32
      %dma_start3A_91 = tpu.memref_slice %arg9[%dma_start3A_89, %dma_start3A_90] : memref<64x128xf32, #tpu.memory_space<vmem>> -> memref<64x128xf32, #tpu.memory_space<vmem>>
      tpu.enqueue_dma source(%dma_start3A_91 : memref<64x128xf32, #tpu.memory_space<vmem>>) target(%dma_start3A_88 : memref<64x128xf32, #tpu.memory_space<hbm>>) target_semaphore(%run_scoped3A : memref<!tpu.dma_semaphore, #tpu.memory_space<semaphore_mem>>)
      %dma_wait3A = arith.constant 0 : i32
      %dma_wait3A_92 = arith.constant 0 : i32
      %dma_wait3A_93 = tpu.memref_slice %arg9[%dma_wait3A, %dma_wait3A_92] : memref<64x128xf32, #tpu.memory_space<vmem>> -> memref<64x128xf32, #tpu.memory_space<vmem>>
      %dma_wait3A_94 = arith.constant 0 : i32
      %dma_wait3A_95 = tpu.memref_slice %arg6[%arg0, %add3A_76, %dma_wait3A_94] : memref<2x10112x128xf32, #tpu.memory_space<hbm>> -> memref<1x64x128xf32, #tpu.memory_space<hbm>>
      %dma_wait3A_96 = tpu.memref_squeeze %dma_wait3A_95 : memref<1x64x128xf32, #tpu.memory_space<hbm>> -> memref<64x128xf32, #tpu.memory_space<hbm>>
      %dma_wait3A_97 = arith.constant 0 : i32
      %dma_wait3A_98 = tpu.memref_slice %arg6[%arg0, %add3A_76, %dma_wait3A_97] : memref<2x10112x128xf32, #tpu.memory_space<hbm>> -> memref<1x64x128xf32, #tpu.memory_space<hbm>>
      %dma_wait3A_99 = tpu.memref_squeeze %dma_wait3A_98 : memref<1x64x128xf32, #tpu.memory_space<hbm>> -> memref<64x128xf32, #tpu.memory_space<hbm>>
      %dma_wait3A_100 = arith.constant 0 : i32
      %dma_wait3A_101 = arith.constant 0 : i32
      %dma_wait3A_102 = tpu.memref_slice %arg9[%dma_wait3A_100, %dma_wait3A_101] : memref<64x128xf32, #tpu.memory_space<vmem>> -> memref<64x128xf32, #tpu.memory_space<vmem>>
      tpu.wait_dma2 semaphore(%run_scoped3A : memref<!tpu.dma_semaphore, #tpu.memory_space<semaphore_mem>>) src(%dma_wait3A_102 : memref<64x128xf32, #tpu.memory_space<vmem>>) dst(%dma_wait3A_99 : memref<64x128xf32, #tpu.memory_space<hbm>>)
      tpu.yield
    }) : () -> ()
    %add3A_77 = arith.constant 576 : i32
    %add3A_78 = arith.addi %mul3A_0, %add3A_77 : i32
    "tpu.region"() ({
      %run_scoped3A = tpu.sem_alloc : memref<!tpu.dma_semaphore, #tpu.memory_space<semaphore_mem>>
      %dma_start3A = arith.constant 0 : i32
      %dma_start3A_81 = arith.constant 0 : i32
      %dma_start3A_82 = tpu.memref_slice %arg9[%dma_start3A, %dma_start3A_81] : memref<64x128xf32, #tpu.memory_space<vmem>> -> memref<56x128xf32, #tpu.memory_space<vmem>>
      %dma_start3A_83 = arith.constant 0 : i32
      %dma_start3A_84 = tpu.memref_slice %arg11[%add3A_78, %dma_start3A_83] : memref<10112x128xf32, #tpu.memory_space<vmem_shared>> -> memref<56x128xf32, #tpu.memory_space<vmem_shared>>
      %dma_start3A_85 = arith.constant 0 : i32
      %dma_start3A_86 = arith.constant 0 : i32
      %dma_start3A_87 = tpu.memref_slice %arg9[%dma_start3A_85, %dma_start3A_86] : memref<64x128xf32, #tpu.memory_space<vmem>> -> memref<56x128xf32, #tpu.memory_space<vmem>>
      %dma_start3A_88 = arith.constant 0 : i32
      %dma_start3A_89 = tpu.memref_slice %arg11[%add3A_78, %dma_start3A_88] : memref<10112x128xf32, #tpu.memory_space<vmem_shared>> -> memref<56x128xf32, #tpu.memory_space<vmem_shared>>
      tpu.enqueue_dma source(%dma_start3A_89 : memref<56x128xf32, #tpu.memory_space<vmem_shared>>) target(%dma_start3A_87 : memref<56x128xf32, #tpu.memory_space<vmem>>) target_semaphore(%run_scoped3A : memref<!tpu.dma_semaphore, #tpu.memory_space<semaphore_mem>>)
      %dma_wait3A = arith.constant 0 : i32
      %dma_wait3A_90 = arith.constant 0 : i32
      %dma_wait3A_91 = tpu.memref_slice %arg9[%dma_wait3A, %dma_wait3A_90] : memref<64x128xf32, #tpu.memory_space<vmem>> -> memref<56x128xf32, #tpu.memory_space<vmem>>
      %dma_wait3A_92 = arith.constant 0 : i32
      %dma_wait3A_93 = tpu.memref_slice %arg11[%add3A_78, %dma_wait3A_92] : memref<10112x128xf32, #tpu.memory_space<vmem_shared>> -> memref<56x128xf32, #tpu.memory_space<vmem_shared>>
      %dma_wait3A_94 = arith.constant 0 : i32
      %dma_wait3A_95 = arith.constant 0 : i32
      %dma_wait3A_96 = tpu.memref_slice %arg9[%dma_wait3A_94, %dma_wait3A_95] : memref<64x128xf32, #tpu.memory_space<vmem>> -> memref<56x128xf32, #tpu.memory_space<vmem>>
      %dma_wait3A_97 = arith.constant 0 : i32
      %dma_wait3A_98 = tpu.memref_slice %arg11[%add3A_78, %dma_wait3A_97] : memref<10112x128xf32, #tpu.memory_space<vmem_shared>> -> memref<56x128xf32, #tpu.memory_space<vmem_shared>>
      tpu.wait_dma2 semaphore(%run_scoped3A : memref<!tpu.dma_semaphore, #tpu.memory_space<semaphore_mem>>) src(%dma_wait3A_98 : memref<56x128xf32, #tpu.memory_space<vmem_shared>>) dst(%dma_wait3A_96 : memref<56x128xf32, #tpu.memory_space<vmem>>)
      tpu.yield
    }) : () -> ()
    %add3A_79 = arith.constant 576 : i32
    %add3A_80 = arith.addi %mul3A_0, %add3A_79 : i32
    "tpu.region"() ({
      %run_scoped3A = tpu.sem_alloc : memref<!tpu.dma_semaphore, #tpu.memory_space<semaphore_mem>>
      %dma_start3A = arith.constant 0 : i32
      %dma_start3A_81 = arith.constant 0 : i32
      %dma_start3A_82 = tpu.memref_slice %arg9[%dma_start3A, %dma_start3A_81] : memref<64x128xf32, #tpu.memory_space<vmem>> -> memref<56x128xf32, #tpu.memory_space<vmem>>
      %dma_start3A_83 = arith.constant 0 : i32
      %dma_start3A_84 = tpu.memref_slice %arg6[%arg0, %add3A_80, %dma_start3A_83] : memref<2x10112x128xf32, #tpu.memory_space<hbm>> -> memref<1x56x128xf32, #tpu.memory_space<hbm>>
      %dma_start3A_85 = tpu.memref_squeeze %dma_start3A_84 : memref<1x56x128xf32, #tpu.memory_space<hbm>> -> memref<56x128xf32, #tpu.memory_space<hbm>>
      %dma_start3A_86 = arith.constant 0 : i32
      %dma_start3A_87 = tpu.memref_slice %arg6[%arg0, %add3A_80, %dma_start3A_86] : memref<2x10112x128xf32, #tpu.memory_space<hbm>> -> memref<1x56x128xf32, #tpu.memory_space<hbm>>
      %dma_start3A_88 = tpu.memref_squeeze %dma_start3A_87 : memref<1x56x128xf32, #tpu.memory_space<hbm>> -> memref<56x128xf32, #tpu.memory_space<hbm>>
      %dma_start3A_89 = arith.constant 0 : i32
      %dma_start3A_90 = arith.constant 0 : i32
      %dma_start3A_91 = tpu.memref_slice %arg9[%dma_start3A_89, %dma_start3A_90] : memref<64x128xf32, #tpu.memory_space<vmem>> -> memref<56x128xf32, #tpu.memory_space<vmem>>
      tpu.enqueue_dma source(%dma_start3A_91 : memref<56x128xf32, #tpu.memory_space<vmem>>) target(%dma_start3A_88 : memref<56x128xf32, #tpu.memory_space<hbm>>) target_semaphore(%run_scoped3A : memref<!tpu.dma_semaphore, #tpu.memory_space<semaphore_mem>>)
      %dma_wait3A = arith.constant 0 : i32
      %dma_wait3A_92 = arith.constant 0 : i32
      %dma_wait3A_93 = tpu.memref_slice %arg9[%dma_wait3A, %dma_wait3A_92] : memref<64x128xf32, #tpu.memory_space<vmem>> -> memref<56x128xf32, #tpu.memory_space<vmem>>
      %dma_wait3A_94 = arith.constant 0 : i32
      %dma_wait3A_95 = tpu.memref_slice %arg6[%arg0, %add3A_80, %dma_wait3A_94] : memref<2x10112x128xf32, #tpu.memory_space<hbm>> -> memref<1x56x128xf32, #tpu.memory_space<hbm>>
      %dma_wait3A_96 = tpu.memref_squeeze %dma_wait3A_95 : memref<1x56x128xf32, #tpu.memory_space<hbm>> -> memref<56x128xf32, #tpu.memory_space<hbm>>
      %dma_wait3A_97 = arith.constant 0 : i32
      %dma_wait3A_98 = tpu.memref_slice %arg6[%arg0, %add3A_80, %dma_wait3A_97] : memref<2x10112x128xf32, #tpu.memory_space<hbm>> -> memref<1x56x128xf32, #tpu.memory_space<hbm>>
      %dma_wait3A_99 = tpu.memref_squeeze %dma_wait3A_98 : memref<1x56x128xf32, #tpu.memory_space<hbm>> -> memref<56x128xf32, #tpu.memory_space<hbm>>
      %dma_wait3A_100 = arith.constant 0 : i32
      %dma_wait3A_101 = arith.constant 0 : i32
      %dma_wait3A_102 = tpu.memref_slice %arg9[%dma_wait3A_100, %dma_wait3A_101] : memref<64x128xf32, #tpu.memory_space<vmem>> -> memref<56x128xf32, #tpu.memory_space<vmem>>
      tpu.wait_dma2 semaphore(%run_scoped3A : memref<!tpu.dma_semaphore, #tpu.memory_space<semaphore_mem>>) src(%dma_wait3A_102 : memref<56x128xf32, #tpu.memory_space<vmem>>) dst(%dma_wait3A_99 : memref<56x128xf32, #tpu.memory_space<hbm>>)
      tpu.yield
    }) : () -> ()
    return
  }
}

#map = affine_map<(d0, d1) -> (0, 0)>
#map1 = affine_map<(d0, d1) -> (0, 0, 0)>
module attributes {stable_mosaic.version = 14 : i64} {
  func.func @_sc_count(%arg0: i32, %arg1: i32, %arg2: memref<5120x64xi32, #tpu.memory_space<hbm>>, %arg3: memref<64x128xf32, #tpu.memory_space<hbm>>, %arg4: memref<64x128xf32, #tpu.memory_space<hbm>>, %arg5: memref<2x10112x128xf32, #tpu.memory_space<hbm>>, %arg6: memref<32x64xi32, #tpu.memory_space<vmem>>, %arg7: memref<64x128xf32, #tpu.memory_space<vmem>>, %arg8: memref<10112x128xf32, #tpu.memory_space<vmem_shared>>, %arg9: memref<!tpu.dma_semaphore, #tpu.memory_space<semaphore_mem>>) attributes {dimension_semantics = [#tpu.dimension_semantics<core_parallel>, #tpu.dimension_semantics<subcore_parallel>], iteration_bounds = array<i64: 2, 16>, scalar_prefetch = 0 : i64, scratch_operands = 4 : i64, tpu.core_type = #tpu.core_type<sc_vector_subcore>, window_params = [{transform_indices = #map}, {transform_indices = #map}, {transform_indices = #map}, {transform_indices = #map1}]} {
    %mul3A = arith.constant 16 : i32
    %mul3A_0 = arith.muli %arg0, %mul3A : i32
    %add3A = arith.addi %mul3A_0, %arg1 : i32
    %mul3A_1 = arith.constant 632 : i32
    %mul3A_2 = arith.muli %arg1, %mul3A_1 : i32
    "tpu.region"() ({
      %run_scoped3A = tpu.sem_alloc : memref<!tpu.dma_semaphore, #tpu.memory_space<semaphore_mem>>
      tpu.enqueue_dma source(%arg3 : memref<64x128xf32, #tpu.memory_space<hbm>>) target(%arg7 : memref<64x128xf32, #tpu.memory_space<vmem>>) target_semaphore(%run_scoped3A : memref<!tpu.dma_semaphore, #tpu.memory_space<semaphore_mem>>)
      tpu.wait_dma2 semaphore(%run_scoped3A : memref<!tpu.dma_semaphore, #tpu.memory_space<semaphore_mem>>) src(%arg3 : memref<64x128xf32, #tpu.memory_space<hbm>>) dst(%arg7 : memref<64x128xf32, #tpu.memory_space<vmem>>)
      tpu.yield
    }) : () -> ()
    %add3A_3 = arith.constant 0 : i32
    %add3A_4 = arith.addi %mul3A_2, %add3A_3 : i32
    "tpu.region"() ({
      %run_scoped3A = tpu.sem_alloc : memref<!tpu.dma_semaphore, #tpu.memory_space<semaphore_mem>>
      %dma_start3A = arith.constant 0 : i32
      %dma_start3A_71 = arith.constant 0 : i32
      %dma_start3A_72 = tpu.memref_slice %arg7[%dma_start3A, %dma_start3A_71] : memref<64x128xf32, #tpu.memory_space<vmem>> -> memref<64x128xf32, #tpu.memory_space<vmem>>
      %dma_start3A_73 = arith.constant 0 : i32
      %dma_start3A_74 = tpu.memref_slice %arg8[%add3A_4, %dma_start3A_73] : memref<10112x128xf32, #tpu.memory_space<vmem_shared>> -> memref<64x128xf32, #tpu.memory_space<vmem_shared>>
      %dma_start3A_75 = arith.constant 0 : i32
      %dma_start3A_76 = tpu.memref_slice %arg8[%add3A_4, %dma_start3A_75] : memref<10112x128xf32, #tpu.memory_space<vmem_shared>> -> memref<64x128xf32, #tpu.memory_space<vmem_shared>>
      %dma_start3A_77 = arith.constant 0 : i32
      %dma_start3A_78 = arith.constant 0 : i32
      %dma_start3A_79 = tpu.memref_slice %arg7[%dma_start3A_77, %dma_start3A_78] : memref<64x128xf32, #tpu.memory_space<vmem>> -> memref<64x128xf32, #tpu.memory_space<vmem>>
      tpu.enqueue_dma source(%dma_start3A_79 : memref<64x128xf32, #tpu.memory_space<vmem>>) target(%dma_start3A_76 : memref<64x128xf32, #tpu.memory_space<vmem_shared>>) target_semaphore(%run_scoped3A : memref<!tpu.dma_semaphore, #tpu.memory_space<semaphore_mem>>)
      %dma_wait3A = arith.constant 0 : i32
      %dma_wait3A_80 = arith.constant 0 : i32
      %dma_wait3A_81 = tpu.memref_slice %arg7[%dma_wait3A, %dma_wait3A_80] : memref<64x128xf32, #tpu.memory_space<vmem>> -> memref<64x128xf32, #tpu.memory_space<vmem>>
      %dma_wait3A_82 = arith.constant 0 : i32
      %dma_wait3A_83 = tpu.memref_slice %arg8[%add3A_4, %dma_wait3A_82] : memref<10112x128xf32, #tpu.memory_space<vmem_shared>> -> memref<64x128xf32, #tpu.memory_space<vmem_shared>>
      %dma_wait3A_84 = arith.constant 0 : i32
      %dma_wait3A_85 = tpu.memref_slice %arg8[%add3A_4, %dma_wait3A_84] : memref<10112x128xf32, #tpu.memory_space<vmem_shared>> -> memref<64x128xf32, #tpu.memory_space<vmem_shared>>
      %dma_wait3A_86 = arith.constant 0 : i32
      %dma_wait3A_87 = arith.constant 0 : i32
      %dma_wait3A_88 = tpu.memref_slice %arg7[%dma_wait3A_86, %dma_wait3A_87] : memref<64x128xf32, #tpu.memory_space<vmem>> -> memref<64x128xf32, #tpu.memory_space<vmem>>
      tpu.wait_dma2 semaphore(%run_scoped3A : memref<!tpu.dma_semaphore, #tpu.memory_space<semaphore_mem>>) src(%dma_wait3A_88 : memref<64x128xf32, #tpu.memory_space<vmem>>) dst(%dma_wait3A_85 : memref<64x128xf32, #tpu.memory_space<vmem_shared>>)
      tpu.yield
    }) : () -> ()
    %add3A_5 = arith.constant 64 : i32
    %add3A_6 = arith.addi %mul3A_2, %add3A_5 : i32
    "tpu.region"() ({
      %run_scoped3A = tpu.sem_alloc : memref<!tpu.dma_semaphore, #tpu.memory_space<semaphore_mem>>
      %dma_start3A = arith.constant 0 : i32
      %dma_start3A_71 = arith.constant 0 : i32
      %dma_start3A_72 = tpu.memref_slice %arg7[%dma_start3A, %dma_start3A_71] : memref<64x128xf32, #tpu.memory_space<vmem>> -> memref<64x128xf32, #tpu.memory_space<vmem>>
      %dma_start3A_73 = arith.constant 0 : i32
      %dma_start3A_74 = tpu.memref_slice %arg8[%add3A_6, %dma_start3A_73] : memref<10112x128xf32, #tpu.memory_space<vmem_shared>> -> memref<64x128xf32, #tpu.memory_space<vmem_shared>>
      %dma_start3A_75 = arith.constant 0 : i32
      %dma_start3A_76 = tpu.memref_slice %arg8[%add3A_6, %dma_start3A_75] : memref<10112x128xf32, #tpu.memory_space<vmem_shared>> -> memref<64x128xf32, #tpu.memory_space<vmem_shared>>
      %dma_start3A_77 = arith.constant 0 : i32
      %dma_start3A_78 = arith.constant 0 : i32
      %dma_start3A_79 = tpu.memref_slice %arg7[%dma_start3A_77, %dma_start3A_78] : memref<64x128xf32, #tpu.memory_space<vmem>> -> memref<64x128xf32, #tpu.memory_space<vmem>>
      tpu.enqueue_dma source(%dma_start3A_79 : memref<64x128xf32, #tpu.memory_space<vmem>>) target(%dma_start3A_76 : memref<64x128xf32, #tpu.memory_space<vmem_shared>>) target_semaphore(%run_scoped3A : memref<!tpu.dma_semaphore, #tpu.memory_space<semaphore_mem>>)
      %dma_wait3A = arith.constant 0 : i32
      %dma_wait3A_80 = arith.constant 0 : i32
      %dma_wait3A_81 = tpu.memref_slice %arg7[%dma_wait3A, %dma_wait3A_80] : memref<64x128xf32, #tpu.memory_space<vmem>> -> memref<64x128xf32, #tpu.memory_space<vmem>>
      %dma_wait3A_82 = arith.constant 0 : i32
      %dma_wait3A_83 = tpu.memref_slice %arg8[%add3A_6, %dma_wait3A_82] : memref<10112x128xf32, #tpu.memory_space<vmem_shared>> -> memref<64x128xf32, #tpu.memory_space<vmem_shared>>
      %dma_wait3A_84 = arith.constant 0 : i32
      %dma_wait3A_85 = tpu.memref_slice %arg8[%add3A_6, %dma_wait3A_84] : memref<10112x128xf32, #tpu.memory_space<vmem_shared>> -> memref<64x128xf32, #tpu.memory_space<vmem_shared>>
      %dma_wait3A_86 = arith.constant 0 : i32
      %dma_wait3A_87 = arith.constant 0 : i32
      %dma_wait3A_88 = tpu.memref_slice %arg7[%dma_wait3A_86, %dma_wait3A_87] : memref<64x128xf32, #tpu.memory_space<vmem>> -> memref<64x128xf32, #tpu.memory_space<vmem>>
      tpu.wait_dma2 semaphore(%run_scoped3A : memref<!tpu.dma_semaphore, #tpu.memory_space<semaphore_mem>>) src(%dma_wait3A_88 : memref<64x128xf32, #tpu.memory_space<vmem>>) dst(%dma_wait3A_85 : memref<64x128xf32, #tpu.memory_space<vmem_shared>>)
      tpu.yield
    }) : () -> ()
    %add3A_7 = arith.constant 128 : i32
    %add3A_8 = arith.addi %mul3A_2, %add3A_7 : i32
    "tpu.region"() ({
      %run_scoped3A = tpu.sem_alloc : memref<!tpu.dma_semaphore, #tpu.memory_space<semaphore_mem>>
      %dma_start3A = arith.constant 0 : i32
      %dma_start3A_71 = arith.constant 0 : i32
      %dma_start3A_72 = tpu.memref_slice %arg7[%dma_start3A, %dma_start3A_71] : memref<64x128xf32, #tpu.memory_space<vmem>> -> memref<64x128xf32, #tpu.memory_space<vmem>>
      %dma_start3A_73 = arith.constant 0 : i32
      %dma_start3A_74 = tpu.memref_slice %arg8[%add3A_8, %dma_start3A_73] : memref<10112x128xf32, #tpu.memory_space<vmem_shared>> -> memref<64x128xf32, #tpu.memory_space<vmem_shared>>
      %dma_start3A_75 = arith.constant 0 : i32
      %dma_start3A_76 = tpu.memref_slice %arg8[%add3A_8, %dma_start3A_75] : memref<10112x128xf32, #tpu.memory_space<vmem_shared>> -> memref<64x128xf32, #tpu.memory_space<vmem_shared>>
      %dma_start3A_77 = arith.constant 0 : i32
      %dma_start3A_78 = arith.constant 0 : i32
      %dma_start3A_79 = tpu.memref_slice %arg7[%dma_start3A_77, %dma_start3A_78] : memref<64x128xf32, #tpu.memory_space<vmem>> -> memref<64x128xf32, #tpu.memory_space<vmem>>
      tpu.enqueue_dma source(%dma_start3A_79 : memref<64x128xf32, #tpu.memory_space<vmem>>) target(%dma_start3A_76 : memref<64x128xf32, #tpu.memory_space<vmem_shared>>) target_semaphore(%run_scoped3A : memref<!tpu.dma_semaphore, #tpu.memory_space<semaphore_mem>>)
      %dma_wait3A = arith.constant 0 : i32
      %dma_wait3A_80 = arith.constant 0 : i32
      %dma_wait3A_81 = tpu.memref_slice %arg7[%dma_wait3A, %dma_wait3A_80] : memref<64x128xf32, #tpu.memory_space<vmem>> -> memref<64x128xf32, #tpu.memory_space<vmem>>
      %dma_wait3A_82 = arith.constant 0 : i32
      %dma_wait3A_83 = tpu.memref_slice %arg8[%add3A_8, %dma_wait3A_82] : memref<10112x128xf32, #tpu.memory_space<vmem_shared>> -> memref<64x128xf32, #tpu.memory_space<vmem_shared>>
      %dma_wait3A_84 = arith.constant 0 : i32
      %dma_wait3A_85 = tpu.memref_slice %arg8[%add3A_8, %dma_wait3A_84] : memref<10112x128xf32, #tpu.memory_space<vmem_shared>> -> memref<64x128xf32, #tpu.memory_space<vmem_shared>>
      %dma_wait3A_86 = arith.constant 0 : i32
      %dma_wait3A_87 = arith.constant 0 : i32
      %dma_wait3A_88 = tpu.memref_slice %arg7[%dma_wait3A_86, %dma_wait3A_87] : memref<64x128xf32, #tpu.memory_space<vmem>> -> memref<64x128xf32, #tpu.memory_space<vmem>>
      tpu.wait_dma2 semaphore(%run_scoped3A : memref<!tpu.dma_semaphore, #tpu.memory_space<semaphore_mem>>) src(%dma_wait3A_88 : memref<64x128xf32, #tpu.memory_space<vmem>>) dst(%dma_wait3A_85 : memref<64x128xf32, #tpu.memory_space<vmem_shared>>)
      tpu.yield
    }) : () -> ()
    %add3A_9 = arith.constant 192 : i32
    %add3A_10 = arith.addi %mul3A_2, %add3A_9 : i32
    "tpu.region"() ({
      %run_scoped3A = tpu.sem_alloc : memref<!tpu.dma_semaphore, #tpu.memory_space<semaphore_mem>>
      %dma_start3A = arith.constant 0 : i32
      %dma_start3A_71 = arith.constant 0 : i32
      %dma_start3A_72 = tpu.memref_slice %arg7[%dma_start3A, %dma_start3A_71] : memref<64x128xf32, #tpu.memory_space<vmem>> -> memref<64x128xf32, #tpu.memory_space<vmem>>
      %dma_start3A_73 = arith.constant 0 : i32
      %dma_start3A_74 = tpu.memref_slice %arg8[%add3A_10, %dma_start3A_73] : memref<10112x128xf32, #tpu.memory_space<vmem_shared>> -> memref<64x128xf32, #tpu.memory_space<vmem_shared>>
      %dma_start3A_75 = arith.constant 0 : i32
      %dma_start3A_76 = tpu.memref_slice %arg8[%add3A_10, %dma_start3A_75] : memref<10112x128xf32, #tpu.memory_space<vmem_shared>> -> memref<64x128xf32, #tpu.memory_space<vmem_shared>>
      %dma_start3A_77 = arith.constant 0 : i32
      %dma_start3A_78 = arith.constant 0 : i32
      %dma_start3A_79 = tpu.memref_slice %arg7[%dma_start3A_77, %dma_start3A_78] : memref<64x128xf32, #tpu.memory_space<vmem>> -> memref<64x128xf32, #tpu.memory_space<vmem>>
      tpu.enqueue_dma source(%dma_start3A_79 : memref<64x128xf32, #tpu.memory_space<vmem>>) target(%dma_start3A_76 : memref<64x128xf32, #tpu.memory_space<vmem_shared>>) target_semaphore(%run_scoped3A : memref<!tpu.dma_semaphore, #tpu.memory_space<semaphore_mem>>)
      %dma_wait3A = arith.constant 0 : i32
      %dma_wait3A_80 = arith.constant 0 : i32
      %dma_wait3A_81 = tpu.memref_slice %arg7[%dma_wait3A, %dma_wait3A_80] : memref<64x128xf32, #tpu.memory_space<vmem>> -> memref<64x128xf32, #tpu.memory_space<vmem>>
      %dma_wait3A_82 = arith.constant 0 : i32
      %dma_wait3A_83 = tpu.memref_slice %arg8[%add3A_10, %dma_wait3A_82] : memref<10112x128xf32, #tpu.memory_space<vmem_shared>> -> memref<64x128xf32, #tpu.memory_space<vmem_shared>>
      %dma_wait3A_84 = arith.constant 0 : i32
      %dma_wait3A_85 = tpu.memref_slice %arg8[%add3A_10, %dma_wait3A_84] : memref<10112x128xf32, #tpu.memory_space<vmem_shared>> -> memref<64x128xf32, #tpu.memory_space<vmem_shared>>
      %dma_wait3A_86 = arith.constant 0 : i32
      %dma_wait3A_87 = arith.constant 0 : i32
      %dma_wait3A_88 = tpu.memref_slice %arg7[%dma_wait3A_86, %dma_wait3A_87] : memref<64x128xf32, #tpu.memory_space<vmem>> -> memref<64x128xf32, #tpu.memory_space<vmem>>
      tpu.wait_dma2 semaphore(%run_scoped3A : memref<!tpu.dma_semaphore, #tpu.memory_space<semaphore_mem>>) src(%dma_wait3A_88 : memref<64x128xf32, #tpu.memory_space<vmem>>) dst(%dma_wait3A_85 : memref<64x128xf32, #tpu.memory_space<vmem_shared>>)
      tpu.yield
    }) : () -> ()
    %add3A_11 = arith.constant 256 : i32
    %add3A_12 = arith.addi %mul3A_2, %add3A_11 : i32
    "tpu.region"() ({
      %run_scoped3A = tpu.sem_alloc : memref<!tpu.dma_semaphore, #tpu.memory_space<semaphore_mem>>
      %dma_start3A = arith.constant 0 : i32
      %dma_start3A_71 = arith.constant 0 : i32
      %dma_start3A_72 = tpu.memref_slice %arg7[%dma_start3A, %dma_start3A_71] : memref<64x128xf32, #tpu.memory_space<vmem>> -> memref<64x128xf32, #tpu.memory_space<vmem>>
      %dma_start3A_73 = arith.constant 0 : i32
      %dma_start3A_74 = tpu.memref_slice %arg8[%add3A_12, %dma_start3A_73] : memref<10112x128xf32, #tpu.memory_space<vmem_shared>> -> memref<64x128xf32, #tpu.memory_space<vmem_shared>>
      %dma_start3A_75 = arith.constant 0 : i32
      %dma_start3A_76 = tpu.memref_slice %arg8[%add3A_12, %dma_start3A_75] : memref<10112x128xf32, #tpu.memory_space<vmem_shared>> -> memref<64x128xf32, #tpu.memory_space<vmem_shared>>
      %dma_start3A_77 = arith.constant 0 : i32
      %dma_start3A_78 = arith.constant 0 : i32
      %dma_start3A_79 = tpu.memref_slice %arg7[%dma_start3A_77, %dma_start3A_78] : memref<64x128xf32, #tpu.memory_space<vmem>> -> memref<64x128xf32, #tpu.memory_space<vmem>>
      tpu.enqueue_dma source(%dma_start3A_79 : memref<64x128xf32, #tpu.memory_space<vmem>>) target(%dma_start3A_76 : memref<64x128xf32, #tpu.memory_space<vmem_shared>>) target_semaphore(%run_scoped3A : memref<!tpu.dma_semaphore, #tpu.memory_space<semaphore_mem>>)
      %dma_wait3A = arith.constant 0 : i32
      %dma_wait3A_80 = arith.constant 0 : i32
      %dma_wait3A_81 = tpu.memref_slice %arg7[%dma_wait3A, %dma_wait3A_80] : memref<64x128xf32, #tpu.memory_space<vmem>> -> memref<64x128xf32, #tpu.memory_space<vmem>>
      %dma_wait3A_82 = arith.constant 0 : i32
      %dma_wait3A_83 = tpu.memref_slice %arg8[%add3A_12, %dma_wait3A_82] : memref<10112x128xf32, #tpu.memory_space<vmem_shared>> -> memref<64x128xf32, #tpu.memory_space<vmem_shared>>
      %dma_wait3A_84 = arith.constant 0 : i32
      %dma_wait3A_85 = tpu.memref_slice %arg8[%add3A_12, %dma_wait3A_84] : memref<10112x128xf32, #tpu.memory_space<vmem_shared>> -> memref<64x128xf32, #tpu.memory_space<vmem_shared>>
      %dma_wait3A_86 = arith.constant 0 : i32
      %dma_wait3A_87 = arith.constant 0 : i32
      %dma_wait3A_88 = tpu.memref_slice %arg7[%dma_wait3A_86, %dma_wait3A_87] : memref<64x128xf32, #tpu.memory_space<vmem>> -> memref<64x128xf32, #tpu.memory_space<vmem>>
      tpu.wait_dma2 semaphore(%run_scoped3A : memref<!tpu.dma_semaphore, #tpu.memory_space<semaphore_mem>>) src(%dma_wait3A_88 : memref<64x128xf32, #tpu.memory_space<vmem>>) dst(%dma_wait3A_85 : memref<64x128xf32, #tpu.memory_space<vmem_shared>>)
      tpu.yield
    }) : () -> ()
    %add3A_13 = arith.constant 320 : i32
    %add3A_14 = arith.addi %mul3A_2, %add3A_13 : i32
    "tpu.region"() ({
      %run_scoped3A = tpu.sem_alloc : memref<!tpu.dma_semaphore, #tpu.memory_space<semaphore_mem>>
      %dma_start3A = arith.constant 0 : i32
      %dma_start3A_71 = arith.constant 0 : i32
      %dma_start3A_72 = tpu.memref_slice %arg7[%dma_start3A, %dma_start3A_71] : memref<64x128xf32, #tpu.memory_space<vmem>> -> memref<64x128xf32, #tpu.memory_space<vmem>>
      %dma_start3A_73 = arith.constant 0 : i32
      %dma_start3A_74 = tpu.memref_slice %arg8[%add3A_14, %dma_start3A_73] : memref<10112x128xf32, #tpu.memory_space<vmem_shared>> -> memref<64x128xf32, #tpu.memory_space<vmem_shared>>
      %dma_start3A_75 = arith.constant 0 : i32
      %dma_start3A_76 = tpu.memref_slice %arg8[%add3A_14, %dma_start3A_75] : memref<10112x128xf32, #tpu.memory_space<vmem_shared>> -> memref<64x128xf32, #tpu.memory_space<vmem_shared>>
      %dma_start3A_77 = arith.constant 0 : i32
      %dma_start3A_78 = arith.constant 0 : i32
      %dma_start3A_79 = tpu.memref_slice %arg7[%dma_start3A_77, %dma_start3A_78] : memref<64x128xf32, #tpu.memory_space<vmem>> -> memref<64x128xf32, #tpu.memory_space<vmem>>
      tpu.enqueue_dma source(%dma_start3A_79 : memref<64x128xf32, #tpu.memory_space<vmem>>) target(%dma_start3A_76 : memref<64x128xf32, #tpu.memory_space<vmem_shared>>) target_semaphore(%run_scoped3A : memref<!tpu.dma_semaphore, #tpu.memory_space<semaphore_mem>>)
      %dma_wait3A = arith.constant 0 : i32
      %dma_wait3A_80 = arith.constant 0 : i32
      %dma_wait3A_81 = tpu.memref_slice %arg7[%dma_wait3A, %dma_wait3A_80] : memref<64x128xf32, #tpu.memory_space<vmem>> -> memref<64x128xf32, #tpu.memory_space<vmem>>
      %dma_wait3A_82 = arith.constant 0 : i32
      %dma_wait3A_83 = tpu.memref_slice %arg8[%add3A_14, %dma_wait3A_82] : memref<10112x128xf32, #tpu.memory_space<vmem_shared>> -> memref<64x128xf32, #tpu.memory_space<vmem_shared>>
      %dma_wait3A_84 = arith.constant 0 : i32
      %dma_wait3A_85 = tpu.memref_slice %arg8[%add3A_14, %dma_wait3A_84] : memref<10112x128xf32, #tpu.memory_space<vmem_shared>> -> memref<64x128xf32, #tpu.memory_space<vmem_shared>>
      %dma_wait3A_86 = arith.constant 0 : i32
      %dma_wait3A_87 = arith.constant 0 : i32
      %dma_wait3A_88 = tpu.memref_slice %arg7[%dma_wait3A_86, %dma_wait3A_87] : memref<64x128xf32, #tpu.memory_space<vmem>> -> memref<64x128xf32, #tpu.memory_space<vmem>>
      tpu.wait_dma2 semaphore(%run_scoped3A : memref<!tpu.dma_semaphore, #tpu.memory_space<semaphore_mem>>) src(%dma_wait3A_88 : memref<64x128xf32, #tpu.memory_space<vmem>>) dst(%dma_wait3A_85 : memref<64x128xf32, #tpu.memory_space<vmem_shared>>)
      tpu.yield
    }) : () -> ()
    %add3A_15 = arith.constant 384 : i32
    %add3A_16 = arith.addi %mul3A_2, %add3A_15 : i32
    "tpu.region"() ({
      %run_scoped3A = tpu.sem_alloc : memref<!tpu.dma_semaphore, #tpu.memory_space<semaphore_mem>>
      %dma_start3A = arith.constant 0 : i32
      %dma_start3A_71 = arith.constant 0 : i32
      %dma_start3A_72 = tpu.memref_slice %arg7[%dma_start3A, %dma_start3A_71] : memref<64x128xf32, #tpu.memory_space<vmem>> -> memref<64x128xf32, #tpu.memory_space<vmem>>
      %dma_start3A_73 = arith.constant 0 : i32
      %dma_start3A_74 = tpu.memref_slice %arg8[%add3A_16, %dma_start3A_73] : memref<10112x128xf32, #tpu.memory_space<vmem_shared>> -> memref<64x128xf32, #tpu.memory_space<vmem_shared>>
      %dma_start3A_75 = arith.constant 0 : i32
      %dma_start3A_76 = tpu.memref_slice %arg8[%add3A_16, %dma_start3A_75] : memref<10112x128xf32, #tpu.memory_space<vmem_shared>> -> memref<64x128xf32, #tpu.memory_space<vmem_shared>>
      %dma_start3A_77 = arith.constant 0 : i32
      %dma_start3A_78 = arith.constant 0 : i32
      %dma_start3A_79 = tpu.memref_slice %arg7[%dma_start3A_77, %dma_start3A_78] : memref<64x128xf32, #tpu.memory_space<vmem>> -> memref<64x128xf32, #tpu.memory_space<vmem>>
      tpu.enqueue_dma source(%dma_start3A_79 : memref<64x128xf32, #tpu.memory_space<vmem>>) target(%dma_start3A_76 : memref<64x128xf32, #tpu.memory_space<vmem_shared>>) target_semaphore(%run_scoped3A : memref<!tpu.dma_semaphore, #tpu.memory_space<semaphore_mem>>)
      %dma_wait3A = arith.constant 0 : i32
      %dma_wait3A_80 = arith.constant 0 : i32
      %dma_wait3A_81 = tpu.memref_slice %arg7[%dma_wait3A, %dma_wait3A_80] : memref<64x128xf32, #tpu.memory_space<vmem>> -> memref<64x128xf32, #tpu.memory_space<vmem>>
      %dma_wait3A_82 = arith.constant 0 : i32
      %dma_wait3A_83 = tpu.memref_slice %arg8[%add3A_16, %dma_wait3A_82] : memref<10112x128xf32, #tpu.memory_space<vmem_shared>> -> memref<64x128xf32, #tpu.memory_space<vmem_shared>>
      %dma_wait3A_84 = arith.constant 0 : i32
      %dma_wait3A_85 = tpu.memref_slice %arg8[%add3A_16, %dma_wait3A_84] : memref<10112x128xf32, #tpu.memory_space<vmem_shared>> -> memref<64x128xf32, #tpu.memory_space<vmem_shared>>
      %dma_wait3A_86 = arith.constant 0 : i32
      %dma_wait3A_87 = arith.constant 0 : i32
      %dma_wait3A_88 = tpu.memref_slice %arg7[%dma_wait3A_86, %dma_wait3A_87] : memref<64x128xf32, #tpu.memory_space<vmem>> -> memref<64x128xf32, #tpu.memory_space<vmem>>
      tpu.wait_dma2 semaphore(%run_scoped3A : memref<!tpu.dma_semaphore, #tpu.memory_space<semaphore_mem>>) src(%dma_wait3A_88 : memref<64x128xf32, #tpu.memory_space<vmem>>) dst(%dma_wait3A_85 : memref<64x128xf32, #tpu.memory_space<vmem_shared>>)
      tpu.yield
    }) : () -> ()
    %add3A_17 = arith.constant 448 : i32
    %add3A_18 = arith.addi %mul3A_2, %add3A_17 : i32
    "tpu.region"() ({
      %run_scoped3A = tpu.sem_alloc : memref<!tpu.dma_semaphore, #tpu.memory_space<semaphore_mem>>
      %dma_start3A = arith.constant 0 : i32
      %dma_start3A_71 = arith.constant 0 : i32
      %dma_start3A_72 = tpu.memref_slice %arg7[%dma_start3A, %dma_start3A_71] : memref<64x128xf32, #tpu.memory_space<vmem>> -> memref<64x128xf32, #tpu.memory_space<vmem>>
      %dma_start3A_73 = arith.constant 0 : i32
      %dma_start3A_74 = tpu.memref_slice %arg8[%add3A_18, %dma_start3A_73] : memref<10112x128xf32, #tpu.memory_space<vmem_shared>> -> memref<64x128xf32, #tpu.memory_space<vmem_shared>>
      %dma_start3A_75 = arith.constant 0 : i32
      %dma_start3A_76 = tpu.memref_slice %arg8[%add3A_18, %dma_start3A_75] : memref<10112x128xf32, #tpu.memory_space<vmem_shared>> -> memref<64x128xf32, #tpu.memory_space<vmem_shared>>
      %dma_start3A_77 = arith.constant 0 : i32
      %dma_start3A_78 = arith.constant 0 : i32
      %dma_start3A_79 = tpu.memref_slice %arg7[%dma_start3A_77, %dma_start3A_78] : memref<64x128xf32, #tpu.memory_space<vmem>> -> memref<64x128xf32, #tpu.memory_space<vmem>>
      tpu.enqueue_dma source(%dma_start3A_79 : memref<64x128xf32, #tpu.memory_space<vmem>>) target(%dma_start3A_76 : memref<64x128xf32, #tpu.memory_space<vmem_shared>>) target_semaphore(%run_scoped3A : memref<!tpu.dma_semaphore, #tpu.memory_space<semaphore_mem>>)
      %dma_wait3A = arith.constant 0 : i32
      %dma_wait3A_80 = arith.constant 0 : i32
      %dma_wait3A_81 = tpu.memref_slice %arg7[%dma_wait3A, %dma_wait3A_80] : memref<64x128xf32, #tpu.memory_space<vmem>> -> memref<64x128xf32, #tpu.memory_space<vmem>>
      %dma_wait3A_82 = arith.constant 0 : i32
      %dma_wait3A_83 = tpu.memref_slice %arg8[%add3A_18, %dma_wait3A_82] : memref<10112x128xf32, #tpu.memory_space<vmem_shared>> -> memref<64x128xf32, #tpu.memory_space<vmem_shared>>
      %dma_wait3A_84 = arith.constant 0 : i32
      %dma_wait3A_85 = tpu.memref_slice %arg8[%add3A_18, %dma_wait3A_84] : memref<10112x128xf32, #tpu.memory_space<vmem_shared>> -> memref<64x128xf32, #tpu.memory_space<vmem_shared>>
      %dma_wait3A_86 = arith.constant 0 : i32
      %dma_wait3A_87 = arith.constant 0 : i32
      %dma_wait3A_88 = tpu.memref_slice %arg7[%dma_wait3A_86, %dma_wait3A_87] : memref<64x128xf32, #tpu.memory_space<vmem>> -> memref<64x128xf32, #tpu.memory_space<vmem>>
      tpu.wait_dma2 semaphore(%run_scoped3A : memref<!tpu.dma_semaphore, #tpu.memory_space<semaphore_mem>>) src(%dma_wait3A_88 : memref<64x128xf32, #tpu.memory_space<vmem>>) dst(%dma_wait3A_85 : memref<64x128xf32, #tpu.memory_space<vmem_shared>>)
      tpu.yield
    }) : () -> ()
    %add3A_19 = arith.constant 512 : i32
    %add3A_20 = arith.addi %mul3A_2, %add3A_19 : i32
    "tpu.region"() ({
      %run_scoped3A = tpu.sem_alloc : memref<!tpu.dma_semaphore, #tpu.memory_space<semaphore_mem>>
      %dma_start3A = arith.constant 0 : i32
      %dma_start3A_71 = arith.constant 0 : i32
      %dma_start3A_72 = tpu.memref_slice %arg7[%dma_start3A, %dma_start3A_71] : memref<64x128xf32, #tpu.memory_space<vmem>> -> memref<64x128xf32, #tpu.memory_space<vmem>>
      %dma_start3A_73 = arith.constant 0 : i32
      %dma_start3A_74 = tpu.memref_slice %arg8[%add3A_20, %dma_start3A_73] : memref<10112x128xf32, #tpu.memory_space<vmem_shared>> -> memref<64x128xf32, #tpu.memory_space<vmem_shared>>
      %dma_start3A_75 = arith.constant 0 : i32
      %dma_start3A_76 = tpu.memref_slice %arg8[%add3A_20, %dma_start3A_75] : memref<10112x128xf32, #tpu.memory_space<vmem_shared>> -> memref<64x128xf32, #tpu.memory_space<vmem_shared>>
      %dma_start3A_77 = arith.constant 0 : i32
      %dma_start3A_78 = arith.constant 0 : i32
      %dma_start3A_79 = tpu.memref_slice %arg7[%dma_start3A_77, %dma_start3A_78] : memref<64x128xf32, #tpu.memory_space<vmem>> -> memref<64x128xf32, #tpu.memory_space<vmem>>
      tpu.enqueue_dma source(%dma_start3A_79 : memref<64x128xf32, #tpu.memory_space<vmem>>) target(%dma_start3A_76 : memref<64x128xf32, #tpu.memory_space<vmem_shared>>) target_semaphore(%run_scoped3A : memref<!tpu.dma_semaphore, #tpu.memory_space<semaphore_mem>>)
      %dma_wait3A = arith.constant 0 : i32
      %dma_wait3A_80 = arith.constant 0 : i32
      %dma_wait3A_81 = tpu.memref_slice %arg7[%dma_wait3A, %dma_wait3A_80] : memref<64x128xf32, #tpu.memory_space<vmem>> -> memref<64x128xf32, #tpu.memory_space<vmem>>
      %dma_wait3A_82 = arith.constant 0 : i32
      %dma_wait3A_83 = tpu.memref_slice %arg8[%add3A_20, %dma_wait3A_82] : memref<10112x128xf32, #tpu.memory_space<vmem_shared>> -> memref<64x128xf32, #tpu.memory_space<vmem_shared>>
      %dma_wait3A_84 = arith.constant 0 : i32
      %dma_wait3A_85 = tpu.memref_slice %arg8[%add3A_20, %dma_wait3A_84] : memref<10112x128xf32, #tpu.memory_space<vmem_shared>> -> memref<64x128xf32, #tpu.memory_space<vmem_shared>>
      %dma_wait3A_86 = arith.constant 0 : i32
      %dma_wait3A_87 = arith.constant 0 : i32
      %dma_wait3A_88 = tpu.memref_slice %arg7[%dma_wait3A_86, %dma_wait3A_87] : memref<64x128xf32, #tpu.memory_space<vmem>> -> memref<64x128xf32, #tpu.memory_space<vmem>>
      tpu.wait_dma2 semaphore(%run_scoped3A : memref<!tpu.dma_semaphore, #tpu.memory_space<semaphore_mem>>) src(%dma_wait3A_88 : memref<64x128xf32, #tpu.memory_space<vmem>>) dst(%dma_wait3A_85 : memref<64x128xf32, #tpu.memory_space<vmem_shared>>)
      tpu.yield
    }) : () -> ()
    %add3A_21 = arith.constant 576 : i32
    %add3A_22 = arith.addi %mul3A_2, %add3A_21 : i32
    "tpu.region"() ({
      %run_scoped3A = tpu.sem_alloc : memref<!tpu.dma_semaphore, #tpu.memory_space<semaphore_mem>>
      %dma_start3A = arith.constant 0 : i32
      %dma_start3A_71 = arith.constant 0 : i32
      %dma_start3A_72 = tpu.memref_slice %arg7[%dma_start3A, %dma_start3A_71] : memref<64x128xf32, #tpu.memory_space<vmem>> -> memref<56x128xf32, #tpu.memory_space<vmem>>
      %dma_start3A_73 = arith.constant 0 : i32
      %dma_start3A_74 = tpu.memref_slice %arg8[%add3A_22, %dma_start3A_73] : memref<10112x128xf32, #tpu.memory_space<vmem_shared>> -> memref<56x128xf32, #tpu.memory_space<vmem_shared>>
      %dma_start3A_75 = arith.constant 0 : i32
      %dma_start3A_76 = tpu.memref_slice %arg8[%add3A_22, %dma_start3A_75] : memref<10112x128xf32, #tpu.memory_space<vmem_shared>> -> memref<56x128xf32, #tpu.memory_space<vmem_shared>>
      %dma_start3A_77 = arith.constant 0 : i32
      %dma_start3A_78 = arith.constant 0 : i32
      %dma_start3A_79 = tpu.memref_slice %arg7[%dma_start3A_77, %dma_start3A_78] : memref<64x128xf32, #tpu.memory_space<vmem>> -> memref<56x128xf32, #tpu.memory_space<vmem>>
      tpu.enqueue_dma source(%dma_start3A_79 : memref<56x128xf32, #tpu.memory_space<vmem>>) target(%dma_start3A_76 : memref<56x128xf32, #tpu.memory_space<vmem_shared>>) target_semaphore(%run_scoped3A : memref<!tpu.dma_semaphore, #tpu.memory_space<semaphore_mem>>)
      %dma_wait3A = arith.constant 0 : i32
      %dma_wait3A_80 = arith.constant 0 : i32
      %dma_wait3A_81 = tpu.memref_slice %arg7[%dma_wait3A, %dma_wait3A_80] : memref<64x128xf32, #tpu.memory_space<vmem>> -> memref<56x128xf32, #tpu.memory_space<vmem>>
      %dma_wait3A_82 = arith.constant 0 : i32
      %dma_wait3A_83 = tpu.memref_slice %arg8[%add3A_22, %dma_wait3A_82] : memref<10112x128xf32, #tpu.memory_space<vmem_shared>> -> memref<56x128xf32, #tpu.memory_space<vmem_shared>>
      %dma_wait3A_84 = arith.constant 0 : i32
      %dma_wait3A_85 = tpu.memref_slice %arg8[%add3A_22, %dma_wait3A_84] : memref<10112x128xf32, #tpu.memory_space<vmem_shared>> -> memref<56x128xf32, #tpu.memory_space<vmem_shared>>
      %dma_wait3A_86 = arith.constant 0 : i32
      %dma_wait3A_87 = arith.constant 0 : i32
      %dma_wait3A_88 = tpu.memref_slice %arg7[%dma_wait3A_86, %dma_wait3A_87] : memref<64x128xf32, #tpu.memory_space<vmem>> -> memref<56x128xf32, #tpu.memory_space<vmem>>
      tpu.wait_dma2 semaphore(%run_scoped3A : memref<!tpu.dma_semaphore, #tpu.memory_space<semaphore_mem>>) src(%dma_wait3A_88 : memref<56x128xf32, #tpu.memory_space<vmem>>) dst(%dma_wait3A_85 : memref<56x128xf32, #tpu.memory_space<vmem_shared>>)
      tpu.yield
    }) : () -> ()
    "tpu.region"() ({
      %run_scoped3A = tpu.sem_alloc : memref<!tpu.dma_semaphore, #tpu.memory_space<semaphore_mem>>
      tpu.enqueue_dma source(%arg4 : memref<64x128xf32, #tpu.memory_space<hbm>>) target(%arg7 : memref<64x128xf32, #tpu.memory_space<vmem>>) target_semaphore(%run_scoped3A : memref<!tpu.dma_semaphore, #tpu.memory_space<semaphore_mem>>)
      tpu.wait_dma2 semaphore(%run_scoped3A : memref<!tpu.dma_semaphore, #tpu.memory_space<semaphore_mem>>) src(%arg4 : memref<64x128xf32, #tpu.memory_space<hbm>>) dst(%arg7 : memref<64x128xf32, #tpu.memory_space<vmem>>)
      tpu.yield
    }) : () -> ()
    %mul3A_23 = arith.constant 160 : i32
    %mul3A_24 = arith.muli %add3A, %mul3A_23 : i32
    %barrier3A = arith.constant 0 : index
    tpu.barrier barrier_id(%barrier3A)
    %scan3A = arith.constant 0 : i32
    %scan3A_25 = arith.constant 0 : i32
    %scan3A_26 = arith.constant 5 : i32
    %scan3A_27 = arith.addi %scan3A_25, %scan3A_26 : i32
    %scan3A_28 = arith.constant 1 : i32
    scf.for %scan3A_71 = %scan3A_25 to %scan3A_27 step %scan3A_28  : i32 {
      %mul3A_72 = arith.constant 32 : i32
      %mul3A_73 = arith.muli %scan3A_71, %mul3A_72 : i32
      %add3A_74 = arith.addi %mul3A_24, %mul3A_73 : i32
      "tpu.region"() ({
        %run_scoped3A = tpu.sem_alloc : memref<!tpu.dma_semaphore, #tpu.memory_space<semaphore_mem>>
        %dma_start3A = arith.constant 0 : i32
        %dma_start3A_87 = tpu.memref_slice %arg2[%add3A_74, %dma_start3A] : memref<5120x64xi32, #tpu.memory_space<hbm>> -> memref<32x64xi32, #tpu.memory_space<hbm>>
        %dma_start3A_88 = arith.constant 0 : i32
        %dma_start3A_89 = tpu.memref_slice %arg2[%add3A_74, %dma_start3A_88] : memref<5120x64xi32, #tpu.memory_space<hbm>> -> memref<32x64xi32, #tpu.memory_space<hbm>>
        tpu.enqueue_dma source(%dma_start3A_89 : memref<32x64xi32, #tpu.memory_space<hbm>>) target(%arg6 : memref<32x64xi32, #tpu.memory_space<vmem>>) target_semaphore(%run_scoped3A : memref<!tpu.dma_semaphore, #tpu.memory_space<semaphore_mem>>)
        %dma_wait3A = arith.constant 0 : i32
        %dma_wait3A_90 = tpu.memref_slice %arg2[%add3A_74, %dma_wait3A] : memref<5120x64xi32, #tpu.memory_space<hbm>> -> memref<32x64xi32, #tpu.memory_space<hbm>>
        %dma_wait3A_91 = arith.constant 0 : i32
        %dma_wait3A_92 = tpu.memref_slice %arg2[%add3A_74, %dma_wait3A_91] : memref<5120x64xi32, #tpu.memory_space<hbm>> -> memref<32x64xi32, #tpu.memory_space<hbm>>
        tpu.wait_dma2 semaphore(%run_scoped3A : memref<!tpu.dma_semaphore, #tpu.memory_space<semaphore_mem>>) src(%dma_wait3A_92 : memref<32x64xi32, #tpu.memory_space<hbm>>) dst(%arg6 : memref<32x64xi32, #tpu.memory_space<vmem>>)
        tpu.yield
      }) : () -> ()
      %scan3A_75 = arith.constant 0 : i32
      %scan3A_76 = arith.constant 0 : i32
      %scan3A_77 = arith.constant 32 : i32
      %scan3A_78 = arith.addi %scan3A_76, %scan3A_77 : i32
      %scan3A_79 = arith.constant 1 : i32
      scf.for %scan3A_87 = %scan3A_76 to %scan3A_78 step %scan3A_79  : i32 {
        %dma_start3A = arith.constant 0 : i32
        %dma_start3A_88 = tpu.memref_slice %arg6[%scan3A_87, %dma_start3A] : memref<32x64xi32, #tpu.memory_space<vmem>> -> memref<1x64xi32, #tpu.memory_space<vmem>>
        %dma_start3A_89 = tpu.memref_squeeze %dma_start3A_88 : memref<1x64xi32, #tpu.memory_space<vmem>> -> memref<64xi32, #tpu.memory_space<vmem>>
        %dma_start3A_90 = arith.constant 0 : i32
        %dma_start3A_91 = arith.constant 0 : i32
        %dma_start3A_92 = tpu.memref_slice %arg8[%dma_start3A_90, %dma_start3A_91] : memref<10112x128xf32, #tpu.memory_space<vmem_shared>> -> memref<10112x128xf32, #tpu.memory_space<vmem_shared>>
        tpu.enqueue_indirect_dma source(%arg7 : memref<64x128xf32, #tpu.memory_space<vmem>>) target(%dma_start3A_92 : memref<10112x128xf32, #tpu.memory_space<vmem_shared>>) offsets(%dma_start3A_89 : memref<64xi32, #tpu.memory_space<vmem>>) semaphore(%arg9 : memref<!tpu.dma_semaphore, #tpu.memory_space<semaphore_mem>>) {add = true}
      }
      %scan3A_80 = arith.constant 32 : i32
      %scan3A_81 = arith.constant 0 : i32
      %scan3A_82 = arith.constant 0 : i32
      %scan3A_83 = arith.constant 32 : i32
      %scan3A_84 = arith.addi %scan3A_82, %scan3A_83 : i32
      %scan3A_85 = arith.constant 1 : i32
      scf.for %scan3A_87 = %scan3A_82 to %scan3A_84 step %scan3A_85  : i32 {
        %dma_wait3A = arith.constant 0 : i32
        %dma_wait3A_88 = arith.constant 0 : i32
        %dma_wait3A_89 = tpu.memref_slice %arg6[%dma_wait3A, %dma_wait3A_88] : memref<32x64xi32, #tpu.memory_space<vmem>> -> memref<1x64xi32, #tpu.memory_space<vmem>>
        %dma_wait3A_90 = tpu.memref_squeeze %dma_wait3A_89 : memref<1x64xi32, #tpu.memory_space<vmem>> -> memref<64xi32, #tpu.memory_space<vmem>>
        %dma_wait3A_91 = arith.constant 0 : i32
        %dma_wait3A_92 = arith.constant 0 : i32
        %dma_wait3A_93 = tpu.memref_slice %arg8[%dma_wait3A_91, %dma_wait3A_92] : memref<10112x128xf32, #tpu.memory_space<vmem_shared>> -> memref<10112x128xf32, #tpu.memory_space<vmem_shared>>
        tpu.wait_indirect_dma semaphore(%arg9 : memref<!tpu.dma_semaphore, #tpu.memory_space<semaphore_mem>>) src(%arg7 : memref<64x128xf32, #tpu.memory_space<vmem>>) dst(%dma_wait3A_93 : memref<10112x128xf32, #tpu.memory_space<vmem_shared>>)
      }
      %scan3A_86 = arith.constant 32 : i32
    }
    %scan3A_29 = arith.constant 5 : i32
    %barrier3A_30 = arith.constant 0 : index
    tpu.barrier barrier_id(%barrier3A_30)
    %add3A_31 = arith.constant 0 : i32
    %add3A_32 = arith.addi %mul3A_2, %add3A_31 : i32
    "tpu.region"() ({
      %run_scoped3A = tpu.sem_alloc : memref<!tpu.dma_semaphore, #tpu.memory_space<semaphore_mem>>
      %dma_start3A = arith.constant 0 : i32
      %dma_start3A_71 = arith.constant 0 : i32
      %dma_start3A_72 = tpu.memref_slice %arg7[%dma_start3A, %dma_start3A_71] : memref<64x128xf32, #tpu.memory_space<vmem>> -> memref<64x128xf32, #tpu.memory_space<vmem>>
      %dma_start3A_73 = arith.constant 0 : i32
      %dma_start3A_74 = tpu.memref_slice %arg8[%add3A_32, %dma_start3A_73] : memref<10112x128xf32, #tpu.memory_space<vmem_shared>> -> memref<64x128xf32, #tpu.memory_space<vmem_shared>>
      %dma_start3A_75 = arith.constant 0 : i32
      %dma_start3A_76 = arith.constant 0 : i32
      %dma_start3A_77 = tpu.memref_slice %arg7[%dma_start3A_75, %dma_start3A_76] : memref<64x128xf32, #tpu.memory_space<vmem>> -> memref<64x128xf32, #tpu.memory_space<vmem>>
      %dma_start3A_78 = arith.constant 0 : i32
      %dma_start3A_79 = tpu.memref_slice %arg8[%add3A_32, %dma_start3A_78] : memref<10112x128xf32, #tpu.memory_space<vmem_shared>> -> memref<64x128xf32, #tpu.memory_space<vmem_shared>>
      tpu.enqueue_dma source(%dma_start3A_79 : memref<64x128xf32, #tpu.memory_space<vmem_shared>>) target(%dma_start3A_77 : memref<64x128xf32, #tpu.memory_space<vmem>>) target_semaphore(%run_scoped3A : memref<!tpu.dma_semaphore, #tpu.memory_space<semaphore_mem>>)
      %dma_wait3A = arith.constant 0 : i32
      %dma_wait3A_80 = arith.constant 0 : i32
      %dma_wait3A_81 = tpu.memref_slice %arg7[%dma_wait3A, %dma_wait3A_80] : memref<64x128xf32, #tpu.memory_space<vmem>> -> memref<64x128xf32, #tpu.memory_space<vmem>>
      %dma_wait3A_82 = arith.constant 0 : i32
      %dma_wait3A_83 = tpu.memref_slice %arg8[%add3A_32, %dma_wait3A_82] : memref<10112x128xf32, #tpu.memory_space<vmem_shared>> -> memref<64x128xf32, #tpu.memory_space<vmem_shared>>
      %dma_wait3A_84 = arith.constant 0 : i32
      %dma_wait3A_85 = arith.constant 0 : i32
      %dma_wait3A_86 = tpu.memref_slice %arg7[%dma_wait3A_84, %dma_wait3A_85] : memref<64x128xf32, #tpu.memory_space<vmem>> -> memref<64x128xf32, #tpu.memory_space<vmem>>
      %dma_wait3A_87 = arith.constant 0 : i32
      %dma_wait3A_88 = tpu.memref_slice %arg8[%add3A_32, %dma_wait3A_87] : memref<10112x128xf32, #tpu.memory_space<vmem_shared>> -> memref<64x128xf32, #tpu.memory_space<vmem_shared>>
      tpu.wait_dma2 semaphore(%run_scoped3A : memref<!tpu.dma_semaphore, #tpu.memory_space<semaphore_mem>>) src(%dma_wait3A_88 : memref<64x128xf32, #tpu.memory_space<vmem_shared>>) dst(%dma_wait3A_86 : memref<64x128xf32, #tpu.memory_space<vmem>>)
      tpu.yield
    }) : () -> ()
    %add3A_33 = arith.constant 0 : i32
    %add3A_34 = arith.addi %mul3A_2, %add3A_33 : i32
    "tpu.region"() ({
      %run_scoped3A = tpu.sem_alloc : memref<!tpu.dma_semaphore, #tpu.memory_space<semaphore_mem>>
      %dma_start3A = arith.constant 0 : i32
      %dma_start3A_71 = arith.constant 0 : i32
      %dma_start3A_72 = tpu.memref_slice %arg7[%dma_start3A, %dma_start3A_71] : memref<64x128xf32, #tpu.memory_space<vmem>> -> memref<64x128xf32, #tpu.memory_space<vmem>>
      %dma_start3A_73 = arith.constant 0 : i32
      %dma_start3A_74 = tpu.memref_slice %arg5[%arg0, %add3A_34, %dma_start3A_73] : memref<2x10112x128xf32, #tpu.memory_space<hbm>> -> memref<1x64x128xf32, #tpu.memory_space<hbm>>
      %dma_start3A_75 = tpu.memref_squeeze %dma_start3A_74 : memref<1x64x128xf32, #tpu.memory_space<hbm>> -> memref<64x128xf32, #tpu.memory_space<hbm>>
      %dma_start3A_76 = arith.constant 0 : i32
      %dma_start3A_77 = tpu.memref_slice %arg5[%arg0, %add3A_34, %dma_start3A_76] : memref<2x10112x128xf32, #tpu.memory_space<hbm>> -> memref<1x64x128xf32, #tpu.memory_space<hbm>>
      %dma_start3A_78 = tpu.memref_squeeze %dma_start3A_77 : memref<1x64x128xf32, #tpu.memory_space<hbm>> -> memref<64x128xf32, #tpu.memory_space<hbm>>
      %dma_start3A_79 = arith.constant 0 : i32
      %dma_start3A_80 = arith.constant 0 : i32
      %dma_start3A_81 = tpu.memref_slice %arg7[%dma_start3A_79, %dma_start3A_80] : memref<64x128xf32, #tpu.memory_space<vmem>> -> memref<64x128xf32, #tpu.memory_space<vmem>>
      tpu.enqueue_dma source(%dma_start3A_81 : memref<64x128xf32, #tpu.memory_space<vmem>>) target(%dma_start3A_78 : memref<64x128xf32, #tpu.memory_space<hbm>>) target_semaphore(%run_scoped3A : memref<!tpu.dma_semaphore, #tpu.memory_space<semaphore_mem>>)
      %dma_wait3A = arith.constant 0 : i32
      %dma_wait3A_82 = arith.constant 0 : i32
      %dma_wait3A_83 = tpu.memref_slice %arg7[%dma_wait3A, %dma_wait3A_82] : memref<64x128xf32, #tpu.memory_space<vmem>> -> memref<64x128xf32, #tpu.memory_space<vmem>>
      %dma_wait3A_84 = arith.constant 0 : i32
      %dma_wait3A_85 = tpu.memref_slice %arg5[%arg0, %add3A_34, %dma_wait3A_84] : memref<2x10112x128xf32, #tpu.memory_space<hbm>> -> memref<1x64x128xf32, #tpu.memory_space<hbm>>
      %dma_wait3A_86 = tpu.memref_squeeze %dma_wait3A_85 : memref<1x64x128xf32, #tpu.memory_space<hbm>> -> memref<64x128xf32, #tpu.memory_space<hbm>>
      %dma_wait3A_87 = arith.constant 0 : i32
      %dma_wait3A_88 = tpu.memref_slice %arg5[%arg0, %add3A_34, %dma_wait3A_87] : memref<2x10112x128xf32, #tpu.memory_space<hbm>> -> memref<1x64x128xf32, #tpu.memory_space<hbm>>
      %dma_wait3A_89 = tpu.memref_squeeze %dma_wait3A_88 : memref<1x64x128xf32, #tpu.memory_space<hbm>> -> memref<64x128xf32, #tpu.memory_space<hbm>>
      %dma_wait3A_90 = arith.constant 0 : i32
      %dma_wait3A_91 = arith.constant 0 : i32
      %dma_wait3A_92 = tpu.memref_slice %arg7[%dma_wait3A_90, %dma_wait3A_91] : memref<64x128xf32, #tpu.memory_space<vmem>> -> memref<64x128xf32, #tpu.memory_space<vmem>>
      tpu.wait_dma2 semaphore(%run_scoped3A : memref<!tpu.dma_semaphore, #tpu.memory_space<semaphore_mem>>) src(%dma_wait3A_92 : memref<64x128xf32, #tpu.memory_space<vmem>>) dst(%dma_wait3A_89 : memref<64x128xf32, #tpu.memory_space<hbm>>)
      tpu.yield
    }) : () -> ()
    %add3A_35 = arith.constant 64 : i32
    %add3A_36 = arith.addi %mul3A_2, %add3A_35 : i32
    "tpu.region"() ({
      %run_scoped3A = tpu.sem_alloc : memref<!tpu.dma_semaphore, #tpu.memory_space<semaphore_mem>>
      %dma_start3A = arith.constant 0 : i32
      %dma_start3A_71 = arith.constant 0 : i32
      %dma_start3A_72 = tpu.memref_slice %arg7[%dma_start3A, %dma_start3A_71] : memref<64x128xf32, #tpu.memory_space<vmem>> -> memref<64x128xf32, #tpu.memory_space<vmem>>
      %dma_start3A_73 = arith.constant 0 : i32
      %dma_start3A_74 = tpu.memref_slice %arg8[%add3A_36, %dma_start3A_73] : memref<10112x128xf32, #tpu.memory_space<vmem_shared>> -> memref<64x128xf32, #tpu.memory_space<vmem_shared>>
      %dma_start3A_75 = arith.constant 0 : i32
      %dma_start3A_76 = arith.constant 0 : i32
      %dma_start3A_77 = tpu.memref_slice %arg7[%dma_start3A_75, %dma_start3A_76] : memref<64x128xf32, #tpu.memory_space<vmem>> -> memref<64x128xf32, #tpu.memory_space<vmem>>
      %dma_start3A_78 = arith.constant 0 : i32
      %dma_start3A_79 = tpu.memref_slice %arg8[%add3A_36, %dma_start3A_78] : memref<10112x128xf32, #tpu.memory_space<vmem_shared>> -> memref<64x128xf32, #tpu.memory_space<vmem_shared>>
      tpu.enqueue_dma source(%dma_start3A_79 : memref<64x128xf32, #tpu.memory_space<vmem_shared>>) target(%dma_start3A_77 : memref<64x128xf32, #tpu.memory_space<vmem>>) target_semaphore(%run_scoped3A : memref<!tpu.dma_semaphore, #tpu.memory_space<semaphore_mem>>)
      %dma_wait3A = arith.constant 0 : i32
      %dma_wait3A_80 = arith.constant 0 : i32
      %dma_wait3A_81 = tpu.memref_slice %arg7[%dma_wait3A, %dma_wait3A_80] : memref<64x128xf32, #tpu.memory_space<vmem>> -> memref<64x128xf32, #tpu.memory_space<vmem>>
      %dma_wait3A_82 = arith.constant 0 : i32
      %dma_wait3A_83 = tpu.memref_slice %arg8[%add3A_36, %dma_wait3A_82] : memref<10112x128xf32, #tpu.memory_space<vmem_shared>> -> memref<64x128xf32, #tpu.memory_space<vmem_shared>>
      %dma_wait3A_84 = arith.constant 0 : i32
      %dma_wait3A_85 = arith.constant 0 : i32
      %dma_wait3A_86 = tpu.memref_slice %arg7[%dma_wait3A_84, %dma_wait3A_85] : memref<64x128xf32, #tpu.memory_space<vmem>> -> memref<64x128xf32, #tpu.memory_space<vmem>>
      %dma_wait3A_87 = arith.constant 0 : i32
      %dma_wait3A_88 = tpu.memref_slice %arg8[%add3A_36, %dma_wait3A_87] : memref<10112x128xf32, #tpu.memory_space<vmem_shared>> -> memref<64x128xf32, #tpu.memory_space<vmem_shared>>
      tpu.wait_dma2 semaphore(%run_scoped3A : memref<!tpu.dma_semaphore, #tpu.memory_space<semaphore_mem>>) src(%dma_wait3A_88 : memref<64x128xf32, #tpu.memory_space<vmem_shared>>) dst(%dma_wait3A_86 : memref<64x128xf32, #tpu.memory_space<vmem>>)
      tpu.yield
    }) : () -> ()
    %add3A_37 = arith.constant 64 : i32
    %add3A_38 = arith.addi %mul3A_2, %add3A_37 : i32
    "tpu.region"() ({
      %run_scoped3A = tpu.sem_alloc : memref<!tpu.dma_semaphore, #tpu.memory_space<semaphore_mem>>
      %dma_start3A = arith.constant 0 : i32
      %dma_start3A_71 = arith.constant 0 : i32
      %dma_start3A_72 = tpu.memref_slice %arg7[%dma_start3A, %dma_start3A_71] : memref<64x128xf32, #tpu.memory_space<vmem>> -> memref<64x128xf32, #tpu.memory_space<vmem>>
      %dma_start3A_73 = arith.constant 0 : i32
      %dma_start3A_74 = tpu.memref_slice %arg5[%arg0, %add3A_38, %dma_start3A_73] : memref<2x10112x128xf32, #tpu.memory_space<hbm>> -> memref<1x64x128xf32, #tpu.memory_space<hbm>>
      %dma_start3A_75 = tpu.memref_squeeze %dma_start3A_74 : memref<1x64x128xf32, #tpu.memory_space<hbm>> -> memref<64x128xf32, #tpu.memory_space<hbm>>
      %dma_start3A_76 = arith.constant 0 : i32
      %dma_start3A_77 = tpu.memref_slice %arg5[%arg0, %add3A_38, %dma_start3A_76] : memref<2x10112x128xf32, #tpu.memory_space<hbm>> -> memref<1x64x128xf32, #tpu.memory_space<hbm>>
      %dma_start3A_78 = tpu.memref_squeeze %dma_start3A_77 : memref<1x64x128xf32, #tpu.memory_space<hbm>> -> memref<64x128xf32, #tpu.memory_space<hbm>>
      %dma_start3A_79 = arith.constant 0 : i32
      %dma_start3A_80 = arith.constant 0 : i32
      %dma_start3A_81 = tpu.memref_slice %arg7[%dma_start3A_79, %dma_start3A_80] : memref<64x128xf32, #tpu.memory_space<vmem>> -> memref<64x128xf32, #tpu.memory_space<vmem>>
      tpu.enqueue_dma source(%dma_start3A_81 : memref<64x128xf32, #tpu.memory_space<vmem>>) target(%dma_start3A_78 : memref<64x128xf32, #tpu.memory_space<hbm>>) target_semaphore(%run_scoped3A : memref<!tpu.dma_semaphore, #tpu.memory_space<semaphore_mem>>)
      %dma_wait3A = arith.constant 0 : i32
      %dma_wait3A_82 = arith.constant 0 : i32
      %dma_wait3A_83 = tpu.memref_slice %arg7[%dma_wait3A, %dma_wait3A_82] : memref<64x128xf32, #tpu.memory_space<vmem>> -> memref<64x128xf32, #tpu.memory_space<vmem>>
      %dma_wait3A_84 = arith.constant 0 : i32
      %dma_wait3A_85 = tpu.memref_slice %arg5[%arg0, %add3A_38, %dma_wait3A_84] : memref<2x10112x128xf32, #tpu.memory_space<hbm>> -> memref<1x64x128xf32, #tpu.memory_space<hbm>>
      %dma_wait3A_86 = tpu.memref_squeeze %dma_wait3A_85 : memref<1x64x128xf32, #tpu.memory_space<hbm>> -> memref<64x128xf32, #tpu.memory_space<hbm>>
      %dma_wait3A_87 = arith.constant 0 : i32
      %dma_wait3A_88 = tpu.memref_slice %arg5[%arg0, %add3A_38, %dma_wait3A_87] : memref<2x10112x128xf32, #tpu.memory_space<hbm>> -> memref<1x64x128xf32, #tpu.memory_space<hbm>>
      %dma_wait3A_89 = tpu.memref_squeeze %dma_wait3A_88 : memref<1x64x128xf32, #tpu.memory_space<hbm>> -> memref<64x128xf32, #tpu.memory_space<hbm>>
      %dma_wait3A_90 = arith.constant 0 : i32
      %dma_wait3A_91 = arith.constant 0 : i32
      %dma_wait3A_92 = tpu.memref_slice %arg7[%dma_wait3A_90, %dma_wait3A_91] : memref<64x128xf32, #tpu.memory_space<vmem>> -> memref<64x128xf32, #tpu.memory_space<vmem>>
      tpu.wait_dma2 semaphore(%run_scoped3A : memref<!tpu.dma_semaphore, #tpu.memory_space<semaphore_mem>>) src(%dma_wait3A_92 : memref<64x128xf32, #tpu.memory_space<vmem>>) dst(%dma_wait3A_89 : memref<64x128xf32, #tpu.memory_space<hbm>>)
      tpu.yield
    }) : () -> ()
    %add3A_39 = arith.constant 128 : i32
    %add3A_40 = arith.addi %mul3A_2, %add3A_39 : i32
    "tpu.region"() ({
      %run_scoped3A = tpu.sem_alloc : memref<!tpu.dma_semaphore, #tpu.memory_space<semaphore_mem>>
      %dma_start3A = arith.constant 0 : i32
      %dma_start3A_71 = arith.constant 0 : i32
      %dma_start3A_72 = tpu.memref_slice %arg7[%dma_start3A, %dma_start3A_71] : memref<64x128xf32, #tpu.memory_space<vmem>> -> memref<64x128xf32, #tpu.memory_space<vmem>>
      %dma_start3A_73 = arith.constant 0 : i32
      %dma_start3A_74 = tpu.memref_slice %arg8[%add3A_40, %dma_start3A_73] : memref<10112x128xf32, #tpu.memory_space<vmem_shared>> -> memref<64x128xf32, #tpu.memory_space<vmem_shared>>
      %dma_start3A_75 = arith.constant 0 : i32
      %dma_start3A_76 = arith.constant 0 : i32
      %dma_start3A_77 = tpu.memref_slice %arg7[%dma_start3A_75, %dma_start3A_76] : memref<64x128xf32, #tpu.memory_space<vmem>> -> memref<64x128xf32, #tpu.memory_space<vmem>>
      %dma_start3A_78 = arith.constant 0 : i32
      %dma_start3A_79 = tpu.memref_slice %arg8[%add3A_40, %dma_start3A_78] : memref<10112x128xf32, #tpu.memory_space<vmem_shared>> -> memref<64x128xf32, #tpu.memory_space<vmem_shared>>
      tpu.enqueue_dma source(%dma_start3A_79 : memref<64x128xf32, #tpu.memory_space<vmem_shared>>) target(%dma_start3A_77 : memref<64x128xf32, #tpu.memory_space<vmem>>) target_semaphore(%run_scoped3A : memref<!tpu.dma_semaphore, #tpu.memory_space<semaphore_mem>>)
      %dma_wait3A = arith.constant 0 : i32
      %dma_wait3A_80 = arith.constant 0 : i32
      %dma_wait3A_81 = tpu.memref_slice %arg7[%dma_wait3A, %dma_wait3A_80] : memref<64x128xf32, #tpu.memory_space<vmem>> -> memref<64x128xf32, #tpu.memory_space<vmem>>
      %dma_wait3A_82 = arith.constant 0 : i32
      %dma_wait3A_83 = tpu.memref_slice %arg8[%add3A_40, %dma_wait3A_82] : memref<10112x128xf32, #tpu.memory_space<vmem_shared>> -> memref<64x128xf32, #tpu.memory_space<vmem_shared>>
      %dma_wait3A_84 = arith.constant 0 : i32
      %dma_wait3A_85 = arith.constant 0 : i32
      %dma_wait3A_86 = tpu.memref_slice %arg7[%dma_wait3A_84, %dma_wait3A_85] : memref<64x128xf32, #tpu.memory_space<vmem>> -> memref<64x128xf32, #tpu.memory_space<vmem>>
      %dma_wait3A_87 = arith.constant 0 : i32
      %dma_wait3A_88 = tpu.memref_slice %arg8[%add3A_40, %dma_wait3A_87] : memref<10112x128xf32, #tpu.memory_space<vmem_shared>> -> memref<64x128xf32, #tpu.memory_space<vmem_shared>>
      tpu.wait_dma2 semaphore(%run_scoped3A : memref<!tpu.dma_semaphore, #tpu.memory_space<semaphore_mem>>) src(%dma_wait3A_88 : memref<64x128xf32, #tpu.memory_space<vmem_shared>>) dst(%dma_wait3A_86 : memref<64x128xf32, #tpu.memory_space<vmem>>)
      tpu.yield
    }) : () -> ()
    %add3A_41 = arith.constant 128 : i32
    %add3A_42 = arith.addi %mul3A_2, %add3A_41 : i32
    "tpu.region"() ({
      %run_scoped3A = tpu.sem_alloc : memref<!tpu.dma_semaphore, #tpu.memory_space<semaphore_mem>>
      %dma_start3A = arith.constant 0 : i32
      %dma_start3A_71 = arith.constant 0 : i32
      %dma_start3A_72 = tpu.memref_slice %arg7[%dma_start3A, %dma_start3A_71] : memref<64x128xf32, #tpu.memory_space<vmem>> -> memref<64x128xf32, #tpu.memory_space<vmem>>
      %dma_start3A_73 = arith.constant 0 : i32
      %dma_start3A_74 = tpu.memref_slice %arg5[%arg0, %add3A_42, %dma_start3A_73] : memref<2x10112x128xf32, #tpu.memory_space<hbm>> -> memref<1x64x128xf32, #tpu.memory_space<hbm>>
      %dma_start3A_75 = tpu.memref_squeeze %dma_start3A_74 : memref<1x64x128xf32, #tpu.memory_space<hbm>> -> memref<64x128xf32, #tpu.memory_space<hbm>>
      %dma_start3A_76 = arith.constant 0 : i32
      %dma_start3A_77 = tpu.memref_slice %arg5[%arg0, %add3A_42, %dma_start3A_76] : memref<2x10112x128xf32, #tpu.memory_space<hbm>> -> memref<1x64x128xf32, #tpu.memory_space<hbm>>
      %dma_start3A_78 = tpu.memref_squeeze %dma_start3A_77 : memref<1x64x128xf32, #tpu.memory_space<hbm>> -> memref<64x128xf32, #tpu.memory_space<hbm>>
      %dma_start3A_79 = arith.constant 0 : i32
      %dma_start3A_80 = arith.constant 0 : i32
      %dma_start3A_81 = tpu.memref_slice %arg7[%dma_start3A_79, %dma_start3A_80] : memref<64x128xf32, #tpu.memory_space<vmem>> -> memref<64x128xf32, #tpu.memory_space<vmem>>
      tpu.enqueue_dma source(%dma_start3A_81 : memref<64x128xf32, #tpu.memory_space<vmem>>) target(%dma_start3A_78 : memref<64x128xf32, #tpu.memory_space<hbm>>) target_semaphore(%run_scoped3A : memref<!tpu.dma_semaphore, #tpu.memory_space<semaphore_mem>>)
      %dma_wait3A = arith.constant 0 : i32
      %dma_wait3A_82 = arith.constant 0 : i32
      %dma_wait3A_83 = tpu.memref_slice %arg7[%dma_wait3A, %dma_wait3A_82] : memref<64x128xf32, #tpu.memory_space<vmem>> -> memref<64x128xf32, #tpu.memory_space<vmem>>
      %dma_wait3A_84 = arith.constant 0 : i32
      %dma_wait3A_85 = tpu.memref_slice %arg5[%arg0, %add3A_42, %dma_wait3A_84] : memref<2x10112x128xf32, #tpu.memory_space<hbm>> -> memref<1x64x128xf32, #tpu.memory_space<hbm>>
      %dma_wait3A_86 = tpu.memref_squeeze %dma_wait3A_85 : memref<1x64x128xf32, #tpu.memory_space<hbm>> -> memref<64x128xf32, #tpu.memory_space<hbm>>
      %dma_wait3A_87 = arith.constant 0 : i32
      %dma_wait3A_88 = tpu.memref_slice %arg5[%arg0, %add3A_42, %dma_wait3A_87] : memref<2x10112x128xf32, #tpu.memory_space<hbm>> -> memref<1x64x128xf32, #tpu.memory_space<hbm>>
      %dma_wait3A_89 = tpu.memref_squeeze %dma_wait3A_88 : memref<1x64x128xf32, #tpu.memory_space<hbm>> -> memref<64x128xf32, #tpu.memory_space<hbm>>
      %dma_wait3A_90 = arith.constant 0 : i32
      %dma_wait3A_91 = arith.constant 0 : i32
      %dma_wait3A_92 = tpu.memref_slice %arg7[%dma_wait3A_90, %dma_wait3A_91] : memref<64x128xf32, #tpu.memory_space<vmem>> -> memref<64x128xf32, #tpu.memory_space<vmem>>
      tpu.wait_dma2 semaphore(%run_scoped3A : memref<!tpu.dma_semaphore, #tpu.memory_space<semaphore_mem>>) src(%dma_wait3A_92 : memref<64x128xf32, #tpu.memory_space<vmem>>) dst(%dma_wait3A_89 : memref<64x128xf32, #tpu.memory_space<hbm>>)
      tpu.yield
    }) : () -> ()
    %add3A_43 = arith.constant 192 : i32
    %add3A_44 = arith.addi %mul3A_2, %add3A_43 : i32
    "tpu.region"() ({
      %run_scoped3A = tpu.sem_alloc : memref<!tpu.dma_semaphore, #tpu.memory_space<semaphore_mem>>
      %dma_start3A = arith.constant 0 : i32
      %dma_start3A_71 = arith.constant 0 : i32
      %dma_start3A_72 = tpu.memref_slice %arg7[%dma_start3A, %dma_start3A_71] : memref<64x128xf32, #tpu.memory_space<vmem>> -> memref<64x128xf32, #tpu.memory_space<vmem>>
      %dma_start3A_73 = arith.constant 0 : i32
      %dma_start3A_74 = tpu.memref_slice %arg8[%add3A_44, %dma_start3A_73] : memref<10112x128xf32, #tpu.memory_space<vmem_shared>> -> memref<64x128xf32, #tpu.memory_space<vmem_shared>>
      %dma_start3A_75 = arith.constant 0 : i32
      %dma_start3A_76 = arith.constant 0 : i32
      %dma_start3A_77 = tpu.memref_slice %arg7[%dma_start3A_75, %dma_start3A_76] : memref<64x128xf32, #tpu.memory_space<vmem>> -> memref<64x128xf32, #tpu.memory_space<vmem>>
      %dma_start3A_78 = arith.constant 0 : i32
      %dma_start3A_79 = tpu.memref_slice %arg8[%add3A_44, %dma_start3A_78] : memref<10112x128xf32, #tpu.memory_space<vmem_shared>> -> memref<64x128xf32, #tpu.memory_space<vmem_shared>>
      tpu.enqueue_dma source(%dma_start3A_79 : memref<64x128xf32, #tpu.memory_space<vmem_shared>>) target(%dma_start3A_77 : memref<64x128xf32, #tpu.memory_space<vmem>>) target_semaphore(%run_scoped3A : memref<!tpu.dma_semaphore, #tpu.memory_space<semaphore_mem>>)
      %dma_wait3A = arith.constant 0 : i32
      %dma_wait3A_80 = arith.constant 0 : i32
      %dma_wait3A_81 = tpu.memref_slice %arg7[%dma_wait3A, %dma_wait3A_80] : memref<64x128xf32, #tpu.memory_space<vmem>> -> memref<64x128xf32, #tpu.memory_space<vmem>>
      %dma_wait3A_82 = arith.constant 0 : i32
      %dma_wait3A_83 = tpu.memref_slice %arg8[%add3A_44, %dma_wait3A_82] : memref<10112x128xf32, #tpu.memory_space<vmem_shared>> -> memref<64x128xf32, #tpu.memory_space<vmem_shared>>
      %dma_wait3A_84 = arith.constant 0 : i32
      %dma_wait3A_85 = arith.constant 0 : i32
      %dma_wait3A_86 = tpu.memref_slice %arg7[%dma_wait3A_84, %dma_wait3A_85] : memref<64x128xf32, #tpu.memory_space<vmem>> -> memref<64x128xf32, #tpu.memory_space<vmem>>
      %dma_wait3A_87 = arith.constant 0 : i32
      %dma_wait3A_88 = tpu.memref_slice %arg8[%add3A_44, %dma_wait3A_87] : memref<10112x128xf32, #tpu.memory_space<vmem_shared>> -> memref<64x128xf32, #tpu.memory_space<vmem_shared>>
      tpu.wait_dma2 semaphore(%run_scoped3A : memref<!tpu.dma_semaphore, #tpu.memory_space<semaphore_mem>>) src(%dma_wait3A_88 : memref<64x128xf32, #tpu.memory_space<vmem_shared>>) dst(%dma_wait3A_86 : memref<64x128xf32, #tpu.memory_space<vmem>>)
      tpu.yield
    }) : () -> ()
    %add3A_45 = arith.constant 192 : i32
    %add3A_46 = arith.addi %mul3A_2, %add3A_45 : i32
    "tpu.region"() ({
      %run_scoped3A = tpu.sem_alloc : memref<!tpu.dma_semaphore, #tpu.memory_space<semaphore_mem>>
      %dma_start3A = arith.constant 0 : i32
      %dma_start3A_71 = arith.constant 0 : i32
      %dma_start3A_72 = tpu.memref_slice %arg7[%dma_start3A, %dma_start3A_71] : memref<64x128xf32, #tpu.memory_space<vmem>> -> memref<64x128xf32, #tpu.memory_space<vmem>>
      %dma_start3A_73 = arith.constant 0 : i32
      %dma_start3A_74 = tpu.memref_slice %arg5[%arg0, %add3A_46, %dma_start3A_73] : memref<2x10112x128xf32, #tpu.memory_space<hbm>> -> memref<1x64x128xf32, #tpu.memory_space<hbm>>
      %dma_start3A_75 = tpu.memref_squeeze %dma_start3A_74 : memref<1x64x128xf32, #tpu.memory_space<hbm>> -> memref<64x128xf32, #tpu.memory_space<hbm>>
      %dma_start3A_76 = arith.constant 0 : i32
      %dma_start3A_77 = tpu.memref_slice %arg5[%arg0, %add3A_46, %dma_start3A_76] : memref<2x10112x128xf32, #tpu.memory_space<hbm>> -> memref<1x64x128xf32, #tpu.memory_space<hbm>>
      %dma_start3A_78 = tpu.memref_squeeze %dma_start3A_77 : memref<1x64x128xf32, #tpu.memory_space<hbm>> -> memref<64x128xf32, #tpu.memory_space<hbm>>
      %dma_start3A_79 = arith.constant 0 : i32
      %dma_start3A_80 = arith.constant 0 : i32
      %dma_start3A_81 = tpu.memref_slice %arg7[%dma_start3A_79, %dma_start3A_80] : memref<64x128xf32, #tpu.memory_space<vmem>> -> memref<64x128xf32, #tpu.memory_space<vmem>>
      tpu.enqueue_dma source(%dma_start3A_81 : memref<64x128xf32, #tpu.memory_space<vmem>>) target(%dma_start3A_78 : memref<64x128xf32, #tpu.memory_space<hbm>>) target_semaphore(%run_scoped3A : memref<!tpu.dma_semaphore, #tpu.memory_space<semaphore_mem>>)
      %dma_wait3A = arith.constant 0 : i32
      %dma_wait3A_82 = arith.constant 0 : i32
      %dma_wait3A_83 = tpu.memref_slice %arg7[%dma_wait3A, %dma_wait3A_82] : memref<64x128xf32, #tpu.memory_space<vmem>> -> memref<64x128xf32, #tpu.memory_space<vmem>>
      %dma_wait3A_84 = arith.constant 0 : i32
      %dma_wait3A_85 = tpu.memref_slice %arg5[%arg0, %add3A_46, %dma_wait3A_84] : memref<2x10112x128xf32, #tpu.memory_space<hbm>> -> memref<1x64x128xf32, #tpu.memory_space<hbm>>
      %dma_wait3A_86 = tpu.memref_squeeze %dma_wait3A_85 : memref<1x64x128xf32, #tpu.memory_space<hbm>> -> memref<64x128xf32, #tpu.memory_space<hbm>>
      %dma_wait3A_87 = arith.constant 0 : i32
      %dma_wait3A_88 = tpu.memref_slice %arg5[%arg0, %add3A_46, %dma_wait3A_87] : memref<2x10112x128xf32, #tpu.memory_space<hbm>> -> memref<1x64x128xf32, #tpu.memory_space<hbm>>
      %dma_wait3A_89 = tpu.memref_squeeze %dma_wait3A_88 : memref<1x64x128xf32, #tpu.memory_space<hbm>> -> memref<64x128xf32, #tpu.memory_space<hbm>>
      %dma_wait3A_90 = arith.constant 0 : i32
      %dma_wait3A_91 = arith.constant 0 : i32
      %dma_wait3A_92 = tpu.memref_slice %arg7[%dma_wait3A_90, %dma_wait3A_91] : memref<64x128xf32, #tpu.memory_space<vmem>> -> memref<64x128xf32, #tpu.memory_space<vmem>>
      tpu.wait_dma2 semaphore(%run_scoped3A : memref<!tpu.dma_semaphore, #tpu.memory_space<semaphore_mem>>) src(%dma_wait3A_92 : memref<64x128xf32, #tpu.memory_space<vmem>>) dst(%dma_wait3A_89 : memref<64x128xf32, #tpu.memory_space<hbm>>)
      tpu.yield
    }) : () -> ()
    %add3A_47 = arith.constant 256 : i32
    %add3A_48 = arith.addi %mul3A_2, %add3A_47 : i32
    "tpu.region"() ({
      %run_scoped3A = tpu.sem_alloc : memref<!tpu.dma_semaphore, #tpu.memory_space<semaphore_mem>>
      %dma_start3A = arith.constant 0 : i32
      %dma_start3A_71 = arith.constant 0 : i32
      %dma_start3A_72 = tpu.memref_slice %arg7[%dma_start3A, %dma_start3A_71] : memref<64x128xf32, #tpu.memory_space<vmem>> -> memref<64x128xf32, #tpu.memory_space<vmem>>
      %dma_start3A_73 = arith.constant 0 : i32
      %dma_start3A_74 = tpu.memref_slice %arg8[%add3A_48, %dma_start3A_73] : memref<10112x128xf32, #tpu.memory_space<vmem_shared>> -> memref<64x128xf32, #tpu.memory_space<vmem_shared>>
      %dma_start3A_75 = arith.constant 0 : i32
      %dma_start3A_76 = arith.constant 0 : i32
      %dma_start3A_77 = tpu.memref_slice %arg7[%dma_start3A_75, %dma_start3A_76] : memref<64x128xf32, #tpu.memory_space<vmem>> -> memref<64x128xf32, #tpu.memory_space<vmem>>
      %dma_start3A_78 = arith.constant 0 : i32
      %dma_start3A_79 = tpu.memref_slice %arg8[%add3A_48, %dma_start3A_78] : memref<10112x128xf32, #tpu.memory_space<vmem_shared>> -> memref<64x128xf32, #tpu.memory_space<vmem_shared>>
      tpu.enqueue_dma source(%dma_start3A_79 : memref<64x128xf32, #tpu.memory_space<vmem_shared>>) target(%dma_start3A_77 : memref<64x128xf32, #tpu.memory_space<vmem>>) target_semaphore(%run_scoped3A : memref<!tpu.dma_semaphore, #tpu.memory_space<semaphore_mem>>)
      %dma_wait3A = arith.constant 0 : i32
      %dma_wait3A_80 = arith.constant 0 : i32
      %dma_wait3A_81 = tpu.memref_slice %arg7[%dma_wait3A, %dma_wait3A_80] : memref<64x128xf32, #tpu.memory_space<vmem>> -> memref<64x128xf32, #tpu.memory_space<vmem>>
      %dma_wait3A_82 = arith.constant 0 : i32
      %dma_wait3A_83 = tpu.memref_slice %arg8[%add3A_48, %dma_wait3A_82] : memref<10112x128xf32, #tpu.memory_space<vmem_shared>> -> memref<64x128xf32, #tpu.memory_space<vmem_shared>>
      %dma_wait3A_84 = arith.constant 0 : i32
      %dma_wait3A_85 = arith.constant 0 : i32
      %dma_wait3A_86 = tpu.memref_slice %arg7[%dma_wait3A_84, %dma_wait3A_85] : memref<64x128xf32, #tpu.memory_space<vmem>> -> memref<64x128xf32, #tpu.memory_space<vmem>>
      %dma_wait3A_87 = arith.constant 0 : i32
      %dma_wait3A_88 = tpu.memref_slice %arg8[%add3A_48, %dma_wait3A_87] : memref<10112x128xf32, #tpu.memory_space<vmem_shared>> -> memref<64x128xf32, #tpu.memory_space<vmem_shared>>
      tpu.wait_dma2 semaphore(%run_scoped3A : memref<!tpu.dma_semaphore, #tpu.memory_space<semaphore_mem>>) src(%dma_wait3A_88 : memref<64x128xf32, #tpu.memory_space<vmem_shared>>) dst(%dma_wait3A_86 : memref<64x128xf32, #tpu.memory_space<vmem>>)
      tpu.yield
    }) : () -> ()
    %add3A_49 = arith.constant 256 : i32
    %add3A_50 = arith.addi %mul3A_2, %add3A_49 : i32
    "tpu.region"() ({
      %run_scoped3A = tpu.sem_alloc : memref<!tpu.dma_semaphore, #tpu.memory_space<semaphore_mem>>
      %dma_start3A = arith.constant 0 : i32
      %dma_start3A_71 = arith.constant 0 : i32
      %dma_start3A_72 = tpu.memref_slice %arg7[%dma_start3A, %dma_start3A_71] : memref<64x128xf32, #tpu.memory_space<vmem>> -> memref<64x128xf32, #tpu.memory_space<vmem>>
      %dma_start3A_73 = arith.constant 0 : i32
      %dma_start3A_74 = tpu.memref_slice %arg5[%arg0, %add3A_50, %dma_start3A_73] : memref<2x10112x128xf32, #tpu.memory_space<hbm>> -> memref<1x64x128xf32, #tpu.memory_space<hbm>>
      %dma_start3A_75 = tpu.memref_squeeze %dma_start3A_74 : memref<1x64x128xf32, #tpu.memory_space<hbm>> -> memref<64x128xf32, #tpu.memory_space<hbm>>
      %dma_start3A_76 = arith.constant 0 : i32
      %dma_start3A_77 = tpu.memref_slice %arg5[%arg0, %add3A_50, %dma_start3A_76] : memref<2x10112x128xf32, #tpu.memory_space<hbm>> -> memref<1x64x128xf32, #tpu.memory_space<hbm>>
      %dma_start3A_78 = tpu.memref_squeeze %dma_start3A_77 : memref<1x64x128xf32, #tpu.memory_space<hbm>> -> memref<64x128xf32, #tpu.memory_space<hbm>>
      %dma_start3A_79 = arith.constant 0 : i32
      %dma_start3A_80 = arith.constant 0 : i32
      %dma_start3A_81 = tpu.memref_slice %arg7[%dma_start3A_79, %dma_start3A_80] : memref<64x128xf32, #tpu.memory_space<vmem>> -> memref<64x128xf32, #tpu.memory_space<vmem>>
      tpu.enqueue_dma source(%dma_start3A_81 : memref<64x128xf32, #tpu.memory_space<vmem>>) target(%dma_start3A_78 : memref<64x128xf32, #tpu.memory_space<hbm>>) target_semaphore(%run_scoped3A : memref<!tpu.dma_semaphore, #tpu.memory_space<semaphore_mem>>)
      %dma_wait3A = arith.constant 0 : i32
      %dma_wait3A_82 = arith.constant 0 : i32
      %dma_wait3A_83 = tpu.memref_slice %arg7[%dma_wait3A, %dma_wait3A_82] : memref<64x128xf32, #tpu.memory_space<vmem>> -> memref<64x128xf32, #tpu.memory_space<vmem>>
      %dma_wait3A_84 = arith.constant 0 : i32
      %dma_wait3A_85 = tpu.memref_slice %arg5[%arg0, %add3A_50, %dma_wait3A_84] : memref<2x10112x128xf32, #tpu.memory_space<hbm>> -> memref<1x64x128xf32, #tpu.memory_space<hbm>>
      %dma_wait3A_86 = tpu.memref_squeeze %dma_wait3A_85 : memref<1x64x128xf32, #tpu.memory_space<hbm>> -> memref<64x128xf32, #tpu.memory_space<hbm>>
      %dma_wait3A_87 = arith.constant 0 : i32
      %dma_wait3A_88 = tpu.memref_slice %arg5[%arg0, %add3A_50, %dma_wait3A_87] : memref<2x10112x128xf32, #tpu.memory_space<hbm>> -> memref<1x64x128xf32, #tpu.memory_space<hbm>>
      %dma_wait3A_89 = tpu.memref_squeeze %dma_wait3A_88 : memref<1x64x128xf32, #tpu.memory_space<hbm>> -> memref<64x128xf32, #tpu.memory_space<hbm>>
      %dma_wait3A_90 = arith.constant 0 : i32
      %dma_wait3A_91 = arith.constant 0 : i32
      %dma_wait3A_92 = tpu.memref_slice %arg7[%dma_wait3A_90, %dma_wait3A_91] : memref<64x128xf32, #tpu.memory_space<vmem>> -> memref<64x128xf32, #tpu.memory_space<vmem>>
      tpu.wait_dma2 semaphore(%run_scoped3A : memref<!tpu.dma_semaphore, #tpu.memory_space<semaphore_mem>>) src(%dma_wait3A_92 : memref<64x128xf32, #tpu.memory_space<vmem>>) dst(%dma_wait3A_89 : memref<64x128xf32, #tpu.memory_space<hbm>>)
      tpu.yield
    }) : () -> ()
    %add3A_51 = arith.constant 320 : i32
    %add3A_52 = arith.addi %mul3A_2, %add3A_51 : i32
    "tpu.region"() ({
      %run_scoped3A = tpu.sem_alloc : memref<!tpu.dma_semaphore, #tpu.memory_space<semaphore_mem>>
      %dma_start3A = arith.constant 0 : i32
      %dma_start3A_71 = arith.constant 0 : i32
      %dma_start3A_72 = tpu.memref_slice %arg7[%dma_start3A, %dma_start3A_71] : memref<64x128xf32, #tpu.memory_space<vmem>> -> memref<64x128xf32, #tpu.memory_space<vmem>>
      %dma_start3A_73 = arith.constant 0 : i32
      %dma_start3A_74 = tpu.memref_slice %arg8[%add3A_52, %dma_start3A_73] : memref<10112x128xf32, #tpu.memory_space<vmem_shared>> -> memref<64x128xf32, #tpu.memory_space<vmem_shared>>
      %dma_start3A_75 = arith.constant 0 : i32
      %dma_start3A_76 = arith.constant 0 : i32
      %dma_start3A_77 = tpu.memref_slice %arg7[%dma_start3A_75, %dma_start3A_76] : memref<64x128xf32, #tpu.memory_space<vmem>> -> memref<64x128xf32, #tpu.memory_space<vmem>>
      %dma_start3A_78 = arith.constant 0 : i32
      %dma_start3A_79 = tpu.memref_slice %arg8[%add3A_52, %dma_start3A_78] : memref<10112x128xf32, #tpu.memory_space<vmem_shared>> -> memref<64x128xf32, #tpu.memory_space<vmem_shared>>
      tpu.enqueue_dma source(%dma_start3A_79 : memref<64x128xf32, #tpu.memory_space<vmem_shared>>) target(%dma_start3A_77 : memref<64x128xf32, #tpu.memory_space<vmem>>) target_semaphore(%run_scoped3A : memref<!tpu.dma_semaphore, #tpu.memory_space<semaphore_mem>>)
      %dma_wait3A = arith.constant 0 : i32
      %dma_wait3A_80 = arith.constant 0 : i32
      %dma_wait3A_81 = tpu.memref_slice %arg7[%dma_wait3A, %dma_wait3A_80] : memref<64x128xf32, #tpu.memory_space<vmem>> -> memref<64x128xf32, #tpu.memory_space<vmem>>
      %dma_wait3A_82 = arith.constant 0 : i32
      %dma_wait3A_83 = tpu.memref_slice %arg8[%add3A_52, %dma_wait3A_82] : memref<10112x128xf32, #tpu.memory_space<vmem_shared>> -> memref<64x128xf32, #tpu.memory_space<vmem_shared>>
      %dma_wait3A_84 = arith.constant 0 : i32
      %dma_wait3A_85 = arith.constant 0 : i32
      %dma_wait3A_86 = tpu.memref_slice %arg7[%dma_wait3A_84, %dma_wait3A_85] : memref<64x128xf32, #tpu.memory_space<vmem>> -> memref<64x128xf32, #tpu.memory_space<vmem>>
      %dma_wait3A_87 = arith.constant 0 : i32
      %dma_wait3A_88 = tpu.memref_slice %arg8[%add3A_52, %dma_wait3A_87] : memref<10112x128xf32, #tpu.memory_space<vmem_shared>> -> memref<64x128xf32, #tpu.memory_space<vmem_shared>>
      tpu.wait_dma2 semaphore(%run_scoped3A : memref<!tpu.dma_semaphore, #tpu.memory_space<semaphore_mem>>) src(%dma_wait3A_88 : memref<64x128xf32, #tpu.memory_space<vmem_shared>>) dst(%dma_wait3A_86 : memref<64x128xf32, #tpu.memory_space<vmem>>)
      tpu.yield
    }) : () -> ()
    %add3A_53 = arith.constant 320 : i32
    %add3A_54 = arith.addi %mul3A_2, %add3A_53 : i32
    "tpu.region"() ({
      %run_scoped3A = tpu.sem_alloc : memref<!tpu.dma_semaphore, #tpu.memory_space<semaphore_mem>>
      %dma_start3A = arith.constant 0 : i32
      %dma_start3A_71 = arith.constant 0 : i32
      %dma_start3A_72 = tpu.memref_slice %arg7[%dma_start3A, %dma_start3A_71] : memref<64x128xf32, #tpu.memory_space<vmem>> -> memref<64x128xf32, #tpu.memory_space<vmem>>
      %dma_start3A_73 = arith.constant 0 : i32
      %dma_start3A_74 = tpu.memref_slice %arg5[%arg0, %add3A_54, %dma_start3A_73] : memref<2x10112x128xf32, #tpu.memory_space<hbm>> -> memref<1x64x128xf32, #tpu.memory_space<hbm>>
      %dma_start3A_75 = tpu.memref_squeeze %dma_start3A_74 : memref<1x64x128xf32, #tpu.memory_space<hbm>> -> memref<64x128xf32, #tpu.memory_space<hbm>>
      %dma_start3A_76 = arith.constant 0 : i32
      %dma_start3A_77 = tpu.memref_slice %arg5[%arg0, %add3A_54, %dma_start3A_76] : memref<2x10112x128xf32, #tpu.memory_space<hbm>> -> memref<1x64x128xf32, #tpu.memory_space<hbm>>
      %dma_start3A_78 = tpu.memref_squeeze %dma_start3A_77 : memref<1x64x128xf32, #tpu.memory_space<hbm>> -> memref<64x128xf32, #tpu.memory_space<hbm>>
      %dma_start3A_79 = arith.constant 0 : i32
      %dma_start3A_80 = arith.constant 0 : i32
      %dma_start3A_81 = tpu.memref_slice %arg7[%dma_start3A_79, %dma_start3A_80] : memref<64x128xf32, #tpu.memory_space<vmem>> -> memref<64x128xf32, #tpu.memory_space<vmem>>
      tpu.enqueue_dma source(%dma_start3A_81 : memref<64x128xf32, #tpu.memory_space<vmem>>) target(%dma_start3A_78 : memref<64x128xf32, #tpu.memory_space<hbm>>) target_semaphore(%run_scoped3A : memref<!tpu.dma_semaphore, #tpu.memory_space<semaphore_mem>>)
      %dma_wait3A = arith.constant 0 : i32
      %dma_wait3A_82 = arith.constant 0 : i32
      %dma_wait3A_83 = tpu.memref_slice %arg7[%dma_wait3A, %dma_wait3A_82] : memref<64x128xf32, #tpu.memory_space<vmem>> -> memref<64x128xf32, #tpu.memory_space<vmem>>
      %dma_wait3A_84 = arith.constant 0 : i32
      %dma_wait3A_85 = tpu.memref_slice %arg5[%arg0, %add3A_54, %dma_wait3A_84] : memref<2x10112x128xf32, #tpu.memory_space<hbm>> -> memref<1x64x128xf32, #tpu.memory_space<hbm>>
      %dma_wait3A_86 = tpu.memref_squeeze %dma_wait3A_85 : memref<1x64x128xf32, #tpu.memory_space<hbm>> -> memref<64x128xf32, #tpu.memory_space<hbm>>
      %dma_wait3A_87 = arith.constant 0 : i32
      %dma_wait3A_88 = tpu.memref_slice %arg5[%arg0, %add3A_54, %dma_wait3A_87] : memref<2x10112x128xf32, #tpu.memory_space<hbm>> -> memref<1x64x128xf32, #tpu.memory_space<hbm>>
      %dma_wait3A_89 = tpu.memref_squeeze %dma_wait3A_88 : memref<1x64x128xf32, #tpu.memory_space<hbm>> -> memref<64x128xf32, #tpu.memory_space<hbm>>
      %dma_wait3A_90 = arith.constant 0 : i32
      %dma_wait3A_91 = arith.constant 0 : i32
      %dma_wait3A_92 = tpu.memref_slice %arg7[%dma_wait3A_90, %dma_wait3A_91] : memref<64x128xf32, #tpu.memory_space<vmem>> -> memref<64x128xf32, #tpu.memory_space<vmem>>
      tpu.wait_dma2 semaphore(%run_scoped3A : memref<!tpu.dma_semaphore, #tpu.memory_space<semaphore_mem>>) src(%dma_wait3A_92 : memref<64x128xf32, #tpu.memory_space<vmem>>) dst(%dma_wait3A_89 : memref<64x128xf32, #tpu.memory_space<hbm>>)
      tpu.yield
    }) : () -> ()
    %add3A_55 = arith.constant 384 : i32
    %add3A_56 = arith.addi %mul3A_2, %add3A_55 : i32
    "tpu.region"() ({
      %run_scoped3A = tpu.sem_alloc : memref<!tpu.dma_semaphore, #tpu.memory_space<semaphore_mem>>
      %dma_start3A = arith.constant 0 : i32
      %dma_start3A_71 = arith.constant 0 : i32
      %dma_start3A_72 = tpu.memref_slice %arg7[%dma_start3A, %dma_start3A_71] : memref<64x128xf32, #tpu.memory_space<vmem>> -> memref<64x128xf32, #tpu.memory_space<vmem>>
      %dma_start3A_73 = arith.constant 0 : i32
      %dma_start3A_74 = tpu.memref_slice %arg8[%add3A_56, %dma_start3A_73] : memref<10112x128xf32, #tpu.memory_space<vmem_shared>> -> memref<64x128xf32, #tpu.memory_space<vmem_shared>>
      %dma_start3A_75 = arith.constant 0 : i32
      %dma_start3A_76 = arith.constant 0 : i32
      %dma_start3A_77 = tpu.memref_slice %arg7[%dma_start3A_75, %dma_start3A_76] : memref<64x128xf32, #tpu.memory_space<vmem>> -> memref<64x128xf32, #tpu.memory_space<vmem>>
      %dma_start3A_78 = arith.constant 0 : i32
      %dma_start3A_79 = tpu.memref_slice %arg8[%add3A_56, %dma_start3A_78] : memref<10112x128xf32, #tpu.memory_space<vmem_shared>> -> memref<64x128xf32, #tpu.memory_space<vmem_shared>>
      tpu.enqueue_dma source(%dma_start3A_79 : memref<64x128xf32, #tpu.memory_space<vmem_shared>>) target(%dma_start3A_77 : memref<64x128xf32, #tpu.memory_space<vmem>>) target_semaphore(%run_scoped3A : memref<!tpu.dma_semaphore, #tpu.memory_space<semaphore_mem>>)
      %dma_wait3A = arith.constant 0 : i32
      %dma_wait3A_80 = arith.constant 0 : i32
      %dma_wait3A_81 = tpu.memref_slice %arg7[%dma_wait3A, %dma_wait3A_80] : memref<64x128xf32, #tpu.memory_space<vmem>> -> memref<64x128xf32, #tpu.memory_space<vmem>>
      %dma_wait3A_82 = arith.constant 0 : i32
      %dma_wait3A_83 = tpu.memref_slice %arg8[%add3A_56, %dma_wait3A_82] : memref<10112x128xf32, #tpu.memory_space<vmem_shared>> -> memref<64x128xf32, #tpu.memory_space<vmem_shared>>
      %dma_wait3A_84 = arith.constant 0 : i32
      %dma_wait3A_85 = arith.constant 0 : i32
      %dma_wait3A_86 = tpu.memref_slice %arg7[%dma_wait3A_84, %dma_wait3A_85] : memref<64x128xf32, #tpu.memory_space<vmem>> -> memref<64x128xf32, #tpu.memory_space<vmem>>
      %dma_wait3A_87 = arith.constant 0 : i32
      %dma_wait3A_88 = tpu.memref_slice %arg8[%add3A_56, %dma_wait3A_87] : memref<10112x128xf32, #tpu.memory_space<vmem_shared>> -> memref<64x128xf32, #tpu.memory_space<vmem_shared>>
      tpu.wait_dma2 semaphore(%run_scoped3A : memref<!tpu.dma_semaphore, #tpu.memory_space<semaphore_mem>>) src(%dma_wait3A_88 : memref<64x128xf32, #tpu.memory_space<vmem_shared>>) dst(%dma_wait3A_86 : memref<64x128xf32, #tpu.memory_space<vmem>>)
      tpu.yield
    }) : () -> ()
    %add3A_57 = arith.constant 384 : i32
    %add3A_58 = arith.addi %mul3A_2, %add3A_57 : i32
    "tpu.region"() ({
      %run_scoped3A = tpu.sem_alloc : memref<!tpu.dma_semaphore, #tpu.memory_space<semaphore_mem>>
      %dma_start3A = arith.constant 0 : i32
      %dma_start3A_71 = arith.constant 0 : i32
      %dma_start3A_72 = tpu.memref_slice %arg7[%dma_start3A, %dma_start3A_71] : memref<64x128xf32, #tpu.memory_space<vmem>> -> memref<64x128xf32, #tpu.memory_space<vmem>>
      %dma_start3A_73 = arith.constant 0 : i32
      %dma_start3A_74 = tpu.memref_slice %arg5[%arg0, %add3A_58, %dma_start3A_73] : memref<2x10112x128xf32, #tpu.memory_space<hbm>> -> memref<1x64x128xf32, #tpu.memory_space<hbm>>
      %dma_start3A_75 = tpu.memref_squeeze %dma_start3A_74 : memref<1x64x128xf32, #tpu.memory_space<hbm>> -> memref<64x128xf32, #tpu.memory_space<hbm>>
      %dma_start3A_76 = arith.constant 0 : i32
      %dma_start3A_77 = tpu.memref_slice %arg5[%arg0, %add3A_58, %dma_start3A_76] : memref<2x10112x128xf32, #tpu.memory_space<hbm>> -> memref<1x64x128xf32, #tpu.memory_space<hbm>>
      %dma_start3A_78 = tpu.memref_squeeze %dma_start3A_77 : memref<1x64x128xf32, #tpu.memory_space<hbm>> -> memref<64x128xf32, #tpu.memory_space<hbm>>
      %dma_start3A_79 = arith.constant 0 : i32
      %dma_start3A_80 = arith.constant 0 : i32
      %dma_start3A_81 = tpu.memref_slice %arg7[%dma_start3A_79, %dma_start3A_80] : memref<64x128xf32, #tpu.memory_space<vmem>> -> memref<64x128xf32, #tpu.memory_space<vmem>>
      tpu.enqueue_dma source(%dma_start3A_81 : memref<64x128xf32, #tpu.memory_space<vmem>>) target(%dma_start3A_78 : memref<64x128xf32, #tpu.memory_space<hbm>>) target_semaphore(%run_scoped3A : memref<!tpu.dma_semaphore, #tpu.memory_space<semaphore_mem>>)
      %dma_wait3A = arith.constant 0 : i32
      %dma_wait3A_82 = arith.constant 0 : i32
      %dma_wait3A_83 = tpu.memref_slice %arg7[%dma_wait3A, %dma_wait3A_82] : memref<64x128xf32, #tpu.memory_space<vmem>> -> memref<64x128xf32, #tpu.memory_space<vmem>>
      %dma_wait3A_84 = arith.constant 0 : i32
      %dma_wait3A_85 = tpu.memref_slice %arg5[%arg0, %add3A_58, %dma_wait3A_84] : memref<2x10112x128xf32, #tpu.memory_space<hbm>> -> memref<1x64x128xf32, #tpu.memory_space<hbm>>
      %dma_wait3A_86 = tpu.memref_squeeze %dma_wait3A_85 : memref<1x64x128xf32, #tpu.memory_space<hbm>> -> memref<64x128xf32, #tpu.memory_space<hbm>>
      %dma_wait3A_87 = arith.constant 0 : i32
      %dma_wait3A_88 = tpu.memref_slice %arg5[%arg0, %add3A_58, %dma_wait3A_87] : memref<2x10112x128xf32, #tpu.memory_space<hbm>> -> memref<1x64x128xf32, #tpu.memory_space<hbm>>
      %dma_wait3A_89 = tpu.memref_squeeze %dma_wait3A_88 : memref<1x64x128xf32, #tpu.memory_space<hbm>> -> memref<64x128xf32, #tpu.memory_space<hbm>>
      %dma_wait3A_90 = arith.constant 0 : i32
      %dma_wait3A_91 = arith.constant 0 : i32
      %dma_wait3A_92 = tpu.memref_slice %arg7[%dma_wait3A_90, %dma_wait3A_91] : memref<64x128xf32, #tpu.memory_space<vmem>> -> memref<64x128xf32, #tpu.memory_space<vmem>>
      tpu.wait_dma2 semaphore(%run_scoped3A : memref<!tpu.dma_semaphore, #tpu.memory_space<semaphore_mem>>) src(%dma_wait3A_92 : memref<64x128xf32, #tpu.memory_space<vmem>>) dst(%dma_wait3A_89 : memref<64x128xf32, #tpu.memory_space<hbm>>)
      tpu.yield
    }) : () -> ()
    %add3A_59 = arith.constant 448 : i32
    %add3A_60 = arith.addi %mul3A_2, %add3A_59 : i32
    "tpu.region"() ({
      %run_scoped3A = tpu.sem_alloc : memref<!tpu.dma_semaphore, #tpu.memory_space<semaphore_mem>>
      %dma_start3A = arith.constant 0 : i32
      %dma_start3A_71 = arith.constant 0 : i32
      %dma_start3A_72 = tpu.memref_slice %arg7[%dma_start3A, %dma_start3A_71] : memref<64x128xf32, #tpu.memory_space<vmem>> -> memref<64x128xf32, #tpu.memory_space<vmem>>
      %dma_start3A_73 = arith.constant 0 : i32
      %dma_start3A_74 = tpu.memref_slice %arg8[%add3A_60, %dma_start3A_73] : memref<10112x128xf32, #tpu.memory_space<vmem_shared>> -> memref<64x128xf32, #tpu.memory_space<vmem_shared>>
      %dma_start3A_75 = arith.constant 0 : i32
      %dma_start3A_76 = arith.constant 0 : i32
      %dma_start3A_77 = tpu.memref_slice %arg7[%dma_start3A_75, %dma_start3A_76] : memref<64x128xf32, #tpu.memory_space<vmem>> -> memref<64x128xf32, #tpu.memory_space<vmem>>
      %dma_start3A_78 = arith.constant 0 : i32
      %dma_start3A_79 = tpu.memref_slice %arg8[%add3A_60, %dma_start3A_78] : memref<10112x128xf32, #tpu.memory_space<vmem_shared>> -> memref<64x128xf32, #tpu.memory_space<vmem_shared>>
      tpu.enqueue_dma source(%dma_start3A_79 : memref<64x128xf32, #tpu.memory_space<vmem_shared>>) target(%dma_start3A_77 : memref<64x128xf32, #tpu.memory_space<vmem>>) target_semaphore(%run_scoped3A : memref<!tpu.dma_semaphore, #tpu.memory_space<semaphore_mem>>)
      %dma_wait3A = arith.constant 0 : i32
      %dma_wait3A_80 = arith.constant 0 : i32
      %dma_wait3A_81 = tpu.memref_slice %arg7[%dma_wait3A, %dma_wait3A_80] : memref<64x128xf32, #tpu.memory_space<vmem>> -> memref<64x128xf32, #tpu.memory_space<vmem>>
      %dma_wait3A_82 = arith.constant 0 : i32
      %dma_wait3A_83 = tpu.memref_slice %arg8[%add3A_60, %dma_wait3A_82] : memref<10112x128xf32, #tpu.memory_space<vmem_shared>> -> memref<64x128xf32, #tpu.memory_space<vmem_shared>>
      %dma_wait3A_84 = arith.constant 0 : i32
      %dma_wait3A_85 = arith.constant 0 : i32
      %dma_wait3A_86 = tpu.memref_slice %arg7[%dma_wait3A_84, %dma_wait3A_85] : memref<64x128xf32, #tpu.memory_space<vmem>> -> memref<64x128xf32, #tpu.memory_space<vmem>>
      %dma_wait3A_87 = arith.constant 0 : i32
      %dma_wait3A_88 = tpu.memref_slice %arg8[%add3A_60, %dma_wait3A_87] : memref<10112x128xf32, #tpu.memory_space<vmem_shared>> -> memref<64x128xf32, #tpu.memory_space<vmem_shared>>
      tpu.wait_dma2 semaphore(%run_scoped3A : memref<!tpu.dma_semaphore, #tpu.memory_space<semaphore_mem>>) src(%dma_wait3A_88 : memref<64x128xf32, #tpu.memory_space<vmem_shared>>) dst(%dma_wait3A_86 : memref<64x128xf32, #tpu.memory_space<vmem>>)
      tpu.yield
    }) : () -> ()
    %add3A_61 = arith.constant 448 : i32
    %add3A_62 = arith.addi %mul3A_2, %add3A_61 : i32
    "tpu.region"() ({
      %run_scoped3A = tpu.sem_alloc : memref<!tpu.dma_semaphore, #tpu.memory_space<semaphore_mem>>
      %dma_start3A = arith.constant 0 : i32
      %dma_start3A_71 = arith.constant 0 : i32
      %dma_start3A_72 = tpu.memref_slice %arg7[%dma_start3A, %dma_start3A_71] : memref<64x128xf32, #tpu.memory_space<vmem>> -> memref<64x128xf32, #tpu.memory_space<vmem>>
      %dma_start3A_73 = arith.constant 0 : i32
      %dma_start3A_74 = tpu.memref_slice %arg5[%arg0, %add3A_62, %dma_start3A_73] : memref<2x10112x128xf32, #tpu.memory_space<hbm>> -> memref<1x64x128xf32, #tpu.memory_space<hbm>>
      %dma_start3A_75 = tpu.memref_squeeze %dma_start3A_74 : memref<1x64x128xf32, #tpu.memory_space<hbm>> -> memref<64x128xf32, #tpu.memory_space<hbm>>
      %dma_start3A_76 = arith.constant 0 : i32
      %dma_start3A_77 = tpu.memref_slice %arg5[%arg0, %add3A_62, %dma_start3A_76] : memref<2x10112x128xf32, #tpu.memory_space<hbm>> -> memref<1x64x128xf32, #tpu.memory_space<hbm>>
      %dma_start3A_78 = tpu.memref_squeeze %dma_start3A_77 : memref<1x64x128xf32, #tpu.memory_space<hbm>> -> memref<64x128xf32, #tpu.memory_space<hbm>>
      %dma_start3A_79 = arith.constant 0 : i32
      %dma_start3A_80 = arith.constant 0 : i32
      %dma_start3A_81 = tpu.memref_slice %arg7[%dma_start3A_79, %dma_start3A_80] : memref<64x128xf32, #tpu.memory_space<vmem>> -> memref<64x128xf32, #tpu.memory_space<vmem>>
      tpu.enqueue_dma source(%dma_start3A_81 : memref<64x128xf32, #tpu.memory_space<vmem>>) target(%dma_start3A_78 : memref<64x128xf32, #tpu.memory_space<hbm>>) target_semaphore(%run_scoped3A : memref<!tpu.dma_semaphore, #tpu.memory_space<semaphore_mem>>)
      %dma_wait3A = arith.constant 0 : i32
      %dma_wait3A_82 = arith.constant 0 : i32
      %dma_wait3A_83 = tpu.memref_slice %arg7[%dma_wait3A, %dma_wait3A_82] : memref<64x128xf32, #tpu.memory_space<vmem>> -> memref<64x128xf32, #tpu.memory_space<vmem>>
      %dma_wait3A_84 = arith.constant 0 : i32
      %dma_wait3A_85 = tpu.memref_slice %arg5[%arg0, %add3A_62, %dma_wait3A_84] : memref<2x10112x128xf32, #tpu.memory_space<hbm>> -> memref<1x64x128xf32, #tpu.memory_space<hbm>>
      %dma_wait3A_86 = tpu.memref_squeeze %dma_wait3A_85 : memref<1x64x128xf32, #tpu.memory_space<hbm>> -> memref<64x128xf32, #tpu.memory_space<hbm>>
      %dma_wait3A_87 = arith.constant 0 : i32
      %dma_wait3A_88 = tpu.memref_slice %arg5[%arg0, %add3A_62, %dma_wait3A_87] : memref<2x10112x128xf32, #tpu.memory_space<hbm>> -> memref<1x64x128xf32, #tpu.memory_space<hbm>>
      %dma_wait3A_89 = tpu.memref_squeeze %dma_wait3A_88 : memref<1x64x128xf32, #tpu.memory_space<hbm>> -> memref<64x128xf32, #tpu.memory_space<hbm>>
      %dma_wait3A_90 = arith.constant 0 : i32
      %dma_wait3A_91 = arith.constant 0 : i32
      %dma_wait3A_92 = tpu.memref_slice %arg7[%dma_wait3A_90, %dma_wait3A_91] : memref<64x128xf32, #tpu.memory_space<vmem>> -> memref<64x128xf32, #tpu.memory_space<vmem>>
      tpu.wait_dma2 semaphore(%run_scoped3A : memref<!tpu.dma_semaphore, #tpu.memory_space<semaphore_mem>>) src(%dma_wait3A_92 : memref<64x128xf32, #tpu.memory_space<vmem>>) dst(%dma_wait3A_89 : memref<64x128xf32, #tpu.memory_space<hbm>>)
      tpu.yield
    }) : () -> ()
    %add3A_63 = arith.constant 512 : i32
    %add3A_64 = arith.addi %mul3A_2, %add3A_63 : i32
    "tpu.region"() ({
      %run_scoped3A = tpu.sem_alloc : memref<!tpu.dma_semaphore, #tpu.memory_space<semaphore_mem>>
      %dma_start3A = arith.constant 0 : i32
      %dma_start3A_71 = arith.constant 0 : i32
      %dma_start3A_72 = tpu.memref_slice %arg7[%dma_start3A, %dma_start3A_71] : memref<64x128xf32, #tpu.memory_space<vmem>> -> memref<64x128xf32, #tpu.memory_space<vmem>>
      %dma_start3A_73 = arith.constant 0 : i32
      %dma_start3A_74 = tpu.memref_slice %arg8[%add3A_64, %dma_start3A_73] : memref<10112x128xf32, #tpu.memory_space<vmem_shared>> -> memref<64x128xf32, #tpu.memory_space<vmem_shared>>
      %dma_start3A_75 = arith.constant 0 : i32
      %dma_start3A_76 = arith.constant 0 : i32
      %dma_start3A_77 = tpu.memref_slice %arg7[%dma_start3A_75, %dma_start3A_76] : memref<64x128xf32, #tpu.memory_space<vmem>> -> memref<64x128xf32, #tpu.memory_space<vmem>>
      %dma_start3A_78 = arith.constant 0 : i32
      %dma_start3A_79 = tpu.memref_slice %arg8[%add3A_64, %dma_start3A_78] : memref<10112x128xf32, #tpu.memory_space<vmem_shared>> -> memref<64x128xf32, #tpu.memory_space<vmem_shared>>
      tpu.enqueue_dma source(%dma_start3A_79 : memref<64x128xf32, #tpu.memory_space<vmem_shared>>) target(%dma_start3A_77 : memref<64x128xf32, #tpu.memory_space<vmem>>) target_semaphore(%run_scoped3A : memref<!tpu.dma_semaphore, #tpu.memory_space<semaphore_mem>>)
      %dma_wait3A = arith.constant 0 : i32
      %dma_wait3A_80 = arith.constant 0 : i32
      %dma_wait3A_81 = tpu.memref_slice %arg7[%dma_wait3A, %dma_wait3A_80] : memref<64x128xf32, #tpu.memory_space<vmem>> -> memref<64x128xf32, #tpu.memory_space<vmem>>
      %dma_wait3A_82 = arith.constant 0 : i32
      %dma_wait3A_83 = tpu.memref_slice %arg8[%add3A_64, %dma_wait3A_82] : memref<10112x128xf32, #tpu.memory_space<vmem_shared>> -> memref<64x128xf32, #tpu.memory_space<vmem_shared>>
      %dma_wait3A_84 = arith.constant 0 : i32
      %dma_wait3A_85 = arith.constant 0 : i32
      %dma_wait3A_86 = tpu.memref_slice %arg7[%dma_wait3A_84, %dma_wait3A_85] : memref<64x128xf32, #tpu.memory_space<vmem>> -> memref<64x128xf32, #tpu.memory_space<vmem>>
      %dma_wait3A_87 = arith.constant 0 : i32
      %dma_wait3A_88 = tpu.memref_slice %arg8[%add3A_64, %dma_wait3A_87] : memref<10112x128xf32, #tpu.memory_space<vmem_shared>> -> memref<64x128xf32, #tpu.memory_space<vmem_shared>>
      tpu.wait_dma2 semaphore(%run_scoped3A : memref<!tpu.dma_semaphore, #tpu.memory_space<semaphore_mem>>) src(%dma_wait3A_88 : memref<64x128xf32, #tpu.memory_space<vmem_shared>>) dst(%dma_wait3A_86 : memref<64x128xf32, #tpu.memory_space<vmem>>)
      tpu.yield
    }) : () -> ()
    %add3A_65 = arith.constant 512 : i32
    %add3A_66 = arith.addi %mul3A_2, %add3A_65 : i32
    "tpu.region"() ({
      %run_scoped3A = tpu.sem_alloc : memref<!tpu.dma_semaphore, #tpu.memory_space<semaphore_mem>>
      %dma_start3A = arith.constant 0 : i32
      %dma_start3A_71 = arith.constant 0 : i32
      %dma_start3A_72 = tpu.memref_slice %arg7[%dma_start3A, %dma_start3A_71] : memref<64x128xf32, #tpu.memory_space<vmem>> -> memref<64x128xf32, #tpu.memory_space<vmem>>
      %dma_start3A_73 = arith.constant 0 : i32
      %dma_start3A_74 = tpu.memref_slice %arg5[%arg0, %add3A_66, %dma_start3A_73] : memref<2x10112x128xf32, #tpu.memory_space<hbm>> -> memref<1x64x128xf32, #tpu.memory_space<hbm>>
      %dma_start3A_75 = tpu.memref_squeeze %dma_start3A_74 : memref<1x64x128xf32, #tpu.memory_space<hbm>> -> memref<64x128xf32, #tpu.memory_space<hbm>>
      %dma_start3A_76 = arith.constant 0 : i32
      %dma_start3A_77 = tpu.memref_slice %arg5[%arg0, %add3A_66, %dma_start3A_76] : memref<2x10112x128xf32, #tpu.memory_space<hbm>> -> memref<1x64x128xf32, #tpu.memory_space<hbm>>
      %dma_start3A_78 = tpu.memref_squeeze %dma_start3A_77 : memref<1x64x128xf32, #tpu.memory_space<hbm>> -> memref<64x128xf32, #tpu.memory_space<hbm>>
      %dma_start3A_79 = arith.constant 0 : i32
      %dma_start3A_80 = arith.constant 0 : i32
      %dma_start3A_81 = tpu.memref_slice %arg7[%dma_start3A_79, %dma_start3A_80] : memref<64x128xf32, #tpu.memory_space<vmem>> -> memref<64x128xf32, #tpu.memory_space<vmem>>
      tpu.enqueue_dma source(%dma_start3A_81 : memref<64x128xf32, #tpu.memory_space<vmem>>) target(%dma_start3A_78 : memref<64x128xf32, #tpu.memory_space<hbm>>) target_semaphore(%run_scoped3A : memref<!tpu.dma_semaphore, #tpu.memory_space<semaphore_mem>>)
      %dma_wait3A = arith.constant 0 : i32
      %dma_wait3A_82 = arith.constant 0 : i32
      %dma_wait3A_83 = tpu.memref_slice %arg7[%dma_wait3A, %dma_wait3A_82] : memref<64x128xf32, #tpu.memory_space<vmem>> -> memref<64x128xf32, #tpu.memory_space<vmem>>
      %dma_wait3A_84 = arith.constant 0 : i32
      %dma_wait3A_85 = tpu.memref_slice %arg5[%arg0, %add3A_66, %dma_wait3A_84] : memref<2x10112x128xf32, #tpu.memory_space<hbm>> -> memref<1x64x128xf32, #tpu.memory_space<hbm>>
      %dma_wait3A_86 = tpu.memref_squeeze %dma_wait3A_85 : memref<1x64x128xf32, #tpu.memory_space<hbm>> -> memref<64x128xf32, #tpu.memory_space<hbm>>
      %dma_wait3A_87 = arith.constant 0 : i32
      %dma_wait3A_88 = tpu.memref_slice %arg5[%arg0, %add3A_66, %dma_wait3A_87] : memref<2x10112x128xf32, #tpu.memory_space<hbm>> -> memref<1x64x128xf32, #tpu.memory_space<hbm>>
      %dma_wait3A_89 = tpu.memref_squeeze %dma_wait3A_88 : memref<1x64x128xf32, #tpu.memory_space<hbm>> -> memref<64x128xf32, #tpu.memory_space<hbm>>
      %dma_wait3A_90 = arith.constant 0 : i32
      %dma_wait3A_91 = arith.constant 0 : i32
      %dma_wait3A_92 = tpu.memref_slice %arg7[%dma_wait3A_90, %dma_wait3A_91] : memref<64x128xf32, #tpu.memory_space<vmem>> -> memref<64x128xf32, #tpu.memory_space<vmem>>
      tpu.wait_dma2 semaphore(%run_scoped3A : memref<!tpu.dma_semaphore, #tpu.memory_space<semaphore_mem>>) src(%dma_wait3A_92 : memref<64x128xf32, #tpu.memory_space<vmem>>) dst(%dma_wait3A_89 : memref<64x128xf32, #tpu.memory_space<hbm>>)
      tpu.yield
    }) : () -> ()
    %add3A_67 = arith.constant 576 : i32
    %add3A_68 = arith.addi %mul3A_2, %add3A_67 : i32
    "tpu.region"() ({
      %run_scoped3A = tpu.sem_alloc : memref<!tpu.dma_semaphore, #tpu.memory_space<semaphore_mem>>
      %dma_start3A = arith.constant 0 : i32
      %dma_start3A_71 = arith.constant 0 : i32
      %dma_start3A_72 = tpu.memref_slice %arg7[%dma_start3A, %dma_start3A_71] : memref<64x128xf32, #tpu.memory_space<vmem>> -> memref<56x128xf32, #tpu.memory_space<vmem>>
      %dma_start3A_73 = arith.constant 0 : i32
      %dma_start3A_74 = tpu.memref_slice %arg8[%add3A_68, %dma_start3A_73] : memref<10112x128xf32, #tpu.memory_space<vmem_shared>> -> memref<56x128xf32, #tpu.memory_space<vmem_shared>>
      %dma_start3A_75 = arith.constant 0 : i32
      %dma_start3A_76 = arith.constant 0 : i32
      %dma_start3A_77 = tpu.memref_slice %arg7[%dma_start3A_75, %dma_start3A_76] : memref<64x128xf32, #tpu.memory_space<vmem>> -> memref<56x128xf32, #tpu.memory_space<vmem>>
      %dma_start3A_78 = arith.constant 0 : i32
      %dma_start3A_79 = tpu.memref_slice %arg8[%add3A_68, %dma_start3A_78] : memref<10112x128xf32, #tpu.memory_space<vmem_shared>> -> memref<56x128xf32, #tpu.memory_space<vmem_shared>>
      tpu.enqueue_dma source(%dma_start3A_79 : memref<56x128xf32, #tpu.memory_space<vmem_shared>>) target(%dma_start3A_77 : memref<56x128xf32, #tpu.memory_space<vmem>>) target_semaphore(%run_scoped3A : memref<!tpu.dma_semaphore, #tpu.memory_space<semaphore_mem>>)
      %dma_wait3A = arith.constant 0 : i32
      %dma_wait3A_80 = arith.constant 0 : i32
      %dma_wait3A_81 = tpu.memref_slice %arg7[%dma_wait3A, %dma_wait3A_80] : memref<64x128xf32, #tpu.memory_space<vmem>> -> memref<56x128xf32, #tpu.memory_space<vmem>>
      %dma_wait3A_82 = arith.constant 0 : i32
      %dma_wait3A_83 = tpu.memref_slice %arg8[%add3A_68, %dma_wait3A_82] : memref<10112x128xf32, #tpu.memory_space<vmem_shared>> -> memref<56x128xf32, #tpu.memory_space<vmem_shared>>
      %dma_wait3A_84 = arith.constant 0 : i32
      %dma_wait3A_85 = arith.constant 0 : i32
      %dma_wait3A_86 = tpu.memref_slice %arg7[%dma_wait3A_84, %dma_wait3A_85] : memref<64x128xf32, #tpu.memory_space<vmem>> -> memref<56x128xf32, #tpu.memory_space<vmem>>
      %dma_wait3A_87 = arith.constant 0 : i32
      %dma_wait3A_88 = tpu.memref_slice %arg8[%add3A_68, %dma_wait3A_87] : memref<10112x128xf32, #tpu.memory_space<vmem_shared>> -> memref<56x128xf32, #tpu.memory_space<vmem_shared>>
      tpu.wait_dma2 semaphore(%run_scoped3A : memref<!tpu.dma_semaphore, #tpu.memory_space<semaphore_mem>>) src(%dma_wait3A_88 : memref<56x128xf32, #tpu.memory_space<vmem_shared>>) dst(%dma_wait3A_86 : memref<56x128xf32, #tpu.memory_space<vmem>>)
      tpu.yield
    }) : () -> ()
    %add3A_69 = arith.constant 576 : i32
    %add3A_70 = arith.addi %mul3A_2, %add3A_69 : i32
    "tpu.region"() ({
      %run_scoped3A = tpu.sem_alloc : memref<!tpu.dma_semaphore, #tpu.memory_space<semaphore_mem>>
      %dma_start3A = arith.constant 0 : i32
      %dma_start3A_71 = arith.constant 0 : i32
      %dma_start3A_72 = tpu.memref_slice %arg7[%dma_start3A, %dma_start3A_71] : memref<64x128xf32, #tpu.memory_space<vmem>> -> memref<56x128xf32, #tpu.memory_space<vmem>>
      %dma_start3A_73 = arith.constant 0 : i32
      %dma_start3A_74 = tpu.memref_slice %arg5[%arg0, %add3A_70, %dma_start3A_73] : memref<2x10112x128xf32, #tpu.memory_space<hbm>> -> memref<1x56x128xf32, #tpu.memory_space<hbm>>
      %dma_start3A_75 = tpu.memref_squeeze %dma_start3A_74 : memref<1x56x128xf32, #tpu.memory_space<hbm>> -> memref<56x128xf32, #tpu.memory_space<hbm>>
      %dma_start3A_76 = arith.constant 0 : i32
      %dma_start3A_77 = tpu.memref_slice %arg5[%arg0, %add3A_70, %dma_start3A_76] : memref<2x10112x128xf32, #tpu.memory_space<hbm>> -> memref<1x56x128xf32, #tpu.memory_space<hbm>>
      %dma_start3A_78 = tpu.memref_squeeze %dma_start3A_77 : memref<1x56x128xf32, #tpu.memory_space<hbm>> -> memref<56x128xf32, #tpu.memory_space<hbm>>
      %dma_start3A_79 = arith.constant 0 : i32
      %dma_start3A_80 = arith.constant 0 : i32
      %dma_start3A_81 = tpu.memref_slice %arg7[%dma_start3A_79, %dma_start3A_80] : memref<64x128xf32, #tpu.memory_space<vmem>> -> memref<56x128xf32, #tpu.memory_space<vmem>>
      tpu.enqueue_dma source(%dma_start3A_81 : memref<56x128xf32, #tpu.memory_space<vmem>>) target(%dma_start3A_78 : memref<56x128xf32, #tpu.memory_space<hbm>>) target_semaphore(%run_scoped3A : memref<!tpu.dma_semaphore, #tpu.memory_space<semaphore_mem>>)
      %dma_wait3A = arith.constant 0 : i32
      %dma_wait3A_82 = arith.constant 0 : i32
      %dma_wait3A_83 = tpu.memref_slice %arg7[%dma_wait3A, %dma_wait3A_82] : memref<64x128xf32, #tpu.memory_space<vmem>> -> memref<56x128xf32, #tpu.memory_space<vmem>>
      %dma_wait3A_84 = arith.constant 0 : i32
      %dma_wait3A_85 = tpu.memref_slice %arg5[%arg0, %add3A_70, %dma_wait3A_84] : memref<2x10112x128xf32, #tpu.memory_space<hbm>> -> memref<1x56x128xf32, #tpu.memory_space<hbm>>
      %dma_wait3A_86 = tpu.memref_squeeze %dma_wait3A_85 : memref<1x56x128xf32, #tpu.memory_space<hbm>> -> memref<56x128xf32, #tpu.memory_space<hbm>>
      %dma_wait3A_87 = arith.constant 0 : i32
      %dma_wait3A_88 = tpu.memref_slice %arg5[%arg0, %add3A_70, %dma_wait3A_87] : memref<2x10112x128xf32, #tpu.memory_space<hbm>> -> memref<1x56x128xf32, #tpu.memory_space<hbm>>
      %dma_wait3A_89 = tpu.memref_squeeze %dma_wait3A_88 : memref<1x56x128xf32, #tpu.memory_space<hbm>> -> memref<56x128xf32, #tpu.memory_space<hbm>>
      %dma_wait3A_90 = arith.constant 0 : i32
      %dma_wait3A_91 = arith.constant 0 : i32
      %dma_wait3A_92 = tpu.memref_slice %arg7[%dma_wait3A_90, %dma_wait3A_91] : memref<64x128xf32, #tpu.memory_space<vmem>> -> memref<56x128xf32, #tpu.memory_space<vmem>>
      tpu.wait_dma2 semaphore(%run_scoped3A : memref<!tpu.dma_semaphore, #tpu.memory_space<semaphore_mem>>) src(%dma_wait3A_92 : memref<56x128xf32, #tpu.memory_space<vmem>>) dst(%dma_wait3A_89 : memref<56x128xf32, #tpu.memory_space<hbm>>)
      tpu.yield
    }) : () -> ()
    return
  }
}

#map = affine_map<(d0, d1) -> (0, 0)>
#map1 = affine_map<(d0, d1) -> (0, 0, 0)>
module attributes {stable_mosaic.version = 14 : i64} {
  func.func @_sc_aggregate(%arg0: i32, %arg1: i32, %arg2: memref<10000x128xf32, #tpu.memory_space<hbm>>, %arg3: memref<5120x64xi32, #tpu.memory_space<hbm>>, %arg4: memref<5120x64xi32, #tpu.memory_space<hbm>>, %arg5: memref<64x128xf32, #tpu.memory_space<hbm>>, %arg6: memref<2x10112x128xf32, #tpu.memory_space<hbm>>, %arg7: memref<32x64xi32, #tpu.memory_space<vmem>>, %arg8: memref<32x64xi32, #tpu.memory_space<vmem>>, %arg9: memref<64x128xf32, #tpu.memory_space<vmem>>, %arg10: memref<64x128xf32, #tpu.memory_space<vmem>>, %arg11: memref<10112x128xf32, #tpu.memory_space<vmem_shared>>, %arg12: memref<!tpu.dma_semaphore, #tpu.memory_space<semaphore_mem>>, %arg13: memref<!tpu.dma_semaphore, #tpu.memory_space<semaphore_mem>>, %arg14: memref<!tpu.dma_semaphore, #tpu.memory_space<semaphore_mem>>, %arg15: memref<!tpu.dma_semaphore, #tpu.memory_space<semaphore_mem>>) attributes {dimension_semantics = [#tpu.dimension_semantics<core_parallel>, #tpu.dimension_semantics<subcore_parallel>], iteration_bounds = array<i64: 2, 16>, scalar_prefetch = 0 : i64, scratch_operands = 9 : i64, tpu.core_type = #tpu.core_type<sc_vector_subcore>, window_params = [{transform_indices = #map}, {transform_indices = #map}, {transform_indices = #map}, {transform_indices = #map}, {transform_indices = #map1}]} {
    %mul3A = arith.constant 632 : i32
    %mul3A_0 = arith.muli %arg1, %mul3A : i32
    "tpu.region"() ({
      %run_scoped3A = tpu.sem_alloc : memref<!tpu.dma_semaphore, #tpu.memory_space<semaphore_mem>>
      tpu.enqueue_dma source(%arg5 : memref<64x128xf32, #tpu.memory_space<hbm>>) target(%arg9 : memref<64x128xf32, #tpu.memory_space<vmem>>) target_semaphore(%run_scoped3A : memref<!tpu.dma_semaphore, #tpu.memory_space<semaphore_mem>>)
      tpu.wait_dma2 semaphore(%run_scoped3A : memref<!tpu.dma_semaphore, #tpu.memory_space<semaphore_mem>>) src(%arg5 : memref<64x128xf32, #tpu.memory_space<hbm>>) dst(%arg9 : memref<64x128xf32, #tpu.memory_space<vmem>>)
      tpu.yield
    }) : () -> ()
    %add3A = arith.constant 0 : i32
    %add3A_1 = arith.addi %mul3A_0, %add3A : i32
    "tpu.region"() ({
      %run_scoped3A = tpu.sem_alloc : memref<!tpu.dma_semaphore, #tpu.memory_space<semaphore_mem>>
      %dma_start3A = arith.constant 0 : i32
      %dma_start3A_81 = arith.constant 0 : i32
      %dma_start3A_82 = tpu.memref_slice %arg9[%dma_start3A, %dma_start3A_81] : memref<64x128xf32, #tpu.memory_space<vmem>> -> memref<64x128xf32, #tpu.memory_space<vmem>>
      %dma_start3A_83 = arith.constant 0 : i32
      %dma_start3A_84 = tpu.memref_slice %arg11[%add3A_1, %dma_start3A_83] : memref<10112x128xf32, #tpu.memory_space<vmem_shared>> -> memref<64x128xf32, #tpu.memory_space<vmem_shared>>
      %dma_start3A_85 = arith.constant 0 : i32
      %dma_start3A_86 = tpu.memref_slice %arg11[%add3A_1, %dma_start3A_85] : memref<10112x128xf32, #tpu.memory_space<vmem_shared>> -> memref<64x128xf32, #tpu.memory_space<vmem_shared>>
      %dma_start3A_87 = arith.constant 0 : i32
      %dma_start3A_88 = arith.constant 0 : i32
      %dma_start3A_89 = tpu.memref_slice %arg9[%dma_start3A_87, %dma_start3A_88] : memref<64x128xf32, #tpu.memory_space<vmem>> -> memref<64x128xf32, #tpu.memory_space<vmem>>
      tpu.enqueue_dma source(%dma_start3A_89 : memref<64x128xf32, #tpu.memory_space<vmem>>) target(%dma_start3A_86 : memref<64x128xf32, #tpu.memory_space<vmem_shared>>) target_semaphore(%run_scoped3A : memref<!tpu.dma_semaphore, #tpu.memory_space<semaphore_mem>>)
      %dma_wait3A = arith.constant 0 : i32
      %dma_wait3A_90 = arith.constant 0 : i32
      %dma_wait3A_91 = tpu.memref_slice %arg9[%dma_wait3A, %dma_wait3A_90] : memref<64x128xf32, #tpu.memory_space<vmem>> -> memref<64x128xf32, #tpu.memory_space<vmem>>
      %dma_wait3A_92 = arith.constant 0 : i32
      %dma_wait3A_93 = tpu.memref_slice %arg11[%add3A_1, %dma_wait3A_92] : memref<10112x128xf32, #tpu.memory_space<vmem_shared>> -> memref<64x128xf32, #tpu.memory_space<vmem_shared>>
      %dma_wait3A_94 = arith.constant 0 : i32
      %dma_wait3A_95 = tpu.memref_slice %arg11[%add3A_1, %dma_wait3A_94] : memref<10112x128xf32, #tpu.memory_space<vmem_shared>> -> memref<64x128xf32, #tpu.memory_space<vmem_shared>>
      %dma_wait3A_96 = arith.constant 0 : i32
      %dma_wait3A_97 = arith.constant 0 : i32
      %dma_wait3A_98 = tpu.memref_slice %arg9[%dma_wait3A_96, %dma_wait3A_97] : memref<64x128xf32, #tpu.memory_space<vmem>> -> memref<64x128xf32, #tpu.memory_space<vmem>>
      tpu.wait_dma2 semaphore(%run_scoped3A : memref<!tpu.dma_semaphore, #tpu.memory_space<semaphore_mem>>) src(%dma_wait3A_98 : memref<64x128xf32, #tpu.memory_space<vmem>>) dst(%dma_wait3A_95 : memref<64x128xf32, #tpu.memory_space<vmem_shared>>)
      tpu.yield
    }) : () -> ()
    %add3A_2 = arith.constant 64 : i32
    %add3A_3 = arith.addi %mul3A_0, %add3A_2 : i32
    "tpu.region"() ({
      %run_scoped3A = tpu.sem_alloc : memref<!tpu.dma_semaphore, #tpu.memory_space<semaphore_mem>>
      %dma_start3A = arith.constant 0 : i32
      %dma_start3A_81 = arith.constant 0 : i32
      %dma_start3A_82 = tpu.memref_slice %arg9[%dma_start3A, %dma_start3A_81] : memref<64x128xf32, #tpu.memory_space<vmem>> -> memref<64x128xf32, #tpu.memory_space<vmem>>
      %dma_start3A_83 = arith.constant 0 : i32
      %dma_start3A_84 = tpu.memref_slice %arg11[%add3A_3, %dma_start3A_83] : memref<10112x128xf32, #tpu.memory_space<vmem_shared>> -> memref<64x128xf32, #tpu.memory_space<vmem_shared>>
      %dma_start3A_85 = arith.constant 0 : i32
      %dma_start3A_86 = tpu.memref_slice %arg11[%add3A_3, %dma_start3A_85] : memref<10112x128xf32, #tpu.memory_space<vmem_shared>> -> memref<64x128xf32, #tpu.memory_space<vmem_shared>>
      %dma_start3A_87 = arith.constant 0 : i32
      %dma_start3A_88 = arith.constant 0 : i32
      %dma_start3A_89 = tpu.memref_slice %arg9[%dma_start3A_87, %dma_start3A_88] : memref<64x128xf32, #tpu.memory_space<vmem>> -> memref<64x128xf32, #tpu.memory_space<vmem>>
      tpu.enqueue_dma source(%dma_start3A_89 : memref<64x128xf32, #tpu.memory_space<vmem>>) target(%dma_start3A_86 : memref<64x128xf32, #tpu.memory_space<vmem_shared>>) target_semaphore(%run_scoped3A : memref<!tpu.dma_semaphore, #tpu.memory_space<semaphore_mem>>)
      %dma_wait3A = arith.constant 0 : i32
      %dma_wait3A_90 = arith.constant 0 : i32
      %dma_wait3A_91 = tpu.memref_slice %arg9[%dma_wait3A, %dma_wait3A_90] : memref<64x128xf32, #tpu.memory_space<vmem>> -> memref<64x128xf32, #tpu.memory_space<vmem>>
      %dma_wait3A_92 = arith.constant 0 : i32
      %dma_wait3A_93 = tpu.memref_slice %arg11[%add3A_3, %dma_wait3A_92] : memref<10112x128xf32, #tpu.memory_space<vmem_shared>> -> memref<64x128xf32, #tpu.memory_space<vmem_shared>>
      %dma_wait3A_94 = arith.constant 0 : i32
      %dma_wait3A_95 = tpu.memref_slice %arg11[%add3A_3, %dma_wait3A_94] : memref<10112x128xf32, #tpu.memory_space<vmem_shared>> -> memref<64x128xf32, #tpu.memory_space<vmem_shared>>
      %dma_wait3A_96 = arith.constant 0 : i32
      %dma_wait3A_97 = arith.constant 0 : i32
      %dma_wait3A_98 = tpu.memref_slice %arg9[%dma_wait3A_96, %dma_wait3A_97] : memref<64x128xf32, #tpu.memory_space<vmem>> -> memref<64x128xf32, #tpu.memory_space<vmem>>
      tpu.wait_dma2 semaphore(%run_scoped3A : memref<!tpu.dma_semaphore, #tpu.memory_space<semaphore_mem>>) src(%dma_wait3A_98 : memref<64x128xf32, #tpu.memory_space<vmem>>) dst(%dma_wait3A_95 : memref<64x128xf32, #tpu.memory_space<vmem_shared>>)
      tpu.yield
    }) : () -> ()
    %add3A_4 = arith.constant 128 : i32
    %add3A_5 = arith.addi %mul3A_0, %add3A_4 : i32
    "tpu.region"() ({
      %run_scoped3A = tpu.sem_alloc : memref<!tpu.dma_semaphore, #tpu.memory_space<semaphore_mem>>
      %dma_start3A = arith.constant 0 : i32
      %dma_start3A_81 = arith.constant 0 : i32
      %dma_start3A_82 = tpu.memref_slice %arg9[%dma_start3A, %dma_start3A_81] : memref<64x128xf32, #tpu.memory_space<vmem>> -> memref<64x128xf32, #tpu.memory_space<vmem>>
      %dma_start3A_83 = arith.constant 0 : i32
      %dma_start3A_84 = tpu.memref_slice %arg11[%add3A_5, %dma_start3A_83] : memref<10112x128xf32, #tpu.memory_space<vmem_shared>> -> memref<64x128xf32, #tpu.memory_space<vmem_shared>>
      %dma_start3A_85 = arith.constant 0 : i32
      %dma_start3A_86 = tpu.memref_slice %arg11[%add3A_5, %dma_start3A_85] : memref<10112x128xf32, #tpu.memory_space<vmem_shared>> -> memref<64x128xf32, #tpu.memory_space<vmem_shared>>
      %dma_start3A_87 = arith.constant 0 : i32
      %dma_start3A_88 = arith.constant 0 : i32
      %dma_start3A_89 = tpu.memref_slice %arg9[%dma_start3A_87, %dma_start3A_88] : memref<64x128xf32, #tpu.memory_space<vmem>> -> memref<64x128xf32, #tpu.memory_space<vmem>>
      tpu.enqueue_dma source(%dma_start3A_89 : memref<64x128xf32, #tpu.memory_space<vmem>>) target(%dma_start3A_86 : memref<64x128xf32, #tpu.memory_space<vmem_shared>>) target_semaphore(%run_scoped3A : memref<!tpu.dma_semaphore, #tpu.memory_space<semaphore_mem>>)
      %dma_wait3A = arith.constant 0 : i32
      %dma_wait3A_90 = arith.constant 0 : i32
      %dma_wait3A_91 = tpu.memref_slice %arg9[%dma_wait3A, %dma_wait3A_90] : memref<64x128xf32, #tpu.memory_space<vmem>> -> memref<64x128xf32, #tpu.memory_space<vmem>>
      %dma_wait3A_92 = arith.constant 0 : i32
      %dma_wait3A_93 = tpu.memref_slice %arg11[%add3A_5, %dma_wait3A_92] : memref<10112x128xf32, #tpu.memory_space<vmem_shared>> -> memref<64x128xf32, #tpu.memory_space<vmem_shared>>
      %dma_wait3A_94 = arith.constant 0 : i32
      %dma_wait3A_95 = tpu.memref_slice %arg11[%add3A_5, %dma_wait3A_94] : memref<10112x128xf32, #tpu.memory_space<vmem_shared>> -> memref<64x128xf32, #tpu.memory_space<vmem_shared>>
      %dma_wait3A_96 = arith.constant 0 : i32
      %dma_wait3A_97 = arith.constant 0 : i32
      %dma_wait3A_98 = tpu.memref_slice %arg9[%dma_wait3A_96, %dma_wait3A_97] : memref<64x128xf32, #tpu.memory_space<vmem>> -> memref<64x128xf32, #tpu.memory_space<vmem>>
      tpu.wait_dma2 semaphore(%run_scoped3A : memref<!tpu.dma_semaphore, #tpu.memory_space<semaphore_mem>>) src(%dma_wait3A_98 : memref<64x128xf32, #tpu.memory_space<vmem>>) dst(%dma_wait3A_95 : memref<64x128xf32, #tpu.memory_space<vmem_shared>>)
      tpu.yield
    }) : () -> ()
    %add3A_6 = arith.constant 192 : i32
    %add3A_7 = arith.addi %mul3A_0, %add3A_6 : i32
    "tpu.region"() ({
      %run_scoped3A = tpu.sem_alloc : memref<!tpu.dma_semaphore, #tpu.memory_space<semaphore_mem>>
      %dma_start3A = arith.constant 0 : i32
      %dma_start3A_81 = arith.constant 0 : i32
      %dma_start3A_82 = tpu.memref_slice %arg9[%dma_start3A, %dma_start3A_81] : memref<64x128xf32, #tpu.memory_space<vmem>> -> memref<64x128xf32, #tpu.memory_space<vmem>>
      %dma_start3A_83 = arith.constant 0 : i32
      %dma_start3A_84 = tpu.memref_slice %arg11[%add3A_7, %dma_start3A_83] : memref<10112x128xf32, #tpu.memory_space<vmem_shared>> -> memref<64x128xf32, #tpu.memory_space<vmem_shared>>
      %dma_start3A_85 = arith.constant 0 : i32
      %dma_start3A_86 = tpu.memref_slice %arg11[%add3A_7, %dma_start3A_85] : memref<10112x128xf32, #tpu.memory_space<vmem_shared>> -> memref<64x128xf32, #tpu.memory_space<vmem_shared>>
      %dma_start3A_87 = arith.constant 0 : i32
      %dma_start3A_88 = arith.constant 0 : i32
      %dma_start3A_89 = tpu.memref_slice %arg9[%dma_start3A_87, %dma_start3A_88] : memref<64x128xf32, #tpu.memory_space<vmem>> -> memref<64x128xf32, #tpu.memory_space<vmem>>
      tpu.enqueue_dma source(%dma_start3A_89 : memref<64x128xf32, #tpu.memory_space<vmem>>) target(%dma_start3A_86 : memref<64x128xf32, #tpu.memory_space<vmem_shared>>) target_semaphore(%run_scoped3A : memref<!tpu.dma_semaphore, #tpu.memory_space<semaphore_mem>>)
      %dma_wait3A = arith.constant 0 : i32
      %dma_wait3A_90 = arith.constant 0 : i32
      %dma_wait3A_91 = tpu.memref_slice %arg9[%dma_wait3A, %dma_wait3A_90] : memref<64x128xf32, #tpu.memory_space<vmem>> -> memref<64x128xf32, #tpu.memory_space<vmem>>
      %dma_wait3A_92 = arith.constant 0 : i32
      %dma_wait3A_93 = tpu.memref_slice %arg11[%add3A_7, %dma_wait3A_92] : memref<10112x128xf32, #tpu.memory_space<vmem_shared>> -> memref<64x128xf32, #tpu.memory_space<vmem_shared>>
      %dma_wait3A_94 = arith.constant 0 : i32
      %dma_wait3A_95 = tpu.memref_slice %arg11[%add3A_7, %dma_wait3A_94] : memref<10112x128xf32, #tpu.memory_space<vmem_shared>> -> memref<64x128xf32, #tpu.memory_space<vmem_shared>>
      %dma_wait3A_96 = arith.constant 0 : i32
      %dma_wait3A_97 = arith.constant 0 : i32
      %dma_wait3A_98 = tpu.memref_slice %arg9[%dma_wait3A_96, %dma_wait3A_97] : memref<64x128xf32, #tpu.memory_space<vmem>> -> memref<64x128xf32, #tpu.memory_space<vmem>>
      tpu.wait_dma2 semaphore(%run_scoped3A : memref<!tpu.dma_semaphore, #tpu.memory_space<semaphore_mem>>) src(%dma_wait3A_98 : memref<64x128xf32, #tpu.memory_space<vmem>>) dst(%dma_wait3A_95 : memref<64x128xf32, #tpu.memory_space<vmem_shared>>)
      tpu.yield
    }) : () -> ()
    %add3A_8 = arith.constant 256 : i32
    %add3A_9 = arith.addi %mul3A_0, %add3A_8 : i32
    "tpu.region"() ({
      %run_scoped3A = tpu.sem_alloc : memref<!tpu.dma_semaphore, #tpu.memory_space<semaphore_mem>>
      %dma_start3A = arith.constant 0 : i32
      %dma_start3A_81 = arith.constant 0 : i32
      %dma_start3A_82 = tpu.memref_slice %arg9[%dma_start3A, %dma_start3A_81] : memref<64x128xf32, #tpu.memory_space<vmem>> -> memref<64x128xf32, #tpu.memory_space<vmem>>
      %dma_start3A_83 = arith.constant 0 : i32
      %dma_start3A_84 = tpu.memref_slice %arg11[%add3A_9, %dma_start3A_83] : memref<10112x128xf32, #tpu.memory_space<vmem_shared>> -> memref<64x128xf32, #tpu.memory_space<vmem_shared>>
      %dma_start3A_85 = arith.constant 0 : i32
      %dma_start3A_86 = tpu.memref_slice %arg11[%add3A_9, %dma_start3A_85] : memref<10112x128xf32, #tpu.memory_space<vmem_shared>> -> memref<64x128xf32, #tpu.memory_space<vmem_shared>>
      %dma_start3A_87 = arith.constant 0 : i32
      %dma_start3A_88 = arith.constant 0 : i32
      %dma_start3A_89 = tpu.memref_slice %arg9[%dma_start3A_87, %dma_start3A_88] : memref<64x128xf32, #tpu.memory_space<vmem>> -> memref<64x128xf32, #tpu.memory_space<vmem>>
      tpu.enqueue_dma source(%dma_start3A_89 : memref<64x128xf32, #tpu.memory_space<vmem>>) target(%dma_start3A_86 : memref<64x128xf32, #tpu.memory_space<vmem_shared>>) target_semaphore(%run_scoped3A : memref<!tpu.dma_semaphore, #tpu.memory_space<semaphore_mem>>)
      %dma_wait3A = arith.constant 0 : i32
      %dma_wait3A_90 = arith.constant 0 : i32
      %dma_wait3A_91 = tpu.memref_slice %arg9[%dma_wait3A, %dma_wait3A_90] : memref<64x128xf32, #tpu.memory_space<vmem>> -> memref<64x128xf32, #tpu.memory_space<vmem>>
      %dma_wait3A_92 = arith.constant 0 : i32
      %dma_wait3A_93 = tpu.memref_slice %arg11[%add3A_9, %dma_wait3A_92] : memref<10112x128xf32, #tpu.memory_space<vmem_shared>> -> memref<64x128xf32, #tpu.memory_space<vmem_shared>>
      %dma_wait3A_94 = arith.constant 0 : i32
      %dma_wait3A_95 = tpu.memref_slice %arg11[%add3A_9, %dma_wait3A_94] : memref<10112x128xf32, #tpu.memory_space<vmem_shared>> -> memref<64x128xf32, #tpu.memory_space<vmem_shared>>
      %dma_wait3A_96 = arith.constant 0 : i32
      %dma_wait3A_97 = arith.constant 0 : i32
      %dma_wait3A_98 = tpu.memref_slice %arg9[%dma_wait3A_96, %dma_wait3A_97] : memref<64x128xf32, #tpu.memory_space<vmem>> -> memref<64x128xf32, #tpu.memory_space<vmem>>
      tpu.wait_dma2 semaphore(%run_scoped3A : memref<!tpu.dma_semaphore, #tpu.memory_space<semaphore_mem>>) src(%dma_wait3A_98 : memref<64x128xf32, #tpu.memory_space<vmem>>) dst(%dma_wait3A_95 : memref<64x128xf32, #tpu.memory_space<vmem_shared>>)
      tpu.yield
    }) : () -> ()
    %add3A_10 = arith.constant 320 : i32
    %add3A_11 = arith.addi %mul3A_0, %add3A_10 : i32
    "tpu.region"() ({
      %run_scoped3A = tpu.sem_alloc : memref<!tpu.dma_semaphore, #tpu.memory_space<semaphore_mem>>
      %dma_start3A = arith.constant 0 : i32
      %dma_start3A_81 = arith.constant 0 : i32
      %dma_start3A_82 = tpu.memref_slice %arg9[%dma_start3A, %dma_start3A_81] : memref<64x128xf32, #tpu.memory_space<vmem>> -> memref<64x128xf32, #tpu.memory_space<vmem>>
      %dma_start3A_83 = arith.constant 0 : i32
      %dma_start3A_84 = tpu.memref_slice %arg11[%add3A_11, %dma_start3A_83] : memref<10112x128xf32, #tpu.memory_space<vmem_shared>> -> memref<64x128xf32, #tpu.memory_space<vmem_shared>>
      %dma_start3A_85 = arith.constant 0 : i32
      %dma_start3A_86 = tpu.memref_slice %arg11[%add3A_11, %dma_start3A_85] : memref<10112x128xf32, #tpu.memory_space<vmem_shared>> -> memref<64x128xf32, #tpu.memory_space<vmem_shared>>
      %dma_start3A_87 = arith.constant 0 : i32
      %dma_start3A_88 = arith.constant 0 : i32
      %dma_start3A_89 = tpu.memref_slice %arg9[%dma_start3A_87, %dma_start3A_88] : memref<64x128xf32, #tpu.memory_space<vmem>> -> memref<64x128xf32, #tpu.memory_space<vmem>>
      tpu.enqueue_dma source(%dma_start3A_89 : memref<64x128xf32, #tpu.memory_space<vmem>>) target(%dma_start3A_86 : memref<64x128xf32, #tpu.memory_space<vmem_shared>>) target_semaphore(%run_scoped3A : memref<!tpu.dma_semaphore, #tpu.memory_space<semaphore_mem>>)
      %dma_wait3A = arith.constant 0 : i32
      %dma_wait3A_90 = arith.constant 0 : i32
      %dma_wait3A_91 = tpu.memref_slice %arg9[%dma_wait3A, %dma_wait3A_90] : memref<64x128xf32, #tpu.memory_space<vmem>> -> memref<64x128xf32, #tpu.memory_space<vmem>>
      %dma_wait3A_92 = arith.constant 0 : i32
      %dma_wait3A_93 = tpu.memref_slice %arg11[%add3A_11, %dma_wait3A_92] : memref<10112x128xf32, #tpu.memory_space<vmem_shared>> -> memref<64x128xf32, #tpu.memory_space<vmem_shared>>
      %dma_wait3A_94 = arith.constant 0 : i32
      %dma_wait3A_95 = tpu.memref_slice %arg11[%add3A_11, %dma_wait3A_94] : memref<10112x128xf32, #tpu.memory_space<vmem_shared>> -> memref<64x128xf32, #tpu.memory_space<vmem_shared>>
      %dma_wait3A_96 = arith.constant 0 : i32
      %dma_wait3A_97 = arith.constant 0 : i32
      %dma_wait3A_98 = tpu.memref_slice %arg9[%dma_wait3A_96, %dma_wait3A_97] : memref<64x128xf32, #tpu.memory_space<vmem>> -> memref<64x128xf32, #tpu.memory_space<vmem>>
      tpu.wait_dma2 semaphore(%run_scoped3A : memref<!tpu.dma_semaphore, #tpu.memory_space<semaphore_mem>>) src(%dma_wait3A_98 : memref<64x128xf32, #tpu.memory_space<vmem>>) dst(%dma_wait3A_95 : memref<64x128xf32, #tpu.memory_space<vmem_shared>>)
      tpu.yield
    }) : () -> ()
    %add3A_12 = arith.constant 384 : i32
    %add3A_13 = arith.addi %mul3A_0, %add3A_12 : i32
    "tpu.region"() ({
      %run_scoped3A = tpu.sem_alloc : memref<!tpu.dma_semaphore, #tpu.memory_space<semaphore_mem>>
      %dma_start3A = arith.constant 0 : i32
      %dma_start3A_81 = arith.constant 0 : i32
      %dma_start3A_82 = tpu.memref_slice %arg9[%dma_start3A, %dma_start3A_81] : memref<64x128xf32, #tpu.memory_space<vmem>> -> memref<64x128xf32, #tpu.memory_space<vmem>>
      %dma_start3A_83 = arith.constant 0 : i32
      %dma_start3A_84 = tpu.memref_slice %arg11[%add3A_13, %dma_start3A_83] : memref<10112x128xf32, #tpu.memory_space<vmem_shared>> -> memref<64x128xf32, #tpu.memory_space<vmem_shared>>
      %dma_start3A_85 = arith.constant 0 : i32
      %dma_start3A_86 = tpu.memref_slice %arg11[%add3A_13, %dma_start3A_85] : memref<10112x128xf32, #tpu.memory_space<vmem_shared>> -> memref<64x128xf32, #tpu.memory_space<vmem_shared>>
      %dma_start3A_87 = arith.constant 0 : i32
      %dma_start3A_88 = arith.constant 0 : i32
      %dma_start3A_89 = tpu.memref_slice %arg9[%dma_start3A_87, %dma_start3A_88] : memref<64x128xf32, #tpu.memory_space<vmem>> -> memref<64x128xf32, #tpu.memory_space<vmem>>
      tpu.enqueue_dma source(%dma_start3A_89 : memref<64x128xf32, #tpu.memory_space<vmem>>) target(%dma_start3A_86 : memref<64x128xf32, #tpu.memory_space<vmem_shared>>) target_semaphore(%run_scoped3A : memref<!tpu.dma_semaphore, #tpu.memory_space<semaphore_mem>>)
      %dma_wait3A = arith.constant 0 : i32
      %dma_wait3A_90 = arith.constant 0 : i32
      %dma_wait3A_91 = tpu.memref_slice %arg9[%dma_wait3A, %dma_wait3A_90] : memref<64x128xf32, #tpu.memory_space<vmem>> -> memref<64x128xf32, #tpu.memory_space<vmem>>
      %dma_wait3A_92 = arith.constant 0 : i32
      %dma_wait3A_93 = tpu.memref_slice %arg11[%add3A_13, %dma_wait3A_92] : memref<10112x128xf32, #tpu.memory_space<vmem_shared>> -> memref<64x128xf32, #tpu.memory_space<vmem_shared>>
      %dma_wait3A_94 = arith.constant 0 : i32
      %dma_wait3A_95 = tpu.memref_slice %arg11[%add3A_13, %dma_wait3A_94] : memref<10112x128xf32, #tpu.memory_space<vmem_shared>> -> memref<64x128xf32, #tpu.memory_space<vmem_shared>>
      %dma_wait3A_96 = arith.constant 0 : i32
      %dma_wait3A_97 = arith.constant 0 : i32
      %dma_wait3A_98 = tpu.memref_slice %arg9[%dma_wait3A_96, %dma_wait3A_97] : memref<64x128xf32, #tpu.memory_space<vmem>> -> memref<64x128xf32, #tpu.memory_space<vmem>>
      tpu.wait_dma2 semaphore(%run_scoped3A : memref<!tpu.dma_semaphore, #tpu.memory_space<semaphore_mem>>) src(%dma_wait3A_98 : memref<64x128xf32, #tpu.memory_space<vmem>>) dst(%dma_wait3A_95 : memref<64x128xf32, #tpu.memory_space<vmem_shared>>)
      tpu.yield
    }) : () -> ()
    %add3A_14 = arith.constant 448 : i32
    %add3A_15 = arith.addi %mul3A_0, %add3A_14 : i32
    "tpu.region"() ({
      %run_scoped3A = tpu.sem_alloc : memref<!tpu.dma_semaphore, #tpu.memory_space<semaphore_mem>>
      %dma_start3A = arith.constant 0 : i32
      %dma_start3A_81 = arith.constant 0 : i32
      %dma_start3A_82 = tpu.memref_slice %arg9[%dma_start3A, %dma_start3A_81] : memref<64x128xf32, #tpu.memory_space<vmem>> -> memref<64x128xf32, #tpu.memory_space<vmem>>
      %dma_start3A_83 = arith.constant 0 : i32
      %dma_start3A_84 = tpu.memref_slice %arg11[%add3A_15, %dma_start3A_83] : memref<10112x128xf32, #tpu.memory_space<vmem_shared>> -> memref<64x128xf32, #tpu.memory_space<vmem_shared>>
      %dma_start3A_85 = arith.constant 0 : i32
      %dma_start3A_86 = tpu.memref_slice %arg11[%add3A_15, %dma_start3A_85] : memref<10112x128xf32, #tpu.memory_space<vmem_shared>> -> memref<64x128xf32, #tpu.memory_space<vmem_shared>>
      %dma_start3A_87 = arith.constant 0 : i32
      %dma_start3A_88 = arith.constant 0 : i32
      %dma_start3A_89 = tpu.memref_slice %arg9[%dma_start3A_87, %dma_start3A_88] : memref<64x128xf32, #tpu.memory_space<vmem>> -> memref<64x128xf32, #tpu.memory_space<vmem>>
      tpu.enqueue_dma source(%dma_start3A_89 : memref<64x128xf32, #tpu.memory_space<vmem>>) target(%dma_start3A_86 : memref<64x128xf32, #tpu.memory_space<vmem_shared>>) target_semaphore(%run_scoped3A : memref<!tpu.dma_semaphore, #tpu.memory_space<semaphore_mem>>)
      %dma_wait3A = arith.constant 0 : i32
      %dma_wait3A_90 = arith.constant 0 : i32
      %dma_wait3A_91 = tpu.memref_slice %arg9[%dma_wait3A, %dma_wait3A_90] : memref<64x128xf32, #tpu.memory_space<vmem>> -> memref<64x128xf32, #tpu.memory_space<vmem>>
      %dma_wait3A_92 = arith.constant 0 : i32
      %dma_wait3A_93 = tpu.memref_slice %arg11[%add3A_15, %dma_wait3A_92] : memref<10112x128xf32, #tpu.memory_space<vmem_shared>> -> memref<64x128xf32, #tpu.memory_space<vmem_shared>>
      %dma_wait3A_94 = arith.constant 0 : i32
      %dma_wait3A_95 = tpu.memref_slice %arg11[%add3A_15, %dma_wait3A_94] : memref<10112x128xf32, #tpu.memory_space<vmem_shared>> -> memref<64x128xf32, #tpu.memory_space<vmem_shared>>
      %dma_wait3A_96 = arith.constant 0 : i32
      %dma_wait3A_97 = arith.constant 0 : i32
      %dma_wait3A_98 = tpu.memref_slice %arg9[%dma_wait3A_96, %dma_wait3A_97] : memref<64x128xf32, #tpu.memory_space<vmem>> -> memref<64x128xf32, #tpu.memory_space<vmem>>
      tpu.wait_dma2 semaphore(%run_scoped3A : memref<!tpu.dma_semaphore, #tpu.memory_space<semaphore_mem>>) src(%dma_wait3A_98 : memref<64x128xf32, #tpu.memory_space<vmem>>) dst(%dma_wait3A_95 : memref<64x128xf32, #tpu.memory_space<vmem_shared>>)
      tpu.yield
    }) : () -> ()
    %add3A_16 = arith.constant 512 : i32
    %add3A_17 = arith.addi %mul3A_0, %add3A_16 : i32
    "tpu.region"() ({
      %run_scoped3A = tpu.sem_alloc : memref<!tpu.dma_semaphore, #tpu.memory_space<semaphore_mem>>
      %dma_start3A = arith.constant 0 : i32
      %dma_start3A_81 = arith.constant 0 : i32
      %dma_start3A_82 = tpu.memref_slice %arg9[%dma_start3A, %dma_start3A_81] : memref<64x128xf32, #tpu.memory_space<vmem>> -> memref<64x128xf32, #tpu.memory_space<vmem>>
      %dma_start3A_83 = arith.constant 0 : i32
      %dma_start3A_84 = tpu.memref_slice %arg11[%add3A_17, %dma_start3A_83] : memref<10112x128xf32, #tpu.memory_space<vmem_shared>> -> memref<64x128xf32, #tpu.memory_space<vmem_shared>>
      %dma_start3A_85 = arith.constant 0 : i32
      %dma_start3A_86 = tpu.memref_slice %arg11[%add3A_17, %dma_start3A_85] : memref<10112x128xf32, #tpu.memory_space<vmem_shared>> -> memref<64x128xf32, #tpu.memory_space<vmem_shared>>
      %dma_start3A_87 = arith.constant 0 : i32
      %dma_start3A_88 = arith.constant 0 : i32
      %dma_start3A_89 = tpu.memref_slice %arg9[%dma_start3A_87, %dma_start3A_88] : memref<64x128xf32, #tpu.memory_space<vmem>> -> memref<64x128xf32, #tpu.memory_space<vmem>>
      tpu.enqueue_dma source(%dma_start3A_89 : memref<64x128xf32, #tpu.memory_space<vmem>>) target(%dma_start3A_86 : memref<64x128xf32, #tpu.memory_space<vmem_shared>>) target_semaphore(%run_scoped3A : memref<!tpu.dma_semaphore, #tpu.memory_space<semaphore_mem>>)
      %dma_wait3A = arith.constant 0 : i32
      %dma_wait3A_90 = arith.constant 0 : i32
      %dma_wait3A_91 = tpu.memref_slice %arg9[%dma_wait3A, %dma_wait3A_90] : memref<64x128xf32, #tpu.memory_space<vmem>> -> memref<64x128xf32, #tpu.memory_space<vmem>>
      %dma_wait3A_92 = arith.constant 0 : i32
      %dma_wait3A_93 = tpu.memref_slice %arg11[%add3A_17, %dma_wait3A_92] : memref<10112x128xf32, #tpu.memory_space<vmem_shared>> -> memref<64x128xf32, #tpu.memory_space<vmem_shared>>
      %dma_wait3A_94 = arith.constant 0 : i32
      %dma_wait3A_95 = tpu.memref_slice %arg11[%add3A_17, %dma_wait3A_94] : memref<10112x128xf32, #tpu.memory_space<vmem_shared>> -> memref<64x128xf32, #tpu.memory_space<vmem_shared>>
      %dma_wait3A_96 = arith.constant 0 : i32
      %dma_wait3A_97 = arith.constant 0 : i32
      %dma_wait3A_98 = tpu.memref_slice %arg9[%dma_wait3A_96, %dma_wait3A_97] : memref<64x128xf32, #tpu.memory_space<vmem>> -> memref<64x128xf32, #tpu.memory_space<vmem>>
      tpu.wait_dma2 semaphore(%run_scoped3A : memref<!tpu.dma_semaphore, #tpu.memory_space<semaphore_mem>>) src(%dma_wait3A_98 : memref<64x128xf32, #tpu.memory_space<vmem>>) dst(%dma_wait3A_95 : memref<64x128xf32, #tpu.memory_space<vmem_shared>>)
      tpu.yield
    }) : () -> ()
    %add3A_18 = arith.constant 576 : i32
    %add3A_19 = arith.addi %mul3A_0, %add3A_18 : i32
    "tpu.region"() ({
      %run_scoped3A = tpu.sem_alloc : memref<!tpu.dma_semaphore, #tpu.memory_space<semaphore_mem>>
      %dma_start3A = arith.constant 0 : i32
      %dma_start3A_81 = arith.constant 0 : i32
      %dma_start3A_82 = tpu.memref_slice %arg9[%dma_start3A, %dma_start3A_81] : memref<64x128xf32, #tpu.memory_space<vmem>> -> memref<56x128xf32, #tpu.memory_space<vmem>>
      %dma_start3A_83 = arith.constant 0 : i32
      %dma_start3A_84 = tpu.memref_slice %arg11[%add3A_19, %dma_start3A_83] : memref<10112x128xf32, #tpu.memory_space<vmem_shared>> -> memref<56x128xf32, #tpu.memory_space<vmem_shared>>
      %dma_start3A_85 = arith.constant 0 : i32
      %dma_start3A_86 = tpu.memref_slice %arg11[%add3A_19, %dma_start3A_85] : memref<10112x128xf32, #tpu.memory_space<vmem_shared>> -> memref<56x128xf32, #tpu.memory_space<vmem_shared>>
      %dma_start3A_87 = arith.constant 0 : i32
      %dma_start3A_88 = arith.constant 0 : i32
      %dma_start3A_89 = tpu.memref_slice %arg9[%dma_start3A_87, %dma_start3A_88] : memref<64x128xf32, #tpu.memory_space<vmem>> -> memref<56x128xf32, #tpu.memory_space<vmem>>
      tpu.enqueue_dma source(%dma_start3A_89 : memref<56x128xf32, #tpu.memory_space<vmem>>) target(%dma_start3A_86 : memref<56x128xf32, #tpu.memory_space<vmem_shared>>) target_semaphore(%run_scoped3A : memref<!tpu.dma_semaphore, #tpu.memory_space<semaphore_mem>>)
      %dma_wait3A = arith.constant 0 : i32
      %dma_wait3A_90 = arith.constant 0 : i32
      %dma_wait3A_91 = tpu.memref_slice %arg9[%dma_wait3A, %dma_wait3A_90] : memref<64x128xf32, #tpu.memory_space<vmem>> -> memref<56x128xf32, #tpu.memory_space<vmem>>
      %dma_wait3A_92 = arith.constant 0 : i32
      %dma_wait3A_93 = tpu.memref_slice %arg11[%add3A_19, %dma_wait3A_92] : memref<10112x128xf32, #tpu.memory_space<vmem_shared>> -> memref<56x128xf32, #tpu.memory_space<vmem_shared>>
      %dma_wait3A_94 = arith.constant 0 : i32
      %dma_wait3A_95 = tpu.memref_slice %arg11[%add3A_19, %dma_wait3A_94] : memref<10112x128xf32, #tpu.memory_space<vmem_shared>> -> memref<56x128xf32, #tpu.memory_space<vmem_shared>>
      %dma_wait3A_96 = arith.constant 0 : i32
      %dma_wait3A_97 = arith.constant 0 : i32
      %dma_wait3A_98 = tpu.memref_slice %arg9[%dma_wait3A_96, %dma_wait3A_97] : memref<64x128xf32, #tpu.memory_space<vmem>> -> memref<56x128xf32, #tpu.memory_space<vmem>>
      tpu.wait_dma2 semaphore(%run_scoped3A : memref<!tpu.dma_semaphore, #tpu.memory_space<semaphore_mem>>) src(%dma_wait3A_98 : memref<56x128xf32, #tpu.memory_space<vmem>>) dst(%dma_wait3A_95 : memref<56x128xf32, #tpu.memory_space<vmem_shared>>)
      tpu.yield
    }) : () -> ()
    %eq3A = arith.constant 0 : i32
    %eq3A_20 = arith.cmpi eq, %arg0, %eq3A : i32
    %mul3A_21 = arith.constant 256 : i32
    %mul3A_22 = arith.muli %arg1, %mul3A_21 : i32
    %mul3A_23 = arith.constant 64 : i32
    %mul3A_24 = arith.muli %arg1, %mul3A_23 : i32
    %add3A_25 = arith.constant 4096 : i32
    %add3A_26 = arith.addi %add3A_25, %mul3A_24 : i32
    %select_n3A = arith.select %eq3A_20, %mul3A_22, %add3A_26 : i32
    %eq3A_27 = arith.constant 0 : i32
    %eq3A_28 = arith.cmpi eq, %arg0, %eq3A_27 : i32
    %jit3A = arith.constant 8 : i32
    %jit3A_29 = arith.constant 2 : i32
    %select_n3A_30 = arith.select %eq3A_28, %jit3A, %jit3A_29 : i32
    %barrier3A = arith.constant 0 : index
    tpu.barrier barrier_id(%barrier3A)
    %while3A = arith.constant 0 : i32
    %while3A_31 = arith.constant 0 : i32
    %while3A_32 = arith.subi %select_n3A_30, %while3A_31 : i32
    %while3A_33 = arith.addi %while3A_31, %while3A_32 : i32
    %while3A_34 = arith.constant 1 : i32
    %while3A_35 = arith.divsi %while3A_32, %while3A_34 : i32
    %while3A_36 = arith.muli %while3A_35, %while3A_34 : i32
    %while3A_37 = arith.addi %while3A_31, %while3A_36 : i32
    %while3A_38 = arith.constant 1 : i32
    scf.for %while3A_81 = %while3A_31 to %while3A_37 step %while3A_38  : i32 {
      %mul3A_82 = arith.constant 32 : i32
      %mul3A_83 = arith.muli %while3A_81, %mul3A_82 : i32
      %add3A_84 = arith.addi %select_n3A, %mul3A_83 : i32
      "tpu.region"() ({
        %run_scoped3A = tpu.sem_alloc : memref<!tpu.dma_semaphore, #tpu.memory_space<semaphore_mem>>
        %dma_start3A_105 = arith.constant 0 : i32
        %dma_start3A_106 = tpu.memref_slice %arg3[%add3A_84, %dma_start3A_105] : memref<5120x64xi32, #tpu.memory_space<hbm>> -> memref<32x64xi32, #tpu.memory_space<hbm>>
        %dma_start3A_107 = arith.constant 0 : i32
        %dma_start3A_108 = tpu.memref_slice %arg3[%add3A_84, %dma_start3A_107] : memref<5120x64xi32, #tpu.memory_space<hbm>> -> memref<32x64xi32, #tpu.memory_space<hbm>>
        tpu.enqueue_dma source(%dma_start3A_108 : memref<32x64xi32, #tpu.memory_space<hbm>>) target(%arg7 : memref<32x64xi32, #tpu.memory_space<vmem>>) target_semaphore(%run_scoped3A : memref<!tpu.dma_semaphore, #tpu.memory_space<semaphore_mem>>)
        %dma_wait3A_109 = arith.constant 0 : i32
        %dma_wait3A_110 = tpu.memref_slice %arg3[%add3A_84, %dma_wait3A_109] : memref<5120x64xi32, #tpu.memory_space<hbm>> -> memref<32x64xi32, #tpu.memory_space<hbm>>
        %dma_wait3A_111 = arith.constant 0 : i32
        %dma_wait3A_112 = tpu.memref_slice %arg3[%add3A_84, %dma_wait3A_111] : memref<5120x64xi32, #tpu.memory_space<hbm>> -> memref<32x64xi32, #tpu.memory_space<hbm>>
        tpu.wait_dma2 semaphore(%run_scoped3A : memref<!tpu.dma_semaphore, #tpu.memory_space<semaphore_mem>>) src(%dma_wait3A_112 : memref<32x64xi32, #tpu.memory_space<hbm>>) dst(%arg7 : memref<32x64xi32, #tpu.memory_space<vmem>>)
        tpu.yield
      }) : () -> ()
      %mul3A_85 = arith.constant 32 : i32
      %mul3A_86 = arith.muli %while3A_81, %mul3A_85 : i32
      %add3A_87 = arith.addi %select_n3A, %mul3A_86 : i32
      "tpu.region"() ({
        %run_scoped3A = tpu.sem_alloc : memref<!tpu.dma_semaphore, #tpu.memory_space<semaphore_mem>>
        %dma_start3A_105 = arith.constant 0 : i32
        %dma_start3A_106 = tpu.memref_slice %arg4[%add3A_87, %dma_start3A_105] : memref<5120x64xi32, #tpu.memory_space<hbm>> -> memref<32x64xi32, #tpu.memory_space<hbm>>
        %dma_start3A_107 = arith.constant 0 : i32
        %dma_start3A_108 = tpu.memref_slice %arg4[%add3A_87, %dma_start3A_107] : memref<5120x64xi32, #tpu.memory_space<hbm>> -> memref<32x64xi32, #tpu.memory_space<hbm>>
        tpu.enqueue_dma source(%dma_start3A_108 : memref<32x64xi32, #tpu.memory_space<hbm>>) target(%arg8 : memref<32x64xi32, #tpu.memory_space<vmem>>) target_semaphore(%run_scoped3A : memref<!tpu.dma_semaphore, #tpu.memory_space<semaphore_mem>>)
        %dma_wait3A_109 = arith.constant 0 : i32
        %dma_wait3A_110 = tpu.memref_slice %arg4[%add3A_87, %dma_wait3A_109] : memref<5120x64xi32, #tpu.memory_space<hbm>> -> memref<32x64xi32, #tpu.memory_space<hbm>>
        %dma_wait3A_111 = arith.constant 0 : i32
        %dma_wait3A_112 = tpu.memref_slice %arg4[%add3A_87, %dma_wait3A_111] : memref<5120x64xi32, #tpu.memory_space<hbm>> -> memref<32x64xi32, #tpu.memory_space<hbm>>
        tpu.wait_dma2 semaphore(%run_scoped3A : memref<!tpu.dma_semaphore, #tpu.memory_space<semaphore_mem>>) src(%dma_wait3A_112 : memref<32x64xi32, #tpu.memory_space<hbm>>) dst(%arg8 : memref<32x64xi32, #tpu.memory_space<vmem>>)
        tpu.yield
      }) : () -> ()
      %dma_start3A = arith.constant 0 : i32
      %dma_start3A_88 = arith.constant 0 : i32
      %dma_start3A_89 = tpu.memref_slice %arg7[%dma_start3A, %dma_start3A_88] : memref<32x64xi32, #tpu.memory_space<vmem>> -> memref<1x64xi32, #tpu.memory_space<vmem>>
      %dma_start3A_90 = tpu.memref_squeeze %dma_start3A_89 : memref<1x64xi32, #tpu.memory_space<vmem>> -> memref<64xi32, #tpu.memory_space<vmem>>
      %dma_start3A_91 = arith.constant 0 : i32
      %dma_start3A_92 = arith.constant 0 : i32
      %dma_start3A_93 = tpu.memref_slice %arg2[%dma_start3A_91, %dma_start3A_92] : memref<10000x128xf32, #tpu.memory_space<hbm>> -> memref<10000x128xf32, #tpu.memory_space<hbm>>
      tpu.enqueue_indirect_dma source(%dma_start3A_93 : memref<10000x128xf32, #tpu.memory_space<hbm>>) target(%arg9 : memref<64x128xf32, #tpu.memory_space<vmem>>) offsets(%dma_start3A_90 : memref<64xi32, #tpu.memory_space<vmem>>) semaphore(%arg12 : memref<!tpu.dma_semaphore, #tpu.memory_space<semaphore_mem>>)
      %scan3A = arith.constant 0 : i32
      %scan3A_94 = arith.constant 0 : i32
      %scan3A_95 = arith.constant 16 : i32
      %scan3A_96 = arith.addi %scan3A_94, %scan3A_95 : i32
      %scan3A_97 = arith.constant 1 : i32
      scf.for %scan3A_105 = %scan3A_94 to %scan3A_96 step %scan3A_97  : i32 {
        %dma_wait3A_106 = arith.constant 0 : i32
        %dma_wait3A_107 = arith.constant 0 : i32
        %dma_wait3A_108 = tpu.memref_slice %arg7[%dma_wait3A_106, %dma_wait3A_107] : memref<32x64xi32, #tpu.memory_space<vmem>> -> memref<1x64xi32, #tpu.memory_space<vmem>>
        %dma_wait3A_109 = tpu.memref_squeeze %dma_wait3A_108 : memref<1x64xi32, #tpu.memory_space<vmem>> -> memref<64xi32, #tpu.memory_space<vmem>>
        %dma_wait3A_110 = arith.constant 0 : i32
        %dma_wait3A_111 = arith.constant 0 : i32
        %dma_wait3A_112 = tpu.memref_slice %arg2[%dma_wait3A_110, %dma_wait3A_111] : memref<10000x128xf32, #tpu.memory_space<hbm>> -> memref<10000x128xf32, #tpu.memory_space<hbm>>
        tpu.wait_indirect_dma semaphore(%arg12 : memref<!tpu.dma_semaphore, #tpu.memory_space<semaphore_mem>>) src(%dma_wait3A_112 : memref<10000x128xf32, #tpu.memory_space<hbm>>) dst(%arg9 : memref<64x128xf32, #tpu.memory_space<vmem>>)
        %mul3A_113 = arith.constant 2 : i32
        %mul3A_114 = arith.muli %mul3A_113, %scan3A_105 : i32
        %add3A_115 = arith.constant 1 : i32
        %add3A_116 = arith.addi %mul3A_114, %add3A_115 : i32
        %dma_start3A_117 = arith.constant 0 : i32
        %dma_start3A_118 = tpu.memref_slice %arg7[%add3A_116, %dma_start3A_117] : memref<32x64xi32, #tpu.memory_space<vmem>> -> memref<1x64xi32, #tpu.memory_space<vmem>>
        %dma_start3A_119 = tpu.memref_squeeze %dma_start3A_118 : memref<1x64xi32, #tpu.memory_space<vmem>> -> memref<64xi32, #tpu.memory_space<vmem>>
        %dma_start3A_120 = arith.constant 0 : i32
        %dma_start3A_121 = arith.constant 0 : i32
        %dma_start3A_122 = tpu.memref_slice %arg2[%dma_start3A_120, %dma_start3A_121] : memref<10000x128xf32, #tpu.memory_space<hbm>> -> memref<10000x128xf32, #tpu.memory_space<hbm>>
        tpu.enqueue_indirect_dma source(%dma_start3A_122 : memref<10000x128xf32, #tpu.memory_space<hbm>>) target(%arg10 : memref<64x128xf32, #tpu.memory_space<vmem>>) offsets(%dma_start3A_119 : memref<64xi32, #tpu.memory_space<vmem>>) semaphore(%arg13 : memref<!tpu.dma_semaphore, #tpu.memory_space<semaphore_mem>>)
        %mul3A_123 = arith.constant 2 : i32
        %mul3A_124 = arith.muli %mul3A_123, %scan3A_105 : i32
        %dma_start3A_125 = arith.constant 0 : i32
        %dma_start3A_126 = tpu.memref_slice %arg8[%mul3A_124, %dma_start3A_125] : memref<32x64xi32, #tpu.memory_space<vmem>> -> memref<1x64xi32, #tpu.memory_space<vmem>>
        %dma_start3A_127 = tpu.memref_squeeze %dma_start3A_126 : memref<1x64xi32, #tpu.memory_space<vmem>> -> memref<64xi32, #tpu.memory_space<vmem>>
        %dma_start3A_128 = arith.constant 0 : i32
        %dma_start3A_129 = arith.constant 0 : i32
        %dma_start3A_130 = tpu.memref_slice %arg11[%dma_start3A_128, %dma_start3A_129] : memref<10112x128xf32, #tpu.memory_space<vmem_shared>> -> memref<10112x128xf32, #tpu.memory_space<vmem_shared>>
        tpu.enqueue_indirect_dma source(%arg9 : memref<64x128xf32, #tpu.memory_space<vmem>>) target(%dma_start3A_130 : memref<10112x128xf32, #tpu.memory_space<vmem_shared>>) offsets(%dma_start3A_127 : memref<64xi32, #tpu.memory_space<vmem>>) semaphore(%arg14 : memref<!tpu.dma_semaphore, #tpu.memory_space<semaphore_mem>>) {add = true}
        %dma_wait3A_131 = arith.constant 0 : i32
        %dma_wait3A_132 = arith.constant 0 : i32
        %dma_wait3A_133 = tpu.memref_slice %arg7[%dma_wait3A_131, %dma_wait3A_132] : memref<32x64xi32, #tpu.memory_space<vmem>> -> memref<1x64xi32, #tpu.memory_space<vmem>>
        %dma_wait3A_134 = tpu.memref_squeeze %dma_wait3A_133 : memref<1x64xi32, #tpu.memory_space<vmem>> -> memref<64xi32, #tpu.memory_space<vmem>>
        %dma_wait3A_135 = arith.constant 0 : i32
        %dma_wait3A_136 = arith.constant 0 : i32
        %dma_wait3A_137 = tpu.memref_slice %arg2[%dma_wait3A_135, %dma_wait3A_136] : memref<10000x128xf32, #tpu.memory_space<hbm>> -> memref<10000x128xf32, #tpu.memory_space<hbm>>
        tpu.wait_indirect_dma semaphore(%arg13 : memref<!tpu.dma_semaphore, #tpu.memory_space<semaphore_mem>>) src(%dma_wait3A_137 : memref<10000x128xf32, #tpu.memory_space<hbm>>) dst(%arg10 : memref<64x128xf32, #tpu.memory_space<vmem>>)
        %dma_wait3A_138 = arith.constant 0 : i32
        %dma_wait3A_139 = arith.constant 0 : i32
        %dma_wait3A_140 = tpu.memref_slice %arg8[%dma_wait3A_138, %dma_wait3A_139] : memref<32x64xi32, #tpu.memory_space<vmem>> -> memref<1x64xi32, #tpu.memory_space<vmem>>
        %dma_wait3A_141 = tpu.memref_squeeze %dma_wait3A_140 : memref<1x64xi32, #tpu.memory_space<vmem>> -> memref<64xi32, #tpu.memory_space<vmem>>
        %dma_wait3A_142 = arith.constant 0 : i32
        %dma_wait3A_143 = arith.constant 0 : i32
        %dma_wait3A_144 = tpu.memref_slice %arg11[%dma_wait3A_142, %dma_wait3A_143] : memref<10112x128xf32, #tpu.memory_space<vmem_shared>> -> memref<10112x128xf32, #tpu.memory_space<vmem_shared>>
        tpu.wait_indirect_dma semaphore(%arg14 : memref<!tpu.dma_semaphore, #tpu.memory_space<semaphore_mem>>) src(%arg9 : memref<64x128xf32, #tpu.memory_space<vmem>>) dst(%dma_wait3A_144 : memref<10112x128xf32, #tpu.memory_space<vmem_shared>>)
        %mul3A_145 = arith.constant 2 : i32
        %mul3A_146 = arith.muli %mul3A_145, %scan3A_105 : i32
        %add3A_147 = arith.constant 2 : i32
        %add3A_148 = arith.addi %mul3A_146, %add3A_147 : i32
        %min3A = arith.constant 31 : i32
        %min3A_149 = arith.minsi %add3A_148, %min3A : i32
        %dma_start3A_150 = arith.constant 0 : i32
        %dma_start3A_151 = tpu.memref_slice %arg7[%min3A_149, %dma_start3A_150] : memref<32x64xi32, #tpu.memory_space<vmem>> -> memref<1x64xi32, #tpu.memory_space<vmem>>
        %dma_start3A_152 = tpu.memref_squeeze %dma_start3A_151 : memref<1x64xi32, #tpu.memory_space<vmem>> -> memref<64xi32, #tpu.memory_space<vmem>>
        %dma_start3A_153 = arith.constant 0 : i32
        %dma_start3A_154 = arith.constant 0 : i32
        %dma_start3A_155 = tpu.memref_slice %arg2[%dma_start3A_153, %dma_start3A_154] : memref<10000x128xf32, #tpu.memory_space<hbm>> -> memref<10000x128xf32, #tpu.memory_space<hbm>>
        tpu.enqueue_indirect_dma source(%dma_start3A_155 : memref<10000x128xf32, #tpu.memory_space<hbm>>) target(%arg9 : memref<64x128xf32, #tpu.memory_space<vmem>>) offsets(%dma_start3A_152 : memref<64xi32, #tpu.memory_space<vmem>>) semaphore(%arg12 : memref<!tpu.dma_semaphore, #tpu.memory_space<semaphore_mem>>)
        %mul3A_156 = arith.constant 2 : i32
        %mul3A_157 = arith.muli %mul3A_156, %scan3A_105 : i32
        %add3A_158 = arith.constant 1 : i32
        %add3A_159 = arith.addi %mul3A_157, %add3A_158 : i32
        %dma_start3A_160 = arith.constant 0 : i32
        %dma_start3A_161 = tpu.memref_slice %arg8[%add3A_159, %dma_start3A_160] : memref<32x64xi32, #tpu.memory_space<vmem>> -> memref<1x64xi32, #tpu.memory_space<vmem>>
        %dma_start3A_162 = tpu.memref_squeeze %dma_start3A_161 : memref<1x64xi32, #tpu.memory_space<vmem>> -> memref<64xi32, #tpu.memory_space<vmem>>
        %dma_start3A_163 = arith.constant 0 : i32
        %dma_start3A_164 = arith.constant 0 : i32
        %dma_start3A_165 = tpu.memref_slice %arg11[%dma_start3A_163, %dma_start3A_164] : memref<10112x128xf32, #tpu.memory_space<vmem_shared>> -> memref<10112x128xf32, #tpu.memory_space<vmem_shared>>
        tpu.enqueue_indirect_dma source(%arg10 : memref<64x128xf32, #tpu.memory_space<vmem>>) target(%dma_start3A_165 : memref<10112x128xf32, #tpu.memory_space<vmem_shared>>) offsets(%dma_start3A_162 : memref<64xi32, #tpu.memory_space<vmem>>) semaphore(%arg15 : memref<!tpu.dma_semaphore, #tpu.memory_space<semaphore_mem>>) {add = true}
        %dma_wait3A_166 = arith.constant 0 : i32
        %dma_wait3A_167 = arith.constant 0 : i32
        %dma_wait3A_168 = tpu.memref_slice %arg8[%dma_wait3A_166, %dma_wait3A_167] : memref<32x64xi32, #tpu.memory_space<vmem>> -> memref<1x64xi32, #tpu.memory_space<vmem>>
        %dma_wait3A_169 = tpu.memref_squeeze %dma_wait3A_168 : memref<1x64xi32, #tpu.memory_space<vmem>> -> memref<64xi32, #tpu.memory_space<vmem>>
        %dma_wait3A_170 = arith.constant 0 : i32
        %dma_wait3A_171 = arith.constant 0 : i32
        %dma_wait3A_172 = tpu.memref_slice %arg11[%dma_wait3A_170, %dma_wait3A_171] : memref<10112x128xf32, #tpu.memory_space<vmem_shared>> -> memref<10112x128xf32, #tpu.memory_space<vmem_shared>>
        tpu.wait_indirect_dma semaphore(%arg15 : memref<!tpu.dma_semaphore, #tpu.memory_space<semaphore_mem>>) src(%arg10 : memref<64x128xf32, #tpu.memory_space<vmem>>) dst(%dma_wait3A_172 : memref<10112x128xf32, #tpu.memory_space<vmem_shared>>)
      }
      %scan3A_98 = arith.constant 16 : i32
      %dma_wait3A = arith.constant 0 : i32
      %dma_wait3A_99 = arith.constant 0 : i32
      %dma_wait3A_100 = tpu.memref_slice %arg7[%dma_wait3A, %dma_wait3A_99] : memref<32x64xi32, #tpu.memory_space<vmem>> -> memref<1x64xi32, #tpu.memory_space<vmem>>
      %dma_wait3A_101 = tpu.memref_squeeze %dma_wait3A_100 : memref<1x64xi32, #tpu.memory_space<vmem>> -> memref<64xi32, #tpu.memory_space<vmem>>
      %dma_wait3A_102 = arith.constant 0 : i32
      %dma_wait3A_103 = arith.constant 0 : i32
      %dma_wait3A_104 = tpu.memref_slice %arg2[%dma_wait3A_102, %dma_wait3A_103] : memref<10000x128xf32, #tpu.memory_space<hbm>> -> memref<10000x128xf32, #tpu.memory_space<hbm>>
      tpu.wait_indirect_dma semaphore(%arg12 : memref<!tpu.dma_semaphore, #tpu.memory_space<semaphore_mem>>) src(%dma_wait3A_104 : memref<10000x128xf32, #tpu.memory_space<hbm>>) dst(%arg9 : memref<64x128xf32, #tpu.memory_space<vmem>>)
    }
    %while3A_39 = arith.constant 1 : i32
    scf.for %while3A_81 = %while3A_37 to %while3A_33 step %while3A_39  : i32 {
      %mul3A_82 = arith.constant 32 : i32
      %mul3A_83 = arith.muli %while3A_81, %mul3A_82 : i32
      %add3A_84 = arith.addi %select_n3A, %mul3A_83 : i32
      "tpu.region"() ({
        %run_scoped3A = tpu.sem_alloc : memref<!tpu.dma_semaphore, #tpu.memory_space<semaphore_mem>>
        %dma_start3A_105 = arith.constant 0 : i32
        %dma_start3A_106 = tpu.memref_slice %arg3[%add3A_84, %dma_start3A_105] : memref<5120x64xi32, #tpu.memory_space<hbm>> -> memref<32x64xi32, #tpu.memory_space<hbm>>
        %dma_start3A_107 = arith.constant 0 : i32
        %dma_start3A_108 = tpu.memref_slice %arg3[%add3A_84, %dma_start3A_107] : memref<5120x64xi32, #tpu.memory_space<hbm>> -> memref<32x64xi32, #tpu.memory_space<hbm>>
        tpu.enqueue_dma source(%dma_start3A_108 : memref<32x64xi32, #tpu.memory_space<hbm>>) target(%arg7 : memref<32x64xi32, #tpu.memory_space<vmem>>) target_semaphore(%run_scoped3A : memref<!tpu.dma_semaphore, #tpu.memory_space<semaphore_mem>>)
        %dma_wait3A_109 = arith.constant 0 : i32
        %dma_wait3A_110 = tpu.memref_slice %arg3[%add3A_84, %dma_wait3A_109] : memref<5120x64xi32, #tpu.memory_space<hbm>> -> memref<32x64xi32, #tpu.memory_space<hbm>>
        %dma_wait3A_111 = arith.constant 0 : i32
        %dma_wait3A_112 = tpu.memref_slice %arg3[%add3A_84, %dma_wait3A_111] : memref<5120x64xi32, #tpu.memory_space<hbm>> -> memref<32x64xi32, #tpu.memory_space<hbm>>
        tpu.wait_dma2 semaphore(%run_scoped3A : memref<!tpu.dma_semaphore, #tpu.memory_space<semaphore_mem>>) src(%dma_wait3A_112 : memref<32x64xi32, #tpu.memory_space<hbm>>) dst(%arg7 : memref<32x64xi32, #tpu.memory_space<vmem>>)
        tpu.yield
      }) : () -> ()
      %mul3A_85 = arith.constant 32 : i32
      %mul3A_86 = arith.muli %while3A_81, %mul3A_85 : i32
      %add3A_87 = arith.addi %select_n3A, %mul3A_86 : i32
      "tpu.region"() ({
        %run_scoped3A = tpu.sem_alloc : memref<!tpu.dma_semaphore, #tpu.memory_space<semaphore_mem>>
        %dma_start3A_105 = arith.constant 0 : i32
        %dma_start3A_106 = tpu.memref_slice %arg4[%add3A_87, %dma_start3A_105] : memref<5120x64xi32, #tpu.memory_space<hbm>> -> memref<32x64xi32, #tpu.memory_space<hbm>>
        %dma_start3A_107 = arith.constant 0 : i32
        %dma_start3A_108 = tpu.memref_slice %arg4[%add3A_87, %dma_start3A_107] : memref<5120x64xi32, #tpu.memory_space<hbm>> -> memref<32x64xi32, #tpu.memory_space<hbm>>
        tpu.enqueue_dma source(%dma_start3A_108 : memref<32x64xi32, #tpu.memory_space<hbm>>) target(%arg8 : memref<32x64xi32, #tpu.memory_space<vmem>>) target_semaphore(%run_scoped3A : memref<!tpu.dma_semaphore, #tpu.memory_space<semaphore_mem>>)
        %dma_wait3A_109 = arith.constant 0 : i32
        %dma_wait3A_110 = tpu.memref_slice %arg4[%add3A_87, %dma_wait3A_109] : memref<5120x64xi32, #tpu.memory_space<hbm>> -> memref<32x64xi32, #tpu.memory_space<hbm>>
        %dma_wait3A_111 = arith.constant 0 : i32
        %dma_wait3A_112 = tpu.memref_slice %arg4[%add3A_87, %dma_wait3A_111] : memref<5120x64xi32, #tpu.memory_space<hbm>> -> memref<32x64xi32, #tpu.memory_space<hbm>>
        tpu.wait_dma2 semaphore(%run_scoped3A : memref<!tpu.dma_semaphore, #tpu.memory_space<semaphore_mem>>) src(%dma_wait3A_112 : memref<32x64xi32, #tpu.memory_space<hbm>>) dst(%arg8 : memref<32x64xi32, #tpu.memory_space<vmem>>)
        tpu.yield
      }) : () -> ()
      %dma_start3A = arith.constant 0 : i32
      %dma_start3A_88 = arith.constant 0 : i32
      %dma_start3A_89 = tpu.memref_slice %arg7[%dma_start3A, %dma_start3A_88] : memref<32x64xi32, #tpu.memory_space<vmem>> -> memref<1x64xi32, #tpu.memory_space<vmem>>
      %dma_start3A_90 = tpu.memref_squeeze %dma_start3A_89 : memref<1x64xi32, #tpu.memory_space<vmem>> -> memref<64xi32, #tpu.memory_space<vmem>>
      %dma_start3A_91 = arith.constant 0 : i32
      %dma_start3A_92 = arith.constant 0 : i32
      %dma_start3A_93 = tpu.memref_slice %arg2[%dma_start3A_91, %dma_start3A_92] : memref<10000x128xf32, #tpu.memory_space<hbm>> -> memref<10000x128xf32, #tpu.memory_space<hbm>>
      tpu.enqueue_indirect_dma source(%dma_start3A_93 : memref<10000x128xf32, #tpu.memory_space<hbm>>) target(%arg9 : memref<64x128xf32, #tpu.memory_space<vmem>>) offsets(%dma_start3A_90 : memref<64xi32, #tpu.memory_space<vmem>>) semaphore(%arg12 : memref<!tpu.dma_semaphore, #tpu.memory_space<semaphore_mem>>)
      %scan3A = arith.constant 0 : i32
      %scan3A_94 = arith.constant 0 : i32
      %scan3A_95 = arith.constant 16 : i32
      %scan3A_96 = arith.addi %scan3A_94, %scan3A_95 : i32
      %scan3A_97 = arith.constant 1 : i32
      scf.for %scan3A_105 = %scan3A_94 to %scan3A_96 step %scan3A_97  : i32 {
        %dma_wait3A_106 = arith.constant 0 : i32
        %dma_wait3A_107 = arith.constant 0 : i32
        %dma_wait3A_108 = tpu.memref_slice %arg7[%dma_wait3A_106, %dma_wait3A_107] : memref<32x64xi32, #tpu.memory_space<vmem>> -> memref<1x64xi32, #tpu.memory_space<vmem>>
        %dma_wait3A_109 = tpu.memref_squeeze %dma_wait3A_108 : memref<1x64xi32, #tpu.memory_space<vmem>> -> memref<64xi32, #tpu.memory_space<vmem>>
        %dma_wait3A_110 = arith.constant 0 : i32
        %dma_wait3A_111 = arith.constant 0 : i32
        %dma_wait3A_112 = tpu.memref_slice %arg2[%dma_wait3A_110, %dma_wait3A_111] : memref<10000x128xf32, #tpu.memory_space<hbm>> -> memref<10000x128xf32, #tpu.memory_space<hbm>>
        tpu.wait_indirect_dma semaphore(%arg12 : memref<!tpu.dma_semaphore, #tpu.memory_space<semaphore_mem>>) src(%dma_wait3A_112 : memref<10000x128xf32, #tpu.memory_space<hbm>>) dst(%arg9 : memref<64x128xf32, #tpu.memory_space<vmem>>)
        %mul3A_113 = arith.constant 2 : i32
        %mul3A_114 = arith.muli %mul3A_113, %scan3A_105 : i32
        %add3A_115 = arith.constant 1 : i32
        %add3A_116 = arith.addi %mul3A_114, %add3A_115 : i32
        %dma_start3A_117 = arith.constant 0 : i32
        %dma_start3A_118 = tpu.memref_slice %arg7[%add3A_116, %dma_start3A_117] : memref<32x64xi32, #tpu.memory_space<vmem>> -> memref<1x64xi32, #tpu.memory_space<vmem>>
        %dma_start3A_119 = tpu.memref_squeeze %dma_start3A_118 : memref<1x64xi32, #tpu.memory_space<vmem>> -> memref<64xi32, #tpu.memory_space<vmem>>
        %dma_start3A_120 = arith.constant 0 : i32
        %dma_start3A_121 = arith.constant 0 : i32
        %dma_start3A_122 = tpu.memref_slice %arg2[%dma_start3A_120, %dma_start3A_121] : memref<10000x128xf32, #tpu.memory_space<hbm>> -> memref<10000x128xf32, #tpu.memory_space<hbm>>
        tpu.enqueue_indirect_dma source(%dma_start3A_122 : memref<10000x128xf32, #tpu.memory_space<hbm>>) target(%arg10 : memref<64x128xf32, #tpu.memory_space<vmem>>) offsets(%dma_start3A_119 : memref<64xi32, #tpu.memory_space<vmem>>) semaphore(%arg13 : memref<!tpu.dma_semaphore, #tpu.memory_space<semaphore_mem>>)
        %mul3A_123 = arith.constant 2 : i32
        %mul3A_124 = arith.muli %mul3A_123, %scan3A_105 : i32
        %dma_start3A_125 = arith.constant 0 : i32
        %dma_start3A_126 = tpu.memref_slice %arg8[%mul3A_124, %dma_start3A_125] : memref<32x64xi32, #tpu.memory_space<vmem>> -> memref<1x64xi32, #tpu.memory_space<vmem>>
        %dma_start3A_127 = tpu.memref_squeeze %dma_start3A_126 : memref<1x64xi32, #tpu.memory_space<vmem>> -> memref<64xi32, #tpu.memory_space<vmem>>
        %dma_start3A_128 = arith.constant 0 : i32
        %dma_start3A_129 = arith.constant 0 : i32
        %dma_start3A_130 = tpu.memref_slice %arg11[%dma_start3A_128, %dma_start3A_129] : memref<10112x128xf32, #tpu.memory_space<vmem_shared>> -> memref<10112x128xf32, #tpu.memory_space<vmem_shared>>
        tpu.enqueue_indirect_dma source(%arg9 : memref<64x128xf32, #tpu.memory_space<vmem>>) target(%dma_start3A_130 : memref<10112x128xf32, #tpu.memory_space<vmem_shared>>) offsets(%dma_start3A_127 : memref<64xi32, #tpu.memory_space<vmem>>) semaphore(%arg14 : memref<!tpu.dma_semaphore, #tpu.memory_space<semaphore_mem>>) {add = true}
        %dma_wait3A_131 = arith.constant 0 : i32
        %dma_wait3A_132 = arith.constant 0 : i32
        %dma_wait3A_133 = tpu.memref_slice %arg7[%dma_wait3A_131, %dma_wait3A_132] : memref<32x64xi32, #tpu.memory_space<vmem>> -> memref<1x64xi32, #tpu.memory_space<vmem>>
        %dma_wait3A_134 = tpu.memref_squeeze %dma_wait3A_133 : memref<1x64xi32, #tpu.memory_space<vmem>> -> memref<64xi32, #tpu.memory_space<vmem>>
        %dma_wait3A_135 = arith.constant 0 : i32
        %dma_wait3A_136 = arith.constant 0 : i32
        %dma_wait3A_137 = tpu.memref_slice %arg2[%dma_wait3A_135, %dma_wait3A_136] : memref<10000x128xf32, #tpu.memory_space<hbm>> -> memref<10000x128xf32, #tpu.memory_space<hbm>>
        tpu.wait_indirect_dma semaphore(%arg13 : memref<!tpu.dma_semaphore, #tpu.memory_space<semaphore_mem>>) src(%dma_wait3A_137 : memref<10000x128xf32, #tpu.memory_space<hbm>>) dst(%arg10 : memref<64x128xf32, #tpu.memory_space<vmem>>)
        %dma_wait3A_138 = arith.constant 0 : i32
        %dma_wait3A_139 = arith.constant 0 : i32
        %dma_wait3A_140 = tpu.memref_slice %arg8[%dma_wait3A_138, %dma_wait3A_139] : memref<32x64xi32, #tpu.memory_space<vmem>> -> memref<1x64xi32, #tpu.memory_space<vmem>>
        %dma_wait3A_141 = tpu.memref_squeeze %dma_wait3A_140 : memref<1x64xi32, #tpu.memory_space<vmem>> -> memref<64xi32, #tpu.memory_space<vmem>>
        %dma_wait3A_142 = arith.constant 0 : i32
        %dma_wait3A_143 = arith.constant 0 : i32
        %dma_wait3A_144 = tpu.memref_slice %arg11[%dma_wait3A_142, %dma_wait3A_143] : memref<10112x128xf32, #tpu.memory_space<vmem_shared>> -> memref<10112x128xf32, #tpu.memory_space<vmem_shared>>
        tpu.wait_indirect_dma semaphore(%arg14 : memref<!tpu.dma_semaphore, #tpu.memory_space<semaphore_mem>>) src(%arg9 : memref<64x128xf32, #tpu.memory_space<vmem>>) dst(%dma_wait3A_144 : memref<10112x128xf32, #tpu.memory_space<vmem_shared>>)
        %mul3A_145 = arith.constant 2 : i32
        %mul3A_146 = arith.muli %mul3A_145, %scan3A_105 : i32
        %add3A_147 = arith.constant 2 : i32
        %add3A_148 = arith.addi %mul3A_146, %add3A_147 : i32
        %min3A = arith.constant 31 : i32
        %min3A_149 = arith.minsi %add3A_148, %min3A : i32
        %dma_start3A_150 = arith.constant 0 : i32
        %dma_start3A_151 = tpu.memref_slice %arg7[%min3A_149, %dma_start3A_150] : memref<32x64xi32, #tpu.memory_space<vmem>> -> memref<1x64xi32, #tpu.memory_space<vmem>>
        %dma_start3A_152 = tpu.memref_squeeze %dma_start3A_151 : memref<1x64xi32, #tpu.memory_space<vmem>> -> memref<64xi32, #tpu.memory_space<vmem>>
        %dma_start3A_153 = arith.constant 0 : i32
        %dma_start3A_154 = arith.constant 0 : i32
        %dma_start3A_155 = tpu.memref_slice %arg2[%dma_start3A_153, %dma_start3A_154] : memref<10000x128xf32, #tpu.memory_space<hbm>> -> memref<10000x128xf32, #tpu.memory_space<hbm>>
        tpu.enqueue_indirect_dma source(%dma_start3A_155 : memref<10000x128xf32, #tpu.memory_space<hbm>>) target(%arg9 : memref<64x128xf32, #tpu.memory_space<vmem>>) offsets(%dma_start3A_152 : memref<64xi32, #tpu.memory_space<vmem>>) semaphore(%arg12 : memref<!tpu.dma_semaphore, #tpu.memory_space<semaphore_mem>>)
        %mul3A_156 = arith.constant 2 : i32
        %mul3A_157 = arith.muli %mul3A_156, %scan3A_105 : i32
        %add3A_158 = arith.constant 1 : i32
        %add3A_159 = arith.addi %mul3A_157, %add3A_158 : i32
        %dma_start3A_160 = arith.constant 0 : i32
        %dma_start3A_161 = tpu.memref_slice %arg8[%add3A_159, %dma_start3A_160] : memref<32x64xi32, #tpu.memory_space<vmem>> -> memref<1x64xi32, #tpu.memory_space<vmem>>
        %dma_start3A_162 = tpu.memref_squeeze %dma_start3A_161 : memref<1x64xi32, #tpu.memory_space<vmem>> -> memref<64xi32, #tpu.memory_space<vmem>>
        %dma_start3A_163 = arith.constant 0 : i32
        %dma_start3A_164 = arith.constant 0 : i32
        %dma_start3A_165 = tpu.memref_slice %arg11[%dma_start3A_163, %dma_start3A_164] : memref<10112x128xf32, #tpu.memory_space<vmem_shared>> -> memref<10112x128xf32, #tpu.memory_space<vmem_shared>>
        tpu.enqueue_indirect_dma source(%arg10 : memref<64x128xf32, #tpu.memory_space<vmem>>) target(%dma_start3A_165 : memref<10112x128xf32, #tpu.memory_space<vmem_shared>>) offsets(%dma_start3A_162 : memref<64xi32, #tpu.memory_space<vmem>>) semaphore(%arg15 : memref<!tpu.dma_semaphore, #tpu.memory_space<semaphore_mem>>) {add = true}
        %dma_wait3A_166 = arith.constant 0 : i32
        %dma_wait3A_167 = arith.constant 0 : i32
        %dma_wait3A_168 = tpu.memref_slice %arg8[%dma_wait3A_166, %dma_wait3A_167] : memref<32x64xi32, #tpu.memory_space<vmem>> -> memref<1x64xi32, #tpu.memory_space<vmem>>
        %dma_wait3A_169 = tpu.memref_squeeze %dma_wait3A_168 : memref<1x64xi32, #tpu.memory_space<vmem>> -> memref<64xi32, #tpu.memory_space<vmem>>
        %dma_wait3A_170 = arith.constant 0 : i32
        %dma_wait3A_171 = arith.constant 0 : i32
        %dma_wait3A_172 = tpu.memref_slice %arg11[%dma_wait3A_170, %dma_wait3A_171] : memref<10112x128xf32, #tpu.memory_space<vmem_shared>> -> memref<10112x128xf32, #tpu.memory_space<vmem_shared>>
        tpu.wait_indirect_dma semaphore(%arg15 : memref<!tpu.dma_semaphore, #tpu.memory_space<semaphore_mem>>) src(%arg10 : memref<64x128xf32, #tpu.memory_space<vmem>>) dst(%dma_wait3A_172 : memref<10112x128xf32, #tpu.memory_space<vmem_shared>>)
      }
      %scan3A_98 = arith.constant 16 : i32
      %dma_wait3A = arith.constant 0 : i32
      %dma_wait3A_99 = arith.constant 0 : i32
      %dma_wait3A_100 = tpu.memref_slice %arg7[%dma_wait3A, %dma_wait3A_99] : memref<32x64xi32, #tpu.memory_space<vmem>> -> memref<1x64xi32, #tpu.memory_space<vmem>>
      %dma_wait3A_101 = tpu.memref_squeeze %dma_wait3A_100 : memref<1x64xi32, #tpu.memory_space<vmem>> -> memref<64xi32, #tpu.memory_space<vmem>>
      %dma_wait3A_102 = arith.constant 0 : i32
      %dma_wait3A_103 = arith.constant 0 : i32
      %dma_wait3A_104 = tpu.memref_slice %arg2[%dma_wait3A_102, %dma_wait3A_103] : memref<10000x128xf32, #tpu.memory_space<hbm>> -> memref<10000x128xf32, #tpu.memory_space<hbm>>
      tpu.wait_indirect_dma semaphore(%arg12 : memref<!tpu.dma_semaphore, #tpu.memory_space<semaphore_mem>>) src(%dma_wait3A_104 : memref<10000x128xf32, #tpu.memory_space<hbm>>) dst(%arg9 : memref<64x128xf32, #tpu.memory_space<vmem>>)
    }
    %barrier3A_40 = arith.constant 0 : index
    tpu.barrier barrier_id(%barrier3A_40)
    %add3A_41 = arith.constant 0 : i32
    %add3A_42 = arith.addi %mul3A_0, %add3A_41 : i32
    "tpu.region"() ({
      %run_scoped3A = tpu.sem_alloc : memref<!tpu.dma_semaphore, #tpu.memory_space<semaphore_mem>>
      %dma_start3A = arith.constant 0 : i32
      %dma_start3A_81 = arith.constant 0 : i32
      %dma_start3A_82 = tpu.memref_slice %arg9[%dma_start3A, %dma_start3A_81] : memref<64x128xf32, #tpu.memory_space<vmem>> -> memref<64x128xf32, #tpu.memory_space<vmem>>
      %dma_start3A_83 = arith.constant 0 : i32
      %dma_start3A_84 = tpu.memref_slice %arg11[%add3A_42, %dma_start3A_83] : memref<10112x128xf32, #tpu.memory_space<vmem_shared>> -> memref<64x128xf32, #tpu.memory_space<vmem_shared>>
      %dma_start3A_85 = arith.constant 0 : i32
      %dma_start3A_86 = arith.constant 0 : i32
      %dma_start3A_87 = tpu.memref_slice %arg9[%dma_start3A_85, %dma_start3A_86] : memref<64x128xf32, #tpu.memory_space<vmem>> -> memref<64x128xf32, #tpu.memory_space<vmem>>
      %dma_start3A_88 = arith.constant 0 : i32
      %dma_start3A_89 = tpu.memref_slice %arg11[%add3A_42, %dma_start3A_88] : memref<10112x128xf32, #tpu.memory_space<vmem_shared>> -> memref<64x128xf32, #tpu.memory_space<vmem_shared>>
      tpu.enqueue_dma source(%dma_start3A_89 : memref<64x128xf32, #tpu.memory_space<vmem_shared>>) target(%dma_start3A_87 : memref<64x128xf32, #tpu.memory_space<vmem>>) target_semaphore(%run_scoped3A : memref<!tpu.dma_semaphore, #tpu.memory_space<semaphore_mem>>)
      %dma_wait3A = arith.constant 0 : i32
      %dma_wait3A_90 = arith.constant 0 : i32
      %dma_wait3A_91 = tpu.memref_slice %arg9[%dma_wait3A, %dma_wait3A_90] : memref<64x128xf32, #tpu.memory_space<vmem>> -> memref<64x128xf32, #tpu.memory_space<vmem>>
      %dma_wait3A_92 = arith.constant 0 : i32
      %dma_wait3A_93 = tpu.memref_slice %arg11[%add3A_42, %dma_wait3A_92] : memref<10112x128xf32, #tpu.memory_space<vmem_shared>> -> memref<64x128xf32, #tpu.memory_space<vmem_shared>>
      %dma_wait3A_94 = arith.constant 0 : i32
      %dma_wait3A_95 = arith.constant 0 : i32
      %dma_wait3A_96 = tpu.memref_slice %arg9[%dma_wait3A_94, %dma_wait3A_95] : memref<64x128xf32, #tpu.memory_space<vmem>> -> memref<64x128xf32, #tpu.memory_space<vmem>>
      %dma_wait3A_97 = arith.constant 0 : i32
      %dma_wait3A_98 = tpu.memref_slice %arg11[%add3A_42, %dma_wait3A_97] : memref<10112x128xf32, #tpu.memory_space<vmem_shared>> -> memref<64x128xf32, #tpu.memory_space<vmem_shared>>
      tpu.wait_dma2 semaphore(%run_scoped3A : memref<!tpu.dma_semaphore, #tpu.memory_space<semaphore_mem>>) src(%dma_wait3A_98 : memref<64x128xf32, #tpu.memory_space<vmem_shared>>) dst(%dma_wait3A_96 : memref<64x128xf32, #tpu.memory_space<vmem>>)
      tpu.yield
    }) : () -> ()
    %add3A_43 = arith.constant 0 : i32
    %add3A_44 = arith.addi %mul3A_0, %add3A_43 : i32
    "tpu.region"() ({
      %run_scoped3A = tpu.sem_alloc : memref<!tpu.dma_semaphore, #tpu.memory_space<semaphore_mem>>
      %dma_start3A = arith.constant 0 : i32
      %dma_start3A_81 = arith.constant 0 : i32
      %dma_start3A_82 = tpu.memref_slice %arg9[%dma_start3A, %dma_start3A_81] : memref<64x128xf32, #tpu.memory_space<vmem>> -> memref<64x128xf32, #tpu.memory_space<vmem>>
      %dma_start3A_83 = arith.constant 0 : i32
      %dma_start3A_84 = tpu.memref_slice %arg6[%arg0, %add3A_44, %dma_start3A_83] : memref<2x10112x128xf32, #tpu.memory_space<hbm>> -> memref<1x64x128xf32, #tpu.memory_space<hbm>>
      %dma_start3A_85 = tpu.memref_squeeze %dma_start3A_84 : memref<1x64x128xf32, #tpu.memory_space<hbm>> -> memref<64x128xf32, #tpu.memory_space<hbm>>
      %dma_start3A_86 = arith.constant 0 : i32
      %dma_start3A_87 = tpu.memref_slice %arg6[%arg0, %add3A_44, %dma_start3A_86] : memref<2x10112x128xf32, #tpu.memory_space<hbm>> -> memref<1x64x128xf32, #tpu.memory_space<hbm>>
      %dma_start3A_88 = tpu.memref_squeeze %dma_start3A_87 : memref<1x64x128xf32, #tpu.memory_space<hbm>> -> memref<64x128xf32, #tpu.memory_space<hbm>>
      %dma_start3A_89 = arith.constant 0 : i32
      %dma_start3A_90 = arith.constant 0 : i32
      %dma_start3A_91 = tpu.memref_slice %arg9[%dma_start3A_89, %dma_start3A_90] : memref<64x128xf32, #tpu.memory_space<vmem>> -> memref<64x128xf32, #tpu.memory_space<vmem>>
      tpu.enqueue_dma source(%dma_start3A_91 : memref<64x128xf32, #tpu.memory_space<vmem>>) target(%dma_start3A_88 : memref<64x128xf32, #tpu.memory_space<hbm>>) target_semaphore(%run_scoped3A : memref<!tpu.dma_semaphore, #tpu.memory_space<semaphore_mem>>)
      %dma_wait3A = arith.constant 0 : i32
      %dma_wait3A_92 = arith.constant 0 : i32
      %dma_wait3A_93 = tpu.memref_slice %arg9[%dma_wait3A, %dma_wait3A_92] : memref<64x128xf32, #tpu.memory_space<vmem>> -> memref<64x128xf32, #tpu.memory_space<vmem>>
      %dma_wait3A_94 = arith.constant 0 : i32
      %dma_wait3A_95 = tpu.memref_slice %arg6[%arg0, %add3A_44, %dma_wait3A_94] : memref<2x10112x128xf32, #tpu.memory_space<hbm>> -> memref<1x64x128xf32, #tpu.memory_space<hbm>>
      %dma_wait3A_96 = tpu.memref_squeeze %dma_wait3A_95 : memref<1x64x128xf32, #tpu.memory_space<hbm>> -> memref<64x128xf32, #tpu.memory_space<hbm>>
      %dma_wait3A_97 = arith.constant 0 : i32
      %dma_wait3A_98 = tpu.memref_slice %arg6[%arg0, %add3A_44, %dma_wait3A_97] : memref<2x10112x128xf32, #tpu.memory_space<hbm>> -> memref<1x64x128xf32, #tpu.memory_space<hbm>>
      %dma_wait3A_99 = tpu.memref_squeeze %dma_wait3A_98 : memref<1x64x128xf32, #tpu.memory_space<hbm>> -> memref<64x128xf32, #tpu.memory_space<hbm>>
      %dma_wait3A_100 = arith.constant 0 : i32
      %dma_wait3A_101 = arith.constant 0 : i32
      %dma_wait3A_102 = tpu.memref_slice %arg9[%dma_wait3A_100, %dma_wait3A_101] : memref<64x128xf32, #tpu.memory_space<vmem>> -> memref<64x128xf32, #tpu.memory_space<vmem>>
      tpu.wait_dma2 semaphore(%run_scoped3A : memref<!tpu.dma_semaphore, #tpu.memory_space<semaphore_mem>>) src(%dma_wait3A_102 : memref<64x128xf32, #tpu.memory_space<vmem>>) dst(%dma_wait3A_99 : memref<64x128xf32, #tpu.memory_space<hbm>>)
      tpu.yield
    }) : () -> ()
    %add3A_45 = arith.constant 64 : i32
    %add3A_46 = arith.addi %mul3A_0, %add3A_45 : i32
    "tpu.region"() ({
      %run_scoped3A = tpu.sem_alloc : memref<!tpu.dma_semaphore, #tpu.memory_space<semaphore_mem>>
      %dma_start3A = arith.constant 0 : i32
      %dma_start3A_81 = arith.constant 0 : i32
      %dma_start3A_82 = tpu.memref_slice %arg9[%dma_start3A, %dma_start3A_81] : memref<64x128xf32, #tpu.memory_space<vmem>> -> memref<64x128xf32, #tpu.memory_space<vmem>>
      %dma_start3A_83 = arith.constant 0 : i32
      %dma_start3A_84 = tpu.memref_slice %arg11[%add3A_46, %dma_start3A_83] : memref<10112x128xf32, #tpu.memory_space<vmem_shared>> -> memref<64x128xf32, #tpu.memory_space<vmem_shared>>
      %dma_start3A_85 = arith.constant 0 : i32
      %dma_start3A_86 = arith.constant 0 : i32
      %dma_start3A_87 = tpu.memref_slice %arg9[%dma_start3A_85, %dma_start3A_86] : memref<64x128xf32, #tpu.memory_space<vmem>> -> memref<64x128xf32, #tpu.memory_space<vmem>>
      %dma_start3A_88 = arith.constant 0 : i32
      %dma_start3A_89 = tpu.memref_slice %arg11[%add3A_46, %dma_start3A_88] : memref<10112x128xf32, #tpu.memory_space<vmem_shared>> -> memref<64x128xf32, #tpu.memory_space<vmem_shared>>
      tpu.enqueue_dma source(%dma_start3A_89 : memref<64x128xf32, #tpu.memory_space<vmem_shared>>) target(%dma_start3A_87 : memref<64x128xf32, #tpu.memory_space<vmem>>) target_semaphore(%run_scoped3A : memref<!tpu.dma_semaphore, #tpu.memory_space<semaphore_mem>>)
      %dma_wait3A = arith.constant 0 : i32
      %dma_wait3A_90 = arith.constant 0 : i32
      %dma_wait3A_91 = tpu.memref_slice %arg9[%dma_wait3A, %dma_wait3A_90] : memref<64x128xf32, #tpu.memory_space<vmem>> -> memref<64x128xf32, #tpu.memory_space<vmem>>
      %dma_wait3A_92 = arith.constant 0 : i32
      %dma_wait3A_93 = tpu.memref_slice %arg11[%add3A_46, %dma_wait3A_92] : memref<10112x128xf32, #tpu.memory_space<vmem_shared>> -> memref<64x128xf32, #tpu.memory_space<vmem_shared>>
      %dma_wait3A_94 = arith.constant 0 : i32
      %dma_wait3A_95 = arith.constant 0 : i32
      %dma_wait3A_96 = tpu.memref_slice %arg9[%dma_wait3A_94, %dma_wait3A_95] : memref<64x128xf32, #tpu.memory_space<vmem>> -> memref<64x128xf32, #tpu.memory_space<vmem>>
      %dma_wait3A_97 = arith.constant 0 : i32
      %dma_wait3A_98 = tpu.memref_slice %arg11[%add3A_46, %dma_wait3A_97] : memref<10112x128xf32, #tpu.memory_space<vmem_shared>> -> memref<64x128xf32, #tpu.memory_space<vmem_shared>>
      tpu.wait_dma2 semaphore(%run_scoped3A : memref<!tpu.dma_semaphore, #tpu.memory_space<semaphore_mem>>) src(%dma_wait3A_98 : memref<64x128xf32, #tpu.memory_space<vmem_shared>>) dst(%dma_wait3A_96 : memref<64x128xf32, #tpu.memory_space<vmem>>)
      tpu.yield
    }) : () -> ()
    %add3A_47 = arith.constant 64 : i32
    %add3A_48 = arith.addi %mul3A_0, %add3A_47 : i32
    "tpu.region"() ({
      %run_scoped3A = tpu.sem_alloc : memref<!tpu.dma_semaphore, #tpu.memory_space<semaphore_mem>>
      %dma_start3A = arith.constant 0 : i32
      %dma_start3A_81 = arith.constant 0 : i32
      %dma_start3A_82 = tpu.memref_slice %arg9[%dma_start3A, %dma_start3A_81] : memref<64x128xf32, #tpu.memory_space<vmem>> -> memref<64x128xf32, #tpu.memory_space<vmem>>
      %dma_start3A_83 = arith.constant 0 : i32
      %dma_start3A_84 = tpu.memref_slice %arg6[%arg0, %add3A_48, %dma_start3A_83] : memref<2x10112x128xf32, #tpu.memory_space<hbm>> -> memref<1x64x128xf32, #tpu.memory_space<hbm>>
      %dma_start3A_85 = tpu.memref_squeeze %dma_start3A_84 : memref<1x64x128xf32, #tpu.memory_space<hbm>> -> memref<64x128xf32, #tpu.memory_space<hbm>>
      %dma_start3A_86 = arith.constant 0 : i32
      %dma_start3A_87 = tpu.memref_slice %arg6[%arg0, %add3A_48, %dma_start3A_86] : memref<2x10112x128xf32, #tpu.memory_space<hbm>> -> memref<1x64x128xf32, #tpu.memory_space<hbm>>
      %dma_start3A_88 = tpu.memref_squeeze %dma_start3A_87 : memref<1x64x128xf32, #tpu.memory_space<hbm>> -> memref<64x128xf32, #tpu.memory_space<hbm>>
      %dma_start3A_89 = arith.constant 0 : i32
      %dma_start3A_90 = arith.constant 0 : i32
      %dma_start3A_91 = tpu.memref_slice %arg9[%dma_start3A_89, %dma_start3A_90] : memref<64x128xf32, #tpu.memory_space<vmem>> -> memref<64x128xf32, #tpu.memory_space<vmem>>
      tpu.enqueue_dma source(%dma_start3A_91 : memref<64x128xf32, #tpu.memory_space<vmem>>) target(%dma_start3A_88 : memref<64x128xf32, #tpu.memory_space<hbm>>) target_semaphore(%run_scoped3A : memref<!tpu.dma_semaphore, #tpu.memory_space<semaphore_mem>>)
      %dma_wait3A = arith.constant 0 : i32
      %dma_wait3A_92 = arith.constant 0 : i32
      %dma_wait3A_93 = tpu.memref_slice %arg9[%dma_wait3A, %dma_wait3A_92] : memref<64x128xf32, #tpu.memory_space<vmem>> -> memref<64x128xf32, #tpu.memory_space<vmem>>
      %dma_wait3A_94 = arith.constant 0 : i32
      %dma_wait3A_95 = tpu.memref_slice %arg6[%arg0, %add3A_48, %dma_wait3A_94] : memref<2x10112x128xf32, #tpu.memory_space<hbm>> -> memref<1x64x128xf32, #tpu.memory_space<hbm>>
      %dma_wait3A_96 = tpu.memref_squeeze %dma_wait3A_95 : memref<1x64x128xf32, #tpu.memory_space<hbm>> -> memref<64x128xf32, #tpu.memory_space<hbm>>
      %dma_wait3A_97 = arith.constant 0 : i32
      %dma_wait3A_98 = tpu.memref_slice %arg6[%arg0, %add3A_48, %dma_wait3A_97] : memref<2x10112x128xf32, #tpu.memory_space<hbm>> -> memref<1x64x128xf32, #tpu.memory_space<hbm>>
      %dma_wait3A_99 = tpu.memref_squeeze %dma_wait3A_98 : memref<1x64x128xf32, #tpu.memory_space<hbm>> -> memref<64x128xf32, #tpu.memory_space<hbm>>
      %dma_wait3A_100 = arith.constant 0 : i32
      %dma_wait3A_101 = arith.constant 0 : i32
      %dma_wait3A_102 = tpu.memref_slice %arg9[%dma_wait3A_100, %dma_wait3A_101] : memref<64x128xf32, #tpu.memory_space<vmem>> -> memref<64x128xf32, #tpu.memory_space<vmem>>
      tpu.wait_dma2 semaphore(%run_scoped3A : memref<!tpu.dma_semaphore, #tpu.memory_space<semaphore_mem>>) src(%dma_wait3A_102 : memref<64x128xf32, #tpu.memory_space<vmem>>) dst(%dma_wait3A_99 : memref<64x128xf32, #tpu.memory_space<hbm>>)
      tpu.yield
    }) : () -> ()
    %add3A_49 = arith.constant 128 : i32
    %add3A_50 = arith.addi %mul3A_0, %add3A_49 : i32
    "tpu.region"() ({
      %run_scoped3A = tpu.sem_alloc : memref<!tpu.dma_semaphore, #tpu.memory_space<semaphore_mem>>
      %dma_start3A = arith.constant 0 : i32
      %dma_start3A_81 = arith.constant 0 : i32
      %dma_start3A_82 = tpu.memref_slice %arg9[%dma_start3A, %dma_start3A_81] : memref<64x128xf32, #tpu.memory_space<vmem>> -> memref<64x128xf32, #tpu.memory_space<vmem>>
      %dma_start3A_83 = arith.constant 0 : i32
      %dma_start3A_84 = tpu.memref_slice %arg11[%add3A_50, %dma_start3A_83] : memref<10112x128xf32, #tpu.memory_space<vmem_shared>> -> memref<64x128xf32, #tpu.memory_space<vmem_shared>>
      %dma_start3A_85 = arith.constant 0 : i32
      %dma_start3A_86 = arith.constant 0 : i32
      %dma_start3A_87 = tpu.memref_slice %arg9[%dma_start3A_85, %dma_start3A_86] : memref<64x128xf32, #tpu.memory_space<vmem>> -> memref<64x128xf32, #tpu.memory_space<vmem>>
      %dma_start3A_88 = arith.constant 0 : i32
      %dma_start3A_89 = tpu.memref_slice %arg11[%add3A_50, %dma_start3A_88] : memref<10112x128xf32, #tpu.memory_space<vmem_shared>> -> memref<64x128xf32, #tpu.memory_space<vmem_shared>>
      tpu.enqueue_dma source(%dma_start3A_89 : memref<64x128xf32, #tpu.memory_space<vmem_shared>>) target(%dma_start3A_87 : memref<64x128xf32, #tpu.memory_space<vmem>>) target_semaphore(%run_scoped3A : memref<!tpu.dma_semaphore, #tpu.memory_space<semaphore_mem>>)
      %dma_wait3A = arith.constant 0 : i32
      %dma_wait3A_90 = arith.constant 0 : i32
      %dma_wait3A_91 = tpu.memref_slice %arg9[%dma_wait3A, %dma_wait3A_90] : memref<64x128xf32, #tpu.memory_space<vmem>> -> memref<64x128xf32, #tpu.memory_space<vmem>>
      %dma_wait3A_92 = arith.constant 0 : i32
      %dma_wait3A_93 = tpu.memref_slice %arg11[%add3A_50, %dma_wait3A_92] : memref<10112x128xf32, #tpu.memory_space<vmem_shared>> -> memref<64x128xf32, #tpu.memory_space<vmem_shared>>
      %dma_wait3A_94 = arith.constant 0 : i32
      %dma_wait3A_95 = arith.constant 0 : i32
      %dma_wait3A_96 = tpu.memref_slice %arg9[%dma_wait3A_94, %dma_wait3A_95] : memref<64x128xf32, #tpu.memory_space<vmem>> -> memref<64x128xf32, #tpu.memory_space<vmem>>
      %dma_wait3A_97 = arith.constant 0 : i32
      %dma_wait3A_98 = tpu.memref_slice %arg11[%add3A_50, %dma_wait3A_97] : memref<10112x128xf32, #tpu.memory_space<vmem_shared>> -> memref<64x128xf32, #tpu.memory_space<vmem_shared>>
      tpu.wait_dma2 semaphore(%run_scoped3A : memref<!tpu.dma_semaphore, #tpu.memory_space<semaphore_mem>>) src(%dma_wait3A_98 : memref<64x128xf32, #tpu.memory_space<vmem_shared>>) dst(%dma_wait3A_96 : memref<64x128xf32, #tpu.memory_space<vmem>>)
      tpu.yield
    }) : () -> ()
    %add3A_51 = arith.constant 128 : i32
    %add3A_52 = arith.addi %mul3A_0, %add3A_51 : i32
    "tpu.region"() ({
      %run_scoped3A = tpu.sem_alloc : memref<!tpu.dma_semaphore, #tpu.memory_space<semaphore_mem>>
      %dma_start3A = arith.constant 0 : i32
      %dma_start3A_81 = arith.constant 0 : i32
      %dma_start3A_82 = tpu.memref_slice %arg9[%dma_start3A, %dma_start3A_81] : memref<64x128xf32, #tpu.memory_space<vmem>> -> memref<64x128xf32, #tpu.memory_space<vmem>>
      %dma_start3A_83 = arith.constant 0 : i32
      %dma_start3A_84 = tpu.memref_slice %arg6[%arg0, %add3A_52, %dma_start3A_83] : memref<2x10112x128xf32, #tpu.memory_space<hbm>> -> memref<1x64x128xf32, #tpu.memory_space<hbm>>
      %dma_start3A_85 = tpu.memref_squeeze %dma_start3A_84 : memref<1x64x128xf32, #tpu.memory_space<hbm>> -> memref<64x128xf32, #tpu.memory_space<hbm>>
      %dma_start3A_86 = arith.constant 0 : i32
      %dma_start3A_87 = tpu.memref_slice %arg6[%arg0, %add3A_52, %dma_start3A_86] : memref<2x10112x128xf32, #tpu.memory_space<hbm>> -> memref<1x64x128xf32, #tpu.memory_space<hbm>>
      %dma_start3A_88 = tpu.memref_squeeze %dma_start3A_87 : memref<1x64x128xf32, #tpu.memory_space<hbm>> -> memref<64x128xf32, #tpu.memory_space<hbm>>
      %dma_start3A_89 = arith.constant 0 : i32
      %dma_start3A_90 = arith.constant 0 : i32
      %dma_start3A_91 = tpu.memref_slice %arg9[%dma_start3A_89, %dma_start3A_90] : memref<64x128xf32, #tpu.memory_space<vmem>> -> memref<64x128xf32, #tpu.memory_space<vmem>>
      tpu.enqueue_dma source(%dma_start3A_91 : memref<64x128xf32, #tpu.memory_space<vmem>>) target(%dma_start3A_88 : memref<64x128xf32, #tpu.memory_space<hbm>>) target_semaphore(%run_scoped3A : memref<!tpu.dma_semaphore, #tpu.memory_space<semaphore_mem>>)
      %dma_wait3A = arith.constant 0 : i32
      %dma_wait3A_92 = arith.constant 0 : i32
      %dma_wait3A_93 = tpu.memref_slice %arg9[%dma_wait3A, %dma_wait3A_92] : memref<64x128xf32, #tpu.memory_space<vmem>> -> memref<64x128xf32, #tpu.memory_space<vmem>>
      %dma_wait3A_94 = arith.constant 0 : i32
      %dma_wait3A_95 = tpu.memref_slice %arg6[%arg0, %add3A_52, %dma_wait3A_94] : memref<2x10112x128xf32, #tpu.memory_space<hbm>> -> memref<1x64x128xf32, #tpu.memory_space<hbm>>
      %dma_wait3A_96 = tpu.memref_squeeze %dma_wait3A_95 : memref<1x64x128xf32, #tpu.memory_space<hbm>> -> memref<64x128xf32, #tpu.memory_space<hbm>>
      %dma_wait3A_97 = arith.constant 0 : i32
      %dma_wait3A_98 = tpu.memref_slice %arg6[%arg0, %add3A_52, %dma_wait3A_97] : memref<2x10112x128xf32, #tpu.memory_space<hbm>> -> memref<1x64x128xf32, #tpu.memory_space<hbm>>
      %dma_wait3A_99 = tpu.memref_squeeze %dma_wait3A_98 : memref<1x64x128xf32, #tpu.memory_space<hbm>> -> memref<64x128xf32, #tpu.memory_space<hbm>>
      %dma_wait3A_100 = arith.constant 0 : i32
      %dma_wait3A_101 = arith.constant 0 : i32
      %dma_wait3A_102 = tpu.memref_slice %arg9[%dma_wait3A_100, %dma_wait3A_101] : memref<64x128xf32, #tpu.memory_space<vmem>> -> memref<64x128xf32, #tpu.memory_space<vmem>>
      tpu.wait_dma2 semaphore(%run_scoped3A : memref<!tpu.dma_semaphore, #tpu.memory_space<semaphore_mem>>) src(%dma_wait3A_102 : memref<64x128xf32, #tpu.memory_space<vmem>>) dst(%dma_wait3A_99 : memref<64x128xf32, #tpu.memory_space<hbm>>)
      tpu.yield
    }) : () -> ()
    %add3A_53 = arith.constant 192 : i32
    %add3A_54 = arith.addi %mul3A_0, %add3A_53 : i32
    "tpu.region"() ({
      %run_scoped3A = tpu.sem_alloc : memref<!tpu.dma_semaphore, #tpu.memory_space<semaphore_mem>>
      %dma_start3A = arith.constant 0 : i32
      %dma_start3A_81 = arith.constant 0 : i32
      %dma_start3A_82 = tpu.memref_slice %arg9[%dma_start3A, %dma_start3A_81] : memref<64x128xf32, #tpu.memory_space<vmem>> -> memref<64x128xf32, #tpu.memory_space<vmem>>
      %dma_start3A_83 = arith.constant 0 : i32
      %dma_start3A_84 = tpu.memref_slice %arg11[%add3A_54, %dma_start3A_83] : memref<10112x128xf32, #tpu.memory_space<vmem_shared>> -> memref<64x128xf32, #tpu.memory_space<vmem_shared>>
      %dma_start3A_85 = arith.constant 0 : i32
      %dma_start3A_86 = arith.constant 0 : i32
      %dma_start3A_87 = tpu.memref_slice %arg9[%dma_start3A_85, %dma_start3A_86] : memref<64x128xf32, #tpu.memory_space<vmem>> -> memref<64x128xf32, #tpu.memory_space<vmem>>
      %dma_start3A_88 = arith.constant 0 : i32
      %dma_start3A_89 = tpu.memref_slice %arg11[%add3A_54, %dma_start3A_88] : memref<10112x128xf32, #tpu.memory_space<vmem_shared>> -> memref<64x128xf32, #tpu.memory_space<vmem_shared>>
      tpu.enqueue_dma source(%dma_start3A_89 : memref<64x128xf32, #tpu.memory_space<vmem_shared>>) target(%dma_start3A_87 : memref<64x128xf32, #tpu.memory_space<vmem>>) target_semaphore(%run_scoped3A : memref<!tpu.dma_semaphore, #tpu.memory_space<semaphore_mem>>)
      %dma_wait3A = arith.constant 0 : i32
      %dma_wait3A_90 = arith.constant 0 : i32
      %dma_wait3A_91 = tpu.memref_slice %arg9[%dma_wait3A, %dma_wait3A_90] : memref<64x128xf32, #tpu.memory_space<vmem>> -> memref<64x128xf32, #tpu.memory_space<vmem>>
      %dma_wait3A_92 = arith.constant 0 : i32
      %dma_wait3A_93 = tpu.memref_slice %arg11[%add3A_54, %dma_wait3A_92] : memref<10112x128xf32, #tpu.memory_space<vmem_shared>> -> memref<64x128xf32, #tpu.memory_space<vmem_shared>>
      %dma_wait3A_94 = arith.constant 0 : i32
      %dma_wait3A_95 = arith.constant 0 : i32
      %dma_wait3A_96 = tpu.memref_slice %arg9[%dma_wait3A_94, %dma_wait3A_95] : memref<64x128xf32, #tpu.memory_space<vmem>> -> memref<64x128xf32, #tpu.memory_space<vmem>>
      %dma_wait3A_97 = arith.constant 0 : i32
      %dma_wait3A_98 = tpu.memref_slice %arg11[%add3A_54, %dma_wait3A_97] : memref<10112x128xf32, #tpu.memory_space<vmem_shared>> -> memref<64x128xf32, #tpu.memory_space<vmem_shared>>
      tpu.wait_dma2 semaphore(%run_scoped3A : memref<!tpu.dma_semaphore, #tpu.memory_space<semaphore_mem>>) src(%dma_wait3A_98 : memref<64x128xf32, #tpu.memory_space<vmem_shared>>) dst(%dma_wait3A_96 : memref<64x128xf32, #tpu.memory_space<vmem>>)
      tpu.yield
    }) : () -> ()
    %add3A_55 = arith.constant 192 : i32
    %add3A_56 = arith.addi %mul3A_0, %add3A_55 : i32
    "tpu.region"() ({
      %run_scoped3A = tpu.sem_alloc : memref<!tpu.dma_semaphore, #tpu.memory_space<semaphore_mem>>
      %dma_start3A = arith.constant 0 : i32
      %dma_start3A_81 = arith.constant 0 : i32
      %dma_start3A_82 = tpu.memref_slice %arg9[%dma_start3A, %dma_start3A_81] : memref<64x128xf32, #tpu.memory_space<vmem>> -> memref<64x128xf32, #tpu.memory_space<vmem>>
      %dma_start3A_83 = arith.constant 0 : i32
      %dma_start3A_84 = tpu.memref_slice %arg6[%arg0, %add3A_56, %dma_start3A_83] : memref<2x10112x128xf32, #tpu.memory_space<hbm>> -> memref<1x64x128xf32, #tpu.memory_space<hbm>>
      %dma_start3A_85 = tpu.memref_squeeze %dma_start3A_84 : memref<1x64x128xf32, #tpu.memory_space<hbm>> -> memref<64x128xf32, #tpu.memory_space<hbm>>
      %dma_start3A_86 = arith.constant 0 : i32
      %dma_start3A_87 = tpu.memref_slice %arg6[%arg0, %add3A_56, %dma_start3A_86] : memref<2x10112x128xf32, #tpu.memory_space<hbm>> -> memref<1x64x128xf32, #tpu.memory_space<hbm>>
      %dma_start3A_88 = tpu.memref_squeeze %dma_start3A_87 : memref<1x64x128xf32, #tpu.memory_space<hbm>> -> memref<64x128xf32, #tpu.memory_space<hbm>>
      %dma_start3A_89 = arith.constant 0 : i32
      %dma_start3A_90 = arith.constant 0 : i32
      %dma_start3A_91 = tpu.memref_slice %arg9[%dma_start3A_89, %dma_start3A_90] : memref<64x128xf32, #tpu.memory_space<vmem>> -> memref<64x128xf32, #tpu.memory_space<vmem>>
      tpu.enqueue_dma source(%dma_start3A_91 : memref<64x128xf32, #tpu.memory_space<vmem>>) target(%dma_start3A_88 : memref<64x128xf32, #tpu.memory_space<hbm>>) target_semaphore(%run_scoped3A : memref<!tpu.dma_semaphore, #tpu.memory_space<semaphore_mem>>)
      %dma_wait3A = arith.constant 0 : i32
      %dma_wait3A_92 = arith.constant 0 : i32
      %dma_wait3A_93 = tpu.memref_slice %arg9[%dma_wait3A, %dma_wait3A_92] : memref<64x128xf32, #tpu.memory_space<vmem>> -> memref<64x128xf32, #tpu.memory_space<vmem>>
      %dma_wait3A_94 = arith.constant 0 : i32
      %dma_wait3A_95 = tpu.memref_slice %arg6[%arg0, %add3A_56, %dma_wait3A_94] : memref<2x10112x128xf32, #tpu.memory_space<hbm>> -> memref<1x64x128xf32, #tpu.memory_space<hbm>>
      %dma_wait3A_96 = tpu.memref_squeeze %dma_wait3A_95 : memref<1x64x128xf32, #tpu.memory_space<hbm>> -> memref<64x128xf32, #tpu.memory_space<hbm>>
      %dma_wait3A_97 = arith.constant 0 : i32
      %dma_wait3A_98 = tpu.memref_slice %arg6[%arg0, %add3A_56, %dma_wait3A_97] : memref<2x10112x128xf32, #tpu.memory_space<hbm>> -> memref<1x64x128xf32, #tpu.memory_space<hbm>>
      %dma_wait3A_99 = tpu.memref_squeeze %dma_wait3A_98 : memref<1x64x128xf32, #tpu.memory_space<hbm>> -> memref<64x128xf32, #tpu.memory_space<hbm>>
      %dma_wait3A_100 = arith.constant 0 : i32
      %dma_wait3A_101 = arith.constant 0 : i32
      %dma_wait3A_102 = tpu.memref_slice %arg9[%dma_wait3A_100, %dma_wait3A_101] : memref<64x128xf32, #tpu.memory_space<vmem>> -> memref<64x128xf32, #tpu.memory_space<vmem>>
      tpu.wait_dma2 semaphore(%run_scoped3A : memref<!tpu.dma_semaphore, #tpu.memory_space<semaphore_mem>>) src(%dma_wait3A_102 : memref<64x128xf32, #tpu.memory_space<vmem>>) dst(%dma_wait3A_99 : memref<64x128xf32, #tpu.memory_space<hbm>>)
      tpu.yield
    }) : () -> ()
    %add3A_57 = arith.constant 256 : i32
    %add3A_58 = arith.addi %mul3A_0, %add3A_57 : i32
    "tpu.region"() ({
      %run_scoped3A = tpu.sem_alloc : memref<!tpu.dma_semaphore, #tpu.memory_space<semaphore_mem>>
      %dma_start3A = arith.constant 0 : i32
      %dma_start3A_81 = arith.constant 0 : i32
      %dma_start3A_82 = tpu.memref_slice %arg9[%dma_start3A, %dma_start3A_81] : memref<64x128xf32, #tpu.memory_space<vmem>> -> memref<64x128xf32, #tpu.memory_space<vmem>>
      %dma_start3A_83 = arith.constant 0 : i32
      %dma_start3A_84 = tpu.memref_slice %arg11[%add3A_58, %dma_start3A_83] : memref<10112x128xf32, #tpu.memory_space<vmem_shared>> -> memref<64x128xf32, #tpu.memory_space<vmem_shared>>
      %dma_start3A_85 = arith.constant 0 : i32
      %dma_start3A_86 = arith.constant 0 : i32
      %dma_start3A_87 = tpu.memref_slice %arg9[%dma_start3A_85, %dma_start3A_86] : memref<64x128xf32, #tpu.memory_space<vmem>> -> memref<64x128xf32, #tpu.memory_space<vmem>>
      %dma_start3A_88 = arith.constant 0 : i32
      %dma_start3A_89 = tpu.memref_slice %arg11[%add3A_58, %dma_start3A_88] : memref<10112x128xf32, #tpu.memory_space<vmem_shared>> -> memref<64x128xf32, #tpu.memory_space<vmem_shared>>
      tpu.enqueue_dma source(%dma_start3A_89 : memref<64x128xf32, #tpu.memory_space<vmem_shared>>) target(%dma_start3A_87 : memref<64x128xf32, #tpu.memory_space<vmem>>) target_semaphore(%run_scoped3A : memref<!tpu.dma_semaphore, #tpu.memory_space<semaphore_mem>>)
      %dma_wait3A = arith.constant 0 : i32
      %dma_wait3A_90 = arith.constant 0 : i32
      %dma_wait3A_91 = tpu.memref_slice %arg9[%dma_wait3A, %dma_wait3A_90] : memref<64x128xf32, #tpu.memory_space<vmem>> -> memref<64x128xf32, #tpu.memory_space<vmem>>
      %dma_wait3A_92 = arith.constant 0 : i32
      %dma_wait3A_93 = tpu.memref_slice %arg11[%add3A_58, %dma_wait3A_92] : memref<10112x128xf32, #tpu.memory_space<vmem_shared>> -> memref<64x128xf32, #tpu.memory_space<vmem_shared>>
      %dma_wait3A_94 = arith.constant 0 : i32
      %dma_wait3A_95 = arith.constant 0 : i32
      %dma_wait3A_96 = tpu.memref_slice %arg9[%dma_wait3A_94, %dma_wait3A_95] : memref<64x128xf32, #tpu.memory_space<vmem>> -> memref<64x128xf32, #tpu.memory_space<vmem>>
      %dma_wait3A_97 = arith.constant 0 : i32
      %dma_wait3A_98 = tpu.memref_slice %arg11[%add3A_58, %dma_wait3A_97] : memref<10112x128xf32, #tpu.memory_space<vmem_shared>> -> memref<64x128xf32, #tpu.memory_space<vmem_shared>>
      tpu.wait_dma2 semaphore(%run_scoped3A : memref<!tpu.dma_semaphore, #tpu.memory_space<semaphore_mem>>) src(%dma_wait3A_98 : memref<64x128xf32, #tpu.memory_space<vmem_shared>>) dst(%dma_wait3A_96 : memref<64x128xf32, #tpu.memory_space<vmem>>)
      tpu.yield
    }) : () -> ()
    %add3A_59 = arith.constant 256 : i32
    %add3A_60 = arith.addi %mul3A_0, %add3A_59 : i32
    "tpu.region"() ({
      %run_scoped3A = tpu.sem_alloc : memref<!tpu.dma_semaphore, #tpu.memory_space<semaphore_mem>>
      %dma_start3A = arith.constant 0 : i32
      %dma_start3A_81 = arith.constant 0 : i32
      %dma_start3A_82 = tpu.memref_slice %arg9[%dma_start3A, %dma_start3A_81] : memref<64x128xf32, #tpu.memory_space<vmem>> -> memref<64x128xf32, #tpu.memory_space<vmem>>
      %dma_start3A_83 = arith.constant 0 : i32
      %dma_start3A_84 = tpu.memref_slice %arg6[%arg0, %add3A_60, %dma_start3A_83] : memref<2x10112x128xf32, #tpu.memory_space<hbm>> -> memref<1x64x128xf32, #tpu.memory_space<hbm>>
      %dma_start3A_85 = tpu.memref_squeeze %dma_start3A_84 : memref<1x64x128xf32, #tpu.memory_space<hbm>> -> memref<64x128xf32, #tpu.memory_space<hbm>>
      %dma_start3A_86 = arith.constant 0 : i32
      %dma_start3A_87 = tpu.memref_slice %arg6[%arg0, %add3A_60, %dma_start3A_86] : memref<2x10112x128xf32, #tpu.memory_space<hbm>> -> memref<1x64x128xf32, #tpu.memory_space<hbm>>
      %dma_start3A_88 = tpu.memref_squeeze %dma_start3A_87 : memref<1x64x128xf32, #tpu.memory_space<hbm>> -> memref<64x128xf32, #tpu.memory_space<hbm>>
      %dma_start3A_89 = arith.constant 0 : i32
      %dma_start3A_90 = arith.constant 0 : i32
      %dma_start3A_91 = tpu.memref_slice %arg9[%dma_start3A_89, %dma_start3A_90] : memref<64x128xf32, #tpu.memory_space<vmem>> -> memref<64x128xf32, #tpu.memory_space<vmem>>
      tpu.enqueue_dma source(%dma_start3A_91 : memref<64x128xf32, #tpu.memory_space<vmem>>) target(%dma_start3A_88 : memref<64x128xf32, #tpu.memory_space<hbm>>) target_semaphore(%run_scoped3A : memref<!tpu.dma_semaphore, #tpu.memory_space<semaphore_mem>>)
      %dma_wait3A = arith.constant 0 : i32
      %dma_wait3A_92 = arith.constant 0 : i32
      %dma_wait3A_93 = tpu.memref_slice %arg9[%dma_wait3A, %dma_wait3A_92] : memref<64x128xf32, #tpu.memory_space<vmem>> -> memref<64x128xf32, #tpu.memory_space<vmem>>
      %dma_wait3A_94 = arith.constant 0 : i32
      %dma_wait3A_95 = tpu.memref_slice %arg6[%arg0, %add3A_60, %dma_wait3A_94] : memref<2x10112x128xf32, #tpu.memory_space<hbm>> -> memref<1x64x128xf32, #tpu.memory_space<hbm>>
      %dma_wait3A_96 = tpu.memref_squeeze %dma_wait3A_95 : memref<1x64x128xf32, #tpu.memory_space<hbm>> -> memref<64x128xf32, #tpu.memory_space<hbm>>
      %dma_wait3A_97 = arith.constant 0 : i32
      %dma_wait3A_98 = tpu.memref_slice %arg6[%arg0, %add3A_60, %dma_wait3A_97] : memref<2x10112x128xf32, #tpu.memory_space<hbm>> -> memref<1x64x128xf32, #tpu.memory_space<hbm>>
      %dma_wait3A_99 = tpu.memref_squeeze %dma_wait3A_98 : memref<1x64x128xf32, #tpu.memory_space<hbm>> -> memref<64x128xf32, #tpu.memory_space<hbm>>
      %dma_wait3A_100 = arith.constant 0 : i32
      %dma_wait3A_101 = arith.constant 0 : i32
      %dma_wait3A_102 = tpu.memref_slice %arg9[%dma_wait3A_100, %dma_wait3A_101] : memref<64x128xf32, #tpu.memory_space<vmem>> -> memref<64x128xf32, #tpu.memory_space<vmem>>
      tpu.wait_dma2 semaphore(%run_scoped3A : memref<!tpu.dma_semaphore, #tpu.memory_space<semaphore_mem>>) src(%dma_wait3A_102 : memref<64x128xf32, #tpu.memory_space<vmem>>) dst(%dma_wait3A_99 : memref<64x128xf32, #tpu.memory_space<hbm>>)
      tpu.yield
    }) : () -> ()
    %add3A_61 = arith.constant 320 : i32
    %add3A_62 = arith.addi %mul3A_0, %add3A_61 : i32
    "tpu.region"() ({
      %run_scoped3A = tpu.sem_alloc : memref<!tpu.dma_semaphore, #tpu.memory_space<semaphore_mem>>
      %dma_start3A = arith.constant 0 : i32
      %dma_start3A_81 = arith.constant 0 : i32
      %dma_start3A_82 = tpu.memref_slice %arg9[%dma_start3A, %dma_start3A_81] : memref<64x128xf32, #tpu.memory_space<vmem>> -> memref<64x128xf32, #tpu.memory_space<vmem>>
      %dma_start3A_83 = arith.constant 0 : i32
      %dma_start3A_84 = tpu.memref_slice %arg11[%add3A_62, %dma_start3A_83] : memref<10112x128xf32, #tpu.memory_space<vmem_shared>> -> memref<64x128xf32, #tpu.memory_space<vmem_shared>>
      %dma_start3A_85 = arith.constant 0 : i32
      %dma_start3A_86 = arith.constant 0 : i32
      %dma_start3A_87 = tpu.memref_slice %arg9[%dma_start3A_85, %dma_start3A_86] : memref<64x128xf32, #tpu.memory_space<vmem>> -> memref<64x128xf32, #tpu.memory_space<vmem>>
      %dma_start3A_88 = arith.constant 0 : i32
      %dma_start3A_89 = tpu.memref_slice %arg11[%add3A_62, %dma_start3A_88] : memref<10112x128xf32, #tpu.memory_space<vmem_shared>> -> memref<64x128xf32, #tpu.memory_space<vmem_shared>>
      tpu.enqueue_dma source(%dma_start3A_89 : memref<64x128xf32, #tpu.memory_space<vmem_shared>>) target(%dma_start3A_87 : memref<64x128xf32, #tpu.memory_space<vmem>>) target_semaphore(%run_scoped3A : memref<!tpu.dma_semaphore, #tpu.memory_space<semaphore_mem>>)
      %dma_wait3A = arith.constant 0 : i32
      %dma_wait3A_90 = arith.constant 0 : i32
      %dma_wait3A_91 = tpu.memref_slice %arg9[%dma_wait3A, %dma_wait3A_90] : memref<64x128xf32, #tpu.memory_space<vmem>> -> memref<64x128xf32, #tpu.memory_space<vmem>>
      %dma_wait3A_92 = arith.constant 0 : i32
      %dma_wait3A_93 = tpu.memref_slice %arg11[%add3A_62, %dma_wait3A_92] : memref<10112x128xf32, #tpu.memory_space<vmem_shared>> -> memref<64x128xf32, #tpu.memory_space<vmem_shared>>
      %dma_wait3A_94 = arith.constant 0 : i32
      %dma_wait3A_95 = arith.constant 0 : i32
      %dma_wait3A_96 = tpu.memref_slice %arg9[%dma_wait3A_94, %dma_wait3A_95] : memref<64x128xf32, #tpu.memory_space<vmem>> -> memref<64x128xf32, #tpu.memory_space<vmem>>
      %dma_wait3A_97 = arith.constant 0 : i32
      %dma_wait3A_98 = tpu.memref_slice %arg11[%add3A_62, %dma_wait3A_97] : memref<10112x128xf32, #tpu.memory_space<vmem_shared>> -> memref<64x128xf32, #tpu.memory_space<vmem_shared>>
      tpu.wait_dma2 semaphore(%run_scoped3A : memref<!tpu.dma_semaphore, #tpu.memory_space<semaphore_mem>>) src(%dma_wait3A_98 : memref<64x128xf32, #tpu.memory_space<vmem_shared>>) dst(%dma_wait3A_96 : memref<64x128xf32, #tpu.memory_space<vmem>>)
      tpu.yield
    }) : () -> ()
    %add3A_63 = arith.constant 320 : i32
    %add3A_64 = arith.addi %mul3A_0, %add3A_63 : i32
    "tpu.region"() ({
      %run_scoped3A = tpu.sem_alloc : memref<!tpu.dma_semaphore, #tpu.memory_space<semaphore_mem>>
      %dma_start3A = arith.constant 0 : i32
      %dma_start3A_81 = arith.constant 0 : i32
      %dma_start3A_82 = tpu.memref_slice %arg9[%dma_start3A, %dma_start3A_81] : memref<64x128xf32, #tpu.memory_space<vmem>> -> memref<64x128xf32, #tpu.memory_space<vmem>>
      %dma_start3A_83 = arith.constant 0 : i32
      %dma_start3A_84 = tpu.memref_slice %arg6[%arg0, %add3A_64, %dma_start3A_83] : memref<2x10112x128xf32, #tpu.memory_space<hbm>> -> memref<1x64x128xf32, #tpu.memory_space<hbm>>
      %dma_start3A_85 = tpu.memref_squeeze %dma_start3A_84 : memref<1x64x128xf32, #tpu.memory_space<hbm>> -> memref<64x128xf32, #tpu.memory_space<hbm>>
      %dma_start3A_86 = arith.constant 0 : i32
      %dma_start3A_87 = tpu.memref_slice %arg6[%arg0, %add3A_64, %dma_start3A_86] : memref<2x10112x128xf32, #tpu.memory_space<hbm>> -> memref<1x64x128xf32, #tpu.memory_space<hbm>>
      %dma_start3A_88 = tpu.memref_squeeze %dma_start3A_87 : memref<1x64x128xf32, #tpu.memory_space<hbm>> -> memref<64x128xf32, #tpu.memory_space<hbm>>
      %dma_start3A_89 = arith.constant 0 : i32
      %dma_start3A_90 = arith.constant 0 : i32
      %dma_start3A_91 = tpu.memref_slice %arg9[%dma_start3A_89, %dma_start3A_90] : memref<64x128xf32, #tpu.memory_space<vmem>> -> memref<64x128xf32, #tpu.memory_space<vmem>>
      tpu.enqueue_dma source(%dma_start3A_91 : memref<64x128xf32, #tpu.memory_space<vmem>>) target(%dma_start3A_88 : memref<64x128xf32, #tpu.memory_space<hbm>>) target_semaphore(%run_scoped3A : memref<!tpu.dma_semaphore, #tpu.memory_space<semaphore_mem>>)
      %dma_wait3A = arith.constant 0 : i32
      %dma_wait3A_92 = arith.constant 0 : i32
      %dma_wait3A_93 = tpu.memref_slice %arg9[%dma_wait3A, %dma_wait3A_92] : memref<64x128xf32, #tpu.memory_space<vmem>> -> memref<64x128xf32, #tpu.memory_space<vmem>>
      %dma_wait3A_94 = arith.constant 0 : i32
      %dma_wait3A_95 = tpu.memref_slice %arg6[%arg0, %add3A_64, %dma_wait3A_94] : memref<2x10112x128xf32, #tpu.memory_space<hbm>> -> memref<1x64x128xf32, #tpu.memory_space<hbm>>
      %dma_wait3A_96 = tpu.memref_squeeze %dma_wait3A_95 : memref<1x64x128xf32, #tpu.memory_space<hbm>> -> memref<64x128xf32, #tpu.memory_space<hbm>>
      %dma_wait3A_97 = arith.constant 0 : i32
      %dma_wait3A_98 = tpu.memref_slice %arg6[%arg0, %add3A_64, %dma_wait3A_97] : memref<2x10112x128xf32, #tpu.memory_space<hbm>> -> memref<1x64x128xf32, #tpu.memory_space<hbm>>
      %dma_wait3A_99 = tpu.memref_squeeze %dma_wait3A_98 : memref<1x64x128xf32, #tpu.memory_space<hbm>> -> memref<64x128xf32, #tpu.memory_space<hbm>>
      %dma_wait3A_100 = arith.constant 0 : i32
      %dma_wait3A_101 = arith.constant 0 : i32
      %dma_wait3A_102 = tpu.memref_slice %arg9[%dma_wait3A_100, %dma_wait3A_101] : memref<64x128xf32, #tpu.memory_space<vmem>> -> memref<64x128xf32, #tpu.memory_space<vmem>>
      tpu.wait_dma2 semaphore(%run_scoped3A : memref<!tpu.dma_semaphore, #tpu.memory_space<semaphore_mem>>) src(%dma_wait3A_102 : memref<64x128xf32, #tpu.memory_space<vmem>>) dst(%dma_wait3A_99 : memref<64x128xf32, #tpu.memory_space<hbm>>)
      tpu.yield
    }) : () -> ()
    %add3A_65 = arith.constant 384 : i32
    %add3A_66 = arith.addi %mul3A_0, %add3A_65 : i32
    "tpu.region"() ({
      %run_scoped3A = tpu.sem_alloc : memref<!tpu.dma_semaphore, #tpu.memory_space<semaphore_mem>>
      %dma_start3A = arith.constant 0 : i32
      %dma_start3A_81 = arith.constant 0 : i32
      %dma_start3A_82 = tpu.memref_slice %arg9[%dma_start3A, %dma_start3A_81] : memref<64x128xf32, #tpu.memory_space<vmem>> -> memref<64x128xf32, #tpu.memory_space<vmem>>
      %dma_start3A_83 = arith.constant 0 : i32
      %dma_start3A_84 = tpu.memref_slice %arg11[%add3A_66, %dma_start3A_83] : memref<10112x128xf32, #tpu.memory_space<vmem_shared>> -> memref<64x128xf32, #tpu.memory_space<vmem_shared>>
      %dma_start3A_85 = arith.constant 0 : i32
      %dma_start3A_86 = arith.constant 0 : i32
      %dma_start3A_87 = tpu.memref_slice %arg9[%dma_start3A_85, %dma_start3A_86] : memref<64x128xf32, #tpu.memory_space<vmem>> -> memref<64x128xf32, #tpu.memory_space<vmem>>
      %dma_start3A_88 = arith.constant 0 : i32
      %dma_start3A_89 = tpu.memref_slice %arg11[%add3A_66, %dma_start3A_88] : memref<10112x128xf32, #tpu.memory_space<vmem_shared>> -> memref<64x128xf32, #tpu.memory_space<vmem_shared>>
      tpu.enqueue_dma source(%dma_start3A_89 : memref<64x128xf32, #tpu.memory_space<vmem_shared>>) target(%dma_start3A_87 : memref<64x128xf32, #tpu.memory_space<vmem>>) target_semaphore(%run_scoped3A : memref<!tpu.dma_semaphore, #tpu.memory_space<semaphore_mem>>)
      %dma_wait3A = arith.constant 0 : i32
      %dma_wait3A_90 = arith.constant 0 : i32
      %dma_wait3A_91 = tpu.memref_slice %arg9[%dma_wait3A, %dma_wait3A_90] : memref<64x128xf32, #tpu.memory_space<vmem>> -> memref<64x128xf32, #tpu.memory_space<vmem>>
      %dma_wait3A_92 = arith.constant 0 : i32
      %dma_wait3A_93 = tpu.memref_slice %arg11[%add3A_66, %dma_wait3A_92] : memref<10112x128xf32, #tpu.memory_space<vmem_shared>> -> memref<64x128xf32, #tpu.memory_space<vmem_shared>>
      %dma_wait3A_94 = arith.constant 0 : i32
      %dma_wait3A_95 = arith.constant 0 : i32
      %dma_wait3A_96 = tpu.memref_slice %arg9[%dma_wait3A_94, %dma_wait3A_95] : memref<64x128xf32, #tpu.memory_space<vmem>> -> memref<64x128xf32, #tpu.memory_space<vmem>>
      %dma_wait3A_97 = arith.constant 0 : i32
      %dma_wait3A_98 = tpu.memref_slice %arg11[%add3A_66, %dma_wait3A_97] : memref<10112x128xf32, #tpu.memory_space<vmem_shared>> -> memref<64x128xf32, #tpu.memory_space<vmem_shared>>
      tpu.wait_dma2 semaphore(%run_scoped3A : memref<!tpu.dma_semaphore, #tpu.memory_space<semaphore_mem>>) src(%dma_wait3A_98 : memref<64x128xf32, #tpu.memory_space<vmem_shared>>) dst(%dma_wait3A_96 : memref<64x128xf32, #tpu.memory_space<vmem>>)
      tpu.yield
    }) : () -> ()
    %add3A_67 = arith.constant 384 : i32
    %add3A_68 = arith.addi %mul3A_0, %add3A_67 : i32
    "tpu.region"() ({
      %run_scoped3A = tpu.sem_alloc : memref<!tpu.dma_semaphore, #tpu.memory_space<semaphore_mem>>
      %dma_start3A = arith.constant 0 : i32
      %dma_start3A_81 = arith.constant 0 : i32
      %dma_start3A_82 = tpu.memref_slice %arg9[%dma_start3A, %dma_start3A_81] : memref<64x128xf32, #tpu.memory_space<vmem>> -> memref<64x128xf32, #tpu.memory_space<vmem>>
      %dma_start3A_83 = arith.constant 0 : i32
      %dma_start3A_84 = tpu.memref_slice %arg6[%arg0, %add3A_68, %dma_start3A_83] : memref<2x10112x128xf32, #tpu.memory_space<hbm>> -> memref<1x64x128xf32, #tpu.memory_space<hbm>>
      %dma_start3A_85 = tpu.memref_squeeze %dma_start3A_84 : memref<1x64x128xf32, #tpu.memory_space<hbm>> -> memref<64x128xf32, #tpu.memory_space<hbm>>
      %dma_start3A_86 = arith.constant 0 : i32
      %dma_start3A_87 = tpu.memref_slice %arg6[%arg0, %add3A_68, %dma_start3A_86] : memref<2x10112x128xf32, #tpu.memory_space<hbm>> -> memref<1x64x128xf32, #tpu.memory_space<hbm>>
      %dma_start3A_88 = tpu.memref_squeeze %dma_start3A_87 : memref<1x64x128xf32, #tpu.memory_space<hbm>> -> memref<64x128xf32, #tpu.memory_space<hbm>>
      %dma_start3A_89 = arith.constant 0 : i32
      %dma_start3A_90 = arith.constant 0 : i32
      %dma_start3A_91 = tpu.memref_slice %arg9[%dma_start3A_89, %dma_start3A_90] : memref<64x128xf32, #tpu.memory_space<vmem>> -> memref<64x128xf32, #tpu.memory_space<vmem>>
      tpu.enqueue_dma source(%dma_start3A_91 : memref<64x128xf32, #tpu.memory_space<vmem>>) target(%dma_start3A_88 : memref<64x128xf32, #tpu.memory_space<hbm>>) target_semaphore(%run_scoped3A : memref<!tpu.dma_semaphore, #tpu.memory_space<semaphore_mem>>)
      %dma_wait3A = arith.constant 0 : i32
      %dma_wait3A_92 = arith.constant 0 : i32
      %dma_wait3A_93 = tpu.memref_slice %arg9[%dma_wait3A, %dma_wait3A_92] : memref<64x128xf32, #tpu.memory_space<vmem>> -> memref<64x128xf32, #tpu.memory_space<vmem>>
      %dma_wait3A_94 = arith.constant 0 : i32
      %dma_wait3A_95 = tpu.memref_slice %arg6[%arg0, %add3A_68, %dma_wait3A_94] : memref<2x10112x128xf32, #tpu.memory_space<hbm>> -> memref<1x64x128xf32, #tpu.memory_space<hbm>>
      %dma_wait3A_96 = tpu.memref_squeeze %dma_wait3A_95 : memref<1x64x128xf32, #tpu.memory_space<hbm>> -> memref<64x128xf32, #tpu.memory_space<hbm>>
      %dma_wait3A_97 = arith.constant 0 : i32
      %dma_wait3A_98 = tpu.memref_slice %arg6[%arg0, %add3A_68, %dma_wait3A_97] : memref<2x10112x128xf32, #tpu.memory_space<hbm>> -> memref<1x64x128xf32, #tpu.memory_space<hbm>>
      %dma_wait3A_99 = tpu.memref_squeeze %dma_wait3A_98 : memref<1x64x128xf32, #tpu.memory_space<hbm>> -> memref<64x128xf32, #tpu.memory_space<hbm>>
      %dma_wait3A_100 = arith.constant 0 : i32
      %dma_wait3A_101 = arith.constant 0 : i32
      %dma_wait3A_102 = tpu.memref_slice %arg9[%dma_wait3A_100, %dma_wait3A_101] : memref<64x128xf32, #tpu.memory_space<vmem>> -> memref<64x128xf32, #tpu.memory_space<vmem>>
      tpu.wait_dma2 semaphore(%run_scoped3A : memref<!tpu.dma_semaphore, #tpu.memory_space<semaphore_mem>>) src(%dma_wait3A_102 : memref<64x128xf32, #tpu.memory_space<vmem>>) dst(%dma_wait3A_99 : memref<64x128xf32, #tpu.memory_space<hbm>>)
      tpu.yield
    }) : () -> ()
    %add3A_69 = arith.constant 448 : i32
    %add3A_70 = arith.addi %mul3A_0, %add3A_69 : i32
    "tpu.region"() ({
      %run_scoped3A = tpu.sem_alloc : memref<!tpu.dma_semaphore, #tpu.memory_space<semaphore_mem>>
      %dma_start3A = arith.constant 0 : i32
      %dma_start3A_81 = arith.constant 0 : i32
      %dma_start3A_82 = tpu.memref_slice %arg9[%dma_start3A, %dma_start3A_81] : memref<64x128xf32, #tpu.memory_space<vmem>> -> memref<64x128xf32, #tpu.memory_space<vmem>>
      %dma_start3A_83 = arith.constant 0 : i32
      %dma_start3A_84 = tpu.memref_slice %arg11[%add3A_70, %dma_start3A_83] : memref<10112x128xf32, #tpu.memory_space<vmem_shared>> -> memref<64x128xf32, #tpu.memory_space<vmem_shared>>
      %dma_start3A_85 = arith.constant 0 : i32
      %dma_start3A_86 = arith.constant 0 : i32
      %dma_start3A_87 = tpu.memref_slice %arg9[%dma_start3A_85, %dma_start3A_86] : memref<64x128xf32, #tpu.memory_space<vmem>> -> memref<64x128xf32, #tpu.memory_space<vmem>>
      %dma_start3A_88 = arith.constant 0 : i32
      %dma_start3A_89 = tpu.memref_slice %arg11[%add3A_70, %dma_start3A_88] : memref<10112x128xf32, #tpu.memory_space<vmem_shared>> -> memref<64x128xf32, #tpu.memory_space<vmem_shared>>
      tpu.enqueue_dma source(%dma_start3A_89 : memref<64x128xf32, #tpu.memory_space<vmem_shared>>) target(%dma_start3A_87 : memref<64x128xf32, #tpu.memory_space<vmem>>) target_semaphore(%run_scoped3A : memref<!tpu.dma_semaphore, #tpu.memory_space<semaphore_mem>>)
      %dma_wait3A = arith.constant 0 : i32
      %dma_wait3A_90 = arith.constant 0 : i32
      %dma_wait3A_91 = tpu.memref_slice %arg9[%dma_wait3A, %dma_wait3A_90] : memref<64x128xf32, #tpu.memory_space<vmem>> -> memref<64x128xf32, #tpu.memory_space<vmem>>
      %dma_wait3A_92 = arith.constant 0 : i32
      %dma_wait3A_93 = tpu.memref_slice %arg11[%add3A_70, %dma_wait3A_92] : memref<10112x128xf32, #tpu.memory_space<vmem_shared>> -> memref<64x128xf32, #tpu.memory_space<vmem_shared>>
      %dma_wait3A_94 = arith.constant 0 : i32
      %dma_wait3A_95 = arith.constant 0 : i32
      %dma_wait3A_96 = tpu.memref_slice %arg9[%dma_wait3A_94, %dma_wait3A_95] : memref<64x128xf32, #tpu.memory_space<vmem>> -> memref<64x128xf32, #tpu.memory_space<vmem>>
      %dma_wait3A_97 = arith.constant 0 : i32
      %dma_wait3A_98 = tpu.memref_slice %arg11[%add3A_70, %dma_wait3A_97] : memref<10112x128xf32, #tpu.memory_space<vmem_shared>> -> memref<64x128xf32, #tpu.memory_space<vmem_shared>>
      tpu.wait_dma2 semaphore(%run_scoped3A : memref<!tpu.dma_semaphore, #tpu.memory_space<semaphore_mem>>) src(%dma_wait3A_98 : memref<64x128xf32, #tpu.memory_space<vmem_shared>>) dst(%dma_wait3A_96 : memref<64x128xf32, #tpu.memory_space<vmem>>)
      tpu.yield
    }) : () -> ()
    %add3A_71 = arith.constant 448 : i32
    %add3A_72 = arith.addi %mul3A_0, %add3A_71 : i32
    "tpu.region"() ({
      %run_scoped3A = tpu.sem_alloc : memref<!tpu.dma_semaphore, #tpu.memory_space<semaphore_mem>>
      %dma_start3A = arith.constant 0 : i32
      %dma_start3A_81 = arith.constant 0 : i32
      %dma_start3A_82 = tpu.memref_slice %arg9[%dma_start3A, %dma_start3A_81] : memref<64x128xf32, #tpu.memory_space<vmem>> -> memref<64x128xf32, #tpu.memory_space<vmem>>
      %dma_start3A_83 = arith.constant 0 : i32
      %dma_start3A_84 = tpu.memref_slice %arg6[%arg0, %add3A_72, %dma_start3A_83] : memref<2x10112x128xf32, #tpu.memory_space<hbm>> -> memref<1x64x128xf32, #tpu.memory_space<hbm>>
      %dma_start3A_85 = tpu.memref_squeeze %dma_start3A_84 : memref<1x64x128xf32, #tpu.memory_space<hbm>> -> memref<64x128xf32, #tpu.memory_space<hbm>>
      %dma_start3A_86 = arith.constant 0 : i32
      %dma_start3A_87 = tpu.memref_slice %arg6[%arg0, %add3A_72, %dma_start3A_86] : memref<2x10112x128xf32, #tpu.memory_space<hbm>> -> memref<1x64x128xf32, #tpu.memory_space<hbm>>
      %dma_start3A_88 = tpu.memref_squeeze %dma_start3A_87 : memref<1x64x128xf32, #tpu.memory_space<hbm>> -> memref<64x128xf32, #tpu.memory_space<hbm>>
      %dma_start3A_89 = arith.constant 0 : i32
      %dma_start3A_90 = arith.constant 0 : i32
      %dma_start3A_91 = tpu.memref_slice %arg9[%dma_start3A_89, %dma_start3A_90] : memref<64x128xf32, #tpu.memory_space<vmem>> -> memref<64x128xf32, #tpu.memory_space<vmem>>
      tpu.enqueue_dma source(%dma_start3A_91 : memref<64x128xf32, #tpu.memory_space<vmem>>) target(%dma_start3A_88 : memref<64x128xf32, #tpu.memory_space<hbm>>) target_semaphore(%run_scoped3A : memref<!tpu.dma_semaphore, #tpu.memory_space<semaphore_mem>>)
      %dma_wait3A = arith.constant 0 : i32
      %dma_wait3A_92 = arith.constant 0 : i32
      %dma_wait3A_93 = tpu.memref_slice %arg9[%dma_wait3A, %dma_wait3A_92] : memref<64x128xf32, #tpu.memory_space<vmem>> -> memref<64x128xf32, #tpu.memory_space<vmem>>
      %dma_wait3A_94 = arith.constant 0 : i32
      %dma_wait3A_95 = tpu.memref_slice %arg6[%arg0, %add3A_72, %dma_wait3A_94] : memref<2x10112x128xf32, #tpu.memory_space<hbm>> -> memref<1x64x128xf32, #tpu.memory_space<hbm>>
      %dma_wait3A_96 = tpu.memref_squeeze %dma_wait3A_95 : memref<1x64x128xf32, #tpu.memory_space<hbm>> -> memref<64x128xf32, #tpu.memory_space<hbm>>
      %dma_wait3A_97 = arith.constant 0 : i32
      %dma_wait3A_98 = tpu.memref_slice %arg6[%arg0, %add3A_72, %dma_wait3A_97] : memref<2x10112x128xf32, #tpu.memory_space<hbm>> -> memref<1x64x128xf32, #tpu.memory_space<hbm>>
      %dma_wait3A_99 = tpu.memref_squeeze %dma_wait3A_98 : memref<1x64x128xf32, #tpu.memory_space<hbm>> -> memref<64x128xf32, #tpu.memory_space<hbm>>
      %dma_wait3A_100 = arith.constant 0 : i32
      %dma_wait3A_101 = arith.constant 0 : i32
      %dma_wait3A_102 = tpu.memref_slice %arg9[%dma_wait3A_100, %dma_wait3A_101] : memref<64x128xf32, #tpu.memory_space<vmem>> -> memref<64x128xf32, #tpu.memory_space<vmem>>
      tpu.wait_dma2 semaphore(%run_scoped3A : memref<!tpu.dma_semaphore, #tpu.memory_space<semaphore_mem>>) src(%dma_wait3A_102 : memref<64x128xf32, #tpu.memory_space<vmem>>) dst(%dma_wait3A_99 : memref<64x128xf32, #tpu.memory_space<hbm>>)
      tpu.yield
    }) : () -> ()
    %add3A_73 = arith.constant 512 : i32
    %add3A_74 = arith.addi %mul3A_0, %add3A_73 : i32
    "tpu.region"() ({
      %run_scoped3A = tpu.sem_alloc : memref<!tpu.dma_semaphore, #tpu.memory_space<semaphore_mem>>
      %dma_start3A = arith.constant 0 : i32
      %dma_start3A_81 = arith.constant 0 : i32
      %dma_start3A_82 = tpu.memref_slice %arg9[%dma_start3A, %dma_start3A_81] : memref<64x128xf32, #tpu.memory_space<vmem>> -> memref<64x128xf32, #tpu.memory_space<vmem>>
      %dma_start3A_83 = arith.constant 0 : i32
      %dma_start3A_84 = tpu.memref_slice %arg11[%add3A_74, %dma_start3A_83] : memref<10112x128xf32, #tpu.memory_space<vmem_shared>> -> memref<64x128xf32, #tpu.memory_space<vmem_shared>>
      %dma_start3A_85 = arith.constant 0 : i32
      %dma_start3A_86 = arith.constant 0 : i32
      %dma_start3A_87 = tpu.memref_slice %arg9[%dma_start3A_85, %dma_start3A_86] : memref<64x128xf32, #tpu.memory_space<vmem>> -> memref<64x128xf32, #tpu.memory_space<vmem>>
      %dma_start3A_88 = arith.constant 0 : i32
      %dma_start3A_89 = tpu.memref_slice %arg11[%add3A_74, %dma_start3A_88] : memref<10112x128xf32, #tpu.memory_space<vmem_shared>> -> memref<64x128xf32, #tpu.memory_space<vmem_shared>>
      tpu.enqueue_dma source(%dma_start3A_89 : memref<64x128xf32, #tpu.memory_space<vmem_shared>>) target(%dma_start3A_87 : memref<64x128xf32, #tpu.memory_space<vmem>>) target_semaphore(%run_scoped3A : memref<!tpu.dma_semaphore, #tpu.memory_space<semaphore_mem>>)
      %dma_wait3A = arith.constant 0 : i32
      %dma_wait3A_90 = arith.constant 0 : i32
      %dma_wait3A_91 = tpu.memref_slice %arg9[%dma_wait3A, %dma_wait3A_90] : memref<64x128xf32, #tpu.memory_space<vmem>> -> memref<64x128xf32, #tpu.memory_space<vmem>>
      %dma_wait3A_92 = arith.constant 0 : i32
      %dma_wait3A_93 = tpu.memref_slice %arg11[%add3A_74, %dma_wait3A_92] : memref<10112x128xf32, #tpu.memory_space<vmem_shared>> -> memref<64x128xf32, #tpu.memory_space<vmem_shared>>
      %dma_wait3A_94 = arith.constant 0 : i32
      %dma_wait3A_95 = arith.constant 0 : i32
      %dma_wait3A_96 = tpu.memref_slice %arg9[%dma_wait3A_94, %dma_wait3A_95] : memref<64x128xf32, #tpu.memory_space<vmem>> -> memref<64x128xf32, #tpu.memory_space<vmem>>
      %dma_wait3A_97 = arith.constant 0 : i32
      %dma_wait3A_98 = tpu.memref_slice %arg11[%add3A_74, %dma_wait3A_97] : memref<10112x128xf32, #tpu.memory_space<vmem_shared>> -> memref<64x128xf32, #tpu.memory_space<vmem_shared>>
      tpu.wait_dma2 semaphore(%run_scoped3A : memref<!tpu.dma_semaphore, #tpu.memory_space<semaphore_mem>>) src(%dma_wait3A_98 : memref<64x128xf32, #tpu.memory_space<vmem_shared>>) dst(%dma_wait3A_96 : memref<64x128xf32, #tpu.memory_space<vmem>>)
      tpu.yield
    }) : () -> ()
    %add3A_75 = arith.constant 512 : i32
    %add3A_76 = arith.addi %mul3A_0, %add3A_75 : i32
    "tpu.region"() ({
      %run_scoped3A = tpu.sem_alloc : memref<!tpu.dma_semaphore, #tpu.memory_space<semaphore_mem>>
      %dma_start3A = arith.constant 0 : i32
      %dma_start3A_81 = arith.constant 0 : i32
      %dma_start3A_82 = tpu.memref_slice %arg9[%dma_start3A, %dma_start3A_81] : memref<64x128xf32, #tpu.memory_space<vmem>> -> memref<64x128xf32, #tpu.memory_space<vmem>>
      %dma_start3A_83 = arith.constant 0 : i32
      %dma_start3A_84 = tpu.memref_slice %arg6[%arg0, %add3A_76, %dma_start3A_83] : memref<2x10112x128xf32, #tpu.memory_space<hbm>> -> memref<1x64x128xf32, #tpu.memory_space<hbm>>
      %dma_start3A_85 = tpu.memref_squeeze %dma_start3A_84 : memref<1x64x128xf32, #tpu.memory_space<hbm>> -> memref<64x128xf32, #tpu.memory_space<hbm>>
      %dma_start3A_86 = arith.constant 0 : i32
      %dma_start3A_87 = tpu.memref_slice %arg6[%arg0, %add3A_76, %dma_start3A_86] : memref<2x10112x128xf32, #tpu.memory_space<hbm>> -> memref<1x64x128xf32, #tpu.memory_space<hbm>>
      %dma_start3A_88 = tpu.memref_squeeze %dma_start3A_87 : memref<1x64x128xf32, #tpu.memory_space<hbm>> -> memref<64x128xf32, #tpu.memory_space<hbm>>
      %dma_start3A_89 = arith.constant 0 : i32
      %dma_start3A_90 = arith.constant 0 : i32
      %dma_start3A_91 = tpu.memref_slice %arg9[%dma_start3A_89, %dma_start3A_90] : memref<64x128xf32, #tpu.memory_space<vmem>> -> memref<64x128xf32, #tpu.memory_space<vmem>>
      tpu.enqueue_dma source(%dma_start3A_91 : memref<64x128xf32, #tpu.memory_space<vmem>>) target(%dma_start3A_88 : memref<64x128xf32, #tpu.memory_space<hbm>>) target_semaphore(%run_scoped3A : memref<!tpu.dma_semaphore, #tpu.memory_space<semaphore_mem>>)
      %dma_wait3A = arith.constant 0 : i32
      %dma_wait3A_92 = arith.constant 0 : i32
      %dma_wait3A_93 = tpu.memref_slice %arg9[%dma_wait3A, %dma_wait3A_92] : memref<64x128xf32, #tpu.memory_space<vmem>> -> memref<64x128xf32, #tpu.memory_space<vmem>>
      %dma_wait3A_94 = arith.constant 0 : i32
      %dma_wait3A_95 = tpu.memref_slice %arg6[%arg0, %add3A_76, %dma_wait3A_94] : memref<2x10112x128xf32, #tpu.memory_space<hbm>> -> memref<1x64x128xf32, #tpu.memory_space<hbm>>
      %dma_wait3A_96 = tpu.memref_squeeze %dma_wait3A_95 : memref<1x64x128xf32, #tpu.memory_space<hbm>> -> memref<64x128xf32, #tpu.memory_space<hbm>>
      %dma_wait3A_97 = arith.constant 0 : i32
      %dma_wait3A_98 = tpu.memref_slice %arg6[%arg0, %add3A_76, %dma_wait3A_97] : memref<2x10112x128xf32, #tpu.memory_space<hbm>> -> memref<1x64x128xf32, #tpu.memory_space<hbm>>
      %dma_wait3A_99 = tpu.memref_squeeze %dma_wait3A_98 : memref<1x64x128xf32, #tpu.memory_space<hbm>> -> memref<64x128xf32, #tpu.memory_space<hbm>>
      %dma_wait3A_100 = arith.constant 0 : i32
      %dma_wait3A_101 = arith.constant 0 : i32
      %dma_wait3A_102 = tpu.memref_slice %arg9[%dma_wait3A_100, %dma_wait3A_101] : memref<64x128xf32, #tpu.memory_space<vmem>> -> memref<64x128xf32, #tpu.memory_space<vmem>>
      tpu.wait_dma2 semaphore(%run_scoped3A : memref<!tpu.dma_semaphore, #tpu.memory_space<semaphore_mem>>) src(%dma_wait3A_102 : memref<64x128xf32, #tpu.memory_space<vmem>>) dst(%dma_wait3A_99 : memref<64x128xf32, #tpu.memory_space<hbm>>)
      tpu.yield
    }) : () -> ()
    %add3A_77 = arith.constant 576 : i32
    %add3A_78 = arith.addi %mul3A_0, %add3A_77 : i32
    "tpu.region"() ({
      %run_scoped3A = tpu.sem_alloc : memref<!tpu.dma_semaphore, #tpu.memory_space<semaphore_mem>>
      %dma_start3A = arith.constant 0 : i32
      %dma_start3A_81 = arith.constant 0 : i32
      %dma_start3A_82 = tpu.memref_slice %arg9[%dma_start3A, %dma_start3A_81] : memref<64x128xf32, #tpu.memory_space<vmem>> -> memref<56x128xf32, #tpu.memory_space<vmem>>
      %dma_start3A_83 = arith.constant 0 : i32
      %dma_start3A_84 = tpu.memref_slice %arg11[%add3A_78, %dma_start3A_83] : memref<10112x128xf32, #tpu.memory_space<vmem_shared>> -> memref<56x128xf32, #tpu.memory_space<vmem_shared>>
      %dma_start3A_85 = arith.constant 0 : i32
      %dma_start3A_86 = arith.constant 0 : i32
      %dma_start3A_87 = tpu.memref_slice %arg9[%dma_start3A_85, %dma_start3A_86] : memref<64x128xf32, #tpu.memory_space<vmem>> -> memref<56x128xf32, #tpu.memory_space<vmem>>
      %dma_start3A_88 = arith.constant 0 : i32
      %dma_start3A_89 = tpu.memref_slice %arg11[%add3A_78, %dma_start3A_88] : memref<10112x128xf32, #tpu.memory_space<vmem_shared>> -> memref<56x128xf32, #tpu.memory_space<vmem_shared>>
      tpu.enqueue_dma source(%dma_start3A_89 : memref<56x128xf32, #tpu.memory_space<vmem_shared>>) target(%dma_start3A_87 : memref<56x128xf32, #tpu.memory_space<vmem>>) target_semaphore(%run_scoped3A : memref<!tpu.dma_semaphore, #tpu.memory_space<semaphore_mem>>)
      %dma_wait3A = arith.constant 0 : i32
      %dma_wait3A_90 = arith.constant 0 : i32
      %dma_wait3A_91 = tpu.memref_slice %arg9[%dma_wait3A, %dma_wait3A_90] : memref<64x128xf32, #tpu.memory_space<vmem>> -> memref<56x128xf32, #tpu.memory_space<vmem>>
      %dma_wait3A_92 = arith.constant 0 : i32
      %dma_wait3A_93 = tpu.memref_slice %arg11[%add3A_78, %dma_wait3A_92] : memref<10112x128xf32, #tpu.memory_space<vmem_shared>> -> memref<56x128xf32, #tpu.memory_space<vmem_shared>>
      %dma_wait3A_94 = arith.constant 0 : i32
      %dma_wait3A_95 = arith.constant 0 : i32
      %dma_wait3A_96 = tpu.memref_slice %arg9[%dma_wait3A_94, %dma_wait3A_95] : memref<64x128xf32, #tpu.memory_space<vmem>> -> memref<56x128xf32, #tpu.memory_space<vmem>>
      %dma_wait3A_97 = arith.constant 0 : i32
      %dma_wait3A_98 = tpu.memref_slice %arg11[%add3A_78, %dma_wait3A_97] : memref<10112x128xf32, #tpu.memory_space<vmem_shared>> -> memref<56x128xf32, #tpu.memory_space<vmem_shared>>
      tpu.wait_dma2 semaphore(%run_scoped3A : memref<!tpu.dma_semaphore, #tpu.memory_space<semaphore_mem>>) src(%dma_wait3A_98 : memref<56x128xf32, #tpu.memory_space<vmem_shared>>) dst(%dma_wait3A_96 : memref<56x128xf32, #tpu.memory_space<vmem>>)
      tpu.yield
    }) : () -> ()
    %add3A_79 = arith.constant 576 : i32
    %add3A_80 = arith.addi %mul3A_0, %add3A_79 : i32
    "tpu.region"() ({
      %run_scoped3A = tpu.sem_alloc : memref<!tpu.dma_semaphore, #tpu.memory_space<semaphore_mem>>
      %dma_start3A = arith.constant 0 : i32
      %dma_start3A_81 = arith.constant 0 : i32
      %dma_start3A_82 = tpu.memref_slice %arg9[%dma_start3A, %dma_start3A_81] : memref<64x128xf32, #tpu.memory_space<vmem>> -> memref<56x128xf32, #tpu.memory_space<vmem>>
      %dma_start3A_83 = arith.constant 0 : i32
      %dma_start3A_84 = tpu.memref_slice %arg6[%arg0, %add3A_80, %dma_start3A_83] : memref<2x10112x128xf32, #tpu.memory_space<hbm>> -> memref<1x56x128xf32, #tpu.memory_space<hbm>>
      %dma_start3A_85 = tpu.memref_squeeze %dma_start3A_84 : memref<1x56x128xf32, #tpu.memory_space<hbm>> -> memref<56x128xf32, #tpu.memory_space<hbm>>
      %dma_start3A_86 = arith.constant 0 : i32
      %dma_start3A_87 = tpu.memref_slice %arg6[%arg0, %add3A_80, %dma_start3A_86] : memref<2x10112x128xf32, #tpu.memory_space<hbm>> -> memref<1x56x128xf32, #tpu.memory_space<hbm>>
      %dma_start3A_88 = tpu.memref_squeeze %dma_start3A_87 : memref<1x56x128xf32, #tpu.memory_space<hbm>> -> memref<56x128xf32, #tpu.memory_space<hbm>>
      %dma_start3A_89 = arith.constant 0 : i32
      %dma_start3A_90 = arith.constant 0 : i32
      %dma_start3A_91 = tpu.memref_slice %arg9[%dma_start3A_89, %dma_start3A_90] : memref<64x128xf32, #tpu.memory_space<vmem>> -> memref<56x128xf32, #tpu.memory_space<vmem>>
      tpu.enqueue_dma source(%dma_start3A_91 : memref<56x128xf32, #tpu.memory_space<vmem>>) target(%dma_start3A_88 : memref<56x128xf32, #tpu.memory_space<hbm>>) target_semaphore(%run_scoped3A : memref<!tpu.dma_semaphore, #tpu.memory_space<semaphore_mem>>)
      %dma_wait3A = arith.constant 0 : i32
      %dma_wait3A_92 = arith.constant 0 : i32
      %dma_wait3A_93 = tpu.memref_slice %arg9[%dma_wait3A, %dma_wait3A_92] : memref<64x128xf32, #tpu.memory_space<vmem>> -> memref<56x128xf32, #tpu.memory_space<vmem>>
      %dma_wait3A_94 = arith.constant 0 : i32
      %dma_wait3A_95 = tpu.memref_slice %arg6[%arg0, %add3A_80, %dma_wait3A_94] : memref<2x10112x128xf32, #tpu.memory_space<hbm>> -> memref<1x56x128xf32, #tpu.memory_space<hbm>>
      %dma_wait3A_96 = tpu.memref_squeeze %dma_wait3A_95 : memref<1x56x128xf32, #tpu.memory_space<hbm>> -> memref<56x128xf32, #tpu.memory_space<hbm>>
      %dma_wait3A_97 = arith.constant 0 : i32
      %dma_wait3A_98 = tpu.memref_slice %arg6[%arg0, %add3A_80, %dma_wait3A_97] : memref<2x10112x128xf32, #tpu.memory_space<hbm>> -> memref<1x56x128xf32, #tpu.memory_space<hbm>>
      %dma_wait3A_99 = tpu.memref_squeeze %dma_wait3A_98 : memref<1x56x128xf32, #tpu.memory_space<hbm>> -> memref<56x128xf32, #tpu.memory_space<hbm>>
      %dma_wait3A_100 = arith.constant 0 : i32
      %dma_wait3A_101 = arith.constant 0 : i32
      %dma_wait3A_102 = tpu.memref_slice %arg9[%dma_wait3A_100, %dma_wait3A_101] : memref<64x128xf32, #tpu.memory_space<vmem>> -> memref<56x128xf32, #tpu.memory_space<vmem>>
      tpu.wait_dma2 semaphore(%run_scoped3A : memref<!tpu.dma_semaphore, #tpu.memory_space<semaphore_mem>>) src(%dma_wait3A_102 : memref<56x128xf32, #tpu.memory_space<vmem>>) dst(%dma_wait3A_99 : memref<56x128xf32, #tpu.memory_space<hbm>>)
      tpu.yield
    }) : () -> ()
    return
  }
}

module attributes {stable_mosaic.version = 14 : i64} {
  func.func @body(%arg0: i32, %arg1: memref<2x2000x128xf32, #tpu.memory_space<vmem>>, %arg2: memref<2x2000x128xf32, #tpu.memory_space<vmem>>, %arg3: memref<2000x128xf32, #tpu.memory_space<vmem>>, %arg4: memref<128x128xf32, #tpu.memory_space<vmem>>, %arg5: memref<1x128xf32, #tpu.memory_space<vmem>>, %arg6: memref<128x128xf32, #tpu.memory_space<vmem>>, %arg7: memref<2000x128xf32, #tpu.memory_space<vmem>>) attributes {dimension_semantics = [#tpu.dimension_semantics<arbitrary>], iteration_bounds = array<i64: 5>, scalar_prefetch = 0 : i64, scratch_operands = 0 : i64, tpu.core_type = #tpu.core_type<tc>, window_params = [{transform_indices = @transform_0, window_bounds = array<i64: 2, 2000, 128>}, {transform_indices = @transform_1, window_bounds = array<i64: 2, 2000, 128>}, {transform_indices = @transform_2, window_bounds = array<i64: 2000, 128>}, {pipeline_mode = #tpu.pipeline_mode<synchronous>, transform_indices = @transform_3, window_bounds = array<i64: 128, 128>}, {pipeline_mode = #tpu.pipeline_mode<synchronous>, transform_indices = @transform_4, window_bounds = array<i64: 1, 128>}, {pipeline_mode = #tpu.pipeline_mode<synchronous>, transform_indices = @transform_5, window_bounds = array<i64: 128, 128>}, {transform_indices = @transform_6, window_bounds = array<i64: 2000, 128>}]} {
    %get3A = arith.constant 0 : index
    %get3A_0 = arith.constant 0 : index
    %get3A_1 = arith.constant 0 : index
    %get3A_2 = vector.load %arg1[%get3A, %get3A_0, %get3A_1] : memref<2x2000x128xf32, #tpu.memory_space<vmem>>, vector<1x2000x128xf32>
    %get3A_3 = vector.shape_cast %get3A_2 : vector<1x2000x128xf32> to vector<2000x128xf32>
    %get3A_4 = arith.constant 1 : index
    %get3A_5 = arith.constant 0 : index
    %get3A_6 = arith.constant 0 : index
    %get3A_7 = vector.load %arg1[%get3A_4, %get3A_5, %get3A_6] : memref<2x2000x128xf32, #tpu.memory_space<vmem>>, vector<1x2000x128xf32>
    %get3A_8 = vector.shape_cast %get3A_7 : vector<1x2000x128xf32> to vector<2000x128xf32>
    %add3A = arith.addf %get3A_3, %get3A_8 : vector<2000x128xf32>
    %get3A_9 = arith.constant 0 : index
    %get3A_10 = arith.constant 0 : index
    %get3A_11 = arith.constant 0 : index
    %get3A_12 = vector.load %arg2[%get3A_9, %get3A_10, %get3A_11] : memref<2x2000x128xf32, #tpu.memory_space<vmem>>, vector<1x2000x1xf32>
    %get3A_13 = vector.shape_cast %get3A_12 : vector<1x2000x1xf32> to vector<2000x1xf32>
    %get3A_14 = arith.constant 1 : index
    %get3A_15 = arith.constant 0 : index
    %get3A_16 = arith.constant 0 : index
    %get3A_17 = vector.load %arg2[%get3A_14, %get3A_15, %get3A_16] : memref<2x2000x128xf32, #tpu.memory_space<vmem>>, vector<1x2000x1xf32>
    %get3A_18 = vector.shape_cast %get3A_17 : vector<1x2000x1xf32> to vector<2000x1xf32>
    %add3A_19 = arith.addf %get3A_13, %get3A_18 : vector<2000x1xf32>
    %max3A = arith.constant 1.000000e+00 : f32
    %max3A_20 = vector.broadcast %max3A : f32 to vector<2000x1xf32>
    %max3A_21 = arith.maximumf %add3A_19, %max3A_20 : vector<2000x1xf32>
    %div3A = vector.broadcast %max3A_21 : vector<2000x1xf32> to vector<2000x128xf32>
    %div3A_22 = arith.divf %add3A, %div3A : vector<2000x128xf32>
    %get3A_23 = arith.constant 0 : index
    %get3A_24 = arith.constant 0 : index
    %get3A_25 = vector.load %arg4[%get3A_23, %get3A_24] : memref<128x128xf32, #tpu.memory_space<vmem>>, vector<128x128xf32>
    %dot_general3A = arith.constant dense<0.000000e+00> : vector<2000x128xf32>
    %dot_general3A_26 = tpu.matmul %div3A_22, %get3A_25, %dot_general3A {dimension_numbers = #tpu.dot_dimension_numbers<[1], [0], [0], [1], [0, 0, 1, 1], [], []>, transpose_lhs_hint = false} : vector<2000x128xf32>, vector<128x128xf32>, vector<2000x128xf32> -> vector<2000x128xf32>
    %get3A_27 = arith.constant 0 : index
    %get3A_28 = arith.constant 0 : index
    %get3A_29 = vector.load %arg5[%get3A_27, %get3A_28] : memref<1x128xf32, #tpu.memory_space<vmem>>, vector<1x128xf32>
    %add3A_30 = vector.broadcast %get3A_29 : vector<1x128xf32> to vector<2000x128xf32>
    %add3A_31 = arith.addf %dot_general3A_26, %add3A_30 : vector<2000x128xf32>
    %get3A_32 = arith.constant 0 : index
    %get3A_33 = arith.constant 0 : index
    %get3A_34 = vector.load %arg3[%get3A_32, %get3A_33] : memref<2000x128xf32, #tpu.memory_space<vmem>>, vector<2000x128xf32>
    %get3A_35 = arith.constant 0 : index
    %get3A_36 = arith.constant 0 : index
    %get3A_37 = vector.load %arg6[%get3A_35, %get3A_36] : memref<128x128xf32, #tpu.memory_space<vmem>>, vector<128x128xf32>
    %dot_general3A_38 = arith.constant dense<0.000000e+00> : vector<2000x128xf32>
    %dot_general3A_39 = tpu.matmul %get3A_34, %get3A_37, %dot_general3A_38 {dimension_numbers = #tpu.dot_dimension_numbers<[1], [0], [0], [1], [0, 0, 1, 1], [], []>, transpose_lhs_hint = false} : vector<2000x128xf32>, vector<128x128xf32>, vector<2000x128xf32> -> vector<2000x128xf32>
    %add3A_40 = arith.addf %add3A_31, %dot_general3A_39 : vector<2000x128xf32>
    %max3A_41 = arith.constant 0.000000e+00 : f32
    %max3A_42 = vector.broadcast %max3A_41 : f32 to vector<2000x128xf32>
    %max3A_43 = arith.maximumf %add3A_40, %max3A_42 : vector<2000x128xf32>
    %swap3A = arith.constant 0 : index
    %swap3A_44 = arith.constant 0 : index
    %swap3A_45 = vector.load %arg7[%swap3A, %swap3A_44] : memref<2000x128xf32, #tpu.memory_space<vmem>>, vector<2000x128xf32>
    tpu.vector_store %arg7[%swap3A, %swap3A_44], %max3A_43 {strides = array<i32>} : memref<2000x128xf32, #tpu.memory_space<vmem>>, vector<2000x128xf32>,
    return
  }
  func.func @transform_0(%arg0: i32) -> (i32, i32, i32) {
    %c0_i32 = arith.constant 0 : i32
    %c0_i32_0 = arith.constant 0 : i32
    %c0_i32_1 = arith.constant 0 : i32
    return %c0_i32, %arg0, %c0_i32_0 : i32, i32, i32
  }
  func.func @transform_1(%arg0: i32) -> (i32, i32, i32) {
    %c0_i32 = arith.constant 0 : i32
    %c0_i32_0 = arith.constant 0 : i32
    %c0_i32_1 = arith.constant 0 : i32
    return %c0_i32, %arg0, %c0_i32_0 : i32, i32, i32
  }
  func.func @transform_2(%arg0: i32) -> (i32, i32) {
    %c0_i32 = arith.constant 0 : i32
    %c0_i32_0 = arith.constant 0 : i32
    return %arg0, %c0_i32 : i32, i32
  }
  func.func @transform_3(%arg0: i32) -> (i32, i32) {
    %c0_i32 = arith.constant 0 : i32
    %c0_i32_0 = arith.constant 0 : i32
    %c0_i32_1 = arith.constant 0 : i32
    return %c0_i32, %c0_i32_0 : i32, i32
  }
  func.func @transform_4(%arg0: i32) -> (i32, i32) {
    %c0_i32 = arith.constant 0 : i32
    %c0_i32_0 = arith.constant 0 : i32
    %c0_i32_1 = arith.constant 0 : i32
    return %c0_i32, %c0_i32_0 : i32, i32
  }
  func.func @transform_5(%arg0: i32) -> (i32, i32) {
    %c0_i32 = arith.constant 0 : i32
    %c0_i32_0 = arith.constant 0 : i32
    %c0_i32_1 = arith.constant 0 : i32
    return %c0_i32, %c0_i32_0 : i32, i32
  }
  func.func @transform_6(%arg0: i32) -> (i32, i32) {
    %c0_i32 = arith.constant 0 : i32
    %c0_i32_0 = arith.constant 0 : i32
    return %arg0, %c0_i32 : i32, i32
  }
}

module attributes {stable_mosaic.version = 14 : i64} {
  func.func @body(%arg0: i32, %arg1: memref<2x2000x128xf32, #tpu.memory_space<vmem>>, %arg2: memref<2x2000x128xf32, #tpu.memory_space<vmem>>, %arg3: memref<2000x128xf32, #tpu.memory_space<vmem>>, %arg4: memref<128x128xf32, #tpu.memory_space<vmem>>, %arg5: memref<1x128xf32, #tpu.memory_space<vmem>>, %arg6: memref<128x128xf32, #tpu.memory_space<vmem>>, %arg7: memref<128x64xf32, #tpu.memory_space<vmem>>, %arg8: memref<1x64xf32, #tpu.memory_space<vmem>>, %arg9: memref<2000x64xf32, #tpu.memory_space<vmem>>) attributes {dimension_semantics = [#tpu.dimension_semantics<arbitrary>], iteration_bounds = array<i64: 5>, scalar_prefetch = 0 : i64, scratch_operands = 0 : i64, tpu.core_type = #tpu.core_type<tc>, window_params = [{transform_indices = @transform_0, window_bounds = array<i64: 2, 2000, 128>}, {transform_indices = @transform_1, window_bounds = array<i64: 2, 2000, 128>}, {transform_indices = @transform_2, window_bounds = array<i64: 2000, 128>}, {pipeline_mode = #tpu.pipeline_mode<synchronous>, transform_indices = @transform_3, window_bounds = array<i64: 128, 128>}, {pipeline_mode = #tpu.pipeline_mode<synchronous>, transform_indices = @transform_4, window_bounds = array<i64: 1, 128>}, {pipeline_mode = #tpu.pipeline_mode<synchronous>, transform_indices = @transform_5, window_bounds = array<i64: 128, 128>}, {pipeline_mode = #tpu.pipeline_mode<synchronous>, transform_indices = @transform_6, window_bounds = array<i64: 128, 64>}, {pipeline_mode = #tpu.pipeline_mode<synchronous>, transform_indices = @transform_7, window_bounds = array<i64: 1, 64>}, {transform_indices = @transform_8, window_bounds = array<i64: 2000, 64>}]} {
    %get3A = arith.constant 0 : index
    %get3A_0 = arith.constant 0 : index
    %get3A_1 = arith.constant 0 : index
    %get3A_2 = vector.load %arg1[%get3A, %get3A_0, %get3A_1] : memref<2x2000x128xf32, #tpu.memory_space<vmem>>, vector<1x2000x128xf32>
    %get3A_3 = vector.shape_cast %get3A_2 : vector<1x2000x128xf32> to vector<2000x128xf32>
    %get3A_4 = arith.constant 1 : index
    %get3A_5 = arith.constant 0 : index
    %get3A_6 = arith.constant 0 : index
    %get3A_7 = vector.load %arg1[%get3A_4, %get3A_5, %get3A_6] : memref<2x2000x128xf32, #tpu.memory_space<vmem>>, vector<1x2000x128xf32>
    %get3A_8 = vector.shape_cast %get3A_7 : vector<1x2000x128xf32> to vector<2000x128xf32>
    %add3A = arith.addf %get3A_3, %get3A_8 : vector<2000x128xf32>
    %get3A_9 = arith.constant 0 : index
    %get3A_10 = arith.constant 0 : index
    %get3A_11 = arith.constant 0 : index
    %get3A_12 = vector.load %arg2[%get3A_9, %get3A_10, %get3A_11] : memref<2x2000x128xf32, #tpu.memory_space<vmem>>, vector<1x2000x1xf32>
    %get3A_13 = vector.shape_cast %get3A_12 : vector<1x2000x1xf32> to vector<2000x1xf32>
    %get3A_14 = arith.constant 1 : index
    %get3A_15 = arith.constant 0 : index
    %get3A_16 = arith.constant 0 : index
    %get3A_17 = vector.load %arg2[%get3A_14, %get3A_15, %get3A_16] : memref<2x2000x128xf32, #tpu.memory_space<vmem>>, vector<1x2000x1xf32>
    %get3A_18 = vector.shape_cast %get3A_17 : vector<1x2000x1xf32> to vector<2000x1xf32>
    %add3A_19 = arith.addf %get3A_13, %get3A_18 : vector<2000x1xf32>
    %max3A = arith.constant 1.000000e+00 : f32
    %max3A_20 = vector.broadcast %max3A : f32 to vector<2000x1xf32>
    %max3A_21 = arith.maximumf %add3A_19, %max3A_20 : vector<2000x1xf32>
    %div3A = vector.broadcast %max3A_21 : vector<2000x1xf32> to vector<2000x128xf32>
    %div3A_22 = arith.divf %add3A, %div3A : vector<2000x128xf32>
    %get3A_23 = arith.constant 0 : index
    %get3A_24 = arith.constant 0 : index
    %get3A_25 = vector.load %arg4[%get3A_23, %get3A_24] : memref<128x128xf32, #tpu.memory_space<vmem>>, vector<128x128xf32>
    %dot_general3A = arith.constant dense<0.000000e+00> : vector<2000x128xf32>
    %dot_general3A_26 = tpu.matmul %div3A_22, %get3A_25, %dot_general3A {dimension_numbers = #tpu.dot_dimension_numbers<[1], [0], [0], [1], [0, 0, 1, 1], [], []>, transpose_lhs_hint = false} : vector<2000x128xf32>, vector<128x128xf32>, vector<2000x128xf32> -> vector<2000x128xf32>
    %get3A_27 = arith.constant 0 : index
    %get3A_28 = arith.constant 0 : index
    %get3A_29 = vector.load %arg5[%get3A_27, %get3A_28] : memref<1x128xf32, #tpu.memory_space<vmem>>, vector<1x128xf32>
    %add3A_30 = vector.broadcast %get3A_29 : vector<1x128xf32> to vector<2000x128xf32>
    %add3A_31 = arith.addf %dot_general3A_26, %add3A_30 : vector<2000x128xf32>
    %get3A_32 = arith.constant 0 : index
    %get3A_33 = arith.constant 0 : index
    %get3A_34 = vector.load %arg3[%get3A_32, %get3A_33] : memref<2000x128xf32, #tpu.memory_space<vmem>>, vector<2000x128xf32>
    %get3A_35 = arith.constant 0 : index
    %get3A_36 = arith.constant 0 : index
    %get3A_37 = vector.load %arg6[%get3A_35, %get3A_36] : memref<128x128xf32, #tpu.memory_space<vmem>>, vector<128x128xf32>
    %dot_general3A_38 = arith.constant dense<0.000000e+00> : vector<2000x128xf32>
    %dot_general3A_39 = tpu.matmul %get3A_34, %get3A_37, %dot_general3A_38 {dimension_numbers = #tpu.dot_dimension_numbers<[1], [0], [0], [1], [0, 0, 1, 1], [], []>, transpose_lhs_hint = false} : vector<2000x128xf32>, vector<128x128xf32>, vector<2000x128xf32> -> vector<2000x128xf32>
    %add3A_40 = arith.addf %add3A_31, %dot_general3A_39 : vector<2000x128xf32>
    %max3A_41 = arith.constant 0.000000e+00 : f32
    %max3A_42 = vector.broadcast %max3A_41 : f32 to vector<2000x128xf32>
    %max3A_43 = arith.maximumf %add3A_40, %max3A_42 : vector<2000x128xf32>
    %get3A_44 = arith.constant 0 : index
    %get3A_45 = arith.constant 0 : index
    %get3A_46 = vector.load %arg7[%get3A_44, %get3A_45] : memref<128x64xf32, #tpu.memory_space<vmem>>, vector<128x64xf32>
    %dot_general3A_47 = arith.constant dense<0.000000e+00> : vector<2000x64xf32>
    %dot_general3A_48 = tpu.matmul %max3A_43, %get3A_46, %dot_general3A_47 {dimension_numbers = #tpu.dot_dimension_numbers<[1], [0], [0], [1], [0, 0, 1, 1], [], []>, transpose_lhs_hint = false} : vector<2000x128xf32>, vector<128x64xf32>, vector<2000x64xf32> -> vector<2000x64xf32>
    %get3A_49 = arith.constant 0 : index
    %get3A_50 = arith.constant 0 : index
    %get3A_51 = vector.load %arg8[%get3A_49, %get3A_50] : memref<1x64xf32, #tpu.memory_space<vmem>>, vector<1x64xf32>
    %add3A_52 = vector.broadcast %get3A_51 : vector<1x64xf32> to vector<2000x64xf32>
    %add3A_53 = arith.addf %dot_general3A_48, %add3A_52 : vector<2000x64xf32>
    %swap3A = arith.constant 0 : index
    %swap3A_54 = arith.constant 0 : index
    %swap3A_55 = vector.load %arg9[%swap3A, %swap3A_54] : memref<2000x64xf32, #tpu.memory_space<vmem>>, vector<2000x64xf32>
    tpu.vector_store %arg9[%swap3A, %swap3A_54], %add3A_53 {strides = array<i32>} : memref<2000x64xf32, #tpu.memory_space<vmem>>, vector<2000x64xf32>,
    return
  }
  func.func @transform_0(%arg0: i32) -> (i32, i32, i32) {
    %c0_i32 = arith.constant 0 : i32
    %c0_i32_0 = arith.constant 0 : i32
    %c0_i32_1 = arith.constant 0 : i32
    return %c0_i32, %arg0, %c0_i32_0 : i32, i32, i32
  }
  func.func @transform_1(%arg0: i32) -> (i32, i32, i32) {
    %c0_i32 = arith.constant 0 : i32
    %c0_i32_0 = arith.constant 0 : i32
    %c0_i32_1 = arith.constant 0 : i32
    return %c0_i32, %arg0, %c0_i32_0 : i32, i32, i32
  }
  func.func @transform_2(%arg0: i32) -> (i32, i32) {
    %c0_i32 = arith.constant 0 : i32
    %c0_i32_0 = arith.constant 0 : i32
    return %arg0, %c0_i32 : i32, i32
  }
  func.func @transform_3(%arg0: i32) -> (i32, i32) {
    %c0_i32 = arith.constant 0 : i32
    %c0_i32_0 = arith.constant 0 : i32
    %c0_i32_1 = arith.constant 0 : i32
    return %c0_i32, %c0_i32_0 : i32, i32
  }
  func.func @transform_4(%arg0: i32) -> (i32, i32) {
    %c0_i32 = arith.constant 0 : i32
    %c0_i32_0 = arith.constant 0 : i32
    %c0_i32_1 = arith.constant 0 : i32
    return %c0_i32, %c0_i32_0 : i32, i32
  }
  func.func @transform_5(%arg0: i32) -> (i32, i32) {
    %c0_i32 = arith.constant 0 : i32
    %c0_i32_0 = arith.constant 0 : i32
    %c0_i32_1 = arith.constant 0 : i32
    return %c0_i32, %c0_i32_0 : i32, i32
  }
  func.func @transform_6(%arg0: i32) -> (i32, i32) {
    %c0_i32 = arith.constant 0 : i32
    %c0_i32_0 = arith.constant 0 : i32
    %c0_i32_1 = arith.constant 0 : i32
    return %c0_i32, %c0_i32_0 : i32, i32
  }
  func.func @transform_7(%arg0: i32) -> (i32, i32) {
    %c0_i32 = arith.constant 0 : i32
    %c0_i32_0 = arith.constant 0 : i32
    %c0_i32_1 = arith.constant 0 : i32
    return %c0_i32, %c0_i32_0 : i32, i32
  }
  func.func @transform_8(%arg0: i32) -> (i32, i32) {
    %c0_i32 = arith.constant 0 : i32
    %c0_i32_0 = arith.constant 0 : i32
    return %arg0, %c0_i32 : i32, i32
  }
}

</mosaic_0001>

<sc_bundles>
// kernel: kernel.10.cloned.1.call-start
scs
__scs_entry_jumppad:
0x0: {  	(pc) =	sbr.rel $0x88, $3  }
0x1: {  	(tag) =	ssettag $0x0;
	lr =	simm.s32 $0x1  }
0x2: {  	[smem:$0x3F97] =	sst lr;
	_ =	strace $0xD0000000  }
0x3: {  	_ = 	snop  }
0x4: {  	_ = 	snop  }
0x5: {  	_ = 	snop  }
0x6: {  	_ = 	snop  }
0x7: {  	_ = 	snop  }
__scs_overlays_trampoline_lowered:
0x8: {  	[smem:$0x3FA6] =	sst s0  }
0x9: {  	[smem:$0x3FA7] =	sst s1  }
0xa: {  	[smem:$0x3FA8] =	sst s2  }
0xb: {  	[smem:$0x3FA9] =	sst s3  }
0xc: {  	[smem:$0x3FAA] =	sst s4  }
0xd: {  	[smem:$0x3FAB] =	sst s5  }
0xe: {  	[smem:$0x3FAC] =	sst s6  }
0xf: {  	[smem:$0x3FAD] =	sst s7  }
0x10: {  	[smem:$0x3FAE] =	sst s8  }
0x11: {  	[smem:$0x3FAF] =	sst s9;
	s0 =	simm.s32 @!p0 $0x0  }
0x12: {  	s1 =	sld [smem:$0x3F95];
	s0 =	simm.s32 @p0 $0x1  }
0x13: {  	[smem:$0x3FB0] =	sst s0;
	s0 =	simm.s32 @!p1 $0x0  }
0x14: {  	s2 =	sld [smem:$0x3F94];
	s0 =	simm.s32 @p1 $0x1  }
0x15: {  	[smem:$0x3FB1] =	sst s0;
	s0 =	simm.s32 @!p2 $0x0  }
0x16: {  	s3 =	sld [smem:$0x3FDB];
	s0 =	simm.s32 @p2 $0x1  }
0x17: {  	s4 =	simm.s32 $0x1BF5;
	[smem:$0x3FB3] =	sst s0  }
0x18: {  	s0 =	sld [smem:$0x3F96];
	_ =	swait.ge [sflag:s4], $0x0  }
0x19: {  	s7 =	sld [smem:$0x3F97]  }
0x1a: {  	s8 =	sadd.s32 $0xFFFFE003, lr  }
0x1b: {  	s9 =	sadd.s32 $0xFFFFFEF7, lr;
	s5 =	simm.s32 $0xFFFFFFFF;
	p2 =	slt.u32 s8, $0xFFFFF086  }
0x1c: {  	p1 =	slt.u32 s9, $0xF7A;
	s5 =	simm.s32 @!p2 $0x0  }
0x1d: {  	s5 =	simm.s32 @p1 $0x1;
	p0 =	seq.s32 s7, s2  }
0x1e: {  	s7 =	smul.u32 @!p0 $0xF7A, s2;
	p2 =	seq.s32 @!p0 s5, $0x0  }
0x1f: {  	s9 =	smul.u32 $0xF7A, s1;
	s8 =	simm.s32 @!p0 $0x1BF5;
	p2 =	por !p2, p0  }
0x20: {  	[sflag:s8] =	ssyncset.s32 @!p0 $0xFFFFF086;
	s6 =	sadd.s32 @!p0 s3, s7;
	s7 =	simm.s32 @!p0 $0x108  }
0x21: {  	s3 =	sadd.s32 s3, s9;
	s6 =	sadd.s32 @!p0 $0x88, s6;
	s7 =	simm.s32 @p2 $0x1082  }
0x22: {  	[simem:s7], [sflag:s8] =	dma.local @!p0 [hbm:s6], $0xF7A  }
0x23: {  	s9 =	sor.u32 $0xD0000000, s2;
	s6 =	simm.s32 $0x108;
	_ =	swait.ge @!p0 [sflag:s8], $0x0  }
0x24: {  	s3 =	sadd.s32 $0x88, s3;
	s6 =	simm.s32 @!p1 $0x1082;
	[sflag:s4] =	ssyncset.s32 $0xFFFFF086  }
0x25: {  	[simem:s6], [sflag:s4] =	dma.local [hbm:s3], $0xF7A  }
0x26: {  	[smem:$0x3F97] =	sst s1;
	(tag) =	ssettag s2;
	_ =	strace s9  }
0x27: {  	s1 =	sld [smem:$0x3FA7]  }
0x28: {  	s2 =	sld [smem:$0x3FA8]  }
0x29: {  	s4 =	sld [smem:$0x3FAA]  }
0x2a: {  	p0 =	seq.s32 s5, $0x0;
	s5 =	sld [smem:$0x3FAB]  }
0x2b: {  	s6 =	sld [smem:$0x3FAC]  }
0x2c: {  	s7 =	sld [smem:$0x3FAD]  }
0x2d: {  	s3 =	simm.s32 $0x108;
	s8 =	sld [smem:$0x3FAE]  }
0x2e: {  	s3 =	simm.s32 @!p0 $0x1082;
	s9 =	sld [smem:$0x3FAF]  }
0x2f: {  	lr =	sadd.s32 s0, s3;
	s0 =	sld [smem:$0x3FA6]  }
0x30: {  	s3 =	sld [smem:$0x3FA9]  }
0x31: {  	[smem:$0x3FB2] =	sst s10  }
0x32: {  	s10 =	sld [smem:$0x3FB0];
	_ =	sdelay $0x3  }
0x33: {  	p0 =	seq.s32 s10, $0x1;
	s10 =	sld [smem:$0x3FB2];
	_ =	sdelay $0x3  }
0x34: {  	[smem:$0x3FB2] =	sst s10  }
0x35: {  	s10 =	sld [smem:$0x3FB1];
	_ =	sdelay $0x3  }
0x36: {  	p1 =	seq.s32 s10, $0x1;
	s10 =	sld [smem:$0x3FB2];
	_ =	sdelay $0x3  }
0x37: {  	[smem:$0x3FB2] =	sst s10  }
0x38: {  	s10 =	sld [smem:$0x3FB3]  }
0x39: {  	_ = 	snop;
	(pc) =	sbr.ind lr, $3  }
0x3a: {  	_ = 	snop  }
0x3b: {  	_ = 	snop  }
0x3c: {  	p2 =	seq.s32 s10, $0x1;
	s10 =	sld [smem:$0x3FB2]  }
0x3d: {  	_ =	shalt  }
0x3e: {  	_ =	shalt  }
0x3f: {  	_ =	shalt  }
0x40: {  	_ =	shalt  }
0x41: {  	_ =	shalt  }
0x42: {  	_ =	shalt  }
0x43: {  	_ =	shalt  }
0x44: {  	_ =	shalt  }
0x45: {  	_ =	shalt  }
0x46: {  	_ =	shalt  }
0x47: {  	_ =	shalt  }
0x48: {  	_ =	shalt  }
0x49: {  	_ =	shalt  }
0x4a: {  	_ =	shalt  }
0x4b: {  	_ =	shalt  }
0x4c: {  	_ =	shalt  }
0x4d: {  	_ =	shalt  }
0x4e: {  	_ =	shalt  }
0x4f: {  	_ =	shalt  }
0x50: {  	_ =	shalt  }
0x51: {  	_ =	shalt  }
0x52: {  	_ =	shalt  }
0x53: {  	_ =	shalt  }
0x54: {  	_ =	shalt  }
0x55: {  	_ =	shalt  }
0x56: {  	_ =	shalt  }
0x57: {  	_ =	shalt  }
0x58: {  	_ =	shalt  }
0x59: {  	_ =	shalt  }
0x5a: {  	_ =	shalt  }
0x5b: {  	_ =	shalt  }
0x5c: {  	_ =	shalt  }
0x5d: {  	_ =	shalt  }
0x5e: {  	_ =	shalt  }
0x5f: {  	_ =	shalt  }
0x60: {  	_ =	shalt  }
0x61: {  	_ =	shalt  }
0x62: {  	_ =	shalt  }
0x63: {  	_ =	shalt  }
0x64: {  	_ =	shalt  }
0x65: {  	_ =	shalt  }
0x66: {  	_ =	shalt  }
0x67: {  	_ =	shalt  }
0x68: {  	_ =	shalt  }
0x69: {  	_ =	shalt  }
0x6a: {  	_ =	shalt  }
0x6b: {  	_ =	shalt  }
0x6c: {  	_ =	shalt  }
0x6d: {  	_ =	shalt  }
0x6e: {  	_ =	shalt  }
0x6f: {  	_ =	shalt  }
0x70: {  	_ =	shalt  }
0x71: {  	_ =	shalt  }
0x72: {  	_ =	shalt  }
0x73: {  	_ =	shalt  }
0x74: {  	_ =	shalt  }
0x75: {  	_ =	shalt  }
0x76: {  	_ =	shalt  }
0x77: {  	_ =	shalt  }
0x78: {  	_ =	shalt  }
0x79: {  	_ =	shalt  }
0x7a: {  	_ =	shalt  }
0x7b: {  	_ =	shalt  }
0x7c: {  	_ =	shalt  }
0x7d: {  	_ =	shalt  }
0x7e: {  	_ =	shalt  }
0x7f: {  	_ =	shalt  }
0x80: {  	_ =	shalt  }
0x81: {  	_ =	shalt  }
0x82: {  	_ =	shalt  }
0x83: {  	_ =	shalt  }
0x84: {  	_ =	shalt  }
0x85: {  	_ =	shalt  }
0x86: {  	_ =	shalt  }
0x87: {  	_ =	shalt  }
.Lfunc_end0:
.L_simem_size_0:
called_computation.1_lowered:
.L_overlay_start_0:
0x88: {  	s2 =	sld [smem:$0x3FD9]  }
0x89: {  	s3 =	sld [smem:$0x3FFE];
	_ =	sdelay $0x1  }
0x8a: {  	s1 =	srdreg.scid  }
0x8b: {  	s0 =	sand.u32 $0x1, s1  }
0x8c: {  	s17 =	sshll.u32 s0, $0xA;
	s2 =	sadd.s32 s3, s2  }
0x8d: {  	s2 =	sadd.s32 s2, s17  }
0x8e: {  	[smem:$0x3FBE] =	sst s2  }
0x8f: {  	_ = 	snop  }
0x90: {  	s2 =	sld [smem:$0x3FC9]  }
0x91: {  	s18 =	sld [smem:$0x3FD0];
	(tm) =	ssettm $0x1  }
0x92: {  	s4 =	sld [smem:$0x3FFB];
	_ =	sdelay $0x3  }
0x93: {  	_ =	strace s4  }
0x94: {  	s4 =	sld [smem:$0x3FFC];
	_ =	sdelay $0x3  }
0x95: {  	_ =	strace s4  }
0x96: {  	s4 =	sld [smem:$0x3FFD];
	_ =	sdelay $0x3  }
0x97: {  	_ =	strace s4  }
0x98: {  	_ =	strace $0x8FFFFFFF  }
0x99: {  	s19 =	sld [smem:$0x3FDB];
	_ =	sdelay $0x1  }
0x9a: {  	s5 =	simm.s32 $_scs_section_size  }
0x9b: {  	s6 =	simm.s32 $_size__tile_overlayer_lowered;
	s7 =	simm.s32 $_tile_overlayer_lowered  }
0x9c: {  	s22 =	simm.s32 $0x1BFF;
	s21 =	sshll.u32 s7, $0x1;
	s4 =	sadd.s32 s5, s19  }
0x9d: {  	s8 =	simm.s32 $0x0;
	s20 =	sshll.u32 s6, $0x1;
	s6 =	sadd.s32 s21, s4  }
0x9e: {  	[timem:s8], [sflag:s22] =	dma.local [hbm:s6], s20  }
0x9f: {  	_ =	swait.ge [sflag:s22], s20  }
0xa0: {  	s5 =	ssub.s32 $0x0, s20;
	[sflag:s22] =	ssyncset.done $0x0  }
0xa1: {  	[sflag:s22] =	ssyncadd.s32 s5;
	_ =	sdelay $0x1  }
0xa2: {  	s23 =	simm.s32 $0x1B8B  }
0xa3: {  	_ =	swait.ge [sflag:s23], $0x1  }
0xa4: {  	[sflag:s23] =	ssyncset.done $0x0  }
0xa5: {  	s25 =	simm.s32 $0x1B8E;
	s24 =	sld [smem:$0x3FFE];
	[sflag:s23] =	ssyncadd.s32 $0xFFFFFFFF  }
0xa6: {  	s26 =	simm.s32 $execute0_lowered;
	[smem:$0x3FD2] =	sst s25  }
0xa7: {  	s6 =	sshll.u32 s26, $0x1;
	_ =	strace $0x80000046;
	[dreg:$0x1] =	wrdreg $0xFFFFFFFF  }
0xa8: {  	s28 =	simm.s32 $_size_execute0_lowered;
	s4 =	sadd.s32 s4, s6;
	[dreg:$0x0] =	wrdreg $0x0  }
0xa9: {  	s6 =	sshll.u32 s28, $0x1;
	[dreg:$0x2] =	wrdreg s4  }
0xaa: {  	[dreg:$0x3] =	wrdreg s6  }
0xab: {  	[dreg:$0x4] =	wrdreg $0xC0  }
0xac: {  	_ =	task [dreg:s8], $0x5FFFF  }
0xad: {  	[dreg:$0x1] =	wrdreg $0xFFFFFFFF  }
0xae: {  	[dreg:$0x0] =	wrdreg $0x60  }
0xaf: {  	[dreg:$0x2] =	wrdreg s2  }
0xb0: {  	[dreg:$0x3] =	wrdreg s24  }
0xb1: {  	[dreg:$0x4] =	wrdreg s18  }
0xb2: {  	[dreg:$0x5] =	wrdreg $0x60000  }
0xb3: {  	[dreg:$0x6] =	wrdreg $0xA  }
0xb4: {  	_ =	task.clear_ibuf [dreg:s8], $0x7FFFF;
	_ =	strace $0x90000046  }
0xb5: {  	s29 =	simm.s32 $0xA;
	_ =	strace $0x80000048  }
0xb6: {  	_ =	swait.ge [sflag:s29], $0x1  }
0xb7: {  	[sflag:s29] =	ssyncadd.s32 $0xFFFFFFFF  }
0xb8: {  	_ =	strace $0x90000048  }
0xb9: {  	_ =	sfence  }
0xba: {  	s30 =	sld [smem:$0x0];
	_ =	sdelay $0x2  }
0xbb: {  	s31 =	sshll.u32 s1, $0xD;
	s1 =	sshrl.u32 s1, $0x2  }
0xbc: {  	s3 =	sand.u32 $0x4000, s31;
	s1 =	sadd.s32 s1, s30  }
0xbd: {  	s0 =	sor.u32 s3, s0;
	s1 =	sshll.u32 s1, $0x11  }
0xbe: {  	s0 =	sor.u32 s1, s0  }
0xbf: {  	s0 =	sadd.s32 $0x8F2B, s0  }
0xc0: {  	[sflag:s0] =	ssyncadd.remote.s32 $0x1  }
0xc1: {  	_ =	sfence.sel $0xFFFF  }
0xc2: {  	[dreg:$0x0] =	wrdreg $0xFFFFFFFF;
	(pc) =	sbr.abs _section_cstart, $3  }
0xc3: {  	[dreg:$0x1] =	wrdreg $0xFFFFFFFF  }
0xc4: {  	_ =	task.clear_ibuf [dreg:s8], $0x2FFFF;
	_ =	strace $0x9FFFFFFF  }
0xc5: {  	(tm) =	ssettm $0x7FFFFFFF  }
tec
execute0_lowered:
.L_overlay_start_1:
0x0: {  	(tag) =	ssettag $0x1  }
0x1: {  	s1 =	rddreg [dreg:$0x0];
	s0 =	srdreg.scid  }
0x2: {  	s4 =	rddreg [dreg:$0x1];
	s19 =	stileid.u32;
	s2 =	simm.s32 $0x0  }
0x3: {  	s30 =	simm.s32 $0x8;
	s3 =	sand.u32 $0x1, s0;
	s5 =	smul.u32 $0x13C00, s19  }
0x4: {  	[smem:$0x7FF] =	sst s2;
	s7 =	sadd.s32 $0x2A400, s4;
	s17 =	sshll.u32 s19, $0xF  }
0x5: {  	s24 =	sshll.u32 s19, $0xD;
	s0 =	ssub.s32 $0x2, s3;
	s14 =	smul.u32 $0x13C000, s3  }
0x6: {  	p0 =	seq.s32 s3, $0x0;
	s3 =	sor.u32 $0x80000, s24;
	s6 =	sshrl.u32 s0, $0x1  }
0x7: {  	s8 =	sadd.s32 $0x4000, s5;
	s9 =	sadd.s32 $0x6000, s5;
	s10 =	sadd.s32 $0x8000, s5  }
0x8: {  	s11 =	sadd.s32 $0xA000, s5;
	s12 =	sadd.s32 $0xC000, s5;
	s13 =	sadd.s32 $0xE000, s5  }
0x9: {  	s15 =	sadd.s32 $0x10000, s5;
	s16 =	sadd.s32 $0x12000, s5;
	s3 =	smov.u32 @p0 s17  }
0xa: {  	s30 =	simm.s32 @!p0 $0x2;
	s0 =	ssub.s32 s0, s6;
	s6 =	sadd.s32 $0x2000, s5  }
0xb: {  	s5 =	sadd.s32 s5, s14;
	s17 =	sadd.s32 s14, s8;
	s20 =	sadd.s32 s14, s10  }
0xc: {  	s24 =	sadd.s32 s14, s11;
	s18 =	sadd.s32 s14, s6;
	s5 =	sshrl.u32 s5, $0x3  }
0xd: {  	s22 =	sshrl.u32 s20, $0x3;
	s0 =	smax.u32 s0, $0x1;
	s25 =	sshrl.u32 s18, $0x3  }
0xe: {  	s5 =	sadd.s32 s7, s5;
	s18 =	sadd.s32 s14, s9;
	s23 =	sadd.s32 s7, s22  }
0xf: {  	s22 =	sadd.s32 s14, s15;
	[dreg:$0x5] =	wrdreg s5;
	s26 =	sadd.s32 s7, s25  }
0x10: {  	s5 =	sshrl.u32 s17, $0x3;
	s21 =	sshrl.u32 s18, $0x3;
	[dreg:$0x9] =	wrdreg s23  }
0x11: {  	s25 =	sadd.s32 s14, s12;
	s18 =	sadd.s32 $0x2400, s4;
	[dreg:$0x6] =	wrdreg s26  }
0x12: {  	s5 =	sadd.s32 s7, s5;
	s26 =	sadd.s32 s14, s13;
	s17 =	sshrl.u32 s25, $0x3  }
0x13: {  	s14 =	sadd.s32 s14, s16;
	[dreg:$0x7] =	wrdreg s5;
	s5 =	sadd.s32 s7, s21  }
0x14: {  	s20 =	sshrl.u32 s26, $0x3;
	s23 =	sshrl.u32 s14, $0x3;
	s14 =	rddreg [dreg:$0x3]  }
0x15: {  	[dreg:$0x8] =	wrdreg s5;
	s5 =	sshrl.u32 s24, $0x3;
	s21 =	sadd.s32 s7, s20  }
0x16: {  	s24 =	smul.u32 $0x4F000, s19;
	s25 =	sadd.s32 s7, s23;
	s31 =	sadd.s32 s8, s14  }
0x17: {  	s29 =	sadd.s32 s11, s14;
	s23 =	sadd.s32 s13, s14;
	s28 =	sadd.s32 s16, s14  }
0x18: {  	s13 =	simm.s32 $0x1000;
	s5 =	sadd.s32 s7, s5;
	[dreg:$0xc] =	wrdreg s21  }
0x19: {  	s8 =	simm.s32 $0x3;
	[dreg:$0xa] =	wrdreg s5;
	s5 =	sadd.s32 s7, s17  }
0x1a: {  	s11 =	simm.s32 $0x1F00;
	[dreg:$0xb] =	wrdreg s5;
	s5 =	sshrl.u32 s22, $0x3  }
0x1b: {  	s16 =	simm.s32 $0x0;
	[dreg:$0xe] =	wrdreg s25;
	s5 =	sadd.s32 s7, s5  }
0x1c: {  	s21 =	sadd.s32 s6, s14;
	s25 =	sadd.s32 s9, s14;
	[dreg:$0xd] =	wrdreg s5  }
0x1d: {  	s6 =	simm.s32 $0x4000;
	_ =	strace $0x80000047;
	[dreg:$0x16] =	wrdreg s0  }
0x1e: {  	s26 =	sshrl.u32 s24, $0x2;
	s22 =	sadd.s32 s12, s14;
	[dreg:$0xf] =	wrdreg s29  }
0x1f: {  	s20 =	sadd.s32 s26, s14;
	s26 =	sadd.s32 s10, s14;
	[dreg:$0x10] =	wrdreg s22  }
0x20: {  	s9 =	simm.s32 $0x4;
	s17 =	sadd.s32 $0x16400, s4;
	[dreg:$0x11] =	wrdreg s26  }
0x21: {  	s24 =	sadd.s32 s15, s14;
	s4 =	simm.s32 $0x40;
	[dreg:$0x12] =	wrdreg s23  }
0x22: {  	s15 =	simm.s32 $0x1F80;
	s12 =	simm.s32 $0x2000;
	[dreg:$0x13] =	wrdreg s24  }
0x23: {  	s10 =	simm.s32 $0xF80;
	s7 =	simm.s32 $0x2;
	[dreg:$0x14] =	wrdreg s28  }
0x24: {  	s5 =	simm.s32 $0x1;
	s0 =	simm.s32 $0x5;
	[dreg:$0x15] =	wrdreg s25  }
.LBB2_1:
0x25: {  	s19 =	rddreg [dreg:$0x2]  }
0x26: {  	[tilespmem:s12], [sflag:$0x5] =	stream.linear.gather [hbm4b:s19+s2], $0x2000, $0x38;
	[tilespmem:$0x19C00] =	vst v63  }
0x27: {  	_ =	swait.ge [sflag:s0], $0x2000  }
0x28: {  	[sflag:s0] =	ssyncset.done $0x0  }
0x29: {  	[sflag:s0] =	ssyncadd.s32 $0xFFFFE000  }
0x2a: {  	[spmem:s20] =	stream.linear.scatter [tilespmem:s12], [sflag:$0x5], $0x2000, $0x38;
	[tilespmem:$0x19C00] =	vst v63  }
0x2b: {  	_ =	swait.ge [sflag:s0], $0x2000  }
0x2c: {  	[sflag:s0] =	ssyncset.done $0x0  }
0x2d: {  	[sflag:s0] =	ssyncadd.s32 $0xFFFFE000  }
0x2e: {  	[spmem:s21] =	stream.linear.scatter [tilespmem:s12], [sflag:$0x5], $0x2000, $0x38;
	[tilespmem:$0x19C00] =	vst v63  }
0x2f: {  	_ =	swait.ge [sflag:s0], $0x2000  }
0x30: {  	[sflag:s0] =	ssyncset.done $0x0  }
0x31: {  	[sflag:s0] =	ssyncadd.s32 $0xFFFFE000  }
0x32: {  	[spmem:s31] =	stream.linear.scatter [tilespmem:s12], [sflag:$0x5], $0x2000, $0x38;
	[tilespmem:$0x19C00] =	vst v63  }
0x33: {  	_ =	swait.ge [sflag:s0], $0x2000  }
0x34: {  	[sflag:s0] =	ssyncset.done $0x0  }
0x35: {  	s19 =	smov.u32 s25;
	[sflag:s0] =	ssyncadd.s32 $0xFFFFE000  }
0x36: {  	[spmem:s19] =	stream.linear.scatter [tilespmem:s12], [sflag:$0x5], $0x2000, $0x38;
	[tilespmem:$0x19C00] =	vst v63  }
0x37: {  	_ =	swait.ge [sflag:s0], $0x2000  }
0x38: {  	[sflag:s0] =	ssyncset.done $0x0  }
0x39: {  	[sflag:s0] =	ssyncadd.s32 $0xFFFFE000  }
0x3a: {  	[spmem:s26] =	stream.linear.scatter [tilespmem:s12], [sflag:$0x5], $0x2000, $0x38;
	[tilespmem:$0x19C00] =	vst v63  }
0x3b: {  	_ =	swait.ge [sflag:s0], $0x2000  }
0x3c: {  	[sflag:s0] =	ssyncset.done $0x0  }
0x3d: {  	[sflag:s0] =	ssyncadd.s32 $0xFFFFE000  }
0x3e: {  	[spmem:s29] =	stream.linear.scatter [tilespmem:s12], [sflag:$0x5], $0x2000, $0x38;
	[tilespmem:$0x19C00] =	vst v63  }
0x3f: {  	_ =	swait.ge [sflag:s0], $0x2000  }
0x40: {  	[sflag:s0] =	ssyncset.done $0x0  }
0x41: {  	[sflag:s0] =	ssyncadd.s32 $0xFFFFE000  }
0x42: {  	[spmem:s22] =	stream.linear.scatter [tilespmem:s12], [sflag:$0x5], $0x2000, $0x38;
	[tilespmem:$0x19C00] =	vst v63  }
0x43: {  	_ =	swait.ge [sflag:s0], $0x2000  }
0x44: {  	[sflag:s0] =	ssyncset.done $0x0  }
0x45: {  	s25 =	smov.u32 s20;
	s20 =	smov.u32 s23;
	[sflag:s0] =	ssyncadd.s32 $0xFFFFE000  }
0x46: {  	[spmem:s20] =	stream.linear.scatter [tilespmem:s12], [sflag:$0x5], $0x2000, $0x38;
	[tilespmem:$0x19C00] =	vst v63  }
0x47: {  	_ =	swait.ge [sflag:s0], $0x2000  }
0x48: {  	[sflag:s0] =	ssyncset.done $0x0  }
0x49: {  	s23 =	smov.u32 s21;
	s21 =	smov.u32 s24;
	[sflag:s0] =	ssyncadd.s32 $0xFFFFE000  }
0x4a: {  	[spmem:s21] =	stream.linear.scatter [tilespmem:s12], [sflag:$0x5], $0x2000, $0x38;
	[tilespmem:$0x19C00] =	vst v63  }
0x4b: {  	_ =	swait.ge [sflag:s0], $0x2000  }
0x4c: {  	[sflag:s0] =	ssyncset.done $0x0  }
0x4d: {  	[sflag:s0] =	ssyncadd.s32 $0xFFFFE000  }
0x4e: {  	[spmem:s28] =	stream.linear.scatter [tilespmem:s12], [sflag:$0x5], $0x1C00, $0x38;
	[tilespmem:$0x19C00] =	vst v63  }
0x4f: {  	_ =	swait.ge [sflag:s0], $0x1C00  }
0x50: {  	[sflag:s0] =	ssyncset.done $0x0  }
0x51: {  	[sflag:s0] =	ssyncadd.s32 $0xFFFFE400  }
0x52: {  	s24 =	smov.u32 s31;
	s31 =	simm.s32 $0x0;
	[bflag:$0x0] =	sbarrier.arrive $0xFFFF  }
.LBB2_2:
0x53: {  	s19 =	sshll.u32 s31, $0xC  }
0x54: {  	s19 =	sadd.s32 s3, s19  }
0x55: {  	s19 =	sshrl.u32 s19, $0x3  }
0x56: {  	s21 =	simm.s32 $0x0;
	s20 =	sadd.s32 s17, s19  }
0x57: {  	[tilespmem:s21], [sflag:$0x5] =	stream.linear.gather [hbm4b:s20+s21], $0x1000, $0x38;
	[tilespmem:$0x19C00] =	vst v63  }
0x58: {  	_ =	swait.ge [sflag:s0], $0x1000  }
0x59: {  	[sflag:s0] =	ssyncset.done $0x0  }
0x5a: {  	s19 =	sadd.s32 s18, s19;
	[sflag:s0] =	ssyncadd.s32 $0xFFFFF000  }
0x5b: {  	[tilespmem:s13], [sflag:$0x5] =	stream.linear.gather [hbm4b:s19+s21], $0x1000, $0x38;
	[tilespmem:$0x19C00] =	vst v63  }
0x5c: {  	_ =	swait.ge [sflag:s0], $0x1000  }
0x5d: {  	[sflag:s0] =	ssyncset.done $0x0  }
0x5e: {  	[sflag:s0] =	ssyncadd.s32 $0xFFFFF000  }
0x5f: {  	[tilespmem:s12], [sflag:$0x1] =	stream.indirect.gather [hbm4b:s1+s4], $0x80, s21, s4, $0xb8;
	[tilespmem:$0x19C00] =	vst v63  }
0x60: {  	_ =	swait.ge [sflag:s5], $0x2000  }
0x61: {  	[sflag:s5] =	ssyncset.done $0x0  }
0x62: {  	s22 =	simm.s32 $0x80;
	[sflag:s5] =	ssyncadd.s32 $0xFFFFE000  }
0x63: {  	[tilespmem:s6], [sflag:$0x2] =	stream.indirect.gather [hbm4b:s1+s4], $0x80, s22, s4, $0xb8;
	[tilespmem:$0x19C00] =	vst v63  }
0x64: {  	s26 =	simm.s32 $0x1000  }
0x65: {  	[spmem:s14] =	stream.indirect.scatter.add.f32 [tilespmem:s12], [sflag:$0x3], $0x80, s26, s4, $0xb8;
	[tilespmem:$0x19C00] =	vst v63  }
0x66: {  	_ =	swait.ge [sflag:s7], $0x2000  }
0x67: {  	[sflag:s7] =	ssyncset.done $0x0  }
0x68: {  	[sflag:s7] =	ssyncadd.s32 $0xFFFFE000  }
0x69: {  	_ =	swait.ge [sflag:s8], $0x2000  }
0x6a: {  	[sflag:s8] =	ssyncset.done $0x0  }
0x6b: {  	s28 =	simm.s32 $0x100;
	[sflag:s8] =	ssyncadd.s32 $0xFFFFE000  }
0x6c: {  	[tilespmem:s12], [sflag:$0x1] =	stream.indirect.gather [hbm4b:s1+s4], $0x80, s28, s4, $0xb8;
	[tilespmem:$0x19C00] =	vst v63  }
0x6d: {  	s29 =	simm.s32 $0x1080  }
0x6e: {  	[spmem:s14] =	stream.indirect.scatter.add.f32 [tilespmem:s6], [sflag:$0x4], $0x80, s29, s4, $0xb8;
	[tilespmem:$0x19C00] =	vst v63  }
0x6f: {  	_ =	swait.ge [sflag:s9], $0x2000  }
0x70: {  	s19 =	simm.s32 $0x400;
	[sflag:s9] =	ssyncset.done $0x0  }
.LBB2_3:
0x71: {  	p0 =	sne.s32 s19, $0x3800  }
0x72: {  	[sflag:s9] =	ssyncadd.s32 $0xFFFFE000;
	s20 =	smov.u32 s19;
	s19 =	sadd.s32 $0x400, s19  }
0x73: {  	_ = 	snop  }
0x74: {  	_ =	swait.ge [sflag:s5], $0x2000  }
0x75: {  	s20 =	sshra.s32 s20, $0x2;
	[sflag:s5] =	ssyncset.done $0x0  }
0x76: {  	s21 =	sadd.s32 $0x80, s20;
	[sflag:s5] =	ssyncadd.s32 $0xFFFFE000  }
0x77: {  	[tilespmem:s6], [sflag:$0x2] =	stream.indirect.gather [hbm4b:s1+s4], $0x80, s21, s4, $0xb8;
	[tilespmem:$0x19C00] =	vst v63  }
0x78: {  	s21 =	sadd.s32 $0x1000, s20  }
0x79: {  	[spmem:s14] =	stream.indirect.scatter.add.f32 [tilespmem:s12], [sflag:$0x3], $0x80, s21, s4, $0xb8;
	[tilespmem:$0x19C00] =	vst v63  }
0x7a: {  	_ =	swait.ge [sflag:s7], $0x2000  }
0x7b: {  	[sflag:s7] =	ssyncset.done $0x0  }
0x7c: {  	[sflag:s7] =	ssyncadd.s32 $0xFFFFE000  }
0x7d: {  	_ =	swait.ge [sflag:s8], $0x2000  }
0x7e: {  	[sflag:s8] =	ssyncset.done $0x0  }
0x7f: {  	s21 =	sadd.s32 $0x100, s20;
	[sflag:s8] =	ssyncadd.s32 $0xFFFFE000  }
0x80: {  	[tilespmem:s12], [sflag:$0x1] =	stream.indirect.gather [hbm4b:s1+s4], $0x80, s21, s4, $0xb8;
	[tilespmem:$0x19C00] =	vst v63  }
.Ltmp0:
0x81: {  	_ = 	snop;
	(pc) =	sbr.rel @p0 .LBB2_3-.Ltmp0, $4  }
0x82: {  	s20 =	sadd.s32 $0x1080, s20  }
0x83: {  	[spmem:s14] =	stream.indirect.scatter.add.f32 [tilespmem:s6], [sflag:$0x4], $0x80, s20, s4, $0xb8;
	[tilespmem:$0x19C00] =	vst v63  }
0x84: {  	_ =	swait.ge [sflag:s9], $0x2000  }
0x85: {  	[sflag:s9] =	ssyncset.done $0x0  }
0x86: {  	[sflag:s9] =	ssyncadd.s32 $0xFFFFE000  }
0x87: {  	_ =	swait.ge [sflag:s5], $0x2000  }
0x88: {  	[sflag:s5] =	ssyncset.done $0x0  }
0x89: {  	[sflag:s5] =	ssyncadd.s32 $0xFFFFE000  }
0x8a: {  	[tilespmem:s6], [sflag:$0x2] =	stream.indirect.gather [hbm4b:s1+s4], $0x80, s10, s4, $0xb8;
	[tilespmem:$0x19C00] =	vst v63  }
0x8b: {  	_ = 	snop  }
0x8c: {  	[spmem:s14] =	stream.indirect.scatter.add.f32 [tilespmem:s12], [sflag:$0x3], $0x80, s11, s4, $0xb8;
	[tilespmem:$0x19C00] =	vst v63  }
0x8d: {  	_ =	swait.ge [sflag:s7], $0x2000  }
0x8e: {  	[sflag:s7] =	ssyncset.done $0x0  }
0x8f: {  	[sflag:s7] =	ssyncadd.s32 $0xFFFFE000  }
0x90: {  	_ =	swait.ge [sflag:s8], $0x2000  }
0x91: {  	[sflag:s8] =	ssyncset.done $0x0  }
0x92: {  	[sflag:s8] =	ssyncadd.s32 $0xFFFFE000  }
0x93: {  	[tilespmem:s12], [sflag:$0x1] =	stream.indirect.gather [hbm4b:s1+s4], $0x80, s10, s4, $0xb8;
	[tilespmem:$0x19C00] =	vst v63  }
0x94: {  	s31 =	sadd.s32 $0x1, s31  }
0x95: {  	[spmem:s14] =	stream.indirect.scatter.add.f32 [tilespmem:s6], [sflag:$0x4], $0x80, s15, s4, $0xb8;
	[tilespmem:$0x19C00] =	vst v63  }
0x96: {  	p0 =	sne.s32 s31, s30;
	_ =	swait.ge [sflag:s9], $0x2000  }
.Ltmp1:
0x97: {  	[sflag:s9] =	ssyncset.done $0x0;
	(pc) =	sbr.rel @p0 .LBB2_2-.Ltmp1, $4  }
0x98: {  	[sflag:s9] =	ssyncadd.s32 $0xFFFFE000  }
0x99: {  	_ =	swait.ge [sflag:s5], $0x2000  }
0x9a: {  	[sflag:s5] =	ssyncset.done $0x0  }
0x9b: {  	[sflag:s5] =	ssyncadd.s32 $0xFFFFE000  }
0x9c: {  	[bflag:$0x0] =	sbarrier.arrive $0xFFFF  }
0x9d: {  	[tilespmem:s12], [sflag:$0x5] =	stream.linear.gather [spmem:s25], $0x2000, $0x38;
	[tilespmem:$0x19C00] =	vst v63  }
0x9e: {  	_ =	swait.ge [sflag:s0], $0x2000  }
0x9f: {  	[sflag:s0] =	ssyncset.done $0x0  }
0xa0: {  	s19 =	rddreg [dreg:$0x5];
	[sflag:s0] =	ssyncadd.s32 $0xFFFFE000  }
0xa1: {  	[hbm4b:s19+s2] =	stream.linear.scatter [tilespmem:s12], [sflag:$0x5], $0x2000, $0x38;
	[tilespmem:$0x19C00] =	vst v63  }
0xa2: {  	_ =	swait.ge [sflag:s0], $0x2000  }
0xa3: {  	[sflag:s0] =	ssyncset.done $0x0  }
0xa4: {  	[sflag:s0] =	ssyncadd.s32 $0xFFFFE000  }
0xa5: {  	[tilespmem:s12], [sflag:$0x5] =	stream.linear.gather [spmem:s23], $0x2000, $0x38;
	[tilespmem:$0x19C00] =	vst v63  }
0xa6: {  	_ =	swait.ge [sflag:s0], $0x2000  }
0xa7: {  	[sflag:s0] =	ssyncset.done $0x0  }
0xa8: {  	s26 =	rddreg [dreg:$0x6];
	[sflag:s0] =	ssyncadd.s32 $0xFFFFE000  }
0xa9: {  	[hbm4b:s26+s2] =	stream.linear.scatter [tilespmem:s12], [sflag:$0x5], $0x2000, $0x38;
	[tilespmem:$0x19C00] =	vst v63  }
0xaa: {  	_ =	swait.ge [sflag:s0], $0x2000  }
0xab: {  	[sflag:s0] =	ssyncset.done $0x0  }
0xac: {  	[sflag:s0] =	ssyncadd.s32 $0xFFFFE000  }
0xad: {  	[tilespmem:s12], [sflag:$0x5] =	stream.linear.gather [spmem:s24], $0x2000, $0x38;
	[tilespmem:$0x19C00] =	vst v63  }
0xae: {  	_ =	swait.ge [sflag:s0], $0x2000  }
0xaf: {  	[sflag:s0] =	ssyncset.done $0x0  }
0xb0: {  	s22 =	rddreg [dreg:$0x7];
	[sflag:s0] =	ssyncadd.s32 $0xFFFFE000  }
0xb1: {  	[hbm4b:s22+s2] =	stream.linear.scatter [tilespmem:s12], [sflag:$0x5], $0x2000, $0x38;
	[tilespmem:$0x19C00] =	vst v63  }
0xb2: {  	_ =	swait.ge [sflag:s0], $0x2000  }
0xb3: {  	[sflag:s0] =	ssyncset.done $0x0  }
0xb4: {  	s20 =	smov.u32 s25;
	s25 =	rddreg [dreg:$0x15];
	[sflag:s0] =	ssyncadd.s32 $0xFFFFE000  }
0xb5: {  	[tilespmem:s12], [sflag:$0x5] =	stream.linear.gather [spmem:s25], $0x2000, $0x38;
	[tilespmem:$0x19C00] =	vst v63  }
0xb6: {  	_ =	swait.ge [sflag:s0], $0x2000  }
0xb7: {  	[sflag:s0] =	ssyncset.done $0x0  }
0xb8: {  	s21 =	smov.u32 s23;
	s23 =	rddreg [dreg:$0x8];
	[sflag:s0] =	ssyncadd.s32 $0xFFFFE000  }
0xb9: {  	[hbm4b:s23+s2] =	stream.linear.scatter [tilespmem:s12], [sflag:$0x5], $0x2000, $0x38;
	[tilespmem:$0x19C00] =	vst v63  }
0xba: {  	_ =	swait.ge [sflag:s0], $0x2000  }
0xbb: {  	[sflag:s0] =	ssyncset.done $0x0  }
0xbc: {  	s26 =	rddreg [dreg:$0x11];
	[sflag:s0] =	ssyncadd.s32 $0xFFFFE000  }
0xbd: {  	[tilespmem:s12], [sflag:$0x5] =	stream.linear.gather [spmem:s26], $0x2000, $0x38;
	[tilespmem:$0x19C00] =	vst v63  }
0xbe: {  	_ =	swait.ge [sflag:s0], $0x2000  }
0xbf: {  	[sflag:s0] =	ssyncset.done $0x0  }
0xc0: {  	s31 =	smov.u32 s24;
	s24 =	rddreg [dreg:$0x9];
	[sflag:s0] =	ssyncadd.s32 $0xFFFFE000  }
0xc1: {  	[hbm4b:s24+s2] =	stream.linear.scatter [tilespmem:s12], [sflag:$0x5], $0x2000, $0x38;
	[tilespmem:$0x19C00] =	vst v63  }
0xc2: {  	_ =	swait.ge [sflag:s0], $0x2000  }
0xc3: {  	[sflag:s0] =	ssyncset.done $0x0  }
0xc4: {  	s29 =	rddreg [dreg:$0xf];
	[sflag:s0] =	ssyncadd.s32 $0xFFFFE000  }
0xc5: {  	[tilespmem:s12], [sflag:$0x5] =	stream.linear.gather [spmem:s29], $0x2000, $0x38;
	[tilespmem:$0x19C00] =	vst v63  }
0xc6: {  	_ =	swait.ge [sflag:s0], $0x2000  }
0xc7: {  	[sflag:s0] =	ssyncset.done $0x0  }
0xc8: {  	s22 =	rddreg [dreg:$0xa];
	[sflag:s0] =	ssyncadd.s32 $0xFFFFE000  }
0xc9: {  	[hbm4b:s22+s2] =	stream.linear.scatter [tilespmem:s12], [sflag:$0x5], $0x2000, $0x38;
	[tilespmem:$0x19C00] =	vst v63  }
0xca: {  	_ =	swait.ge [sflag:s0], $0x2000  }
0xcb: {  	[sflag:s0] =	ssyncset.done $0x0  }
0xcc: {  	s22 =	rddreg [dreg:$0x10];
	[sflag:s0] =	ssyncadd.s32 $0xFFFFE000  }
0xcd: {  	[tilespmem:s12], [sflag:$0x5] =	stream.linear.gather [spmem:s22], $0x2000, $0x38;
	[tilespmem:$0x19C00] =	vst v63  }
0xce: {  	_ =	swait.ge [sflag:s0], $0x2000  }
0xcf: {  	[sflag:s0] =	ssyncset.done $0x0  }
0xd0: {  	s23 =	rddreg [dreg:$0xb];
	[sflag:s0] =	ssyncadd.s32 $0xFFFFE000  }
0xd1: {  	[hbm4b:s23+s2] =	stream.linear.scatter [tilespmem:s12], [sflag:$0x5], $0x2000, $0x38;
	[tilespmem:$0x19C00] =	vst v63  }
0xd2: {  	_ =	swait.ge [sflag:s0], $0x2000  }
0xd3: {  	[sflag:s0] =	ssyncset.done $0x0  }
0xd4: {  	s23 =	rddreg [dreg:$0x12];
	[sflag:s0] =	ssyncadd.s32 $0xFFFFE000  }
0xd5: {  	[tilespmem:s12], [sflag:$0x5] =	stream.linear.gather [spmem:s23], $0x2000, $0x38;
	[tilespmem:$0x19C00] =	vst v63  }
0xd6: {  	_ =	swait.ge [sflag:s0], $0x2000  }
0xd7: {  	[sflag:s0] =	ssyncset.done $0x0  }
0xd8: {  	s24 =	rddreg [dreg:$0xc];
	[sflag:s0] =	ssyncadd.s32 $0xFFFFE000  }
0xd9: {  	[hbm4b:s24+s2] =	stream.linear.scatter [tilespmem:s12], [sflag:$0x5], $0x2000, $0x38;
	[tilespmem:$0x19C00] =	vst v63  }
0xda: {  	_ =	swait.ge [sflag:s0], $0x2000  }
0xdb: {  	[sflag:s0] =	ssyncset.done $0x0  }
0xdc: {  	s24 =	rddreg [dreg:$0x13];
	[sflag:s0] =	ssyncadd.s32 $0xFFFFE000  }
0xdd: {  	[tilespmem:s12], [sflag:$0x5] =	stream.linear.gather [spmem:s24], $0x2000, $0x38;
	[tilespmem:$0x19C00] =	vst v63  }
0xde: {  	_ =	swait.ge [sflag:s0], $0x2000  }
0xdf: {  	[sflag:s0] =	ssyncset.done $0x0  }
0xe0: {  	s19 =	rddreg [dreg:$0xd];
	[sflag:s0] =	ssyncadd.s32 $0xFFFFE000  }
0xe1: {  	[hbm4b:s19+s2] =	stream.linear.scatter [tilespmem:s12], [sflag:$0x5], $0x2000, $0x38;
	[tilespmem:$0x19C00] =	vst v63  }
0xe2: {  	_ =	swait.ge [sflag:s0], $0x2000  }
0xe3: {  	[sflag:s0] =	ssyncset.done $0x0  }
0xe4: {  	s28 =	rddreg [dreg:$0x14];
	[sflag:s0] =	ssyncadd.s32 $0xFFFFE000  }
0xe5: {  	[tilespmem:s12], [sflag:$0x5] =	stream.linear.gather [spmem:s28], $0x1C00, $0x38;
	[tilespmem:$0x19C00] =	vst v63  }
0xe6: {  	_ =	swait.ge [sflag:s0], $0x1C00  }
0xe7: {  	[sflag:s0] =	ssyncset.done $0x0  }
0xe8: {  	s19 =	rddreg [dreg:$0xe];
	[sflag:s0] =	ssyncadd.s32 $0xFFFFE400  }
0xe9: {  	[hbm4b:s19+s2] =	stream.linear.scatter [tilespmem:s12], [sflag:$0x5], $0x1C00, $0x38;
	[tilespmem:$0x19C00] =	vst v63  }
0xea: {  	_ =	swait.ge [sflag:s0], $0x1C00  }
0xeb: {  	s16 =	sadd.s32 $0x1, s16;
	s19 =	rddreg [dreg:$0x16]  }
0xec: {  	p0 =	sne.s32 s16, s19  }
.Ltmp2:
0xed: {  	_ = 	snop;
	(pc) =	sbr.rel @p0 .LBB2_1-.Ltmp2, $3  }
0xee: {  	_ =	sdelay $0x1  }
0xef: {  	[sflag:s0] =	ssyncset.done $0x0  }
0xf0: {  	[sflag:s0] =	ssyncadd.s32 $0xFFFFE400  }
0xf1: {  	_ =	sfence.sel $0x180000  }
0xf2: {  	[bflag:$0x0] =	sbarrier.arrive $0xFFFF  }
0xf3: {  	_ =	strace $0x90000047  }
0xf4: {  	s0 =	stileid.u32;
	[bflag:$0x2] =	sbarrier.arrive $0xFFFF  }
0xf5: {  	p0 =	sne.s32 s0, $0x0;
	s0 =	rddreg [dreg:$0x4]  }
0xf6: {  	s0 =	sadd.s32 @!p0 $0x100000, s0  }
0xf7: {  	[sflag:s0] =	ssyncadd.tile.s32 @!p0 $0x1;
	_ =	shalt  }
.Lfunc_end2:
_tile_overlayer_lowered:
.L_overlay_start_2:
0xf8: {  	(tag) =	ssettag $0x2  }
0xf9: {  	s0 =	rddreg [dreg:$0x0];
	s2 =	stileid.u32  }
0xfa: {  	s1 =	rddreg [dreg:$0x1];
	p0 =	sne.s32 s2, $0x0  }
0xfb: {  	s3 =	rddreg [dreg:$0x2];
	[bflag:$0x3] =	sbarrier.arrive $0xFFFF;
	s2 =	simm.s32 @!p0 $0x1C05  }
0xfc: {  	[timem:s3], [sflag:s2] =	dma.local @!p0 [hbm:s0], s1  }
0xfd: {  	s0 =	simm.s32 @!p0 $0x5  }
0xfe: {  	_ =	swait.ge @!p0 [sflag:s0], s1  }
0xff: {  	s1 =	ssub.s32 @!p0 $0x0, s1;
	[sflag:s0] =	ssyncset.done @!p0 $0x0  }
0x100: {  	[sflag:s0] =	ssyncadd.s32 @!p0 s1  }
0x101: {  	[bflag:$0x3] =	sbarrier.arrive $0xFFFF  }
0x102: {  	_ =	shalt  }

// kernel: kernel.13.cloned.1.call-start
scs
__scs_entry_jumppad:
0x0: {  	(pc) =	sbr.rel $0x88, $3  }
0x1: {  	(tag) =	ssettag $0x0;
	lr =	simm.s32 $0x1  }
0x2: {  	[smem:$0x3F97] =	sst lr;
	_ =	strace $0xD0000000  }
0x3: {  	_ = 	snop  }
0x4: {  	_ = 	snop  }
0x5: {  	_ = 	snop  }
0x6: {  	_ = 	snop  }
0x7: {  	_ = 	snop  }
__scs_overlays_trampoline_lowered:
0x8: {  	[smem:$0x3FA6] =	sst s0  }
0x9: {  	[smem:$0x3FA7] =	sst s1  }
0xa: {  	[smem:$0x3FA8] =	sst s2  }
0xb: {  	[smem:$0x3FA9] =	sst s3  }
0xc: {  	[smem:$0x3FAA] =	sst s4  }
0xd: {  	[smem:$0x3FAB] =	sst s5  }
0xe: {  	[smem:$0x3FAC] =	sst s6  }
0xf: {  	[smem:$0x3FAD] =	sst s7  }
0x10: {  	[smem:$0x3FAE] =	sst s8  }
0x11: {  	[smem:$0x3FAF] =	sst s9;
	s0 =	simm.s32 @!p0 $0x0  }
0x12: {  	s1 =	sld [smem:$0x3F95];
	s0 =	simm.s32 @p0 $0x1  }
0x13: {  	[smem:$0x3FB0] =	sst s0;
	s0 =	simm.s32 @!p1 $0x0  }
0x14: {  	s2 =	sld [smem:$0x3F94];
	s0 =	simm.s32 @p1 $0x1  }
0x15: {  	[smem:$0x3FB1] =	sst s0;
	s0 =	simm.s32 @!p2 $0x0  }
0x16: {  	s3 =	sld [smem:$0x3FDB];
	s0 =	simm.s32 @p2 $0x1  }
0x17: {  	s4 =	simm.s32 $0x1BF5;
	[smem:$0x3FB3] =	sst s0  }
0x18: {  	s0 =	sld [smem:$0x3F96];
	_ =	swait.ge [sflag:s4], $0x0  }
0x19: {  	s7 =	sld [smem:$0x3F97]  }
0x1a: {  	s8 =	sadd.s32 $0xFFFFE003, lr  }
0x1b: {  	s9 =	sadd.s32 $0xFFFFFEF7, lr;
	s5 =	simm.s32 $0xFFFFFFFF;
	p2 =	slt.u32 s8, $0xFFFFF086  }
0x1c: {  	p1 =	slt.u32 s9, $0xF7A;
	s5 =	simm.s32 @!p2 $0x0  }
0x1d: {  	s5 =	simm.s32 @p1 $0x1;
	p0 =	seq.s32 s7, s2  }
0x1e: {  	s7 =	smul.u32 @!p0 $0xF7A, s2;
	p2 =	seq.s32 @!p0 s5, $0x0  }
0x1f: {  	s9 =	smul.u32 $0xF7A, s1;
	s8 =	simm.s32 @!p0 $0x1BF5;
	p2 =	por !p2, p0  }
0x20: {  	[sflag:s8] =	ssyncset.s32 @!p0 $0xFFFFF086;
	s6 =	sadd.s32 @!p0 s3, s7;
	s7 =	simm.s32 @!p0 $0x108  }
0x21: {  	s3 =	sadd.s32 s3, s9;
	s6 =	sadd.s32 @!p0 $0x88, s6;
	s7 =	simm.s32 @p2 $0x1082  }
0x22: {  	[simem:s7], [sflag:s8] =	dma.local @!p0 [hbm:s6], $0xF7A  }
0x23: {  	s9 =	sor.u32 $0xD0000000, s2;
	s6 =	simm.s32 $0x108;
	_ =	swait.ge @!p0 [sflag:s8], $0x0  }
0x24: {  	s3 =	sadd.s32 $0x88, s3;
	s6 =	simm.s32 @!p1 $0x1082;
	[sflag:s4] =	ssyncset.s32 $0xFFFFF086  }
0x25: {  	[simem:s6], [sflag:s4] =	dma.local [hbm:s3], $0xF7A  }
0x26: {  	[smem:$0x3F97] =	sst s1;
	(tag) =	ssettag s2;
	_ =	strace s9  }
0x27: {  	s1 =	sld [smem:$0x3FA7]  }
0x28: {  	s2 =	sld [smem:$0x3FA8]  }
0x29: {  	s4 =	sld [smem:$0x3FAA]  }
0x2a: {  	p0 =	seq.s32 s5, $0x0;
	s5 =	sld [smem:$0x3FAB]  }
0x2b: {  	s6 =	sld [smem:$0x3FAC]  }
0x2c: {  	s7 =	sld [smem:$0x3FAD]  }
0x2d: {  	s3 =	simm.s32 $0x108;
	s8 =	sld [smem:$0x3FAE]  }
0x2e: {  	s3 =	simm.s32 @!p0 $0x1082;
	s9 =	sld [smem:$0x3FAF]  }
0x2f: {  	lr =	sadd.s32 s0, s3;
	s0 =	sld [smem:$0x3FA6]  }
0x30: {  	s3 =	sld [smem:$0x3FA9]  }
0x31: {  	[smem:$0x3FB2] =	sst s10  }
0x32: {  	s10 =	sld [smem:$0x3FB0];
	_ =	sdelay $0x3  }
0x33: {  	p0 =	seq.s32 s10, $0x1;
	s10 =	sld [smem:$0x3FB2];
	_ =	sdelay $0x3  }
0x34: {  	[smem:$0x3FB2] =	sst s10  }
0x35: {  	s10 =	sld [smem:$0x3FB1];
	_ =	sdelay $0x3  }
0x36: {  	p1 =	seq.s32 s10, $0x1;
	s10 =	sld [smem:$0x3FB2];
	_ =	sdelay $0x3  }
0x37: {  	[smem:$0x3FB2] =	sst s10  }
0x38: {  	s10 =	sld [smem:$0x3FB3]  }
0x39: {  	_ = 	snop;
	(pc) =	sbr.ind lr, $3  }
0x3a: {  	_ = 	snop  }
0x3b: {  	_ = 	snop  }
0x3c: {  	p2 =	seq.s32 s10, $0x1;
	s10 =	sld [smem:$0x3FB2]  }
0x3d: {  	_ =	shalt  }
0x3e: {  	_ =	shalt  }
0x3f: {  	_ =	shalt  }
0x40: {  	_ =	shalt  }
0x41: {  	_ =	shalt  }
0x42: {  	_ =	shalt  }
0x43: {  	_ =	shalt  }
0x44: {  	_ =	shalt  }
0x45: {  	_ =	shalt  }
0x46: {  	_ =	shalt  }
0x47: {  	_ =	shalt  }
0x48: {  	_ =	shalt  }
0x49: {  	_ =	shalt  }
0x4a: {  	_ =	shalt  }
0x4b: {  	_ =	shalt  }
0x4c: {  	_ =	shalt  }
0x4d: {  	_ =	shalt  }
0x4e: {  	_ =	shalt  }
0x4f: {  	_ =	shalt  }
0x50: {  	_ =	shalt  }
0x51: {  	_ =	shalt  }
0x52: {  	_ =	shalt  }
0x53: {  	_ =	shalt  }
0x54: {  	_ =	shalt  }
0x55: {  	_ =	shalt  }
0x56: {  	_ =	shalt  }
0x57: {  	_ =	shalt  }
0x58: {  	_ =	shalt  }
0x59: {  	_ =	shalt  }
0x5a: {  	_ =	shalt  }
0x5b: {  	_ =	shalt  }
0x5c: {  	_ =	shalt  }
0x5d: {  	_ =	shalt  }
0x5e: {  	_ =	shalt  }
0x5f: {  	_ =	shalt  }
0x60: {  	_ =	shalt  }
0x61: {  	_ =	shalt  }
0x62: {  	_ =	shalt  }
0x63: {  	_ =	shalt  }
0x64: {  	_ =	shalt  }
0x65: {  	_ =	shalt  }
0x66: {  	_ =	shalt  }
0x67: {  	_ =	shalt  }
0x68: {  	_ =	shalt  }
0x69: {  	_ =	shalt  }
0x6a: {  	_ =	shalt  }
0x6b: {  	_ =	shalt  }
0x6c: {  	_ =	shalt  }
0x6d: {  	_ =	shalt  }
0x6e: {  	_ =	shalt  }
0x6f: {  	_ =	shalt  }
0x70: {  	_ =	shalt  }
0x71: {  	_ =	shalt  }
0x72: {  	_ =	shalt  }
0x73: {  	_ =	shalt  }
0x74: {  	_ =	shalt  }
0x75: {  	_ =	shalt  }
0x76: {  	_ =	shalt  }
0x77: {  	_ =	shalt  }
0x78: {  	_ =	shalt  }
0x79: {  	_ =	shalt  }
0x7a: {  	_ =	shalt  }
0x7b: {  	_ =	shalt  }
0x7c: {  	_ =	shalt  }
0x7d: {  	_ =	shalt  }
0x7e: {  	_ =	shalt  }
0x7f: {  	_ =	shalt  }
0x80: {  	_ =	shalt  }
0x81: {  	_ =	shalt  }
0x82: {  	_ =	shalt  }
0x83: {  	_ =	shalt  }
0x84: {  	_ =	shalt  }
0x85: {  	_ =	shalt  }
0x86: {  	_ =	shalt  }
0x87: {  	_ =	shalt  }
.Lfunc_end0:
.L_simem_size_0:
called_computation.2_lowered:
.L_overlay_start_0:
0x88: {  	s2 =	sld [smem:$0x3FD9]  }
0x89: {  	s3 =	sld [smem:$0x3FFE];
	_ =	sdelay $0x1  }
0x8a: {  	s1 =	srdreg.scid  }
0x8b: {  	s0 =	sand.u32 $0x1, s1  }
0x8c: {  	s17 =	sshll.u32 s0, $0xA;
	s2 =	sadd.s32 s3, s2  }
0x8d: {  	s2 =	sadd.s32 s2, s17  }
0x8e: {  	[smem:$0x3FBE] =	sst s2  }
0x8f: {  	_ = 	snop  }
0x90: {  	s2 =	sld [smem:$0x3FD0];
	(tm) =	ssettm $0x1  }
0x91: {  	s18 =	sld [smem:$0x3FFB];
	_ =	sdelay $0x3  }
0x92: {  	_ =	strace s18  }
0x93: {  	s3 =	sld [smem:$0x3FFC];
	_ =	sdelay $0x3  }
0x94: {  	_ =	strace s3  }
0x95: {  	s3 =	sld [smem:$0x3FFD];
	_ =	sdelay $0x3  }
0x96: {  	_ =	strace s3  }
0x97: {  	_ =	strace $0x8FFFFFFF  }
0x98: {  	s19 =	sld [smem:$0x3FDB];
	_ =	sdelay $0x1  }
0x99: {  	s4 =	simm.s32 $_scs_section_size  }
0x9a: {  	s5 =	simm.s32 $_size__tile_overlayer_lowered;
	s6 =	simm.s32 $_tile_overlayer_lowered  }
0x9b: {  	s22 =	simm.s32 $0x1BFF;
	s21 =	sshll.u32 s6, $0x1;
	s3 =	sadd.s32 s4, s19  }
0x9c: {  	s7 =	simm.s32 $0x0;
	s20 =	sshll.u32 s5, $0x1;
	s5 =	sadd.s32 s21, s3  }
0x9d: {  	[timem:s7], [sflag:s22] =	dma.local [hbm:s5], s20  }
0x9e: {  	_ =	swait.ge [sflag:s22], s20  }
0x9f: {  	s4 =	ssub.s32 $0x0, s20;
	[sflag:s22] =	ssyncset.done $0x0  }
0xa0: {  	[sflag:s22] =	ssyncadd.s32 s4;
	_ =	sdelay $0x1  }
0xa1: {  	s23 =	simm.s32 $0x1B8B  }
0xa2: {  	_ =	swait.ge [sflag:s23], $0x1  }
0xa3: {  	[sflag:s23] =	ssyncset.done $0x0  }
0xa4: {  	s25 =	simm.s32 $0x1B8E;
	s24 =	sld [smem:$0x3FFE];
	[sflag:s23] =	ssyncadd.s32 $0xFFFFFFFF  }
0xa5: {  	s26 =	simm.s32 $execute0_lowered;
	[smem:$0x3FD2] =	sst s25  }
0xa6: {  	s5 =	sshll.u32 s26, $0x1;
	_ =	strace $0x8000004C;
	[dreg:$0x1] =	wrdreg $0xFFFFFFFF  }
0xa7: {  	s28 =	simm.s32 $_size_execute0_lowered;
	s3 =	sadd.s32 s3, s5;
	[dreg:$0x0] =	wrdreg $0x0  }
0xa8: {  	s5 =	sshll.u32 s28, $0x1;
	[dreg:$0x2] =	wrdreg s3  }
0xa9: {  	[dreg:$0x3] =	wrdreg s5  }
0xaa: {  	[dreg:$0x4] =	wrdreg $0xC0  }
0xab: {  	_ =	task [dreg:s7], $0x5FFFF  }
0xac: {  	[dreg:$0x1] =	wrdreg $0xFFFFFFFF  }
0xad: {  	[dreg:$0x0] =	wrdreg $0x60  }
0xae: {  	[dreg:$0x2] =	wrdreg s24  }
0xaf: {  	[dreg:$0x3] =	wrdreg s2  }
0xb0: {  	[dreg:$0x4] =	wrdreg $0x60000  }
0xb1: {  	[dreg:$0x5] =	wrdreg $0x9  }
0xb2: {  	_ =	task.clear_ibuf [dreg:s7], $0x6FFFF;
	_ =	strace $0x9000004C  }
0xb3: {  	s29 =	simm.s32 $0x9;
	_ =	strace $0x8000004E  }
0xb4: {  	_ =	swait.ge [sflag:s29], $0x1  }
0xb5: {  	[sflag:s29] =	ssyncadd.s32 $0xFFFFFFFF  }
0xb6: {  	_ =	strace $0x9000004E  }
0xb7: {  	_ =	sfence  }
0xb8: {  	s30 =	sld [smem:$0x0];
	_ =	sdelay $0x2  }
0xb9: {  	s31 =	sshll.u32 s1, $0xD;
	s1 =	sshrl.u32 s1, $0x2  }
0xba: {  	s3 =	sand.u32 $0x4000, s31;
	s1 =	sadd.s32 s1, s30  }
0xbb: {  	s0 =	sor.u32 s3, s0;
	s1 =	sshll.u32 s1, $0x11  }
0xbc: {  	s0 =	sor.u32 s1, s0  }
0xbd: {  	s0 =	sadd.s32 $0x8F2B, s0  }
0xbe: {  	[sflag:s0] =	ssyncadd.remote.s32 $0x1  }
0xbf: {  	_ =	sfence.sel $0xFFFF  }
0xc0: {  	[dreg:$0x0] =	wrdreg $0xFFFFFFFF;
	(pc) =	sbr.abs _section_cstart, $3  }
0xc1: {  	[dreg:$0x1] =	wrdreg $0xFFFFFFFF  }
0xc2: {  	_ =	task.clear_ibuf [dreg:s7], $0x2FFFF;
	_ =	strace $0x9FFFFFFF  }
0xc3: {  	(tm) =	ssettm $0x7FFFFFFF  }
tec
execute0_lowered:
.L_overlay_start_1:
0x0: {  	(tag) =	ssettag $0x1  }
0x1: {  	s1 =	rddreg [dreg:$0x0];
	s0 =	srdreg.scid  }
0x2: {  	s18 =	stileid.u32;
	s2 =	simm.s32 $0x0;
	s30 =	simm.s32 $0x8  }
0x3: {  	s3 =	sand.u32 $0x1, s0;
	s4 =	smul.u32 $0x13C00, s18;
	[smem:$0x7FF] =	sst s2  }
0x4: {  	s6 =	sadd.s32 $0xC8800, s1;
	s16 =	sshll.u32 s18, $0xF;
	s25 =	sshll.u32 s18, $0xD  }
0x5: {  	s0 =	ssub.s32 $0x2, s3;
	s13 =	smul.u32 $0x13C000, s3;
	p0 =	seq.s32 s3, $0x0  }
0x6: {  	s3 =	sor.u32 $0x80000, s25;
	s5 =	sshrl.u32 s0, $0x1;
	s7 =	sadd.s32 $0x4000, s4  }
0x7: {  	s8 =	sadd.s32 $0x6000, s4;
	s9 =	sadd.s32 $0x8000, s4;
	s10 =	sadd.s32 $0xA000, s4  }
0x8: {  	s11 =	sadd.s32 $0xC000, s4;
	s12 =	sadd.s32 $0xE000, s4;
	s14 =	sadd.s32 $0x10000, s4  }
0x9: {  	s15 =	sadd.s32 $0x12000, s4;
	s3 =	smov.u32 @p0 s16;
	s30 =	simm.s32 @!p0 $0x2  }
0xa: {  	s0 =	ssub.s32 s0, s5;
	s5 =	sadd.s32 $0x2000, s4;
	s4 =	sadd.s32 s4, s13  }
0xb: {  	s19 =	sadd.s32 s13, s8;
	s20 =	sadd.s32 s13, s9;
	s24 =	sadd.s32 s13, s10  }
0xc: {  	s25 =	sadd.s32 s13, s11;
	s17 =	sadd.s32 s13, s5;
	s4 =	sshrl.u32 s4, $0x3  }
0xd: {  	s21 =	sshrl.u32 s19, $0x3;
	s22 =	sshrl.u32 s20, $0x3;
	s19 =	sshrl.u32 s25, $0x3  }
0xe: {  	s0 =	smax.u32 s0, $0x1;
	s26 =	sshrl.u32 s17, $0x3;
	s4 =	sadd.s32 s6, s4  }
0xf: {  	s17 =	sadd.s32 s13, s7;
	s23 =	sadd.s32 s6, s22;
	[dreg:$0x4] =	wrdreg s4  }
0x10: {  	s22 =	sadd.s32 s13, s14;
	s16 =	sadd.s32 s6, s26;
	[dreg:$0x8] =	wrdreg s23  }
0x11: {  	s26 =	sadd.s32 s13, s12;
	s23 =	sadd.s32 s13, s15;
	s13 =	rddreg [dreg:$0x2]  }
0x12: {  	s4 =	sshrl.u32 s17, $0x3;
	s17 =	sadd.s32 $0x16400, s1;
	[dreg:$0x5] =	wrdreg s16  }
0x13: {  	s4 =	sadd.s32 s6, s4;
	s20 =	sshrl.u32 s26, $0x3;
	s16 =	sshrl.u32 s23, $0x3  }
0x14: {  	s31 =	sadd.s32 s7, s13;
	s29 =	sadd.s32 s10, s13;
	s23 =	sadd.s32 s12, s13  }
0x15: {  	s28 =	sadd.s32 s15, s13;
	s7 =	simm.s32 $0x2;
	s10 =	simm.s32 $0xF80  }
0x16: {  	s12 =	simm.s32 $0x1F00;
	[dreg:$0x6] =	wrdreg s4;
	s4 =	sadd.s32 s6, s21  }
0x17: {  	s21 =	sadd.s32 s6, s20;
	[dreg:$0x7] =	wrdreg s4;
	s4 =	sshrl.u32 s24, $0x3  }
0x18: {  	s15 =	simm.s32 $0x0;
	[dreg:$0xb] =	wrdreg s21;
	s4 =	sadd.s32 s6, s4  }
0x19: {  	s25 =	sadd.s32 s6, s16;
	[dreg:$0x9] =	wrdreg s4;
	s4 =	sadd.s32 s6, s19  }
0x1a: {  	s16 =	sadd.s32 $0x2A400, s1;
	[dreg:$0xa] =	wrdreg s4;
	s4 =	sshrl.u32 s22, $0x3  }
0x1b: {  	s24 =	smul.u32 $0x4F000, s18;
	[dreg:$0xd] =	wrdreg s25;
	s4 =	sadd.s32 s6, s4  }
0x1c: {  	s18 =	sadd.s32 $0x2400, s1;
	s21 =	sadd.s32 s5, s13;
	[dreg:$0xc] =	wrdreg s4  }
0x1d: {  	s25 =	sadd.s32 s8, s13;
	_ =	strace $0x8000004D;
	[dreg:$0x15] =	wrdreg s0  }
0x1e: {  	s26 =	sshrl.u32 s24, $0x2;
	s22 =	sadd.s32 s11, s13;
	[dreg:$0xe] =	wrdreg s29  }
0x1f: {  	s20 =	sadd.s32 s26, s13;
	s26 =	sadd.s32 s9, s13;
	[dreg:$0xf] =	wrdreg s22  }
0x20: {  	s1 =	simm.s32 $0x1000;
	s5 =	simm.s32 $0x1;
	[dreg:$0x10] =	wrdreg s26  }
0x21: {  	s8 =	simm.s32 $0x3;
	s24 =	sadd.s32 s14, s13;
	[dreg:$0x11] =	wrdreg s23  }
0x22: {  	s14 =	simm.s32 $0x1F80;
	s11 =	simm.s32 $0x2000;
	[dreg:$0x12] =	wrdreg s24  }
0x23: {  	s9 =	simm.s32 $0x4;
	s6 =	simm.s32 $0x4000;
	[dreg:$0x13] =	wrdreg s28  }
0x24: {  	s4 =	simm.s32 $0x40;
	s0 =	simm.s32 $0x5;
	[dreg:$0x14] =	wrdreg s25  }
.LBB2_1:
0x25: {  	s19 =	rddreg [dreg:$0x1]  }
0x26: {  	[tilespmem:s11], [sflag:$0x5] =	stream.linear.gather [hbm4b:s19+s2], $0x2000, $0x38;
	[tilespmem:$0x19C00] =	vst v63  }
0x27: {  	_ =	swait.ge [sflag:s0], $0x2000  }
0x28: {  	[sflag:s0] =	ssyncset.done $0x0  }
0x29: {  	[sflag:s0] =	ssyncadd.s32 $0xFFFFE000  }
0x2a: {  	[spmem:s20] =	stream.linear.scatter [tilespmem:s11], [sflag:$0x5], $0x2000, $0x38;
	[tilespmem:$0x19C00] =	vst v63  }
0x2b: {  	_ =	swait.ge [sflag:s0], $0x2000  }
0x2c: {  	[sflag:s0] =	ssyncset.done $0x0  }
0x2d: {  	[sflag:s0] =	ssyncadd.s32 $0xFFFFE000  }
0x2e: {  	[spmem:s21] =	stream.linear.scatter [tilespmem:s11], [sflag:$0x5], $0x2000, $0x38;
	[tilespmem:$0x19C00] =	vst v63  }
0x2f: {  	_ =	swait.ge [sflag:s0], $0x2000  }
0x30: {  	[sflag:s0] =	ssyncset.done $0x0  }
0x31: {  	[sflag:s0] =	ssyncadd.s32 $0xFFFFE000  }
0x32: {  	[spmem:s31] =	stream.linear.scatter [tilespmem:s11], [sflag:$0x5], $0x2000, $0x38;
	[tilespmem:$0x19C00] =	vst v63  }
0x33: {  	_ =	swait.ge [sflag:s0], $0x2000  }
0x34: {  	[sflag:s0] =	ssyncset.done $0x0  }
0x35: {  	s19 =	smov.u32 s25;
	[sflag:s0] =	ssyncadd.s32 $0xFFFFE000  }
0x36: {  	[spmem:s19] =	stream.linear.scatter [tilespmem:s11], [sflag:$0x5], $0x2000, $0x38;
	[tilespmem:$0x19C00] =	vst v63  }
0x37: {  	_ =	swait.ge [sflag:s0], $0x2000  }
0x38: {  	[sflag:s0] =	ssyncset.done $0x0  }
0x39: {  	[sflag:s0] =	ssyncadd.s32 $0xFFFFE000  }
0x3a: {  	[spmem:s26] =	stream.linear.scatter [tilespmem:s11], [sflag:$0x5], $0x2000, $0x38;
	[tilespmem:$0x19C00] =	vst v63  }
0x3b: {  	_ =	swait.ge [sflag:s0], $0x2000  }
0x3c: {  	[sflag:s0] =	ssyncset.done $0x0  }
0x3d: {  	[sflag:s0] =	ssyncadd.s32 $0xFFFFE000  }
0x3e: {  	[spmem:s29] =	stream.linear.scatter [tilespmem:s11], [sflag:$0x5], $0x2000, $0x38;
	[tilespmem:$0x19C00] =	vst v63  }
0x3f: {  	_ =	swait.ge [sflag:s0], $0x2000  }
0x40: {  	[sflag:s0] =	ssyncset.done $0x0  }
0x41: {  	[sflag:s0] =	ssyncadd.s32 $0xFFFFE000  }
0x42: {  	[spmem:s22] =	stream.linear.scatter [tilespmem:s11], [sflag:$0x5], $0x2000, $0x38;
	[tilespmem:$0x19C00] =	vst v63  }
0x43: {  	_ =	swait.ge [sflag:s0], $0x2000  }
0x44: {  	[sflag:s0] =	ssyncset.done $0x0  }
0x45: {  	s25 =	smov.u32 s20;
	s20 =	smov.u32 s23;
	[sflag:s0] =	ssyncadd.s32 $0xFFFFE000  }
0x46: {  	[spmem:s20] =	stream.linear.scatter [tilespmem:s11], [sflag:$0x5], $0x2000, $0x38;
	[tilespmem:$0x19C00] =	vst v63  }
0x47: {  	_ =	swait.ge [sflag:s0], $0x2000  }
0x48: {  	[sflag:s0] =	ssyncset.done $0x0  }
0x49: {  	s23 =	smov.u32 s21;
	s21 =	smov.u32 s24;
	[sflag:s0] =	ssyncadd.s32 $0xFFFFE000  }
0x4a: {  	[spmem:s21] =	stream.linear.scatter [tilespmem:s11], [sflag:$0x5], $0x2000, $0x38;
	[tilespmem:$0x19C00] =	vst v63  }
0x4b: {  	_ =	swait.ge [sflag:s0], $0x2000  }
0x4c: {  	[sflag:s0] =	ssyncset.done $0x0  }
0x4d: {  	[sflag:s0] =	ssyncadd.s32 $0xFFFFE000  }
0x4e: {  	[spmem:s28] =	stream.linear.scatter [tilespmem:s11], [sflag:$0x5], $0x1C00, $0x38;
	[tilespmem:$0x19C00] =	vst v63  }
0x4f: {  	_ =	swait.ge [sflag:s0], $0x1C00  }
0x50: {  	[sflag:s0] =	ssyncset.done $0x0  }
0x51: {  	[sflag:s0] =	ssyncadd.s32 $0xFFFFE400  }
0x52: {  	s24 =	smov.u32 s31;
	s31 =	simm.s32 $0x0;
	[bflag:$0x0] =	sbarrier.arrive $0xFFFF  }
.LBB2_2:
0x53: {  	s19 =	sshll.u32 s31, $0xC  }
0x54: {  	s19 =	sadd.s32 s3, s19  }
0x55: {  	s19 =	sshrl.u32 s19, $0x3  }
0x56: {  	s21 =	simm.s32 $0x0;
	s20 =	sadd.s32 s17, s19  }
0x57: {  	[tilespmem:s21], [sflag:$0x5] =	stream.linear.gather [hbm4b:s20+s21], $0x1000, $0x38;
	[tilespmem:$0x19C00] =	vst v63  }
0x58: {  	_ =	swait.ge [sflag:s0], $0x1000  }
0x59: {  	[sflag:s0] =	ssyncset.done $0x0  }
0x5a: {  	s19 =	sadd.s32 s18, s19;
	[sflag:s0] =	ssyncadd.s32 $0xFFFFF000  }
0x5b: {  	[tilespmem:s1], [sflag:$0x5] =	stream.linear.gather [hbm4b:s19+s21], $0x1000, $0x38;
	[tilespmem:$0x19C00] =	vst v63  }
0x5c: {  	_ =	swait.ge [sflag:s0], $0x1000  }
0x5d: {  	[sflag:s0] =	ssyncset.done $0x0  }
0x5e: {  	[sflag:s0] =	ssyncadd.s32 $0xFFFFF000  }
0x5f: {  	[tilespmem:s11], [sflag:$0x1] =	stream.indirect.gather [hbm4b:s16+s4], $0x80, s21, s4, $0xb8;
	[tilespmem:$0x19C00] =	vst v63  }
0x60: {  	_ =	swait.ge [sflag:s5], $0x2000  }
0x61: {  	[sflag:s5] =	ssyncset.done $0x0  }
0x62: {  	s22 =	simm.s32 $0x80;
	[sflag:s5] =	ssyncadd.s32 $0xFFFFE000  }
0x63: {  	[tilespmem:s6], [sflag:$0x2] =	stream.indirect.gather [hbm4b:s16+s4], $0x80, s22, s4, $0xb8;
	[tilespmem:$0x19C00] =	vst v63  }
0x64: {  	s26 =	simm.s32 $0x1000  }
0x65: {  	[spmem:s13] =	stream.indirect.scatter.add.f32 [tilespmem:s11], [sflag:$0x3], $0x80, s26, s4, $0xb8;
	[tilespmem:$0x19C00] =	vst v63  }
0x66: {  	_ =	swait.ge [sflag:s7], $0x2000  }
0x67: {  	[sflag:s7] =	ssyncset.done $0x0  }
0x68: {  	[sflag:s7] =	ssyncadd.s32 $0xFFFFE000  }
0x69: {  	_ =	swait.ge [sflag:s8], $0x2000  }
0x6a: {  	[sflag:s8] =	ssyncset.done $0x0  }
0x6b: {  	s28 =	simm.s32 $0x100;
	[sflag:s8] =	ssyncadd.s32 $0xFFFFE000  }
0x6c: {  	[tilespmem:s11], [sflag:$0x1] =	stream.indirect.gather [hbm4b:s16+s4], $0x80, s28, s4, $0xb8;
	[tilespmem:$0x19C00] =	vst v63  }
0x6d: {  	s29 =	simm.s32 $0x1080  }
0x6e: {  	[spmem:s13] =	stream.indirect.scatter.add.f32 [tilespmem:s6], [sflag:$0x4], $0x80, s29, s4, $0xb8;
	[tilespmem:$0x19C00] =	vst v63  }
0x6f: {  	_ =	swait.ge [sflag:s9], $0x2000  }
0x70: {  	s19 =	simm.s32 $0x400;
	[sflag:s9] =	ssyncset.done $0x0  }
.LBB2_3:
0x71: {  	p0 =	sne.s32 s19, $0x3800  }
0x72: {  	[sflag:s9] =	ssyncadd.s32 $0xFFFFE000;
	s20 =	smov.u32 s19;
	s19 =	sadd.s32 $0x400, s19  }
0x73: {  	_ = 	snop  }
0x74: {  	_ =	swait.ge [sflag:s5], $0x2000  }
0x75: {  	s20 =	sshra.s32 s20, $0x2;
	[sflag:s5] =	ssyncset.done $0x0  }
0x76: {  	s21 =	sadd.s32 $0x80, s20;
	[sflag:s5] =	ssyncadd.s32 $0xFFFFE000  }
0x77: {  	[tilespmem:s6], [sflag:$0x2] =	stream.indirect.gather [hbm4b:s16+s4], $0x80, s21, s4, $0xb8;
	[tilespmem:$0x19C00] =	vst v63  }
0x78: {  	s21 =	sadd.s32 $0x1000, s20  }
0x79: {  	[spmem:s13] =	stream.indirect.scatter.add.f32 [tilespmem:s11], [sflag:$0x3], $0x80, s21, s4, $0xb8;
	[tilespmem:$0x19C00] =	vst v63  }
0x7a: {  	_ =	swait.ge [sflag:s7], $0x2000  }
0x7b: {  	[sflag:s7] =	ssyncset.done $0x0  }
0x7c: {  	[sflag:s7] =	ssyncadd.s32 $0xFFFFE000  }
0x7d: {  	_ =	swait.ge [sflag:s8], $0x2000  }
0x7e: {  	[sflag:s8] =	ssyncset.done $0x0  }
0x7f: {  	s21 =	sadd.s32 $0x100, s20;
	[sflag:s8] =	ssyncadd.s32 $0xFFFFE000  }
0x80: {  	[tilespmem:s11], [sflag:$0x1] =	stream.indirect.gather [hbm4b:s16+s4], $0x80, s21, s4, $0xb8;
	[tilespmem:$0x19C00] =	vst v63  }
.Ltmp0:
0x81: {  	_ = 	snop;
	(pc) =	sbr.rel @p0 .LBB2_3-.Ltmp0, $4  }
0x82: {  	s20 =	sadd.s32 $0x1080, s20  }
0x83: {  	[spmem:s13] =	stream.indirect.scatter.add.f32 [tilespmem:s6], [sflag:$0x4], $0x80, s20, s4, $0xb8;
	[tilespmem:$0x19C00] =	vst v63  }
0x84: {  	_ =	swait.ge [sflag:s9], $0x2000  }
0x85: {  	[sflag:s9] =	ssyncset.done $0x0  }
0x86: {  	[sflag:s9] =	ssyncadd.s32 $0xFFFFE000  }
0x87: {  	_ =	swait.ge [sflag:s5], $0x2000  }
0x88: {  	[sflag:s5] =	ssyncset.done $0x0  }
0x89: {  	[sflag:s5] =	ssyncadd.s32 $0xFFFFE000  }
0x8a: {  	[tilespmem:s6], [sflag:$0x2] =	stream.indirect.gather [hbm4b:s16+s4], $0x80, s10, s4, $0xb8;
	[tilespmem:$0x19C00] =	vst v63  }
0x8b: {  	_ = 	snop  }
0x8c: {  	[spmem:s13] =	stream.indirect.scatter.add.f32 [tilespmem:s11], [sflag:$0x3], $0x80, s12, s4, $0xb8;
	[tilespmem:$0x19C00] =	vst v63  }
0x8d: {  	_ =	swait.ge [sflag:s7], $0x2000  }
0x8e: {  	[sflag:s7] =	ssyncset.done $0x0  }
0x8f: {  	[sflag:s7] =	ssyncadd.s32 $0xFFFFE000  }
0x90: {  	_ =	swait.ge [sflag:s8], $0x2000  }
0x91: {  	[sflag:s8] =	ssyncset.done $0x0  }
0x92: {  	[sflag:s8] =	ssyncadd.s32 $0xFFFFE000  }
0x93: {  	[tilespmem:s11], [sflag:$0x1] =	stream.indirect.gather [hbm4b:s16+s4], $0x80, s10, s4, $0xb8;
	[tilespmem:$0x19C00] =	vst v63  }
0x94: {  	s31 =	sadd.s32 $0x1, s31  }
0x95: {  	[spmem:s13] =	stream.indirect.scatter.add.f32 [tilespmem:s6], [sflag:$0x4], $0x80, s14, s4, $0xb8;
	[tilespmem:$0x19C00] =	vst v63  }
0x96: {  	p0 =	sne.s32 s31, s30;
	_ =	swait.ge [sflag:s9], $0x2000  }
.Ltmp1:
0x97: {  	[sflag:s9] =	ssyncset.done $0x0;
	(pc) =	sbr.rel @p0 .LBB2_2-.Ltmp1, $4  }
0x98: {  	[sflag:s9] =	ssyncadd.s32 $0xFFFFE000  }
0x99: {  	_ =	swait.ge [sflag:s5], $0x2000  }
0x9a: {  	[sflag:s5] =	ssyncset.done $0x0  }
0x9b: {  	[sflag:s5] =	ssyncadd.s32 $0xFFFFE000  }
0x9c: {  	[bflag:$0x0] =	sbarrier.arrive $0xFFFF  }
0x9d: {  	[tilespmem:s11], [sflag:$0x5] =	stream.linear.gather [spmem:s25], $0x2000, $0x38;
	[tilespmem:$0x19C00] =	vst v63  }
0x9e: {  	_ =	swait.ge [sflag:s0], $0x2000  }
0x9f: {  	[sflag:s0] =	ssyncset.done $0x0  }
0xa0: {  	s19 =	rddreg [dreg:$0x4];
	[sflag:s0] =	ssyncadd.s32 $0xFFFFE000  }
0xa1: {  	[hbm4b:s19+s2] =	stream.linear.scatter [tilespmem:s11], [sflag:$0x5], $0x2000, $0x38;
	[tilespmem:$0x19C00] =	vst v63  }
0xa2: {  	_ =	swait.ge [sflag:s0], $0x2000  }
0xa3: {  	[sflag:s0] =	ssyncset.done $0x0  }
0xa4: {  	[sflag:s0] =	ssyncadd.s32 $0xFFFFE000  }
0xa5: {  	[tilespmem:s11], [sflag:$0x5] =	stream.linear.gather [spmem:s23], $0x2000, $0x38;
	[tilespmem:$0x19C00] =	vst v63  }
0xa6: {  	_ =	swait.ge [sflag:s0], $0x2000  }
0xa7: {  	[sflag:s0] =	ssyncset.done $0x0  }
0xa8: {  	s26 =	rddreg [dreg:$0x5];
	[sflag:s0] =	ssyncadd.s32 $0xFFFFE000  }
0xa9: {  	[hbm4b:s26+s2] =	stream.linear.scatter [tilespmem:s11], [sflag:$0x5], $0x2000, $0x38;
	[tilespmem:$0x19C00] =	vst v63  }
0xaa: {  	_ =	swait.ge [sflag:s0], $0x2000  }
0xab: {  	[sflag:s0] =	ssyncset.done $0x0  }
0xac: {  	[sflag:s0] =	ssyncadd.s32 $0xFFFFE000  }
0xad: {  	[tilespmem:s11], [sflag:$0x5] =	stream.linear.gather [spmem:s24], $0x2000, $0x38;
	[tilespmem:$0x19C00] =	vst v63  }
0xae: {  	_ =	swait.ge [sflag:s0], $0x2000  }
0xaf: {  	[sflag:s0] =	ssyncset.done $0x0  }
0xb0: {  	s22 =	rddreg [dreg:$0x6];
	[sflag:s0] =	ssyncadd.s32 $0xFFFFE000  }
0xb1: {  	[hbm4b:s22+s2] =	stream.linear.scatter [tilespmem:s11], [sflag:$0x5], $0x2000, $0x38;
	[tilespmem:$0x19C00] =	vst v63  }
0xb2: {  	_ =	swait.ge [sflag:s0], $0x2000  }
0xb3: {  	[sflag:s0] =	ssyncset.done $0x0  }
0xb4: {  	s20 =	smov.u32 s25;
	s25 =	rddreg [dreg:$0x14];
	[sflag:s0] =	ssyncadd.s32 $0xFFFFE000  }
0xb5: {  	[tilespmem:s11], [sflag:$0x5] =	stream.linear.gather [spmem:s25], $0x2000, $0x38;
	[tilespmem:$0x19C00] =	vst v63  }
0xb6: {  	_ =	swait.ge [sflag:s0], $0x2000  }
0xb7: {  	[sflag:s0] =	ssyncset.done $0x0  }
0xb8: {  	s21 =	smov.u32 s23;
	s23 =	rddreg [dreg:$0x7];
	[sflag:s0] =	ssyncadd.s32 $0xFFFFE000  }
0xb9: {  	[hbm4b:s23+s2] =	stream.linear.scatter [tilespmem:s11], [sflag:$0x5], $0x2000, $0x38;
	[tilespmem:$0x19C00] =	vst v63  }
0xba: {  	_ =	swait.ge [sflag:s0], $0x2000  }
0xbb: {  	[sflag:s0] =	ssyncset.done $0x0  }
0xbc: {  	s26 =	rddreg [dreg:$0x10];
	[sflag:s0] =	ssyncadd.s32 $0xFFFFE000  }
0xbd: {  	[tilespmem:s11], [sflag:$0x5] =	stream.linear.gather [spmem:s26], $0x2000, $0x38;
	[tilespmem:$0x19C00] =	vst v63  }
0xbe: {  	_ =	swait.ge [sflag:s0], $0x2000  }
0xbf: {  	[sflag:s0] =	ssyncset.done $0x0  }
0xc0: {  	s31 =	smov.u32 s24;
	s24 =	rddreg [dreg:$0x8];
	[sflag:s0] =	ssyncadd.s32 $0xFFFFE000  }
0xc1: {  	[hbm4b:s24+s2] =	stream.linear.scatter [tilespmem:s11], [sflag:$0x5], $0x2000, $0x38;
	[tilespmem:$0x19C00] =	vst v63  }
0xc2: {  	_ =	swait.ge [sflag:s0], $0x2000  }
0xc3: {  	[sflag:s0] =	ssyncset.done $0x0  }
0xc4: {  	s29 =	rddreg [dreg:$0xe];
	[sflag:s0] =	ssyncadd.s32 $0xFFFFE000  }
0xc5: {  	[tilespmem:s11], [sflag:$0x5] =	stream.linear.gather [spmem:s29], $0x2000, $0x38;
	[tilespmem:$0x19C00] =	vst v63  }
0xc6: {  	_ =	swait.ge [sflag:s0], $0x2000  }
0xc7: {  	[sflag:s0] =	ssyncset.done $0x0  }
0xc8: {  	s22 =	rddreg [dreg:$0x9];
	[sflag:s0] =	ssyncadd.s32 $0xFFFFE000  }
0xc9: {  	[hbm4b:s22+s2] =	stream.linear.scatter [tilespmem:s11], [sflag:$0x5], $0x2000, $0x38;
	[tilespmem:$0x19C00] =	vst v63  }
0xca: {  	_ =	swait.ge [sflag:s0], $0x2000  }
0xcb: {  	[sflag:s0] =	ssyncset.done $0x0  }
0xcc: {  	s22 =	rddreg [dreg:$0xf];
	[sflag:s0] =	ssyncadd.s32 $0xFFFFE000  }
0xcd: {  	[tilespmem:s11], [sflag:$0x5] =	stream.linear.gather [spmem:s22], $0x2000, $0x38;
	[tilespmem:$0x19C00] =	vst v63  }
0xce: {  	_ =	swait.ge [sflag:s0], $0x2000  }
0xcf: {  	[sflag:s0] =	ssyncset.done $0x0  }
0xd0: {  	s23 =	rddreg [dreg:$0xa];
	[sflag:s0] =	ssyncadd.s32 $0xFFFFE000  }
0xd1: {  	[hbm4b:s23+s2] =	stream.linear.scatter [tilespmem:s11], [sflag:$0x5], $0x2000, $0x38;
	[tilespmem:$0x19C00] =	vst v63  }
0xd2: {  	_ =	swait.ge [sflag:s0], $0x2000  }
0xd3: {  	[sflag:s0] =	ssyncset.done $0x0  }
0xd4: {  	s23 =	rddreg [dreg:$0x11];
	[sflag:s0] =	ssyncadd.s32 $0xFFFFE000  }
0xd5: {  	[tilespmem:s11], [sflag:$0x5] =	stream.linear.gather [spmem:s23], $0x2000, $0x38;
	[tilespmem:$0x19C00] =	vst v63  }
0xd6: {  	_ =	swait.ge [sflag:s0], $0x2000  }
0xd7: {  	[sflag:s0] =	ssyncset.done $0x0  }
0xd8: {  	s24 =	rddreg [dreg:$0xb];
	[sflag:s0] =	ssyncadd.s32 $0xFFFFE000  }
0xd9: {  	[hbm4b:s24+s2] =	stream.linear.scatter [tilespmem:s11], [sflag:$0x5], $0x2000, $0x38;
	[tilespmem:$0x19C00] =	vst v63  }
0xda: {  	_ =	swait.ge [sflag:s0], $0x2000  }
0xdb: {  	[sflag:s0] =	ssyncset.done $0x0  }
0xdc: {  	s24 =	rddreg [dreg:$0x12];
	[sflag:s0] =	ssyncadd.s32 $0xFFFFE000  }
0xdd: {  	[tilespmem:s11], [sflag:$0x5] =	stream.linear.gather [spmem:s24], $0x2000, $0x38;
	[tilespmem:$0x19C00] =	vst v63  }
0xde: {  	_ =	swait.ge [sflag:s0], $0x2000  }
0xdf: {  	[sflag:s0] =	ssyncset.done $0x0  }
0xe0: {  	s19 =	rddreg [dreg:$0xc];
	[sflag:s0] =	ssyncadd.s32 $0xFFFFE000  }
0xe1: {  	[hbm4b:s19+s2] =	stream.linear.scatter [tilespmem:s11], [sflag:$0x5], $0x2000, $0x38;
	[tilespmem:$0x19C00] =	vst v63  }
0xe2: {  	_ =	swait.ge [sflag:s0], $0x2000  }
0xe3: {  	[sflag:s0] =	ssyncset.done $0x0  }
0xe4: {  	s28 =	rddreg [dreg:$0x13];
	[sflag:s0] =	ssyncadd.s32 $0xFFFFE000  }
0xe5: {  	[tilespmem:s11], [sflag:$0x5] =	stream.linear.gather [spmem:s28], $0x1C00, $0x38;
	[tilespmem:$0x19C00] =	vst v63  }
0xe6: {  	_ =	swait.ge [sflag:s0], $0x1C00  }
0xe7: {  	[sflag:s0] =	ssyncset.done $0x0  }
0xe8: {  	s19 =	rddreg [dreg:$0xd];
	[sflag:s0] =	ssyncadd.s32 $0xFFFFE400  }
0xe9: {  	[hbm4b:s19+s2] =	stream.linear.scatter [tilespmem:s11], [sflag:$0x5], $0x1C00, $0x38;
	[tilespmem:$0x19C00] =	vst v63  }
0xea: {  	_ =	swait.ge [sflag:s0], $0x1C00  }
0xeb: {  	s15 =	sadd.s32 $0x1, s15;
	s19 =	rddreg [dreg:$0x15]  }
0xec: {  	p0 =	sne.s32 s15, s19  }
.Ltmp2:
0xed: {  	_ = 	snop;
	(pc) =	sbr.rel @p0 .LBB2_1-.Ltmp2, $3  }
0xee: {  	_ =	sdelay $0x1  }
0xef: {  	[sflag:s0] =	ssyncset.done $0x0  }
0xf0: {  	[sflag:s0] =	ssyncadd.s32 $0xFFFFE400  }
0xf1: {  	_ =	sfence.sel $0x180000  }
0xf2: {  	[bflag:$0x0] =	sbarrier.arrive $0xFFFF  }
0xf3: {  	_ =	strace $0x9000004D  }
0xf4: {  	s0 =	stileid.u32;
	[bflag:$0x2] =	sbarrier.arrive $0xFFFF  }
0xf5: {  	p0 =	sne.s32 s0, $0x0;
	s0 =	rddreg [dreg:$0x3]  }
0xf6: {  	s0 =	sadd.s32 @!p0 $0x100000, s0  }
0xf7: {  	[sflag:s0] =	ssyncadd.tile.s32 @!p0 $0x1;
	_ =	shalt  }
.Lfunc_end2:
_tile_overlayer_lowered:
.L_overlay_start_2:
0xf8: {  	(tag) =	ssettag $0x2  }
0xf9: {  	s0 =	rddreg [dreg:$0x0];
	s2 =	stileid.u32  }
0xfa: {  	s1 =	rddreg [dreg:$0x1];
	p0 =	sne.s32 s2, $0x0  }
0xfb: {  	s3 =	rddreg [dreg:$0x2];
	[bflag:$0x3] =	sbarrier.arrive $0xFFFF;
	s2 =	simm.s32 @!p0 $0x1C05  }
0xfc: {  	[timem:s3], [sflag:s2] =	dma.local @!p0 [hbm:s0], s1  }
0xfd: {  	s0 =	simm.s32 @!p0 $0x5  }
0xfe: {  	_ =	swait.ge @!p0 [sflag:s0], s1  }
0xff: {  	s1 =	ssub.s32 @!p0 $0x0, s1;
	[sflag:s0] =	ssyncset.done @!p0 $0x0  }
0x100: {  	[sflag:s0] =	ssyncadd.s32 @!p0 s1  }
0x101: {  	[bflag:$0x3] =	sbarrier.arrive $0xFFFF  }
0x102: {  	_ =	shalt  }

// kernel: kernel.7.cloned.1.call-start
scs
__scs_entry_jumppad:
0x0: {  	(pc) =	sbr.rel $0x88, $3  }
0x1: {  	(tag) =	ssettag $0x0;
	lr =	simm.s32 $0x1  }
0x2: {  	[smem:$0x3F97] =	sst lr;
	_ =	strace $0xD0000000  }
0x3: {  	_ = 	snop  }
0x4: {  	_ = 	snop  }
0x5: {  	_ = 	snop  }
0x6: {  	_ = 	snop  }
0x7: {  	_ = 	snop  }
__scs_overlays_trampoline_lowered:
0x8: {  	[smem:$0x3FA6] =	sst s0  }
0x9: {  	[smem:$0x3FA7] =	sst s1  }
0xa: {  	[smem:$0x3FA8] =	sst s2  }
0xb: {  	[smem:$0x3FA9] =	sst s3  }
0xc: {  	[smem:$0x3FAA] =	sst s4  }
0xd: {  	[smem:$0x3FAB] =	sst s5  }
0xe: {  	[smem:$0x3FAC] =	sst s6  }
0xf: {  	[smem:$0x3FAD] =	sst s7  }
0x10: {  	[smem:$0x3FAE] =	sst s8  }
0x11: {  	[smem:$0x3FAF] =	sst s9;
	s0 =	simm.s32 @!p0 $0x0  }
0x12: {  	s1 =	sld [smem:$0x3F95];
	s0 =	simm.s32 @p0 $0x1  }
0x13: {  	[smem:$0x3FB0] =	sst s0;
	s0 =	simm.s32 @!p1 $0x0  }
0x14: {  	s2 =	sld [smem:$0x3F94];
	s0 =	simm.s32 @p1 $0x1  }
0x15: {  	[smem:$0x3FB1] =	sst s0;
	s0 =	simm.s32 @!p2 $0x0  }
0x16: {  	s3 =	sld [smem:$0x3FDB];
	s0 =	simm.s32 @p2 $0x1  }
0x17: {  	s4 =	simm.s32 $0x1BF5;
	[smem:$0x3FB3] =	sst s0  }
0x18: {  	s0 =	sld [smem:$0x3F96];
	_ =	swait.ge [sflag:s4], $0x0  }
0x19: {  	s7 =	sld [smem:$0x3F97]  }
0x1a: {  	s8 =	sadd.s32 $0xFFFFE003, lr  }
0x1b: {  	s9 =	sadd.s32 $0xFFFFFEF7, lr;
	s5 =	simm.s32 $0xFFFFFFFF;
	p2 =	slt.u32 s8, $0xFFFFF086  }
0x1c: {  	p1 =	slt.u32 s9, $0xF7A;
	s5 =	simm.s32 @!p2 $0x0  }
0x1d: {  	s5 =	simm.s32 @p1 $0x1;
	p0 =	seq.s32 s7, s2  }
0x1e: {  	s7 =	smul.u32 @!p0 $0xF7A, s2;
	p2 =	seq.s32 @!p0 s5, $0x0  }
0x1f: {  	s9 =	smul.u32 $0xF7A, s1;
	s8 =	simm.s32 @!p0 $0x1BF5;
	p2 =	por !p2, p0  }
0x20: {  	[sflag:s8] =	ssyncset.s32 @!p0 $0xFFFFF086;
	s6 =	sadd.s32 @!p0 s3, s7;
	s7 =	simm.s32 @!p0 $0x108  }
0x21: {  	s3 =	sadd.s32 s3, s9;
	s6 =	sadd.s32 @!p0 $0x88, s6;
	s7 =	simm.s32 @p2 $0x1082  }
0x22: {  	[simem:s7], [sflag:s8] =	dma.local @!p0 [hbm:s6], $0xF7A  }
0x23: {  	s9 =	sor.u32 $0xD0000000, s2;
	s6 =	simm.s32 $0x108;
	_ =	swait.ge @!p0 [sflag:s8], $0x0  }
0x24: {  	s3 =	sadd.s32 $0x88, s3;
	s6 =	simm.s32 @!p1 $0x1082;
	[sflag:s4] =	ssyncset.s32 $0xFFFFF086  }
0x25: {  	[simem:s6], [sflag:s4] =	dma.local [hbm:s3], $0xF7A  }
0x26: {  	[smem:$0x3F97] =	sst s1;
	(tag) =	ssettag s2;
	_ =	strace s9  }
0x27: {  	s1 =	sld [smem:$0x3FA7]  }
0x28: {  	s2 =	sld [smem:$0x3FA8]  }
0x29: {  	s4 =	sld [smem:$0x3FAA]  }
0x2a: {  	p0 =	seq.s32 s5, $0x0;
	s5 =	sld [smem:$0x3FAB]  }
0x2b: {  	s6 =	sld [smem:$0x3FAC]  }
0x2c: {  	s7 =	sld [smem:$0x3FAD]  }
0x2d: {  	s3 =	simm.s32 $0x108;
	s8 =	sld [smem:$0x3FAE]  }
0x2e: {  	s3 =	simm.s32 @!p0 $0x1082;
	s9 =	sld [smem:$0x3FAF]  }
0x2f: {  	lr =	sadd.s32 s0, s3;
	s0 =	sld [smem:$0x3FA6]  }
0x30: {  	s3 =	sld [smem:$0x3FA9]  }
0x31: {  	[smem:$0x3FB2] =	sst s10  }
0x32: {  	s10 =	sld [smem:$0x3FB0];
	_ =	sdelay $0x3  }
0x33: {  	p0 =	seq.s32 s10, $0x1;
	s10 =	sld [smem:$0x3FB2];
	_ =	sdelay $0x3  }
0x34: {  	[smem:$0x3FB2] =	sst s10  }
0x35: {  	s10 =	sld [smem:$0x3FB1];
	_ =	sdelay $0x3  }
0x36: {  	p1 =	seq.s32 s10, $0x1;
	s10 =	sld [smem:$0x3FB2];
	_ =	sdelay $0x3  }
0x37: {  	[smem:$0x3FB2] =	sst s10  }
0x38: {  	s10 =	sld [smem:$0x3FB3]  }
0x39: {  	_ = 	snop;
	(pc) =	sbr.ind lr, $3  }
0x3a: {  	_ = 	snop  }
0x3b: {  	_ = 	snop  }
0x3c: {  	p2 =	seq.s32 s10, $0x1;
	s10 =	sld [smem:$0x3FB2]  }
0x3d: {  	_ =	shalt  }
0x3e: {  	_ =	shalt  }
0x3f: {  	_ =	shalt  }
0x40: {  	_ =	shalt  }
0x41: {  	_ =	shalt  }
0x42: {  	_ =	shalt  }
0x43: {  	_ =	shalt  }
0x44: {  	_ =	shalt  }
0x45: {  	_ =	shalt  }
0x46: {  	_ =	shalt  }
0x47: {  	_ =	shalt  }
0x48: {  	_ =	shalt  }
0x49: {  	_ =	shalt  }
0x4a: {  	_ =	shalt  }
0x4b: {  	_ =	shalt  }
0x4c: {  	_ =	shalt  }
0x4d: {  	_ =	shalt  }
0x4e: {  	_ =	shalt  }
0x4f: {  	_ =	shalt  }
0x50: {  	_ =	shalt  }
0x51: {  	_ =	shalt  }
0x52: {  	_ =	shalt  }
0x53: {  	_ =	shalt  }
0x54: {  	_ =	shalt  }
0x55: {  	_ =	shalt  }
0x56: {  	_ =	shalt  }
0x57: {  	_ =	shalt  }
0x58: {  	_ =	shalt  }
0x59: {  	_ =	shalt  }
0x5a: {  	_ =	shalt  }
0x5b: {  	_ =	shalt  }
0x5c: {  	_ =	shalt  }
0x5d: {  	_ =	shalt  }
0x5e: {  	_ =	shalt  }
0x5f: {  	_ =	shalt  }
0x60: {  	_ =	shalt  }
0x61: {  	_ =	shalt  }
0x62: {  	_ =	shalt  }
0x63: {  	_ =	shalt  }
0x64: {  	_ =	shalt  }
0x65: {  	_ =	shalt  }
0x66: {  	_ =	shalt  }
0x67: {  	_ =	shalt  }
0x68: {  	_ =	shalt  }
0x69: {  	_ =	shalt  }
0x6a: {  	_ =	shalt  }
0x6b: {  	_ =	shalt  }
0x6c: {  	_ =	shalt  }
0x6d: {  	_ =	shalt  }
0x6e: {  	_ =	shalt  }
0x6f: {  	_ =	shalt  }
0x70: {  	_ =	shalt  }
0x71: {  	_ =	shalt  }
0x72: {  	_ =	shalt  }
0x73: {  	_ =	shalt  }
0x74: {  	_ =	shalt  }
0x75: {  	_ =	shalt  }
0x76: {  	_ =	shalt  }
0x77: {  	_ =	shalt  }
0x78: {  	_ =	shalt  }
0x79: {  	_ =	shalt  }
0x7a: {  	_ =	shalt  }
0x7b: {  	_ =	shalt  }
0x7c: {  	_ =	shalt  }
0x7d: {  	_ =	shalt  }
0x7e: {  	_ =	shalt  }
0x7f: {  	_ =	shalt  }
0x80: {  	_ =	shalt  }
0x81: {  	_ =	shalt  }
0x82: {  	_ =	shalt  }
0x83: {  	_ =	shalt  }
0x84: {  	_ =	shalt  }
0x85: {  	_ =	shalt  }
0x86: {  	_ =	shalt  }
0x87: {  	_ =	shalt  }
.Lfunc_end0:
.L_simem_size_0:
called_computation_lowered:
.L_overlay_start_0:
0x88: {  	s2 =	sld [smem:$0x3FD9]  }
0x89: {  	s3 =	sld [smem:$0x3FFE];
	_ =	sdelay $0x1  }
0x8a: {  	s1 =	srdreg.scid  }
0x8b: {  	s0 =	sand.u32 $0x1, s1  }
0x8c: {  	s17 =	sshll.u32 s0, $0xA;
	s2 =	sadd.s32 s3, s2  }
0x8d: {  	s2 =	sadd.s32 s2, s17  }
0x8e: {  	[smem:$0x3FBE] =	sst s2  }
0x8f: {  	_ = 	snop  }
0x90: {  	s18 =	sld [smem:$0x3FD0];
	(tm) =	ssettm $0x1  }
0x91: {  	s19 =	sld [smem:$0x3FFB];
	_ =	sdelay $0x3  }
0x92: {  	_ =	strace s19  }
0x93: {  	s2 =	sld [smem:$0x3FFC];
	_ =	sdelay $0x3  }
0x94: {  	_ =	strace s2  }
0x95: {  	s2 =	sld [smem:$0x3FFD];
	_ =	sdelay $0x3  }
0x96: {  	_ =	strace s2  }
0x97: {  	_ =	strace $0x8FFFFFFF  }
0x98: {  	s20 =	sld [smem:$0x3FDB];
	_ =	sdelay $0x1  }
0x99: {  	s4 =	simm.s32 $_scs_section_size  }
0x9a: {  	s5 =	simm.s32 $_size__tile_overlayer_lowered;
	s6 =	simm.s32 $_tile_overlayer_lowered  }
0x9b: {  	s7 =	simm.s32 $0x1BFF;
	s21 =	sshll.u32 s6, $0x1;
	s4 =	sadd.s32 s4, s20  }
0x9c: {  	s22 =	simm.s32 $0x0;
	s5 =	sshll.u32 s5, $0x1;
	s6 =	sadd.s32 s21, s4  }
0x9d: {  	[timem:s22], [sflag:s7] =	dma.local [hbm:s6], s5  }
0x9e: {  	_ =	swait.ge [sflag:s7], s5  }
0x9f: {  	s5 =	ssub.s32 $0x0, s5;
	[sflag:s7] =	ssyncset.done $0x0  }
0xa0: {  	[sflag:s7] =	ssyncadd.s32 s5;
	_ =	sdelay $0x1  }
0xa1: {  	s23 =	simm.s32 $0x1B8B  }
0xa2: {  	_ =	swait.ge [sflag:s23], $0x1  }
0xa3: {  	[sflag:s23] =	ssyncset.done $0x0  }
0xa4: {  	[sflag:s23] =	ssyncadd.s32 $0xFFFFFFFF  }
0xa5: {  	s5 =	sld [smem:$0x0]  }
0xa6: {  	s6 =	sand.u32 $0xFFFFFFFE, s1  }
0xa7: {  	p0 =	sne.s32 s1, s6  }
0xa8: {  	s6 =	sshll.u32 @p0 s6, $0xE  }
0xa9: {  	s6 =	sadd.s32 @p0 $0x11B8D, s6;
	s7 =	sshll.u32 @p0 s5, $0x11  }
0xaa: {  	s6 =	sor.u32 @p0 s7, s6  }
0xab: {  	[sflag:s6] =	ssyncadd.remote.s32 @p0 $0x1;
	_ =	sdelay $0x1  }
0xac: {  	s6 =	simm.s32 @p0 $0x1B8D  }
0xad: {  	_ =	swait.eq @p0 [sflag:s6], $0x1  }
0xae: {  	[sflag:s6] =	ssyncadd.s32 @p0 $0xFFFFFFFF  }
0xaf: {  	s7 =	sshll.u32 @!p0 s1, $0xE  }
0xb0: {  	s7 =	sor.u32 @!p0 $0x4000, s7;
	s6 =	simm.s32 @!p0 $0x1B8D  }
0xb1: {  	s5 =	sshll.u32 @!p0 s5, $0x11;
	s7 =	sadd.s32 @!p0 $0x11B8D, s7;
	_ =	swait.eq @!p0 [sflag:s6], $0x1  }
0xb2: {  	s5 =	sor.u32 @!p0 s5, s7;
	[sflag:s6] =	ssyncadd.s32 @!p0 $0xFFFFFFFF  }
0xb3: {  	s25 =	simm.s32 $0x1B8E;
	s24 =	sld [smem:$0x3FFE];
	[sflag:s5] =	ssyncadd.remote.s32 @!p0 $0x1  }
0xb4: {  	s26 =	simm.s32 $execute0_lowered;
	[smem:$0x3FD2] =	sst s25  }
0xb5: {  	s6 =	sshll.u32 s26, $0x1;
	_ =	strace $0x80000049;
	[dreg:$0x1] =	wrdreg $0xFFFFFFFF  }
0xb6: {  	s28 =	simm.s32 $_size_execute0_lowered;
	s4 =	sadd.s32 s4, s6;
	[dreg:$0x0] =	wrdreg $0x0  }
0xb7: {  	s6 =	sshll.u32 s28, $0x1;
	[dreg:$0x2] =	wrdreg s4  }
0xb8: {  	[dreg:$0x3] =	wrdreg s6  }
0xb9: {  	[dreg:$0x4] =	wrdreg $0xC0  }
0xba: {  	_ =	task [dreg:s22], $0x5FFFF  }
0xbb: {  	[dreg:$0x1] =	wrdreg $0xFFFFFFFF  }
0xbc: {  	[dreg:$0x0] =	wrdreg $0x60  }
0xbd: {  	[dreg:$0x2] =	wrdreg s24  }
0xbe: {  	[dreg:$0x3] =	wrdreg s18  }
0xbf: {  	[dreg:$0x4] =	wrdreg $0x30000  }
0xc0: {  	[dreg:$0x5] =	wrdreg $0x9  }
0xc1: {  	_ =	task.clear_ibuf [dreg:s22], $0x6FFFF;
	_ =	strace $0x90000049  }
0xc2: {  	s29 =	simm.s32 $0x9;
	_ =	strace $0x8000004B  }
0xc3: {  	_ =	swait.ge [sflag:s29], $0x1  }
0xc4: {  	[sflag:s29] =	ssyncadd.s32 $0xFFFFFFFF  }
0xc5: {  	_ =	strace $0x9000004B  }
0xc6: {  	_ =	sfence  }
0xc7: {  	s30 =	sld [smem:$0x0];
	_ =	sdelay $0x2  }
0xc8: {  	s31 =	sshll.u32 s1, $0xD;
	s1 =	sshrl.u32 s1, $0x2  }
0xc9: {  	s4 =	sand.u32 $0x4000, s31;
	s1 =	sadd.s32 s1, s30  }
0xca: {  	s0 =	sor.u32 s4, s0;
	s1 =	sshll.u32 s1, $0x11  }
0xcb: {  	s0 =	sor.u32 s1, s0  }
0xcc: {  	s0 =	sadd.s32 $0x8F2B, s0  }
0xcd: {  	[sflag:s0] =	ssyncadd.remote.s32 $0x1  }
0xce: {  	_ =	sfence.sel $0xFFFF  }
0xcf: {  	[dreg:$0x0] =	wrdreg $0xFFFFFFFF;
	(pc) =	sbr.abs _section_cstart, $3  }
0xd0: {  	[dreg:$0x1] =	wrdreg $0xFFFFFFFF  }
0xd1: {  	_ =	task.clear_ibuf [dreg:s22], $0x2FFFF;
	_ =	strace $0x9FFFFFFF  }
0xd2: {  	(tm) =	ssettm $0x7FFFFFFF  }
0xd3: {  	_ =	shalt  }
tec
execute0_lowered:
.L_overlay_start_1:
0x0: {  	(tag) =	ssettag $0x1  }
0x1: {  	s0 =	rddreg [dreg:$0x0]  }
0x2: {  	s1 =	srdreg.scid;
	s3 =	rddreg [dreg:$0x2]  }
0x3: {  	s19 =	stileid.u32;
	s4 =	simm.s32 $0x0;
	s28 =	simm.s32 $0x1000  }
0x4: {  	s29 =	simm.s32 $0x2;
	s30 =	simm.s32 $0x40;
	s2 =	smul.u32 $0x5000, s19  }
0x5: {  	s8 =	sand.u32 $0x1, s1;
	[smem:$0x7FF] =	sst s4;
	s13 =	smul.u32 $0x13C00, s19  }
0x6: {  	s15 =	sadd.s32 $0x79800, s0;
	s1 =	smul.u32 $0x50000, s8;
	s20 =	ssub.s32 $0x2, s8  }
0x7: {  	_ =	strace $0x8000004A;
	s16 =	smul.u32 $0x13C000, s8;
	s21 =	sshrl.u32 s20, $0x1  }
0x8: {  	s5 =	sadd.s32 $0x4000, s13;
	s6 =	sadd.s32 $0x6000, s13;
	s7 =	sadd.s32 $0x8000, s13  }
0x9: {  	s8 =	sadd.s32 $0xA000, s13;
	s9 =	sadd.s32 $0xC000, s13;
	s10 =	sadd.s32 $0xE000, s13  }
0xa: {  	s11 =	sadd.s32 $0x10000, s13;
	s12 =	sadd.s32 $0x12000, s13;
	s1 =	sadd.s32 s2, s1  }
0xb: {  	s2 =	sadd.s32 $0x2000, s13;
	s13 =	sadd.s32 s13, s16;
	s18 =	sadd.s32 s16, s5  }
0xc: {  	s31 =	sadd.s32 s11, s3;
	s1 =	sshrl.u32 s1, $0x3;
	s13 =	sshrl.u32 s13, $0x3  }
0xd: {  	s23 =	sshrl.u32 s18, $0x3;
	s18 =	simm.s32 $0x100;
	[smem:$0x7FC] =	sst s31  }
0xe: {  	s17 =	sadd.s32 s16, s2;
	s13 =	sadd.s32 s15, s13;
	[dreg:$0x6] =	wrdreg s18  }
0xf: {  	s14 =	sadd.s32 s1, s0;
	s24 =	sadd.s32 s15, s23;
	[dreg:$0xe] =	wrdreg s13  }
0x10: {  	s22 =	sshrl.u32 s17, $0x3;
	s17 =	simm.s32 $0x80;
	[dreg:$0x10] =	wrdreg s24  }
0x11: {  	s1 =	ssub.s32 s20, s21;
	s20 =	simm.s32 $0x180;
	[dreg:$0x5] =	wrdreg s17  }
0x12: {  	s26 =	sadd.s32 s16, s6;
	s23 =	simm.s32 $0x280;
	[dreg:$0x7] =	wrdreg s20  }
0x13: {  	s21 =	sadd.s32 s16, s7;
	s0 =	sadd.s32 $0x79400, s0;
	[dreg:$0x9] =	wrdreg s23  }
0x14: {  	s18 =	sadd.s32 s16, s9;
	s13 =	sadd.s32 s15, s22;
	[dreg:$0x18] =	wrdreg s0  }
0x15: {  	s25 =	sadd.s32 $0x2400, s14;
	s14 =	sshrl.u32 s26, $0x3;
	[dreg:$0xf] =	wrdreg s13  }
0x16: {  	s22 =	simm.s32 $0x200;
	s24 =	simm.s32 $0x300;
	[dreg:$0x4] =	wrdreg s25  }
0x17: {  	s26 =	simm.s32 $0x380;
	s17 =	simm.s32 $0x400;
	[dreg:$0x8] =	wrdreg s22  }
0x18: {  	s20 =	sadd.s32 s16, s10;
	s23 =	sadd.s32 s16, s12;
	[dreg:$0xa] =	wrdreg s24  }
0x19: {  	s0 =	simm.s32 $0x580;
	s14 =	sadd.s32 s15, s14;
	[dreg:$0xb] =	wrdreg s26  }
0x1a: {  	s25 =	sadd.s32 s16, s8;
	[dreg:$0xc] =	wrdreg s17;
	s13 =	sshrl.u32 s20, $0x3  }
0x1b: {  	s22 =	sadd.s32 s16, s11;
	s24 =	smul.u32 $0x4F000, s19;
	s26 =	simm.s32 $0x480  }
0x1c: {  	s19 =	sadd.s32 s5, s3;
	s20 =	sadd.s32 s6, s3;
	s5 =	simm.s32 $0x700  }
0x1d: {  	s6 =	simm.s32 $0x780;
	s11 =	simm.s32 $0xA00;
	[dreg:$0x11] =	wrdreg s14  }
0x1e: {  	s16 =	simm.s32 $0xD00;
	s14 =	sshrl.u32 s21, $0x3;
	[dreg:$0xd] =	wrdreg s26  }
0x1f: {  	s21 =	sshrl.u32 s18, $0x3;
	s13 =	sadd.s32 s15, s13;
	[dreg:$0x1b] =	wrdreg s19  }
0x20: {  	s18 =	sadd.s32 s2, s3;
	[dreg:$0x1c] =	wrdreg s20;
	s26 =	smax.u32 s1, $0x1  }
0x21: {  	s1 =	simm.s32 $0x600;
	s2 =	simm.s32 $0x680;
	s19 =	simm.s32 $0xE80  }
0x22: {  	s20 =	simm.s32 $0xF00;
	s14 =	sadd.s32 s15, s14;
	[dreg:$0x15] =	wrdreg s13  }
0x23: {  	s13 =	sshrl.u32 s22, $0x3;
	s17 =	sshrl.u32 s24, $0x2;
	[dreg:$0x1a] =	wrdreg s18  }
0x24: {  	s22 =	sadd.s32 s8, s3;
	s24 =	sadd.s32 s10, s3;
	[smem:$0x7FA] =	sst s26  }
0x25: {  	s8 =	simm.s32 $0x880;
	s10 =	simm.s32 $0x980;
	[dreg:$0x12] =	wrdreg s14  }
0x26: {  	s26 =	simm.s32 $0xC80;
	s18 =	simm.s32 $0xE00;
	[dreg:$0x1e] =	wrdreg s22  }
0x27: {  	s14 =	sshrl.u32 s25, $0x3;
	s13 =	sadd.s32 s15, s13;
	[smem:$0x7F9] =	sst s24  }
0x28: {  	s25 =	sshrl.u32 s23, $0x3;
	s23 =	sadd.s32 s9, s3;
	[dreg:$0x16] =	wrdreg s13  }
0x29: {  	s24 =	sadd.s32 s12, s3;
	s9 =	simm.s32 $0x900;
	[dreg:$0x1f] =	wrdreg s23  }
0x2a: {  	s12 =	simm.s32 $0xA80;
	s14 =	sadd.s32 s15, s14;
	[smem:$0x7FD] =	sst s24  }
0x2b: {  	s22 =	simm.s32 $0x1;
	s13 =	sadd.s32 s15, s25;
	[dreg:$0x13] =	wrdreg s14  }
0x2c: {  	s25 =	sadd.s32 s17, s3;
	s23 =	simm.s32 $0x0;
	[dreg:$0x17] =	wrdreg s13  }
0x2d: {  	s17 =	simm.s32 $0xD80;
	s14 =	sadd.s32 s15, s21;
	[smem:$0x7FB] =	sst s23  }
0x2e: {  	s21 =	sadd.s32 s7, s3;
	s7 =	simm.s32 $0x800;
	[dreg:$0x19] =	wrdreg s25  }
0x2f: {  	s13 =	simm.s32 $0xB00;
	s15 =	simm.s32 $0xC00;
	[dreg:$0x14] =	wrdreg s14  }
0x30: {  	[dreg:$0x1d] =	wrdreg s21;
	s14 =	simm.s32 $0xB80;
	s21 =	simm.s32 $0xF80  }
.LBB2_1:
0x31: {  	s23 =	rddreg [dreg:$0x1]  }
0x32: {  	[tilespmem:s28], [sflag:$0x2] =	stream.linear.gather [hbm4b:s23+s4], $0x2000, $0x38;
	[tilespmem:$0x16C00] =	vst v63  }
0x33: {  	_ =	swait.ge [sflag:s29], $0x2000  }
0x34: {  	[sflag:s29] =	ssyncset.done $0x0  }
0x35: {  	[sflag:s29] =	ssyncadd.s32 $0xFFFFE000  }
0x36: {  	[spmem:s25] =	stream.linear.scatter [tilespmem:s28], [sflag:$0x2], $0x2000, $0x38;
	[tilespmem:$0x16C00] =	vst v63  }
0x37: {  	_ =	swait.ge [sflag:s29], $0x2000  }
0x38: {  	[sflag:s29] =	ssyncset.done $0x0  }
0x39: {  	s25 =	rddreg [dreg:$0x1a];
	[sflag:s29] =	ssyncadd.s32 $0xFFFFE000  }
0x3a: {  	[spmem:s25] =	stream.linear.scatter [tilespmem:s28], [sflag:$0x2], $0x2000, $0x38;
	[tilespmem:$0x16C00] =	vst v63  }
0x3b: {  	_ =	swait.ge [sflag:s29], $0x2000  }
0x3c: {  	[sflag:s29] =	ssyncset.done $0x0  }
0x3d: {  	s25 =	rddreg [dreg:$0x1b];
	[sflag:s29] =	ssyncadd.s32 $0xFFFFE000  }
0x3e: {  	[spmem:s25] =	stream.linear.scatter [tilespmem:s28], [sflag:$0x2], $0x2000, $0x38;
	[tilespmem:$0x16C00] =	vst v63  }
0x3f: {  	_ =	swait.ge [sflag:s29], $0x2000  }
0x40: {  	[sflag:s29] =	ssyncset.done $0x0  }
0x41: {  	s25 =	rddreg [dreg:$0x1c];
	[sflag:s29] =	ssyncadd.s32 $0xFFFFE000  }
0x42: {  	[spmem:s25] =	stream.linear.scatter [tilespmem:s28], [sflag:$0x2], $0x2000, $0x38;
	[tilespmem:$0x16C00] =	vst v63  }
0x43: {  	_ =	swait.ge [sflag:s29], $0x2000  }
0x44: {  	[sflag:s29] =	ssyncset.done $0x0  }
0x45: {  	s25 =	rddreg [dreg:$0x1d];
	[sflag:s29] =	ssyncadd.s32 $0xFFFFE000  }
0x46: {  	[spmem:s25] =	stream.linear.scatter [tilespmem:s28], [sflag:$0x2], $0x2000, $0x38;
	[tilespmem:$0x16C00] =	vst v63  }
0x47: {  	_ =	swait.ge [sflag:s29], $0x2000  }
0x48: {  	[sflag:s29] =	ssyncset.done $0x0  }
0x49: {  	s25 =	rddreg [dreg:$0x1e];
	[sflag:s29] =	ssyncadd.s32 $0xFFFFE000  }
0x4a: {  	[spmem:s25] =	stream.linear.scatter [tilespmem:s28], [sflag:$0x2], $0x2000, $0x38;
	[tilespmem:$0x16C00] =	vst v63  }
0x4b: {  	_ =	swait.ge [sflag:s29], $0x2000  }
0x4c: {  	[sflag:s29] =	ssyncset.done $0x0  }
0x4d: {  	s25 =	rddreg [dreg:$0x1f];
	[sflag:s29] =	ssyncadd.s32 $0xFFFFE000  }
0x4e: {  	[spmem:s25] =	stream.linear.scatter [tilespmem:s28], [sflag:$0x2], $0x2000, $0x38;
	[tilespmem:$0x16C00] =	vst v63  }
0x4f: {  	_ =	swait.ge [sflag:s29], $0x2000  }
0x50: {  	s25 =	sld [smem:$0x7F9]  }
0x51: {  	[sflag:s29] =	ssyncset.done $0x0  }
0x52: {  	[sflag:s29] =	ssyncadd.s32 $0xFFFFE000  }
0x53: {  	[spmem:s25] =	stream.linear.scatter [tilespmem:s28], [sflag:$0x2], $0x2000, $0x38;
	[tilespmem:$0x16C00] =	vst v63  }
0x54: {  	_ =	swait.ge [sflag:s29], $0x2000  }
0x55: {  	[sflag:s29] =	ssyncset.done $0x0  }
0x56: {  	[sflag:s29] =	ssyncadd.s32 $0xFFFFE000  }
0x57: {  	[spmem:s31] =	stream.linear.scatter [tilespmem:s28], [sflag:$0x2], $0x2000, $0x38;
	[tilespmem:$0x16C00] =	vst v63  }
0x58: {  	_ =	swait.ge [sflag:s29], $0x2000  }
0x59: {  	[sflag:s29] =	ssyncset.done $0x0  }
0x5a: {  	[sflag:s29] =	ssyncadd.s32 $0xFFFFE000  }
0x5b: {  	[spmem:s24] =	stream.linear.scatter [tilespmem:s28], [sflag:$0x2], $0x1C00, $0x38;
	[tilespmem:$0x16C00] =	vst v63  }
0x5c: {  	_ =	swait.ge [sflag:s29], $0x1C00  }
0x5d: {  	[sflag:s29] =	ssyncset.done $0x0  }
0x5e: {  	s31 =	rddreg [dreg:$0x18];
	[sflag:s29] =	ssyncadd.s32 $0xFFFFE400  }
0x5f: {  	[tilespmem:s28], [sflag:$0x2] =	stream.linear.gather [hbm4b:s31+s4], $0x2000, $0x38;
	[tilespmem:$0x16C00] =	vst v63  }
0x60: {  	_ =	swait.ge [sflag:s29], $0x2000  }
0x61: {  	[sflag:s29] =	ssyncset.done $0x0  }
0x62: {  	[sflag:s29] =	ssyncadd.s32 $0xFFFFE000  }
0x63: {  	[bflag:$0x0] =	sbarrier.arrive $0xFFFF  }
0x64: {  	s24 =	rddreg [dreg:$0x4]  }
0x65: {  	s23 =	sadd.s32 $0x0, s24  }
0x66: {  	[tilespmem:s4], [sflag:$0x2] =	stream.linear.gather [hbm4b:s23+s4], $0x1000, $0x38;
	[tilespmem:$0x16C00] =	vst v63  }
0x67: {  	_ =	swait.ge [sflag:s29], $0x1000  }
0x68: {  	[sflag:s29] =	ssyncset.done $0x0  }
0x69: {  	[sflag:s29] =	ssyncadd.s32 $0xFFFFF000  }
0x6a: {  	[spmem:s3] =	stream.indirect.scatter.add.f32 [tilespmem:s28], [sflag:$0x1], $0x80, s4, s30, $0xb8;
	[tilespmem:$0x16C00] =	vst v63  }
0x6b: {  	s25 =	rddreg [dreg:$0x5]  }
0x6c: {  	[spmem:s3] =	stream.indirect.scatter.add.f32 [tilespmem:s28], [sflag:$0x1], $0x80, s25, s30, $0xb8;
	[tilespmem:$0x16C00] =	vst v63  }
0x6d: {  	s31 =	rddreg [dreg:$0x6]  }
0x6e: {  	[spmem:s3] =	stream.indirect.scatter.add.f32 [tilespmem:s28], [sflag:$0x1], $0x80, s31, s30, $0xb8;
	[tilespmem:$0x16C00] =	vst v63  }
0x6f: {  	s25 =	rddreg [dreg:$0x7]  }
0x70: {  	[spmem:s3] =	stream.indirect.scatter.add.f32 [tilespmem:s28], [sflag:$0x1], $0x80, s25, s30, $0xb8;
	[tilespmem:$0x16C00] =	vst v63  }
0x71: {  	s31 =	rddreg [dreg:$0x8]  }
0x72: {  	[spmem:s3] =	stream.indirect.scatter.add.f32 [tilespmem:s28], [sflag:$0x1], $0x80, s31, s30, $0xb8;
	[tilespmem:$0x16C00] =	vst v63  }
0x73: {  	s25 =	rddreg [dreg:$0x9]  }
0x74: {  	[spmem:s3] =	stream.indirect.scatter.add.f32 [tilespmem:s28], [sflag:$0x1], $0x80, s25, s30, $0xb8;
	[tilespmem:$0x16C00] =	vst v63  }
0x75: {  	s31 =	rddreg [dreg:$0xa]  }
0x76: {  	[spmem:s3] =	stream.indirect.scatter.add.f32 [tilespmem:s28], [sflag:$0x1], $0x80, s31, s30, $0xb8;
	[tilespmem:$0x16C00] =	vst v63  }
0x77: {  	s25 =	rddreg [dreg:$0xb]  }
0x78: {  	[spmem:s3] =	stream.indirect.scatter.add.f32 [tilespmem:s28], [sflag:$0x1], $0x80, s25, s30, $0xb8;
	[tilespmem:$0x16C00] =	vst v63  }
0x79: {  	s31 =	rddreg [dreg:$0xc]  }
0x7a: {  	[spmem:s3] =	stream.indirect.scatter.add.f32 [tilespmem:s28], [sflag:$0x1], $0x80, s31, s30, $0xb8;
	[tilespmem:$0x16C00] =	vst v63  }
0x7b: {  	s25 =	rddreg [dreg:$0xd]  }
0x7c: {  	[spmem:s3] =	stream.indirect.scatter.add.f32 [tilespmem:s28], [sflag:$0x1], $0x80, s25, s30, $0xb8;
	[tilespmem:$0x16C00] =	vst v63  }
0x7d: {  	s31 =	simm.s32 $0x500  }
0x7e: {  	[spmem:s3] =	stream.indirect.scatter.add.f32 [tilespmem:s28], [sflag:$0x1], $0x80, s31, s30, $0xb8;
	[tilespmem:$0x16C00] =	vst v63  }
0x7f: {  	_ = 	snop  }
0x80: {  	[spmem:s3] =	stream.indirect.scatter.add.f32 [tilespmem:s28], [sflag:$0x1], $0x80, s0, s30, $0xb8;
	[tilespmem:$0x16C00] =	vst v63  }
0x81: {  	_ = 	snop  }
0x82: {  	[spmem:s3] =	stream.indirect.scatter.add.f32 [tilespmem:s28], [sflag:$0x1], $0x80, s1, s30, $0xb8;
	[tilespmem:$0x16C00] =	vst v63  }
0x83: {  	_ = 	snop  }
0x84: {  	[spmem:s3] =	stream.indirect.scatter.add.f32 [tilespmem:s28], [sflag:$0x1], $0x80, s2, s30, $0xb8;
	[tilespmem:$0x16C00] =	vst v63  }
0x85: {  	_ = 	snop  }
0x86: {  	[spmem:s3] =	stream.indirect.scatter.add.f32 [tilespmem:s28], [sflag:$0x1], $0x80, s5, s30, $0xb8;
	[tilespmem:$0x16C00] =	vst v63  }
0x87: {  	_ = 	snop  }
0x88: {  	[spmem:s3] =	stream.indirect.scatter.add.f32 [tilespmem:s28], [sflag:$0x1], $0x80, s6, s30, $0xb8;
	[tilespmem:$0x16C00] =	vst v63  }
0x89: {  	_ = 	snop  }
0x8a: {  	[spmem:s3] =	stream.indirect.scatter.add.f32 [tilespmem:s28], [sflag:$0x1], $0x80, s7, s30, $0xb8;
	[tilespmem:$0x16C00] =	vst v63  }
0x8b: {  	_ = 	snop  }
0x8c: {  	[spmem:s3] =	stream.indirect.scatter.add.f32 [tilespmem:s28], [sflag:$0x1], $0x80, s8, s30, $0xb8;
	[tilespmem:$0x16C00] =	vst v63  }
0x8d: {  	_ = 	snop  }
0x8e: {  	[spmem:s3] =	stream.indirect.scatter.add.f32 [tilespmem:s28], [sflag:$0x1], $0x80, s9, s30, $0xb8;
	[tilespmem:$0x16C00] =	vst v63  }
0x8f: {  	_ = 	snop  }
0x90: {  	[spmem:s3] =	stream.indirect.scatter.add.f32 [tilespmem:s28], [sflag:$0x1], $0x80, s10, s30, $0xb8;
	[tilespmem:$0x16C00] =	vst v63  }
0x91: {  	_ = 	snop  }
0x92: {  	[spmem:s3] =	stream.indirect.scatter.add.f32 [tilespmem:s28], [sflag:$0x1], $0x80, s11, s30, $0xb8;
	[tilespmem:$0x16C00] =	vst v63  }
0x93: {  	_ = 	snop  }
0x94: {  	[spmem:s3] =	stream.indirect.scatter.add.f32 [tilespmem:s28], [sflag:$0x1], $0x80, s12, s30, $0xb8;
	[tilespmem:$0x16C00] =	vst v63  }
0x95: {  	_ = 	snop  }
0x96: {  	[spmem:s3] =	stream.indirect.scatter.add.f32 [tilespmem:s28], [sflag:$0x1], $0x80, s13, s30, $0xb8;
	[tilespmem:$0x16C00] =	vst v63  }
0x97: {  	_ = 	snop  }
0x98: {  	[spmem:s3] =	stream.indirect.scatter.add.f32 [tilespmem:s28], [sflag:$0x1], $0x80, s14, s30, $0xb8;
	[tilespmem:$0x16C00] =	vst v63  }
0x99: {  	_ = 	snop  }
0x9a: {  	[spmem:s3] =	stream.indirect.scatter.add.f32 [tilespmem:s28], [sflag:$0x1], $0x80, s15, s30, $0xb8;
	[tilespmem:$0x16C00] =	vst v63  }
0x9b: {  	_ = 	snop  }
0x9c: {  	[spmem:s3] =	stream.indirect.scatter.add.f32 [tilespmem:s28], [sflag:$0x1], $0x80, s26, s30, $0xb8;
	[tilespmem:$0x16C00] =	vst v63  }
0x9d: {  	_ = 	snop  }
0x9e: {  	[spmem:s3] =	stream.indirect.scatter.add.f32 [tilespmem:s28], [sflag:$0x1], $0x80, s16, s30, $0xb8;
	[tilespmem:$0x16C00] =	vst v63  }
0x9f: {  	_ = 	snop  }
0xa0: {  	[spmem:s3] =	stream.indirect.scatter.add.f32 [tilespmem:s28], [sflag:$0x1], $0x80, s17, s30, $0xb8;
	[tilespmem:$0x16C00] =	vst v63  }
0xa1: {  	_ = 	snop  }
0xa2: {  	[spmem:s3] =	stream.indirect.scatter.add.f32 [tilespmem:s28], [sflag:$0x1], $0x80, s18, s30, $0xb8;
	[tilespmem:$0x16C00] =	vst v63  }
0xa3: {  	_ = 	snop  }
0xa4: {  	[spmem:s3] =	stream.indirect.scatter.add.f32 [tilespmem:s28], [sflag:$0x1], $0x80, s19, s30, $0xb8;
	[tilespmem:$0x16C00] =	vst v63  }
0xa5: {  	_ = 	snop  }
0xa6: {  	[spmem:s3] =	stream.indirect.scatter.add.f32 [tilespmem:s28], [sflag:$0x1], $0x80, s20, s30, $0xb8;
	[tilespmem:$0x16C00] =	vst v63  }
0xa7: {  	_ = 	snop  }
0xa8: {  	[spmem:s3] =	stream.indirect.scatter.add.f32 [tilespmem:s28], [sflag:$0x1], $0x80, s21, s30, $0xb8;
	[tilespmem:$0x16C00] =	vst v63  }
0xa9: {  	_ =	swait.ge [sflag:s22], $0x2000  }
0xaa: {  	[sflag:s22] =	ssyncset.done $0x0  }
0xab: {  	[sflag:s22] =	ssyncadd.s32 $0xFFFFE000  }
0xac: {  	_ =	swait.ge [sflag:s22], $0x2000  }
0xad: {  	[sflag:s22] =	ssyncset.done $0x0  }
0xae: {  	[sflag:s22] =	ssyncadd.s32 $0xFFFFE000  }
0xaf: {  	_ =	swait.ge [sflag:s22], $0x2000  }
0xb0: {  	[sflag:s22] =	ssyncset.done $0x0  }
0xb1: {  	[sflag:s22] =	ssyncadd.s32 $0xFFFFE000  }
0xb2: {  	_ =	swait.ge [sflag:s22], $0x2000  }
0xb3: {  	[sflag:s22] =	ssyncset.done $0x0  }
0xb4: {  	[sflag:s22] =	ssyncadd.s32 $0xFFFFE000  }
0xb5: {  	_ =	swait.ge [sflag:s22], $0x2000  }
0xb6: {  	[sflag:s22] =	ssyncset.done $0x0  }
0xb7: {  	[sflag:s22] =	ssyncadd.s32 $0xFFFFE000  }
0xb8: {  	_ =	swait.ge [sflag:s22], $0x2000  }
0xb9: {  	[sflag:s22] =	ssyncset.done $0x0  }
0xba: {  	[sflag:s22] =	ssyncadd.s32 $0xFFFFE000  }
0xbb: {  	_ =	swait.ge [sflag:s22], $0x2000  }
0xbc: {  	[sflag:s22] =	ssyncset.done $0x0  }
0xbd: {  	[sflag:s22] =	ssyncadd.s32 $0xFFFFE000  }
0xbe: {  	_ =	swait.ge [sflag:s22], $0x2000  }
0xbf: {  	[sflag:s22] =	ssyncset.done $0x0  }
0xc0: {  	[sflag:s22] =	ssyncadd.s32 $0xFFFFE000  }
0xc1: {  	_ =	swait.ge [sflag:s22], $0x2000  }
0xc2: {  	[sflag:s22] =	ssyncset.done $0x0  }
0xc3: {  	[sflag:s22] =	ssyncadd.s32 $0xFFFFE000  }
0xc4: {  	_ =	swait.ge [sflag:s22], $0x2000  }
0xc5: {  	[sflag:s22] =	ssyncset.done $0x0  }
0xc6: {  	[sflag:s22] =	ssyncadd.s32 $0xFFFFE000  }
0xc7: {  	_ =	swait.ge [sflag:s22], $0x2000  }
0xc8: {  	[sflag:s22] =	ssyncset.done $0x0  }
0xc9: {  	[sflag:s22] =	ssyncadd.s32 $0xFFFFE000  }
0xca: {  	_ =	swait.ge [sflag:s22], $0x2000  }
0xcb: {  	[sflag:s22] =	ssyncset.done $0x0  }
0xcc: {  	[sflag:s22] =	ssyncadd.s32 $0xFFFFE000  }
0xcd: {  	_ =	swait.ge [sflag:s22], $0x2000  }
0xce: {  	[sflag:s22] =	ssyncset.done $0x0  }
0xcf: {  	[sflag:s22] =	ssyncadd.s32 $0xFFFFE000  }
0xd0: {  	_ =	swait.ge [sflag:s22], $0x2000  }
0xd1: {  	[sflag:s22] =	ssyncset.done $0x0  }
0xd2: {  	[sflag:s22] =	ssyncadd.s32 $0xFFFFE000  }
0xd3: {  	_ =	swait.ge [sflag:s22], $0x2000  }
0xd4: {  	[sflag:s22] =	ssyncset.done $0x0  }
0xd5: {  	[sflag:s22] =	ssyncadd.s32 $0xFFFFE000  }
0xd6: {  	_ =	swait.ge [sflag:s22], $0x2000  }
0xd7: {  	[sflag:s22] =	ssyncset.done $0x0  }
0xd8: {  	[sflag:s22] =	ssyncadd.s32 $0xFFFFE000  }
0xd9: {  	_ =	swait.ge [sflag:s22], $0x2000  }
0xda: {  	[sflag:s22] =	ssyncset.done $0x0  }
0xdb: {  	[sflag:s22] =	ssyncadd.s32 $0xFFFFE000  }
0xdc: {  	_ =	swait.ge [sflag:s22], $0x2000  }
0xdd: {  	[sflag:s22] =	ssyncset.done $0x0  }
0xde: {  	[sflag:s22] =	ssyncadd.s32 $0xFFFFE000  }
0xdf: {  	_ =	swait.ge [sflag:s22], $0x2000  }
0xe0: {  	[sflag:s22] =	ssyncset.done $0x0  }
0xe1: {  	[sflag:s22] =	ssyncadd.s32 $0xFFFFE000  }
0xe2: {  	_ =	swait.ge [sflag:s22], $0x2000  }
0xe3: {  	[sflag:s22] =	ssyncset.done $0x0  }
0xe4: {  	[sflag:s22] =	ssyncadd.s32 $0xFFFFE000  }
0xe5: {  	_ =	swait.ge [sflag:s22], $0x2000  }
0xe6: {  	[sflag:s22] =	ssyncset.done $0x0  }
0xe7: {  	[sflag:s22] =	ssyncadd.s32 $0xFFFFE000  }
0xe8: {  	_ =	swait.ge [sflag:s22], $0x2000  }
0xe9: {  	[sflag:s22] =	ssyncset.done $0x0  }
0xea: {  	[sflag:s22] =	ssyncadd.s32 $0xFFFFE000  }
0xeb: {  	_ =	swait.ge [sflag:s22], $0x2000  }
0xec: {  	[sflag:s22] =	ssyncset.done $0x0  }
0xed: {  	[sflag:s22] =	ssyncadd.s32 $0xFFFFE000  }
0xee: {  	_ =	swait.ge [sflag:s22], $0x2000  }
0xef: {  	[sflag:s22] =	ssyncset.done $0x0  }
0xf0: {  	[sflag:s22] =	ssyncadd.s32 $0xFFFFE000  }
0xf1: {  	_ =	swait.ge [sflag:s22], $0x2000  }
0xf2: {  	[sflag:s22] =	ssyncset.done $0x0  }
0xf3: {  	[sflag:s22] =	ssyncadd.s32 $0xFFFFE000  }
0xf4: {  	_ =	swait.ge [sflag:s22], $0x2000  }
0xf5: {  	[sflag:s22] =	ssyncset.done $0x0  }
0xf6: {  	[sflag:s22] =	ssyncadd.s32 $0xFFFFE000  }
0xf7: {  	_ =	swait.ge [sflag:s22], $0x2000  }
0xf8: {  	[sflag:s22] =	ssyncset.done $0x0  }
0xf9: {  	[sflag:s22] =	ssyncadd.s32 $0xFFFFE000  }
0xfa: {  	_ =	swait.ge [sflag:s22], $0x2000  }
0xfb: {  	[sflag:s22] =	ssyncset.done $0x0  }
0xfc: {  	[sflag:s22] =	ssyncadd.s32 $0xFFFFE000  }
0xfd: {  	_ =	swait.ge [sflag:s22], $0x2000  }
0xfe: {  	[sflag:s22] =	ssyncset.done $0x0  }
0xff: {  	[sflag:s22] =	ssyncadd.s32 $0xFFFFE000  }
0x100: {  	_ =	swait.ge [sflag:s22], $0x2000  }
0x101: {  	[sflag:s22] =	ssyncset.done $0x0  }
0x102: {  	[sflag:s22] =	ssyncadd.s32 $0xFFFFE000  }
0x103: {  	_ =	swait.ge [sflag:s22], $0x2000  }
0x104: {  	[sflag:s22] =	ssyncset.done $0x0  }
0x105: {  	[sflag:s22] =	ssyncadd.s32 $0xFFFFE000  }
0x106: {  	s24 =	simm.s32 $0x200;
	_ =	swait.ge [sflag:s22], $0x2000  }
0x107: {  	s25 =	simm.s32 $0x400;
	s23 =	rddreg [dreg:$0x4];
	[sflag:s22] =	ssyncset.done $0x0  }
.LBB2_2:
0x108: {  	[sflag:s22] =	ssyncadd.s32 $0xFFFFE000;
	s23 =	sadd.s32 s24, s23  }
0x109: {  	[tilespmem:s4], [sflag:$0x2] =	stream.linear.gather [hbm4b:s23+s4], $0x1000, $0x38;
	[tilespmem:$0x16C00] =	vst v63  }
0x10a: {  	_ =	swait.ge [sflag:s29], $0x1000  }
0x10b: {  	[sflag:s29] =	ssyncset.done $0x0  }
0x10c: {  	[sflag:s29] =	ssyncadd.s32 $0xFFFFF000  }
0x10d: {  	[spmem:s3] =	stream.indirect.scatter.add.f32 [tilespmem:s28], [sflag:$0x1], $0x80, s4, s30, $0xb8;
	[tilespmem:$0x16C00] =	vst v63  }
0x10e: {  	s31 =	smov.u32 s25;
	s23 =	rddreg [dreg:$0x5]  }
0x10f: {  	[spmem:s3] =	stream.indirect.scatter.add.f32 [tilespmem:s28], [sflag:$0x1], $0x80, s23, s30, $0xb8;
	[tilespmem:$0x16C00] =	vst v63  }
0x110: {  	s24 =	smov.u32 s31;
	s31 =	rddreg [dreg:$0x6]  }
0x111: {  	[spmem:s3] =	stream.indirect.scatter.add.f32 [tilespmem:s28], [sflag:$0x1], $0x80, s31, s30, $0xb8;
	[tilespmem:$0x16C00] =	vst v63  }
0x112: {  	s23 =	rddreg [dreg:$0x7]  }
0x113: {  	[spmem:s3] =	stream.indirect.scatter.add.f32 [tilespmem:s28], [sflag:$0x1], $0x80, s23, s30, $0xb8;
	[tilespmem:$0x16C00] =	vst v63  }
0x114: {  	s31 =	rddreg [dreg:$0x8]  }
0x115: {  	[spmem:s3] =	stream.indirect.scatter.add.f32 [tilespmem:s28], [sflag:$0x1], $0x80, s31, s30, $0xb8;
	[tilespmem:$0x16C00] =	vst v63  }
0x116: {  	s23 =	rddreg [dreg:$0x9]  }
0x117: {  	[spmem:s3] =	stream.indirect.scatter.add.f32 [tilespmem:s28], [sflag:$0x1], $0x80, s23, s30, $0xb8;
	[tilespmem:$0x16C00] =	vst v63  }
0x118: {  	s31 =	rddreg [dreg:$0xa]  }
0x119: {  	[spmem:s3] =	stream.indirect.scatter.add.f32 [tilespmem:s28], [sflag:$0x1], $0x80, s31, s30, $0xb8;
	[tilespmem:$0x16C00] =	vst v63  }
0x11a: {  	s23 =	rddreg [dreg:$0xb]  }
0x11b: {  	[spmem:s3] =	stream.indirect.scatter.add.f32 [tilespmem:s28], [sflag:$0x1], $0x80, s23, s30, $0xb8;
	[tilespmem:$0x16C00] =	vst v63  }
0x11c: {  	s31 =	rddreg [dreg:$0xc]  }
0x11d: {  	[spmem:s3] =	stream.indirect.scatter.add.f32 [tilespmem:s28], [sflag:$0x1], $0x80, s31, s30, $0xb8;
	[tilespmem:$0x16C00] =	vst v63  }
0x11e: {  	s23 =	rddreg [dreg:$0xd]  }
0x11f: {  	[spmem:s3] =	stream.indirect.scatter.add.f32 [tilespmem:s28], [sflag:$0x1], $0x80, s23, s30, $0xb8;
	[tilespmem:$0x16C00] =	vst v63  }
0x120: {  	s31 =	simm.s32 $0x500  }
0x121: {  	[spmem:s3] =	stream.indirect.scatter.add.f32 [tilespmem:s28], [sflag:$0x1], $0x80, s31, s30, $0xb8;
	[tilespmem:$0x16C00] =	vst v63  }
0x122: {  	_ = 	snop  }
0x123: {  	[spmem:s3] =	stream.indirect.scatter.add.f32 [tilespmem:s28], [sflag:$0x1], $0x80, s0, s30, $0xb8;
	[tilespmem:$0x16C00] =	vst v63  }
0x124: {  	_ = 	snop  }
0x125: {  	[spmem:s3] =	stream.indirect.scatter.add.f32 [tilespmem:s28], [sflag:$0x1], $0x80, s1, s30, $0xb8;
	[tilespmem:$0x16C00] =	vst v63  }
0x126: {  	_ = 	snop  }
0x127: {  	[spmem:s3] =	stream.indirect.scatter.add.f32 [tilespmem:s28], [sflag:$0x1], $0x80, s2, s30, $0xb8;
	[tilespmem:$0x16C00] =	vst v63  }
0x128: {  	_ = 	snop  }
0x129: {  	[spmem:s3] =	stream.indirect.scatter.add.f32 [tilespmem:s28], [sflag:$0x1], $0x80, s5, s30, $0xb8;
	[tilespmem:$0x16C00] =	vst v63  }
0x12a: {  	_ = 	snop  }
0x12b: {  	[spmem:s3] =	stream.indirect.scatter.add.f32 [tilespmem:s28], [sflag:$0x1], $0x80, s6, s30, $0xb8;
	[tilespmem:$0x16C00] =	vst v63  }
0x12c: {  	_ = 	snop  }
0x12d: {  	[spmem:s3] =	stream.indirect.scatter.add.f32 [tilespmem:s28], [sflag:$0x1], $0x80, s7, s30, $0xb8;
	[tilespmem:$0x16C00] =	vst v63  }
0x12e: {  	_ = 	snop  }
0x12f: {  	[spmem:s3] =	stream.indirect.scatter.add.f32 [tilespmem:s28], [sflag:$0x1], $0x80, s8, s30, $0xb8;
	[tilespmem:$0x16C00] =	vst v63  }
0x130: {  	_ = 	snop  }
0x131: {  	[spmem:s3] =	stream.indirect.scatter.add.f32 [tilespmem:s28], [sflag:$0x1], $0x80, s9, s30, $0xb8;
	[tilespmem:$0x16C00] =	vst v63  }
0x132: {  	_ = 	snop  }
0x133: {  	[spmem:s3] =	stream.indirect.scatter.add.f32 [tilespmem:s28], [sflag:$0x1], $0x80, s10, s30, $0xb8;
	[tilespmem:$0x16C00] =	vst v63  }
0x134: {  	_ = 	snop  }
0x135: {  	[spmem:s3] =	stream.indirect.scatter.add.f32 [tilespmem:s28], [sflag:$0x1], $0x80, s11, s30, $0xb8;
	[tilespmem:$0x16C00] =	vst v63  }
0x136: {  	_ = 	snop  }
0x137: {  	[spmem:s3] =	stream.indirect.scatter.add.f32 [tilespmem:s28], [sflag:$0x1], $0x80, s12, s30, $0xb8;
	[tilespmem:$0x16C00] =	vst v63  }
0x138: {  	_ = 	snop  }
0x139: {  	[spmem:s3] =	stream.indirect.scatter.add.f32 [tilespmem:s28], [sflag:$0x1], $0x80, s13, s30, $0xb8;
	[tilespmem:$0x16C00] =	vst v63  }
0x13a: {  	_ = 	snop  }
0x13b: {  	[spmem:s3] =	stream.indirect.scatter.add.f32 [tilespmem:s28], [sflag:$0x1], $0x80, s14, s30, $0xb8;
	[tilespmem:$0x16C00] =	vst v63  }
0x13c: {  	_ = 	snop  }
0x13d: {  	[spmem:s3] =	stream.indirect.scatter.add.f32 [tilespmem:s28], [sflag:$0x1], $0x80, s15, s30, $0xb8;
	[tilespmem:$0x16C00] =	vst v63  }
0x13e: {  	_ = 	snop  }
0x13f: {  	[spmem:s3] =	stream.indirect.scatter.add.f32 [tilespmem:s28], [sflag:$0x1], $0x80, s26, s30, $0xb8;
	[tilespmem:$0x16C00] =	vst v63  }
0x140: {  	_ = 	snop  }
0x141: {  	[spmem:s3] =	stream.indirect.scatter.add.f32 [tilespmem:s28], [sflag:$0x1], $0x80, s16, s30, $0xb8;
	[tilespmem:$0x16C00] =	vst v63  }
0x142: {  	_ = 	snop  }
0x143: {  	[spmem:s3] =	stream.indirect.scatter.add.f32 [tilespmem:s28], [sflag:$0x1], $0x80, s17, s30, $0xb8;
	[tilespmem:$0x16C00] =	vst v63  }
0x144: {  	_ = 	snop  }
0x145: {  	[spmem:s3] =	stream.indirect.scatter.add.f32 [tilespmem:s28], [sflag:$0x1], $0x80, s18, s30, $0xb8;
	[tilespmem:$0x16C00] =	vst v63  }
0x146: {  	_ = 	snop  }
0x147: {  	[spmem:s3] =	stream.indirect.scatter.add.f32 [tilespmem:s28], [sflag:$0x1], $0x80, s19, s30, $0xb8;
	[tilespmem:$0x16C00] =	vst v63  }
0x148: {  	_ = 	snop  }
0x149: {  	[spmem:s3] =	stream.indirect.scatter.add.f32 [tilespmem:s28], [sflag:$0x1], $0x80, s20, s30, $0xb8;
	[tilespmem:$0x16C00] =	vst v63  }
0x14a: {  	_ = 	snop  }
0x14b: {  	[spmem:s3] =	stream.indirect.scatter.add.f32 [tilespmem:s28], [sflag:$0x1], $0x80, s21, s30, $0xb8;
	[tilespmem:$0x16C00] =	vst v63  }
0x14c: {  	_ =	swait.ge [sflag:s22], $0x2000  }
0x14d: {  	[sflag:s22] =	ssyncset.done $0x0  }
0x14e: {  	[sflag:s22] =	ssyncadd.s32 $0xFFFFE000  }
0x14f: {  	_ =	swait.ge [sflag:s22], $0x2000  }
0x150: {  	[sflag:s22] =	ssyncset.done $0x0  }
0x151: {  	[sflag:s22] =	ssyncadd.s32 $0xFFFFE000  }
0x152: {  	_ =	swait.ge [sflag:s22], $0x2000  }
0x153: {  	[sflag:s22] =	ssyncset.done $0x0  }
0x154: {  	[sflag:s22] =	ssyncadd.s32 $0xFFFFE000  }
0x155: {  	_ =	swait.ge [sflag:s22], $0x2000  }
0x156: {  	[sflag:s22] =	ssyncset.done $0x0  }
0x157: {  	[sflag:s22] =	ssyncadd.s32 $0xFFFFE000  }
0x158: {  	_ =	swait.ge [sflag:s22], $0x2000  }
0x159: {  	[sflag:s22] =	ssyncset.done $0x0  }
0x15a: {  	[sflag:s22] =	ssyncadd.s32 $0xFFFFE000  }
0x15b: {  	_ =	swait.ge [sflag:s22], $0x2000  }
0x15c: {  	[sflag:s22] =	ssyncset.done $0x0  }
0x15d: {  	[sflag:s22] =	ssyncadd.s32 $0xFFFFE000  }
0x15e: {  	_ =	swait.ge [sflag:s22], $0x2000  }
0x15f: {  	[sflag:s22] =	ssyncset.done $0x0  }
0x160: {  	[sflag:s22] =	ssyncadd.s32 $0xFFFFE000  }
0x161: {  	_ =	swait.ge [sflag:s22], $0x2000  }
0x162: {  	[sflag:s22] =	ssyncset.done $0x0  }
0x163: {  	[sflag:s22] =	ssyncadd.s32 $0xFFFFE000  }
0x164: {  	_ =	swait.ge [sflag:s22], $0x2000  }
0x165: {  	[sflag:s22] =	ssyncset.done $0x0  }
0x166: {  	[sflag:s22] =	ssyncadd.s32 $0xFFFFE000  }
0x167: {  	_ =	swait.ge [sflag:s22], $0x2000  }
0x168: {  	[sflag:s22] =	ssyncset.done $0x0  }
0x169: {  	[sflag:s22] =	ssyncadd.s32 $0xFFFFE000  }
0x16a: {  	_ =	swait.ge [sflag:s22], $0x2000  }
0x16b: {  	[sflag:s22] =	ssyncset.done $0x0  }
0x16c: {  	[sflag:s22] =	ssyncadd.s32 $0xFFFFE000  }
0x16d: {  	_ =	swait.ge [sflag:s22], $0x2000  }
0x16e: {  	[sflag:s22] =	ssyncset.done $0x0  }
0x16f: {  	[sflag:s22] =	ssyncadd.s32 $0xFFFFE000  }
0x170: {  	_ =	swait.ge [sflag:s22], $0x2000  }
0x171: {  	[sflag:s22] =	ssyncset.done $0x0  }
0x172: {  	[sflag:s22] =	ssyncadd.s32 $0xFFFFE000  }
0x173: {  	_ =	swait.ge [sflag:s22], $0x2000  }
0x174: {  	[sflag:s22] =	ssyncset.done $0x0  }
0x175: {  	[sflag:s22] =	ssyncadd.s32 $0xFFFFE000  }
0x176: {  	_ =	swait.ge [sflag:s22], $0x2000  }
0x177: {  	[sflag:s22] =	ssyncset.done $0x0  }
0x178: {  	[sflag:s22] =	ssyncadd.s32 $0xFFFFE000  }
0x179: {  	_ =	swait.ge [sflag:s22], $0x2000  }
0x17a: {  	[sflag:s22] =	ssyncset.done $0x0  }
0x17b: {  	[sflag:s22] =	ssyncadd.s32 $0xFFFFE000  }
0x17c: {  	_ =	swait.ge [sflag:s22], $0x2000  }
0x17d: {  	[sflag:s22] =	ssyncset.done $0x0  }
0x17e: {  	[sflag:s22] =	ssyncadd.s32 $0xFFFFE000  }
0x17f: {  	_ =	swait.ge [sflag:s22], $0x2000  }
0x180: {  	[sflag:s22] =	ssyncset.done $0x0  }
0x181: {  	[sflag:s22] =	ssyncadd.s32 $0xFFFFE000  }
0x182: {  	_ =	swait.ge [sflag:s22], $0x2000  }
0x183: {  	[sflag:s22] =	ssyncset.done $0x0  }
0x184: {  	[sflag:s22] =	ssyncadd.s32 $0xFFFFE000  }
0x185: {  	_ =	swait.ge [sflag:s22], $0x2000  }
0x186: {  	[sflag:s22] =	ssyncset.done $0x0  }
0x187: {  	[sflag:s22] =	ssyncadd.s32 $0xFFFFE000  }
0x188: {  	_ =	swait.ge [sflag:s22], $0x2000  }
0x189: {  	[sflag:s22] =	ssyncset.done $0x0  }
0x18a: {  	[sflag:s22] =	ssyncadd.s32 $0xFFFFE000  }
0x18b: {  	_ =	swait.ge [sflag:s22], $0x2000  }
0x18c: {  	[sflag:s22] =	ssyncset.done $0x0  }
0x18d: {  	[sflag:s22] =	ssyncadd.s32 $0xFFFFE000  }
0x18e: {  	_ =	swait.ge [sflag:s22], $0x2000  }
0x18f: {  	[sflag:s22] =	ssyncset.done $0x0  }
0x190: {  	[sflag:s22] =	ssyncadd.s32 $0xFFFFE000  }
0x191: {  	_ =	swait.ge [sflag:s22], $0x2000  }
0x192: {  	[sflag:s22] =	ssyncset.done $0x0  }
0x193: {  	[sflag:s22] =	ssyncadd.s32 $0xFFFFE000  }
0x194: {  	_ =	swait.ge [sflag:s22], $0x2000  }
0x195: {  	[sflag:s22] =	ssyncset.done $0x0  }
0x196: {  	[sflag:s22] =	ssyncadd.s32 $0xFFFFE000  }
0x197: {  	_ =	swait.ge [sflag:s22], $0x2000  }
0x198: {  	[sflag:s22] =	ssyncset.done $0x0  }
0x199: {  	[sflag:s22] =	ssyncadd.s32 $0xFFFFE000  }
0x19a: {  	_ =	swait.ge [sflag:s22], $0x2000  }
0x19b: {  	[sflag:s22] =	ssyncset.done $0x0  }
0x19c: {  	[sflag:s22] =	ssyncadd.s32 $0xFFFFE000  }
0x19d: {  	_ =	swait.ge [sflag:s22], $0x2000  }
0x19e: {  	[sflag:s22] =	ssyncset.done $0x0  }
0x19f: {  	[sflag:s22] =	ssyncadd.s32 $0xFFFFE000  }
0x1a0: {  	_ =	swait.ge [sflag:s22], $0x2000  }
0x1a1: {  	[sflag:s22] =	ssyncset.done $0x0  }
0x1a2: {  	[sflag:s22] =	ssyncadd.s32 $0xFFFFE000  }
0x1a3: {  	_ =	swait.ge [sflag:s22], $0x2000  }
0x1a4: {  	[sflag:s22] =	ssyncset.done $0x0  }
0x1a5: {  	p0 =	sne.s32 s25, $0x800;
	[sflag:s22] =	ssyncadd.s32 $0xFFFFE000  }
.Ltmp0:
0x1a6: {  	_ =	swait.ge [sflag:s22], $0x2000;
	(pc) =	sbr.rel @p0 .LBB2_2-.Ltmp0, $4  }
0x1a7: {  	[sflag:s22] =	ssyncset.done $0x0  }
0x1a8: {  	[sflag:s22] =	ssyncadd.s32 $0xFFFFE000  }
0x1a9: {  	_ =	swait.ge [sflag:s22], $0x2000  }
0x1aa: {  	s25 =	sadd.s32 $0x200, s25;
	s23 =	rddreg [dreg:$0x4];
	[sflag:s22] =	ssyncset.done $0x0  }
0x1ab: {  	[sflag:s22] =	ssyncadd.s32 $0xFFFFE000;
	s23 =	sadd.s32 s24, s23  }
0x1ac: {  	[tilespmem:s4], [sflag:$0x2] =	stream.linear.gather [hbm4b:s23+s4], $0x1000, $0x38;
	[tilespmem:$0x16C00] =	vst v63  }
0x1ad: {  	_ =	swait.ge [sflag:s29], $0x1000  }
0x1ae: {  	[sflag:s29] =	ssyncset.done $0x0  }
0x1af: {  	[sflag:s29] =	ssyncadd.s32 $0xFFFFF000  }
0x1b0: {  	[spmem:s3] =	stream.indirect.scatter.add.f32 [tilespmem:s28], [sflag:$0x1], $0x80, s4, s30, $0xb8;
	[tilespmem:$0x16C00] =	vst v63  }
0x1b1: {  	s25 =	rddreg [dreg:$0x5]  }
0x1b2: {  	[spmem:s3] =	stream.indirect.scatter.add.f32 [tilespmem:s28], [sflag:$0x1], $0x80, s25, s30, $0xb8;
	[tilespmem:$0x16C00] =	vst v63  }
0x1b3: {  	s24 =	rddreg [dreg:$0x6]  }
0x1b4: {  	[spmem:s3] =	stream.indirect.scatter.add.f32 [tilespmem:s28], [sflag:$0x1], $0x80, s24, s30, $0xb8;
	[tilespmem:$0x16C00] =	vst v63  }
0x1b5: {  	s25 =	rddreg [dreg:$0x7]  }
0x1b6: {  	[spmem:s3] =	stream.indirect.scatter.add.f32 [tilespmem:s28], [sflag:$0x1], $0x80, s25, s30, $0xb8;
	[tilespmem:$0x16C00] =	vst v63  }
0x1b7: {  	s24 =	rddreg [dreg:$0x8]  }
0x1b8: {  	[spmem:s3] =	stream.indirect.scatter.add.f32 [tilespmem:s28], [sflag:$0x1], $0x80, s24, s30, $0xb8;
	[tilespmem:$0x16C00] =	vst v63  }
0x1b9: {  	s25 =	rddreg [dreg:$0x9]  }
0x1ba: {  	[spmem:s3] =	stream.indirect.scatter.add.f32 [tilespmem:s28], [sflag:$0x1], $0x80, s25, s30, $0xb8;
	[tilespmem:$0x16C00] =	vst v63  }
0x1bb: {  	s24 =	rddreg [dreg:$0xa]  }
0x1bc: {  	[spmem:s3] =	stream.indirect.scatter.add.f32 [tilespmem:s28], [sflag:$0x1], $0x80, s24, s30, $0xb8;
	[tilespmem:$0x16C00] =	vst v63  }
0x1bd: {  	s25 =	rddreg [dreg:$0xb]  }
0x1be: {  	[spmem:s3] =	stream.indirect.scatter.add.f32 [tilespmem:s28], [sflag:$0x1], $0x80, s25, s30, $0xb8;
	[tilespmem:$0x16C00] =	vst v63  }
0x1bf: {  	s24 =	rddreg [dreg:$0xc]  }
0x1c0: {  	[spmem:s3] =	stream.indirect.scatter.add.f32 [tilespmem:s28], [sflag:$0x1], $0x80, s24, s30, $0xb8;
	[tilespmem:$0x16C00] =	vst v63  }
0x1c1: {  	s25 =	rddreg [dreg:$0xd]  }
0x1c2: {  	[spmem:s3] =	stream.indirect.scatter.add.f32 [tilespmem:s28], [sflag:$0x1], $0x80, s25, s30, $0xb8;
	[tilespmem:$0x16C00] =	vst v63  }
0x1c3: {  	s25 =	simm.s32 $0x500  }
0x1c4: {  	[spmem:s3] =	stream.indirect.scatter.add.f32 [tilespmem:s28], [sflag:$0x1], $0x80, s25, s30, $0xb8;
	[tilespmem:$0x16C00] =	vst v63  }
0x1c5: {  	_ = 	snop  }
0x1c6: {  	[spmem:s3] =	stream.indirect.scatter.add.f32 [tilespmem:s28], [sflag:$0x1], $0x80, s0, s30, $0xb8;
	[tilespmem:$0x16C00] =	vst v63  }
0x1c7: {  	_ = 	snop  }
0x1c8: {  	[spmem:s3] =	stream.indirect.scatter.add.f32 [tilespmem:s28], [sflag:$0x1], $0x80, s1, s30, $0xb8;
	[tilespmem:$0x16C00] =	vst v63  }
0x1c9: {  	_ = 	snop  }
0x1ca: {  	[spmem:s3] =	stream.indirect.scatter.add.f32 [tilespmem:s28], [sflag:$0x1], $0x80, s2, s30, $0xb8;
	[tilespmem:$0x16C00] =	vst v63  }
0x1cb: {  	_ = 	snop  }
0x1cc: {  	[spmem:s3] =	stream.indirect.scatter.add.f32 [tilespmem:s28], [sflag:$0x1], $0x80, s5, s30, $0xb8;
	[tilespmem:$0x16C00] =	vst v63  }
0x1cd: {  	_ = 	snop  }
0x1ce: {  	[spmem:s3] =	stream.indirect.scatter.add.f32 [tilespmem:s28], [sflag:$0x1], $0x80, s6, s30, $0xb8;
	[tilespmem:$0x16C00] =	vst v63  }
0x1cf: {  	_ = 	snop  }
0x1d0: {  	[spmem:s3] =	stream.indirect.scatter.add.f32 [tilespmem:s28], [sflag:$0x1], $0x80, s7, s30, $0xb8;
	[tilespmem:$0x16C00] =	vst v63  }
0x1d1: {  	_ = 	snop  }
0x1d2: {  	[spmem:s3] =	stream.indirect.scatter.add.f32 [tilespmem:s28], [sflag:$0x1], $0x80, s8, s30, $0xb8;
	[tilespmem:$0x16C00] =	vst v63  }
0x1d3: {  	_ = 	snop  }
0x1d4: {  	[spmem:s3] =	stream.indirect.scatter.add.f32 [tilespmem:s28], [sflag:$0x1], $0x80, s9, s30, $0xb8;
	[tilespmem:$0x16C00] =	vst v63  }
0x1d5: {  	_ = 	snop  }
0x1d6: {  	[spmem:s3] =	stream.indirect.scatter.add.f32 [tilespmem:s28], [sflag:$0x1], $0x80, s10, s30, $0xb8;
	[tilespmem:$0x16C00] =	vst v63  }
0x1d7: {  	_ = 	snop  }
0x1d8: {  	[spmem:s3] =	stream.indirect.scatter.add.f32 [tilespmem:s28], [sflag:$0x1], $0x80, s11, s30, $0xb8;
	[tilespmem:$0x16C00] =	vst v63  }
0x1d9: {  	_ = 	snop  }
0x1da: {  	[spmem:s3] =	stream.indirect.scatter.add.f32 [tilespmem:s28], [sflag:$0x1], $0x80, s12, s30, $0xb8;
	[tilespmem:$0x16C00] =	vst v63  }
0x1db: {  	_ = 	snop  }
0x1dc: {  	[spmem:s3] =	stream.indirect.scatter.add.f32 [tilespmem:s28], [sflag:$0x1], $0x80, s13, s30, $0xb8;
	[tilespmem:$0x16C00] =	vst v63  }
0x1dd: {  	_ = 	snop  }
0x1de: {  	[spmem:s3] =	stream.indirect.scatter.add.f32 [tilespmem:s28], [sflag:$0x1], $0x80, s14, s30, $0xb8;
	[tilespmem:$0x16C00] =	vst v63  }
0x1df: {  	_ = 	snop  }
0x1e0: {  	[spmem:s3] =	stream.indirect.scatter.add.f32 [tilespmem:s28], [sflag:$0x1], $0x80, s15, s30, $0xb8;
	[tilespmem:$0x16C00] =	vst v63  }
0x1e1: {  	_ = 	snop  }
0x1e2: {  	[spmem:s3] =	stream.indirect.scatter.add.f32 [tilespmem:s28], [sflag:$0x1], $0x80, s26, s30, $0xb8;
	[tilespmem:$0x16C00] =	vst v63  }
0x1e3: {  	_ = 	snop  }
0x1e4: {  	[spmem:s3] =	stream.indirect.scatter.add.f32 [tilespmem:s28], [sflag:$0x1], $0x80, s16, s30, $0xb8;
	[tilespmem:$0x16C00] =	vst v63  }
0x1e5: {  	_ = 	snop  }
0x1e6: {  	[spmem:s3] =	stream.indirect.scatter.add.f32 [tilespmem:s28], [sflag:$0x1], $0x80, s17, s30, $0xb8;
	[tilespmem:$0x16C00] =	vst v63  }
0x1e7: {  	_ = 	snop  }
0x1e8: {  	[spmem:s3] =	stream.indirect.scatter.add.f32 [tilespmem:s28], [sflag:$0x1], $0x80, s18, s30, $0xb8;
	[tilespmem:$0x16C00] =	vst v63  }
0x1e9: {  	_ = 	snop  }
0x1ea: {  	[spmem:s3] =	stream.indirect.scatter.add.f32 [tilespmem:s28], [sflag:$0x1], $0x80, s19, s30, $0xb8;
	[tilespmem:$0x16C00] =	vst v63  }
0x1eb: {  	_ = 	snop  }
0x1ec: {  	[spmem:s3] =	stream.indirect.scatter.add.f32 [tilespmem:s28], [sflag:$0x1], $0x80, s20, s30, $0xb8;
	[tilespmem:$0x16C00] =	vst v63  }
0x1ed: {  	_ = 	snop  }
0x1ee: {  	[spmem:s3] =	stream.indirect.scatter.add.f32 [tilespmem:s28], [sflag:$0x1], $0x80, s21, s30, $0xb8;
	[tilespmem:$0x16C00] =	vst v63  }
0x1ef: {  	_ =	swait.ge [sflag:s22], $0x2000  }
0x1f0: {  	[sflag:s22] =	ssyncset.done $0x0  }
0x1f1: {  	[sflag:s22] =	ssyncadd.s32 $0xFFFFE000  }
0x1f2: {  	_ =	swait.ge [sflag:s22], $0x2000  }
0x1f3: {  	[sflag:s22] =	ssyncset.done $0x0  }
0x1f4: {  	[sflag:s22] =	ssyncadd.s32 $0xFFFFE000  }
0x1f5: {  	_ =	swait.ge [sflag:s22], $0x2000  }
0x1f6: {  	[sflag:s22] =	ssyncset.done $0x0  }
0x1f7: {  	[sflag:s22] =	ssyncadd.s32 $0xFFFFE000  }
0x1f8: {  	_ =	swait.ge [sflag:s22], $0x2000  }
0x1f9: {  	[sflag:s22] =	ssyncset.done $0x0  }
0x1fa: {  	[sflag:s22] =	ssyncadd.s32 $0xFFFFE000  }
0x1fb: {  	_ =	swait.ge [sflag:s22], $0x2000  }
0x1fc: {  	[sflag:s22] =	ssyncset.done $0x0  }
0x1fd: {  	[sflag:s22] =	ssyncadd.s32 $0xFFFFE000  }
0x1fe: {  	_ =	swait.ge [sflag:s22], $0x2000  }
0x1ff: {  	[sflag:s22] =	ssyncset.done $0x0  }
0x200: {  	[sflag:s22] =	ssyncadd.s32 $0xFFFFE000  }
0x201: {  	_ =	swait.ge [sflag:s22], $0x2000  }
0x202: {  	[sflag:s22] =	ssyncset.done $0x0  }
0x203: {  	[sflag:s22] =	ssyncadd.s32 $0xFFFFE000  }
0x204: {  	_ =	swait.ge [sflag:s22], $0x2000  }
0x205: {  	[sflag:s22] =	ssyncset.done $0x0  }
0x206: {  	[sflag:s22] =	ssyncadd.s32 $0xFFFFE000  }
0x207: {  	_ =	swait.ge [sflag:s22], $0x2000  }
0x208: {  	[sflag:s22] =	ssyncset.done $0x0  }
0x209: {  	[sflag:s22] =	ssyncadd.s32 $0xFFFFE000  }
0x20a: {  	_ =	swait.ge [sflag:s22], $0x2000  }
0x20b: {  	[sflag:s22] =	ssyncset.done $0x0  }
0x20c: {  	[sflag:s22] =	ssyncadd.s32 $0xFFFFE000  }
0x20d: {  	_ =	swait.ge [sflag:s22], $0x2000  }
0x20e: {  	[sflag:s22] =	ssyncset.done $0x0  }
0x20f: {  	[sflag:s22] =	ssyncadd.s32 $0xFFFFE000  }
0x210: {  	_ =	swait.ge [sflag:s22], $0x2000  }
0x211: {  	[sflag:s22] =	ssyncset.done $0x0  }
0x212: {  	[sflag:s22] =	ssyncadd.s32 $0xFFFFE000  }
0x213: {  	_ =	swait.ge [sflag:s22], $0x2000  }
0x214: {  	[sflag:s22] =	ssyncset.done $0x0  }
0x215: {  	[sflag:s22] =	ssyncadd.s32 $0xFFFFE000  }
0x216: {  	_ =	swait.ge [sflag:s22], $0x2000  }
0x217: {  	[sflag:s22] =	ssyncset.done $0x0  }
0x218: {  	[sflag:s22] =	ssyncadd.s32 $0xFFFFE000  }
0x219: {  	_ =	swait.ge [sflag:s22], $0x2000  }
0x21a: {  	[sflag:s22] =	ssyncset.done $0x0  }
0x21b: {  	[sflag:s22] =	ssyncadd.s32 $0xFFFFE000  }
0x21c: {  	_ =	swait.ge [sflag:s22], $0x2000  }
0x21d: {  	[sflag:s22] =	ssyncset.done $0x0  }
0x21e: {  	[sflag:s22] =	ssyncadd.s32 $0xFFFFE000  }
0x21f: {  	_ =	swait.ge [sflag:s22], $0x2000  }
0x220: {  	[sflag:s22] =	ssyncset.done $0x0  }
0x221: {  	[sflag:s22] =	ssyncadd.s32 $0xFFFFE000  }
0x222: {  	_ =	swait.ge [sflag:s22], $0x2000  }
0x223: {  	[sflag:s22] =	ssyncset.done $0x0  }
0x224: {  	[sflag:s22] =	ssyncadd.s32 $0xFFFFE000  }
0x225: {  	_ =	swait.ge [sflag:s22], $0x2000  }
0x226: {  	[sflag:s22] =	ssyncset.done $0x0  }
0x227: {  	[sflag:s22] =	ssyncadd.s32 $0xFFFFE000  }
0x228: {  	_ =	swait.ge [sflag:s22], $0x2000  }
0x229: {  	[sflag:s22] =	ssyncset.done $0x0  }
0x22a: {  	[sflag:s22] =	ssyncadd.s32 $0xFFFFE000  }
0x22b: {  	_ =	swait.ge [sflag:s22], $0x2000  }
0x22c: {  	[sflag:s22] =	ssyncset.done $0x0  }
0x22d: {  	[sflag:s22] =	ssyncadd.s32 $0xFFFFE000  }
0x22e: {  	_ =	swait.ge [sflag:s22], $0x2000  }
0x22f: {  	[sflag:s22] =	ssyncset.done $0x0  }
0x230: {  	[sflag:s22] =	ssyncadd.s32 $0xFFFFE000  }
0x231: {  	_ =	swait.ge [sflag:s22], $0x2000  }
0x232: {  	[sflag:s22] =	ssyncset.done $0x0  }
0x233: {  	[sflag:s22] =	ssyncadd.s32 $0xFFFFE000  }
0x234: {  	_ =	swait.ge [sflag:s22], $0x2000  }
0x235: {  	[sflag:s22] =	ssyncset.done $0x0  }
0x236: {  	[sflag:s22] =	ssyncadd.s32 $0xFFFFE000  }
0x237: {  	_ =	swait.ge [sflag:s22], $0x2000  }
0x238: {  	[sflag:s22] =	ssyncset.done $0x0  }
0x239: {  	[sflag:s22] =	ssyncadd.s32 $0xFFFFE000  }
0x23a: {  	_ =	swait.ge [sflag:s22], $0x2000  }
0x23b: {  	[sflag:s22] =	ssyncset.done $0x0  }
0x23c: {  	[sflag:s22] =	ssyncadd.s32 $0xFFFFE000  }
0x23d: {  	_ =	swait.ge [sflag:s22], $0x2000  }
0x23e: {  	[sflag:s22] =	ssyncset.done $0x0  }
0x23f: {  	[sflag:s22] =	ssyncadd.s32 $0xFFFFE000  }
0x240: {  	_ =	swait.ge [sflag:s22], $0x2000  }
0x241: {  	[sflag:s22] =	ssyncset.done $0x0  }
0x242: {  	[sflag:s22] =	ssyncadd.s32 $0xFFFFE000  }
0x243: {  	_ =	swait.ge [sflag:s22], $0x2000  }
0x244: {  	[sflag:s22] =	ssyncset.done $0x0  }
0x245: {  	[sflag:s22] =	ssyncadd.s32 $0xFFFFE000  }
0x246: {  	_ =	swait.ge [sflag:s22], $0x2000  }
0x247: {  	[sflag:s22] =	ssyncset.done $0x0  }
0x248: {  	[sflag:s22] =	ssyncadd.s32 $0xFFFFE000  }
0x249: {  	_ =	swait.ge [sflag:s22], $0x2000  }
0x24a: {  	[sflag:s22] =	ssyncset.done $0x0  }
0x24b: {  	[sflag:s22] =	ssyncadd.s32 $0xFFFFE000  }
0x24c: {  	_ =	swait.ge [sflag:s22], $0x2000  }
0x24d: {  	[sflag:s22] =	ssyncset.done $0x0  }
0x24e: {  	[sflag:s22] =	ssyncadd.s32 $0xFFFFE000  }
0x24f: {  	[bflag:$0x0] =	sbarrier.arrive $0xFFFF  }
0x250: {  	s24 =	rddreg [dreg:$0x19]  }
0x251: {  	[tilespmem:s28], [sflag:$0x2] =	stream.linear.gather [spmem:s24], $0x2000, $0x38;
	[tilespmem:$0x16C00] =	vst v63  }
0x252: {  	_ =	swait.ge [sflag:s29], $0x2000  }
0x253: {  	[sflag:s29] =	ssyncset.done $0x0  }
0x254: {  	s25 =	rddreg [dreg:$0xe];
	[sflag:s29] =	ssyncadd.s32 $0xFFFFE000  }
0x255: {  	[hbm4b:s25+s4] =	stream.linear.scatter [tilespmem:s28], [sflag:$0x2], $0x2000, $0x38;
	[tilespmem:$0x16C00] =	vst v63  }
0x256: {  	_ =	swait.ge [sflag:s29], $0x2000  }
0x257: {  	[sflag:s29] =	ssyncset.done $0x0  }
0x258: {  	s24 =	rddreg [dreg:$0x1a];
	[sflag:s29] =	ssyncadd.s32 $0xFFFFE000  }
0x259: {  	[tilespmem:s28], [sflag:$0x2] =	stream.linear.gather [spmem:s24], $0x2000, $0x38;
	[tilespmem:$0x16C00] =	vst v63  }
0x25a: {  	_ =	swait.ge [sflag:s29], $0x2000  }
0x25b: {  	[sflag:s29] =	ssyncset.done $0x0  }
0x25c: {  	s25 =	rddreg [dreg:$0xf];
	[sflag:s29] =	ssyncadd.s32 $0xFFFFE000  }
0x25d: {  	[hbm4b:s25+s4] =	stream.linear.scatter [tilespmem:s28], [sflag:$0x2], $0x2000, $0x38;
	[tilespmem:$0x16C00] =	vst v63  }
0x25e: {  	_ =	swait.ge [sflag:s29], $0x2000  }
0x25f: {  	[sflag:s29] =	ssyncset.done $0x0  }
0x260: {  	s24 =	rddreg [dreg:$0x1b];
	[sflag:s29] =	ssyncadd.s32 $0xFFFFE000  }
0x261: {  	[tilespmem:s28], [sflag:$0x2] =	stream.linear.gather [spmem:s24], $0x2000, $0x38;
	[tilespmem:$0x16C00] =	vst v63  }
0x262: {  	_ =	swait.ge [sflag:s29], $0x2000  }
0x263: {  	[sflag:s29] =	ssyncset.done $0x0  }
0x264: {  	s25 =	rddreg [dreg:$0x10];
	[sflag:s29] =	ssyncadd.s32 $0xFFFFE000  }
0x265: {  	[hbm4b:s25+s4] =	stream.linear.scatter [tilespmem:s28], [sflag:$0x2], $0x2000, $0x38;
	[tilespmem:$0x16C00] =	vst v63  }
0x266: {  	_ =	swait.ge [sflag:s29], $0x2000  }
0x267: {  	[sflag:s29] =	ssyncset.done $0x0  }
0x268: {  	s24 =	rddreg [dreg:$0x1c];
	[sflag:s29] =	ssyncadd.s32 $0xFFFFE000  }
0x269: {  	[tilespmem:s28], [sflag:$0x2] =	stream.linear.gather [spmem:s24], $0x2000, $0x38;
	[tilespmem:$0x16C00] =	vst v63  }
0x26a: {  	_ =	swait.ge [sflag:s29], $0x2000  }
0x26b: {  	[sflag:s29] =	ssyncset.done $0x0  }
0x26c: {  	s25 =	rddreg [dreg:$0x11];
	[sflag:s29] =	ssyncadd.s32 $0xFFFFE000  }
0x26d: {  	[hbm4b:s25+s4] =	stream.linear.scatter [tilespmem:s28], [sflag:$0x2], $0x2000, $0x38;
	[tilespmem:$0x16C00] =	vst v63  }
0x26e: {  	_ =	swait.ge [sflag:s29], $0x2000  }
0x26f: {  	[sflag:s29] =	ssyncset.done $0x0  }
0x270: {  	s24 =	rddreg [dreg:$0x1d];
	[sflag:s29] =	ssyncadd.s32 $0xFFFFE000  }
0x271: {  	[tilespmem:s28], [sflag:$0x2] =	stream.linear.gather [spmem:s24], $0x2000, $0x38;
	[tilespmem:$0x16C00] =	vst v63  }
0x272: {  	_ =	swait.ge [sflag:s29], $0x2000  }
0x273: {  	[sflag:s29] =	ssyncset.done $0x0  }
0x274: {  	s25 =	rddreg [dreg:$0x12];
	[sflag:s29] =	ssyncadd.s32 $0xFFFFE000  }
0x275: {  	[hbm4b:s25+s4] =	stream.linear.scatter [tilespmem:s28], [sflag:$0x2], $0x2000, $0x38;
	[tilespmem:$0x16C00] =	vst v63  }
0x276: {  	_ =	swait.ge [sflag:s29], $0x2000  }
0x277: {  	[sflag:s29] =	ssyncset.done $0x0  }
0x278: {  	s24 =	rddreg [dreg:$0x1e];
	[sflag:s29] =	ssyncadd.s32 $0xFFFFE000  }
0x279: {  	[tilespmem:s28], [sflag:$0x2] =	stream.linear.gather [spmem:s24], $0x2000, $0x38;
	[tilespmem:$0x16C00] =	vst v63  }
0x27a: {  	_ =	swait.ge [sflag:s29], $0x2000  }
0x27b: {  	[sflag:s29] =	ssyncset.done $0x0  }
0x27c: {  	s25 =	rddreg [dreg:$0x13];
	[sflag:s29] =	ssyncadd.s32 $0xFFFFE000  }
0x27d: {  	[hbm4b:s25+s4] =	stream.linear.scatter [tilespmem:s28], [sflag:$0x2], $0x2000, $0x38;
	[tilespmem:$0x16C00] =	vst v63  }
0x27e: {  	_ =	swait.ge [sflag:s29], $0x2000  }
0x27f: {  	[sflag:s29] =	ssyncset.done $0x0  }
0x280: {  	s24 =	rddreg [dreg:$0x1f];
	[sflag:s29] =	ssyncadd.s32 $0xFFFFE000  }
0x281: {  	[tilespmem:s28], [sflag:$0x2] =	stream.linear.gather [spmem:s24], $0x2000, $0x38;
	[tilespmem:$0x16C00] =	vst v63  }
0x282: {  	_ =	swait.ge [sflag:s29], $0x2000  }
0x283: {  	[sflag:s29] =	ssyncset.done $0x0  }
0x284: {  	s25 =	rddreg [dreg:$0x14];
	[sflag:s29] =	ssyncadd.s32 $0xFFFFE000  }
0x285: {  	[hbm4b:s25+s4] =	stream.linear.scatter [tilespmem:s28], [sflag:$0x2], $0x2000, $0x38;
	[tilespmem:$0x16C00] =	vst v63  }
0x286: {  	_ =	swait.ge [sflag:s29], $0x2000  }
0x287: {  	s24 =	sld [smem:$0x7F9]  }
0x288: {  	[sflag:s29] =	ssyncset.done $0x0  }
0x289: {  	[sflag:s29] =	ssyncadd.s32 $0xFFFFE000  }
0x28a: {  	[tilespmem:s28], [sflag:$0x2] =	stream.linear.gather [spmem:s24], $0x2000, $0x38;
	[tilespmem:$0x16C00] =	vst v63  }
0x28b: {  	_ =	swait.ge [sflag:s29], $0x2000  }
0x28c: {  	[sflag:s29] =	ssyncset.done $0x0  }
0x28d: {  	s25 =	rddreg [dreg:$0x15];
	[sflag:s29] =	ssyncadd.s32 $0xFFFFE000  }
0x28e: {  	[hbm4b:s25+s4] =	stream.linear.scatter [tilespmem:s28], [sflag:$0x2], $0x2000, $0x38;
	[tilespmem:$0x16C00] =	vst v63  }
0x28f: {  	_ =	swait.ge [sflag:s29], $0x2000  }
0x290: {  	s31 =	sld [smem:$0x7FC]  }
0x291: {  	[sflag:s29] =	ssyncset.done $0x0  }
0x292: {  	[sflag:s29] =	ssyncadd.s32 $0xFFFFE000  }
0x293: {  	[tilespmem:s28], [sflag:$0x2] =	stream.linear.gather [spmem:s31], $0x2000, $0x38;
	[tilespmem:$0x16C00] =	vst v63  }
0x294: {  	_ =	swait.ge [sflag:s29], $0x2000  }
0x295: {  	[sflag:s29] =	ssyncset.done $0x0  }
0x296: {  	s24 =	rddreg [dreg:$0x16];
	[sflag:s29] =	ssyncadd.s32 $0xFFFFE000  }
0x297: {  	[hbm4b:s24+s4] =	stream.linear.scatter [tilespmem:s28], [sflag:$0x2], $0x2000, $0x38;
	[tilespmem:$0x16C00] =	vst v63  }
0x298: {  	_ =	swait.ge [sflag:s29], $0x2000  }
0x299: {  	s24 =	sld [smem:$0x7FD]  }
0x29a: {  	[sflag:s29] =	ssyncset.done $0x0  }
0x29b: {  	[sflag:s29] =	ssyncadd.s32 $0xFFFFE000  }
0x29c: {  	[tilespmem:s28], [sflag:$0x2] =	stream.linear.gather [spmem:s24], $0x1C00, $0x38;
	[tilespmem:$0x16C00] =	vst v63  }
0x29d: {  	_ =	swait.ge [sflag:s29], $0x1C00  }
0x29e: {  	[sflag:s29] =	ssyncset.done $0x0  }
0x29f: {  	s25 =	rddreg [dreg:$0x17];
	[sflag:s29] =	ssyncadd.s32 $0xFFFFE400  }
0x2a0: {  	[hbm4b:s25+s4] =	stream.linear.scatter [tilespmem:s28], [sflag:$0x2], $0x1C00, $0x38;
	[tilespmem:$0x16C00] =	vst v63  }
0x2a1: {  	_ =	swait.ge [sflag:s29], $0x1C00  }
0x2a2: {  	s25 =	sld [smem:$0x7FB]  }
0x2a3: {  	s23 =	sld [smem:$0x7FA];
	_ =	sdelay $0x1  }
0x2a4: {  	s25 =	sadd.s32 $0x1, s25  }
0x2a5: {  	p0 =	sne.s32 s25, s23  }
.Ltmp1:
0x2a6: {  	_ = 	snop;
	(pc) =	sbr.rel @p0 .LBB2_1-.Ltmp1, $3  }
0x2a7: {  	_ =	sdelay $0x1  }
0x2a8: {  	[sflag:s29] =	ssyncset.done $0x0;
	[smem:$0x7FB] =	sst s25  }
0x2a9: {  	[sflag:s29] =	ssyncadd.s32 $0xFFFFE400;
	s25 =	rddreg [dreg:$0x19]  }
0x2aa: {  	_ =	sfence.sel $0x180000  }
0x2ab: {  	[bflag:$0x0] =	sbarrier.arrive $0xFFFF  }
0x2ac: {  	_ =	strace $0x9000004A  }
0x2ad: {  	s0 =	stileid.u32;
	[bflag:$0x2] =	sbarrier.arrive $0xFFFF  }
0x2ae: {  	p0 =	sne.s32 s0, $0x0;
	s0 =	rddreg [dreg:$0x3]  }
0x2af: {  	s0 =	sadd.s32 @!p0 $0x100000, s0  }
0x2b0: {  	[sflag:s0] =	ssyncadd.tile.s32 @!p0 $0x1;
	_ =	shalt  }
.Lfunc_end2:
_tile_overlayer_lowered:
.L_overlay_start_2:
0x2b1: {  	(tag) =	ssettag $0x2  }
0x2b2: {  	s0 =	rddreg [dreg:$0x0];
	s2 =	stileid.u32  }
0x2b3: {  	s1 =	rddreg [dreg:$0x1];
	p0 =	sne.s32 s2, $0x0  }
0x2b4: {  	s3 =	rddreg [dreg:$0x2];
	[bflag:$0x3] =	sbarrier.arrive $0xFFFF;
	s2 =	simm.s32 @!p0 $0x1C02  }
0x2b5: {  	[timem:s3], [sflag:s2] =	dma.local @!p0 [hbm:s0], s1  }
0x2b6: {  	s0 =	simm.s32 @!p0 $0x2  }
0x2b7: {  	_ =	swait.ge @!p0 [sflag:s0], s1  }
0x2b8: {  	s1 =	ssub.s32 @!p0 $0x0, s1;
	[sflag:s0] =	ssyncset.done @!p0 $0x0  }
0x2b9: {  	[sflag:s0] =	ssyncadd.s32 @!p0 s1  }
0x2ba: {  	[bflag:$0x3] =	sbarrier.arrive $0xFFFF  }
0x2bb: {  	_ =	shalt  }

</sc_bundles>
